<compile_context>
chip_gen: v7x
topology: tpu7x:2x2x1
jax: 0.10.2.dev20260603
libtpu: 0.0.44.dev20260713+nightly
codegen_flags: <defaults>
</compile_context>

<pallas_src>
import functools

import jax
import jax.numpy as jnp
from jax import lax
from jax.experimental import pallas as pl
from jax.experimental.pallas import tpu as pltpu
from jax.experimental.pallas import tpu_sc as plsc

F32 = jnp.float32
LATENT = 128
MP = 18
CLOSEST_COUNT = 4
OUT_DIM = 3
N_S, E_S = 10000, 160000
N_D, E_D = 2500, 40000
E_ML = N_D * CLOSEST_COUNT

NCORE, NSUB = 2, 16
NW = NCORE * NSUB
CH = 128

NSP = 10240
NDP = 2560
ESP = 163840
EDP = 40960
EMLP = 12288



def _sc_mesh():
    return plsc.VectorSubcoreMesh(core_axis_name="c", subcore_axis_name="s",
                                  num_cores=NCORE, num_subcores=NSUB)


def _zero_vmem(zbuf, rows, width):
    def zrow(i, c):
        for k in range(width // 16):
            zbuf[i, pl.ds(k * 16, 16)] = jnp.zeros((16,), F32)
        return c
    lax.fori_loop(0, rows, zrow, 0, unroll=False)


@functools.lru_cache(maxsize=None)
def _make_sc_segsum_gather(np_, nchunk):
    per_w = nchunk // NW
    rows_per_sub = np_ // NSUB
    zrows = max(d for d in range(1, 129) if rows_per_sub % d == 0)
    nz = rows_per_sub // zrows
    NB = 2
    assert per_w % NB == 0
    ngroups = per_w // NB

    @functools.partial(
        pl.kernel, mesh=_sc_mesh(),
        out_type=jax.ShapeDtypeStruct((NCORE, np_, LATENT), F32),
        scratch_types=[
            pltpu.VMEM((per_w, CH), jnp.int32),
            pltpu.VMEM((per_w, CH), jnp.int32),
            pltpu.VMEM((NB, CH, LATENT), F32),
            pltpu.VMEM_SHARED((np_, LATENT), F32),
            pltpu.SemaphoreType.DMA,
            pltpu.SemaphoreType.DMA,
        ])
    def k(node_hbm, sidx_hbm, ridx_hbm, out_hbm, sidx_v, ridx_v, bufv, acc,
          gsem, ssem):
        bufs = [bufv.at[b] for b in range(NB)]
        cid = lax.axis_index("c")
        sid = lax.axis_index("s")
        wid = sid * NCORE + cid
        _zero_vmem(bufs[0], zrows, LATENT)
        def zacc(i, c):
            pltpu.sync_copy(bufv.at[0, pl.ds(0, zrows)],
                            acc.at[pl.ds(sid * rows_per_sub + i * zrows, zrows)])
            return c
        lax.fori_loop(0, nz, zacc, 0, unroll=False)
        pltpu.sync_copy(sidx_hbm.at[wid], sidx_v)
        pltpu.sync_copy(ridx_hbm.at[wid], ridx_v)
        plsc.subcore_barrier()

        def group(g, c):
            gh = [pltpu.async_copy(node_hbm.at[sidx_v.at[g * NB + b]], bufs[b], gsem)
                  for b in range(NB)]
            sh = []
            for b in range(NB):
                gh[b].wait()
                sh.append(pltpu.async_copy(bufs[b], acc.at[ridx_v.at[g * NB + b]],
                                           ssem, add=True))
            for b in range(NB):
                sh[b].wait()
            return c
        lax.fori_loop(0, ngroups, group, 0, unroll=False)
        plsc.subcore_barrier()
        base = sid * rows_per_sub
        pltpu.sync_copy(acc.at[pl.ds(base, rows_per_sub)],
                        out_hbm.at[cid, pl.ds(base, rows_per_sub)])

    return k


@functools.lru_cache(maxsize=None)
def _make_sc_segsum_direct(np_, nchunk, width):
    per_w = nchunk // NW
    rows_per_sub = np_ // NSUB
    zrows = 128 if rows_per_sub % 128 == 0 else rows_per_sub
    nz = rows_per_sub // zrows

    @functools.partial(
        pl.kernel, mesh=_sc_mesh(),
        out_type=jax.ShapeDtypeStruct((NCORE, np_, width), F32),
        scratch_types=[
            pltpu.VMEM((per_w, CH), jnp.int32),
            pltpu.VMEM((CH, width), F32),
            pltpu.VMEM((zrows, width), F32),
            pltpu.VMEM_SHARED((np_, width), F32),
        ])
    def k(vals_hbm, ridx_hbm, out_hbm, ridx_v, buf, zbuf, acc):
        cid = lax.axis_index("c")
        sid = lax.axis_index("s")
        wid = sid * NCORE + cid
        _zero_vmem(zbuf, zrows, width)
        def zacc(i, c):
            pltpu.sync_copy(zbuf, acc.at[pl.ds(sid * rows_per_sub + i * zrows, zrows)])
            return c
        lax.fori_loop(0, nz, zacc, 0, unroll=False)
        pltpu.sync_copy(ridx_hbm.at[wid], ridx_v)
        plsc.subcore_barrier()
        def body(j, c):
            pltpu.sync_copy(vals_hbm.at[pl.ds((wid * per_w + j) * CH, CH)], buf)
            pltpu.sync_copy(buf, acc.at[ridx_v.at[j]], add=True)
            return c
        lax.fori_loop(0, per_w, body, 0, unroll=False)
        plsc.subcore_barrier()
        base = sid * rows_per_sub
        pltpu.sync_copy(acc.at[pl.ds(base, rows_per_sub)],
                        out_hbm.at[cid, pl.ds(base, rows_per_sub)])

    return k


@functools.lru_cache(maxsize=None)
def _make_sc_gather(np_, nchunk):
    per_w = nchunk // NW

    @functools.partial(
        pl.kernel, mesh=_sc_mesh(),
        out_type=jax.ShapeDtypeStruct((nchunk * CH, LATENT), F32),
        scratch_types=[
            pltpu.VMEM((per_w, CH), jnp.int32),
            pltpu.VMEM((CH, LATENT), F32),
            pltpu.SemaphoreType.DMA,
        ])
    def k(table_hbm, idx_hbm, out_hbm, idx_v, buf, sem):
        cid = lax.axis_index("c")
        sid = lax.axis_index("s")
        wid = sid * NCORE + cid
        pltpu.sync_copy(idx_hbm.at[wid], idx_v)
        def body(j, c):
            pltpu.async_copy(table_hbm.at[idx_v.at[j]], buf, sem).wait()
            pltpu.sync_copy(buf, out_hbm.at[pl.ds((wid * per_w + j) * CH, CH)])
            return c
        lax.fori_loop(0, per_w, body, 0, unroll=False)

    return k


def _sc_segsum_gather(node, sidx3d, ridx3d):
    nchunk = sidx3d.shape[0] * sidx3d.shape[1]
    return _make_sc_segsum_gather(node.shape[0], nchunk)(node, sidx3d, ridx3d)


def _sc_segsum_direct(vals, ridx3d, np_):
    nchunk = ridx3d.shape[0] * ridx3d.shape[1]
    return _make_sc_segsum_direct(np_, nchunk, vals.shape[1])(vals, ridx3d)


def _sc_gather(table, idx3d):
    nchunk = idx3d.shape[0] * idx3d.shape[1]
    return _make_sc_gather(table.shape[0], nchunk)(table, idx3d)



def _dot(a, b):
    return jnp.dot(a, b, preferred_element_type=F32)


@functools.lru_cache(maxsize=None)
def _make_tc_encoder(np_, blk):
    grid = np_ // blk

    def body(x_ref, ap_ref, wn_ref, bn_ref, wep_ref, onep_ref, n0_ref, es_ref, dn_ref):
        x = jnp.nan_to_num(x_ref[...])
        n0_ref[...] = _dot(x, wn_ref[...]) + bn_ref[...]
        asum = ap_ref[0] + ap_ref[1]
        es_ref[...] = _dot(asum, wep_ref[...])
        dn_ref[...] = _dot(asum, onep_ref[...])

    return pl.pallas_call(
        body,
        grid=(grid,),
        in_specs=[
            pl.BlockSpec((blk, LATENT), lambda i: (i, 0)),
            pl.BlockSpec((NCORE, blk, LATENT), lambda i: (0, i, 0)),
            pl.BlockSpec((LATENT, LATENT), lambda i: (0, 0)),
            pl.BlockSpec((1, LATENT), lambda i: (0, 0)),
            pl.BlockSpec((LATENT, LATENT), lambda i: (0, 0)),
            pl.BlockSpec((LATENT, LATENT), lambda i: (0, 0)),
        ],
        out_specs=[
            pl.BlockSpec((blk, LATENT), lambda i: (i, 0)),
            pl.BlockSpec((blk, LATENT), lambda i: (i, 0)),
            pl.BlockSpec((blk, LATENT), lambda i: (i, 0)),
        ],
        out_shape=[jax.ShapeDtypeStruct((np_, LATENT), F32)] * 3,
    )


@functools.lru_cache(maxsize=None)
def _make_tc_layer(np_, blk):
    grid = np_ // blk

    def body(n_ref, p_ref, es_ref, dn_ref, wm_ref, bm_ref, wu_ref, bu_ref, out_ref):
        node = n_ref[...]
        dn = dn_ref[...]
        g = p_ref[0] + p_ref[1]
        segsum = (_dot(g, wm_ref[0:128]) + _dot(es_ref[...], wm_ref[128:256])
                  + _dot(dn * node, wm_ref[256:384]) + dn * bm_ref[...])
        agg = segsum / 10.0
        out_ref[...] = (node + _dot(node, wu_ref[0:128]) + _dot(agg, wu_ref[128:256])
                        + bu_ref[...])

    return pl.pallas_call(
        body,
        grid=(grid,),
        in_specs=[
            pl.BlockSpec((blk, LATENT), lambda i: (i, 0)),
            pl.BlockSpec((NCORE, blk, LATENT), lambda i: (0, i, 0)),
            pl.BlockSpec((blk, LATENT), lambda i: (i, 0)),
            pl.BlockSpec((blk, LATENT), lambda i: (i, 0)),
            pl.BlockSpec((3 * LATENT, LATENT), lambda i: (0, 0)),
            pl.BlockSpec((1, LATENT), lambda i: (0, 0)),
            pl.BlockSpec((2 * LATENT, LATENT), lambda i: (0, 0)),
            pl.BlockSpec((1, LATENT), lambda i: (0, 0)),
        ],
        out_specs=pl.BlockSpec((blk, LATENT), lambda i: (i, 0)),
        out_shape=jax.ShapeDtypeStruct((np_, LATENT), F32),
    )


@functools.lru_cache(maxsize=None)
def _make_tc_link_edge(blk):
    grid = E_ML // blk

    def body(gs_ref, ea_ref, gr_ref, wml_ref, bml_ref, wm_ref, bm_ref, out_ref):
        t = _dot(jnp.nan_to_num(ea_ref[...]), wml_ref[...]) + bml_ref[...]
        out_ref[...] = (_dot(gs_ref[...], wm_ref[0:128]) + _dot(t, wm_ref[128:256])
                        + _dot(gr_ref[...], wm_ref[256:384]) + bm_ref[...])

    return pl.pallas_call(
        body,
        grid=(grid,),
        in_specs=[
            pl.BlockSpec((blk, LATENT), lambda i: (i, 0)),
            pl.BlockSpec((blk, 16), lambda i: (i, 0)),
            pl.BlockSpec((blk, LATENT), lambda i: (i, 0)),
            pl.BlockSpec((16, LATENT), lambda i: (0, 0)),
            pl.BlockSpec((1, LATENT), lambda i: (0, 0)),
            pl.BlockSpec((3 * LATENT, LATENT), lambda i: (0, 0)),
            pl.BlockSpec((1, LATENT), lambda i: (0, 0)),
        ],
        out_specs=pl.BlockSpec((blk, LATENT), lambda i: (i, 0)),
        out_shape=jax.ShapeDtypeStruct((E_ML, LATENT), F32),
    )


def _tc_link_reduce(ne2, wu, bu):
    def body(x_ref, w_ref, b_ref, out_ref):
        out_ref[...] = _dot(x_ref[...], w_ref[...]) + b_ref[...]

    return pl.pallas_call(
        body,
        out_shape=jax.ShapeDtypeStruct((N_D, LATENT), F32),
    )(ne2, wu, bu)


def _tc_decoder(nd, wdec, bdec):
    def body(x_ref, w_ref, b_ref, out_ref):
        out_ref[...] = _dot(x_ref[...], w_ref[...]) + b_ref[...]

    return pl.pallas_call(
        body,
        out_shape=jax.ShapeDtypeStruct((nd.shape[0], LATENT), F32),
    )(nd, wdec, bdec)



def _pad_rows(x, n):
    return jnp.pad(x, ((0, n - x.shape[0]),) + ((0, 0),) * (x.ndim - 1))


def _prep_edges(ei, ep, dummy):
    order = jnp.argsort(ei[1])
    s = jnp.pad(ei[0][order], (0, ep - ei.shape[1]))
    r = jnp.pad(ei[1][order], (0, ep - ei.shape[1]), constant_values=dummy)
    per_w = ep // (NW * CH)
    return s.reshape(NW, per_w, CH), r.reshape(NW, per_w, CH), order


def _attr128(attr, ep):
    e = attr.shape[0]
    a = jnp.nan_to_num(attr)
    a128 = jnp.concatenate([a, jnp.ones((e, 1), F32), jnp.zeros((e, 111), F32)], axis=1)
    return _pad_rows(a128, ep)


def _wepad(we, be):
    return jnp.concatenate([we, be[None, :], jnp.zeros((111, LATENT), F32)], axis=0)


_ONEPAD_ROW = 16


def kernel(sparse_x, sparse_edge_attr, dense_x, dense_edge_attr, multilayer_edge_attr,
           sparse_edge_index, dense_edge_index, multilayer_edge_index,
           We_ns, be_ns, We_es, be_es, We_nd, be_nd, We_ed, be_ed, We_ml, be_ml,
           Wm_s, bm_s, Wu_s, bu_s, Wm_l, bm_l, Wu_l, bu_l,
           Wm_d, bm_d, Wu_d, bu_d, W_dec, b_dec):
    onepad = jnp.zeros((LATENT, LATENT), F32).at[_ONEPAD_ROW].set(1.0)

    s_s2d, r_s2d, order_s = _prep_edges(sparse_edge_index, ESP, NSP - 1)
    attr_s = _attr128(sparse_edge_attr[order_s], ESP)
    part_as = _sc_segsum_direct(attr_s, r_s2d, NSP)
    ns, es_const, dn_s = _make_tc_encoder(NSP, 2048)(
        _pad_rows(sparse_x, NSP), part_as, We_ns, be_ns[None, :],
        _wepad(We_es, be_es), onepad)

    layer_s = _make_tc_layer(NSP, 2048)

    def body_s(i, n):
        part = _sc_segsum_gather(n, s_s2d, r_s2d)
        return layer_s(n, part, es_const, dn_s, Wm_s[i], bm_s[i][None, :],
                       Wu_s[i], bu_s[i][None, :])

    ns = lax.fori_loop(0, MP, body_s, ns)

    s_d2d, r_d2d, order_d = _prep_edges(dense_edge_index, EDP, NDP - 1)
    attr_d = _attr128(dense_edge_attr[order_d], EDP)
    part_ad = _sc_segsum_direct(attr_d, r_d2d, NDP)
    nd0, ed_const, dn_d = _make_tc_encoder(NDP, 2560)(
        _pad_rows(dense_x, NDP), part_ad, We_nd, be_nd[None, :],
        _wepad(We_ed, be_ed), onepad)

    sml = jnp.pad(multilayer_edge_index[0], (0, EMLP - E_ML)).reshape(NW, EMLP // (NW * CH), CH)
    rml = jnp.pad(multilayer_edge_index[1], (0, EMLP - E_ML)).reshape(NW, EMLP // (NW * CH), CH)
    gs = _sc_gather(ns, sml)[:E_ML]
    gr = _sc_gather(nd0, rml)[:E_ML]
    ne = _make_tc_link_edge(2000)(gs, multilayer_edge_attr, gr, We_ml, be_ml[None, :],
                                  Wm_l, bm_l[None, :])
    nd = _tc_link_reduce(ne.reshape(N_D, CLOSEST_COUNT * LATENT), Wu_l, bu_l[None, :])
    nd = _pad_rows(nd, NDP)

    layer_d = _make_tc_layer(NDP, 2560)

    def body_d(i, n):
        part = _sc_segsum_gather(n, s_d2d, r_d2d)
        return layer_d(n, part, ed_const, dn_d, Wm_d[i], bm_d[i][None, :],
                       Wu_d[i], bu_d[i][None, :])

    nd = lax.fori_loop(0, MP, body_d, nd)

    wdec = jnp.pad(W_dec, ((0, 0), (0, LATENT - OUT_DIM)))
    bdec = jnp.pad(b_dec, (0, LATENT - OUT_DIM))[None, :]
    out = _tc_decoder(nd, wdec, bdec)
    return out[:N_D, :OUT_DIM]

# --- scband reference (transcript-rebuilt; emitter-appended) ---
"""Pipeline reference for scband-custom-graph-net-jax-78391743087273 (READ-ONLY COPY).

The authoritative reference and input builder live on the scoring server;
editing this copy changes nothing except your own understanding.
"""

import jax, jax.numpy as jnp
import numpy as np

LATENT = 128
MP = 18
CLOSEST_COUNT = 4
OUT_DIM = 3
N_S, E_S = 10000, 160000
N_D, E_D = 2500, 40000
E_ML = N_D * CLOSEST_COUNT
F_N, F_E = 128, 16


def _dense_params(k, fan_in, fan_out):
    k1, k2 = jax.random.split(k)
    W = jax.random.uniform(k1, (fan_in, fan_out), jnp.float32, -1.0, 1.0) / jnp.sqrt(fan_in)
    b = jax.random.uniform(k2, (fan_out,), jnp.float32, -1.0, 1.0) / jnp.sqrt(fan_in)
    return W, b


def _stacked(k, n, fan_in, fan_out):
    Ws, bs = [], []
    for i in range(n):
        W, b = _dense_params(jax.random.fold_in(k, i), fan_in, fan_out)
        Ws.append(W)
        bs.append(b)
    return jnp.stack(Ws), jnp.stack(bs)


def setup_inputs(seed: int = 0):
    key = jax.random.key(seed)
    ks = jax.random.split(key, 24)
    inp = {}
    inp['sparse_x'] = jax.random.normal(ks[0], (N_S, F_N), jnp.float32)
    inp['sparse_edge_attr'] = jax.random.normal(ks[1], (E_S, F_E), jnp.float32)
    inp['dense_x'] = jax.random.normal(ks[2], (N_D, F_N), jnp.float32)
    inp['dense_edge_attr'] = jax.random.normal(ks[3], (E_D, F_E), jnp.float32)
    inp['multilayer_edge_attr'] = jax.random.normal(ks[4], (E_ML, F_E), jnp.float32)
    inp['sparse_edge_index'] = jax.random.randint(ks[5], (2, E_S), 0, N_S, jnp.int32)
    inp['dense_edge_index'] = jax.random.randint(ks[6], (2, E_D), 0, N_D, jnp.int32)
    inp['multilayer_edge_index'] = jax.random.randint(ks[7], (2, E_ML), 0, N_D, jnp.int32)
    inp['We_ns'], inp['be_ns'] = _dense_params(ks[8], F_N, LATENT)
    inp['We_es'], inp['be_es'] = _dense_params(ks[9], F_E, LATENT)
    inp['We_nd'], inp['be_nd'] = _dense_params(ks[10], F_N, LATENT)
    inp['We_ed'], inp['be_ed'] = _dense_params(ks[11], F_E, LATENT)
    inp['We_ml'], inp['be_ml'] = _dense_params(ks[12], F_E, LATENT)
    inp['Wm_s'], inp['bm_s'] = _stacked(ks[13], MP, 3 * LATENT, LATENT)
    inp['Wu_s'], inp['bu_s'] = _stacked(ks[14], MP, 2 * LATENT, LATENT)
    inp['Wm_l'], inp['bm_l'] = _dense_params(ks[15], 3 * LATENT, LATENT)
    inp['Wu_l'], inp['bu_l'] = _dense_params(ks[16], CLOSEST_COUNT * LATENT, LATENT)
    inp['Wm_d'], inp['bm_d'] = _stacked(ks[17], MP, 3 * LATENT, LATENT)
    inp['Wu_d'], inp['bu_d'] = _stacked(ks[18], MP, 2 * LATENT, LATENT)
    inp['W_dec'], inp['b_dec'] = _dense_params(ks[19], LATENT, OUT_DIM)
    return inp


def _make_proc(n_nodes):
    # ProcessorLayer with internal_layer_count=0: message/update ForwardNets are a single Dense.
    # NOTE: propagate() returns the ORIGINAL edge_latents, so edge latents are never updated.
    @jax.checkpoint
    def proc(node, edge_lat, ei, Wm, bm, Wu, bu):
        s, r = ei[0], ei[1]
        edge_in = jnp.hstack((node[s], edge_lat, node[r]))
        new_e = edge_in @ Wm + bm
        agg = jax.ops.segment_sum(new_e, r, num_segments=n_nodes) / 10.0
        node_in = jnp.hstack((node, agg))
        return node + (node_in @ Wu + bu)
    return proc


def reference(sparse_x, sparse_edge_attr, dense_x, dense_edge_attr, multilayer_edge_attr,
              sparse_edge_index, dense_edge_index, multilayer_edge_index,
              We_ns, be_ns, We_es, be_es, We_nd, be_nd, We_ed, be_ed, We_ml, be_ml,
              Wm_s, bm_s, Wu_s, bu_s, Wm_l, bm_l, Wu_l, bu_l,
              Wm_d, bm_d, Wu_d, bu_d, W_dec, b_dec):
    # DataNorm with identity statistics (mean=0, std=1) reduces to nan_to_num
    norm = jnp.nan_to_num
    ns = norm(sparse_x) @ We_ns + be_ns
    es = norm(sparse_edge_attr) @ We_es + be_es
    nd = norm(dense_x) @ We_nd + be_nd
    ed = norm(dense_edge_attr) @ We_ed + be_ed
    eml = norm(multilayer_edge_attr) @ We_ml + be_ml
    proc_s = _make_proc(N_S)
    proc_d = _make_proc(N_D)
    for i in range(MP):
        ns = proc_s(ns, es, sparse_edge_index, Wm_s[i], bm_s[i], Wu_s[i], bu_s[i])
    # LinkProcessorLayer: move latents from sparse graph to dense graph
    s, r = multilayer_edge_index[0], multilayer_edge_index[1]
    edge_in = jnp.hstack((ns[s], eml, nd[r]))
    new_e = edge_in @ Wm_l + bm_l
    agg = new_e.reshape(-1, CLOSEST_COUNT * LATENT)
    nd = agg @ Wu_l + bu_l
    for i in range(MP):
        nd = proc_d(nd, ed, dense_edge_index, Wm_d[i], bm_d[i], Wu_d[i], bu_d[i])
    return nd @ W_dec + b_dec

if __name__ == "__main__":
    import jax
    _d = setup_inputs()
    print(jax.jit(kernel)(*tuple(_d.values())))

</pallas_src>

<mosaic_0001>
#map = affine_map<(d0, d1) -> (0, 0)>
#map1 = affine_map<(d0, d1) -> (0, 0, 0)>
module attributes {stable_mosaic.version = 14 : i64} {
  func.func @k(%arg0: i32, %arg1: i32, %arg2: memref<40960x128xf32, #tpu.memory_space<hbm>>, %arg3: memref<32x10x128xi32, #tpu.memory_space<hbm>>, %arg4: memref<2x2560x128xf32, #tpu.memory_space<hbm>>, %arg5: memref<10x128xi32, #tpu.memory_space<vmem>>, %arg6: memref<128x128xf32, #tpu.memory_space<vmem>>, %arg7: memref<160x128xf32, #tpu.memory_space<vmem>>, %arg8: memref<2560x128xf32, #tpu.memory_space<vmem_shared>>) attributes {dimension_semantics = [#tpu.dimension_semantics<core_parallel>, #tpu.dimension_semantics<subcore_parallel>], iteration_bounds = array<i64: 2, 16>, scalar_prefetch = 0 : i64, scratch_operands = 4 : i64, tpu.core_type = #tpu.core_type<sc_vector_subcore>, window_params = [{transform_indices = #map}, {transform_indices = #map1}, {transform_indices = #map1}]} {
    %mul3A = arith.constant 2 : i32
    %mul3A_0 = arith.muli %arg1, %mul3A : i32
    %add3A = arith.addi %mul3A_0, %arg0 : i32
    %scan3A = arith.constant 0 : i32
    %scan3A_1 = arith.constant 0 : i32
    %scan3A_2 = arith.constant 160 : i32
    %scan3A_3 = arith.addi %scan3A_1, %scan3A_2 : i32
    %scan3A_4 = arith.constant 1 : i32
    scf.for %scan3A_23 = %scan3A_1 to %scan3A_3 step %scan3A_4  : i32 {
      %broadcast_in_dim3A = arith.constant 0.000000e+00 : f32
      %broadcast_in_dim3A_24 = vector.broadcast %broadcast_in_dim3A : f32 to vector<16xf32>
      %swap3A = arith.index_cast %scan3A_23 : i32 to index
      %swap3A_25 = arith.constant 0 : index
      %swap3A_26 = tpu.vector_load %arg7[%swap3A, %swap3A_25] {strides = array<i32>} : memref<160x128xf32, #tpu.memory_space<vmem>>, vector<1x16xf32>,
      %swap3A_27 = vector.shape_cast %swap3A_26 : vector<1x16xf32> to vector<16xf32>
      %swap3A_28 = vector.shape_cast %broadcast_in_dim3A_24 : vector<16xf32> to vector<1x16xf32>
      tpu.vector_store %arg7[%swap3A, %swap3A_25], %swap3A_28 {strides = array<i32>} : memref<160x128xf32, #tpu.memory_space<vmem>>, vector<1x16xf32>,
      %broadcast_in_dim3A_29 = arith.constant 0.000000e+00 : f32
      %broadcast_in_dim3A_30 = vector.broadcast %broadcast_in_dim3A_29 : f32 to vector<16xf32>
      %swap3A_31 = arith.index_cast %scan3A_23 : i32 to index
      %swap3A_32 = arith.constant 16 : index
      %swap3A_33 = tpu.vector_load %arg7[%swap3A_31, %swap3A_32] {strides = array<i32>} : memref<160x128xf32, #tpu.memory_space<vmem>>, vector<1x16xf32>,
      %swap3A_34 = vector.shape_cast %swap3A_33 : vector<1x16xf32> to vector<16xf32>
      %swap3A_35 = vector.shape_cast %broadcast_in_dim3A_30 : vector<16xf32> to vector<1x16xf32>
      tpu.vector_store %arg7[%swap3A_31, %swap3A_32], %swap3A_35 {strides = array<i32>} : memref<160x128xf32, #tpu.memory_space<vmem>>, vector<1x16xf32>,
      %broadcast_in_dim3A_36 = arith.constant 0.000000e+00 : f32
      %broadcast_in_dim3A_37 = vector.broadcast %broadcast_in_dim3A_36 : f32 to vector<16xf32>
      %swap3A_38 = arith.index_cast %scan3A_23 : i32 to index
      %swap3A_39 = arith.constant 32 : index
      %swap3A_40 = tpu.vector_load %arg7[%swap3A_38, %swap3A_39] {strides = array<i32>} : memref<160x128xf32, #tpu.memory_space<vmem>>, vector<1x16xf32>,
      %swap3A_41 = vector.shape_cast %swap3A_40 : vector<1x16xf32> to vector<16xf32>
      %swap3A_42 = vector.shape_cast %broadcast_in_dim3A_37 : vector<16xf32> to vector<1x16xf32>
      tpu.vector_store %arg7[%swap3A_38, %swap3A_39], %swap3A_42 {strides = array<i32>} : memref<160x128xf32, #tpu.memory_space<vmem>>, vector<1x16xf32>,
      %broadcast_in_dim3A_43 = arith.constant 0.000000e+00 : f32
      %broadcast_in_dim3A_44 = vector.broadcast %broadcast_in_dim3A_43 : f32 to vector<16xf32>
      %swap3A_45 = arith.index_cast %scan3A_23 : i32 to index
      %swap3A_46 = arith.constant 48 : index
      %swap3A_47 = tpu.vector_load %arg7[%swap3A_45, %swap3A_46] {strides = array<i32>} : memref<160x128xf32, #tpu.memory_space<vmem>>, vector<1x16xf32>,
      %swap3A_48 = vector.shape_cast %swap3A_47 : vector<1x16xf32> to vector<16xf32>
      %swap3A_49 = vector.shape_cast %broadcast_in_dim3A_44 : vector<16xf32> to vector<1x16xf32>
      tpu.vector_store %arg7[%swap3A_45, %swap3A_46], %swap3A_49 {strides = array<i32>} : memref<160x128xf32, #tpu.memory_space<vmem>>, vector<1x16xf32>,
      %broadcast_in_dim3A_50 = arith.constant 0.000000e+00 : f32
      %broadcast_in_dim3A_51 = vector.broadcast %broadcast_in_dim3A_50 : f32 to vector<16xf32>
      %swap3A_52 = arith.index_cast %scan3A_23 : i32 to index
      %swap3A_53 = arith.constant 64 : index
      %swap3A_54 = tpu.vector_load %arg7[%swap3A_52, %swap3A_53] {strides = array<i32>} : memref<160x128xf32, #tpu.memory_space<vmem>>, vector<1x16xf32>,
      %swap3A_55 = vector.shape_cast %swap3A_54 : vector<1x16xf32> to vector<16xf32>
      %swap3A_56 = vector.shape_cast %broadcast_in_dim3A_51 : vector<16xf32> to vector<1x16xf32>
      tpu.vector_store %arg7[%swap3A_52, %swap3A_53], %swap3A_56 {strides = array<i32>} : memref<160x128xf32, #tpu.memory_space<vmem>>, vector<1x16xf32>,
      %broadcast_in_dim3A_57 = arith.constant 0.000000e+00 : f32
      %broadcast_in_dim3A_58 = vector.broadcast %broadcast_in_dim3A_57 : f32 to vector<16xf32>
      %swap3A_59 = arith.index_cast %scan3A_23 : i32 to index
      %swap3A_60 = arith.constant 80 : index
      %swap3A_61 = tpu.vector_load %arg7[%swap3A_59, %swap3A_60] {strides = array<i32>} : memref<160x128xf32, #tpu.memory_space<vmem>>, vector<1x16xf32>,
      %swap3A_62 = vector.shape_cast %swap3A_61 : vector<1x16xf32> to vector<16xf32>
      %swap3A_63 = vector.shape_cast %broadcast_in_dim3A_58 : vector<16xf32> to vector<1x16xf32>
      tpu.vector_store %arg7[%swap3A_59, %swap3A_60], %swap3A_63 {strides = array<i32>} : memref<160x128xf32, #tpu.memory_space<vmem>>, vector<1x16xf32>,
      %broadcast_in_dim3A_64 = arith.constant 0.000000e+00 : f32
      %broadcast_in_dim3A_65 = vector.broadcast %broadcast_in_dim3A_64 : f32 to vector<16xf32>
      %swap3A_66 = arith.index_cast %scan3A_23 : i32 to index
      %swap3A_67 = arith.constant 96 : index
      %swap3A_68 = tpu.vector_load %arg7[%swap3A_66, %swap3A_67] {strides = array<i32>} : memref<160x128xf32, #tpu.memory_space<vmem>>, vector<1x16xf32>,
      %swap3A_69 = vector.shape_cast %swap3A_68 : vector<1x16xf32> to vector<16xf32>
      %swap3A_70 = vector.shape_cast %broadcast_in_dim3A_65 : vector<16xf32> to vector<1x16xf32>
      tpu.vector_store %arg7[%swap3A_66, %swap3A_67], %swap3A_70 {strides = array<i32>} : memref<160x128xf32, #tpu.memory_space<vmem>>, vector<1x16xf32>,
      %broadcast_in_dim3A_71 = arith.constant 0.000000e+00 : f32
      %broadcast_in_dim3A_72 = vector.broadcast %broadcast_in_dim3A_71 : f32 to vector<16xf32>
      %swap3A_73 = arith.index_cast %scan3A_23 : i32 to index
      %swap3A_74 = arith.constant 112 : index
      %swap3A_75 = tpu.vector_load %arg7[%swap3A_73, %swap3A_74] {strides = array<i32>} : memref<160x128xf32, #tpu.memory_space<vmem>>, vector<1x16xf32>,
      %swap3A_76 = vector.shape_cast %swap3A_75 : vector<1x16xf32> to vector<16xf32>
      %swap3A_77 = vector.shape_cast %broadcast_in_dim3A_72 : vector<16xf32> to vector<1x16xf32>
      tpu.vector_store %arg7[%swap3A_73, %swap3A_74], %swap3A_77 {strides = array<i32>} : memref<160x128xf32, #tpu.memory_space<vmem>>, vector<1x16xf32>,
    }
    %scan3A_5 = arith.constant 160 : i32
    %scan3A_6 = arith.constant 0 : i32
    %scan3A_7 = arith.constant 0 : i32
    %mul3A_8 = arith.constant 160 : i32
    %mul3A_9 = arith.muli %arg1, %mul3A_8 : i32
    %mul3A_10 = arith.constant 160 : i32
    %mul3A_11 = arith.muli %scan3A_7, %mul3A_10 : i32
    %add3A_12 = arith.addi %mul3A_9, %mul3A_11 : i32
    "tpu.region"() ({
      %run_scoped3A = tpu.sem_alloc : memref<!tpu.dma_semaphore, #tpu.memory_space<semaphore_mem>>
      %dma_start3A = arith.constant 0 : i32
      %dma_start3A_23 = tpu.memref_slice %arg8[%add3A_12, %dma_start3A] : memref<2560x128xf32, #tpu.memory_space<vmem_shared>> -> memref<160x128xf32, #tpu.memory_space<vmem_shared>>
      %dma_start3A_24 = arith.constant 0 : i32
      %dma_start3A_25 = tpu.memref_slice %arg8[%add3A_12, %dma_start3A_24] : memref<2560x128xf32, #tpu.memory_space<vmem_shared>> -> memref<160x128xf32, #tpu.memory_space<vmem_shared>>
      tpu.enqueue_dma source(%arg7 : memref<160x128xf32, #tpu.memory_space<vmem>>) target(%dma_start3A_25 : memref<160x128xf32, #tpu.memory_space<vmem_shared>>) target_semaphore(%run_scoped3A : memref<!tpu.dma_semaphore, #tpu.memory_space<semaphore_mem>>)
      %dma_wait3A = arith.constant 0 : i32
      %dma_wait3A_26 = tpu.memref_slice %arg8[%add3A_12, %dma_wait3A] : memref<2560x128xf32, #tpu.memory_space<vmem_shared>> -> memref<160x128xf32, #tpu.memory_space<vmem_shared>>
      %dma_wait3A_27 = arith.constant 0 : i32
      %dma_wait3A_28 = tpu.memref_slice %arg8[%add3A_12, %dma_wait3A_27] : memref<2560x128xf32, #tpu.memory_space<vmem_shared>> -> memref<160x128xf32, #tpu.memory_space<vmem_shared>>
      tpu.wait_dma2 semaphore(%run_scoped3A : memref<!tpu.dma_semaphore, #tpu.memory_space<semaphore_mem>>) src(%arg7 : memref<160x128xf32, #tpu.memory_space<vmem>>) dst(%dma_wait3A_28 : memref<160x128xf32, #tpu.memory_space<vmem_shared>>)
      tpu.yield
    }) : () -> ()
    %scan3A_13 = arith.constant 1 : i32
    "tpu.region"() ({
      %run_scoped3A = tpu.sem_alloc : memref<!tpu.dma_semaphore, #tpu.memory_space<semaphore_mem>>
      %dma_start3A = arith.constant 0 : i32
      %dma_start3A_23 = arith.constant 0 : i32
      %dma_start3A_24 = tpu.memref_slice %arg3[%add3A, %dma_start3A, %dma_start3A_23] : memref<32x10x128xi32, #tpu.memory_space<hbm>> -> memref<1x10x128xi32, #tpu.memory_space<hbm>>
      %dma_start3A_25 = tpu.memref_squeeze %dma_start3A_24 : memref<1x10x128xi32, #tpu.memory_space<hbm>> -> memref<10x128xi32, #tpu.memory_space<hbm>>
      %dma_start3A_26 = arith.constant 0 : i32
      %dma_start3A_27 = arith.constant 0 : i32
      %dma_start3A_28 = tpu.memref_slice %arg3[%add3A, %dma_start3A_26, %dma_start3A_27] : memref<32x10x128xi32, #tpu.memory_space<hbm>> -> memref<1x10x128xi32, #tpu.memory_space<hbm>>
      %dma_start3A_29 = tpu.memref_squeeze %dma_start3A_28 : memref<1x10x128xi32, #tpu.memory_space<hbm>> -> memref<10x128xi32, #tpu.memory_space<hbm>>
      tpu.enqueue_dma source(%dma_start3A_29 : memref<10x128xi32, #tpu.memory_space<hbm>>) target(%arg5 : memref<10x128xi32, #tpu.memory_space<vmem>>) target_semaphore(%run_scoped3A : memref<!tpu.dma_semaphore, #tpu.memory_space<semaphore_mem>>)
      %dma_wait3A = arith.constant 0 : i32
      %dma_wait3A_30 = arith.constant 0 : i32
      %dma_wait3A_31 = tpu.memref_slice %arg3[%add3A, %dma_wait3A, %dma_wait3A_30] : memref<32x10x128xi32, #tpu.memory_space<hbm>> -> memref<1x10x128xi32, #tpu.memory_space<hbm>>
      %dma_wait3A_32 = tpu.memref_squeeze %dma_wait3A_31 : memref<1x10x128xi32, #tpu.memory_space<hbm>> -> memref<10x128xi32, #tpu.memory_space<hbm>>
      %dma_wait3A_33 = arith.constant 0 : i32
      %dma_wait3A_34 = arith.constant 0 : i32
      %dma_wait3A_35 = tpu.memref_slice %arg3[%add3A, %dma_wait3A_33, %dma_wait3A_34] : memref<32x10x128xi32, #tpu.memory_space<hbm>> -> memref<1x10x128xi32, #tpu.memory_space<hbm>>
      %dma_wait3A_36 = tpu.memref_squeeze %dma_wait3A_35 : memref<1x10x128xi32, #tpu.memory_space<hbm>> -> memref<10x128xi32, #tpu.memory_space<hbm>>
      tpu.wait_dma2 semaphore(%run_scoped3A : memref<!tpu.dma_semaphore, #tpu.memory_space<semaphore_mem>>) src(%dma_wait3A_36 : memref<10x128xi32, #tpu.memory_space<hbm>>) dst(%arg5 : memref<10x128xi32, #tpu.memory_space<vmem>>)
      tpu.yield
    }) : () -> ()
    %barrier3A = arith.constant 0 : index
    tpu.barrier barrier_id(%barrier3A)
    %scan3A_14 = arith.constant 0 : i32
    %scan3A_15 = arith.constant 0 : i32
    %scan3A_16 = arith.constant 10 : i32
    %scan3A_17 = arith.addi %scan3A_15, %scan3A_16 : i32
    %scan3A_18 = arith.constant 1 : i32
    scf.for %scan3A_23 = %scan3A_15 to %scan3A_17 step %scan3A_18  : i32 {
      %mul3A_24 = arith.constant 10 : i32
      %mul3A_25 = arith.muli %add3A, %mul3A_24 : i32
      %add3A_26 = arith.addi %mul3A_25, %scan3A_23 : i32
      %mul3A_27 = arith.constant 128 : i32
      %mul3A_28 = arith.muli %add3A_26, %mul3A_27 : i32
      "tpu.region"() ({
        %run_scoped3A = tpu.sem_alloc : memref<!tpu.dma_semaphore, #tpu.memory_space<semaphore_mem>>
        %dma_start3A = arith.constant 0 : i32
        %dma_start3A_29 = tpu.memref_slice %arg2[%mul3A_28, %dma_start3A] : memref<40960x128xf32, #tpu.memory_space<hbm>> -> memref<128x128xf32, #tpu.memory_space<hbm>>
        %dma_start3A_30 = arith.constant 0 : i32
        %dma_start3A_31 = tpu.memref_slice %arg2[%mul3A_28, %dma_start3A_30] : memref<40960x128xf32, #tpu.memory_space<hbm>> -> memref<128x128xf32, #tpu.memory_space<hbm>>
        tpu.enqueue_dma source(%dma_start3A_31 : memref<128x128xf32, #tpu.memory_space<hbm>>) target(%arg6 : memref<128x128xf32, #tpu.memory_space<vmem>>) target_semaphore(%run_scoped3A : memref<!tpu.dma_semaphore, #tpu.memory_space<semaphore_mem>>)
        %dma_wait3A = arith.constant 0 : i32
        %dma_wait3A_32 = tpu.memref_slice %arg2[%mul3A_28, %dma_wait3A] : memref<40960x128xf32, #tpu.memory_space<hbm>> -> memref<128x128xf32, #tpu.memory_space<hbm>>
        %dma_wait3A_33 = arith.constant 0 : i32
        %dma_wait3A_34 = tpu.memref_slice %arg2[%mul3A_28, %dma_wait3A_33] : memref<40960x128xf32, #tpu.memory_space<hbm>> -> memref<128x128xf32, #tpu.memory_space<hbm>>
        tpu.wait_dma2 semaphore(%run_scoped3A : memref<!tpu.dma_semaphore, #tpu.memory_space<semaphore_mem>>) src(%dma_wait3A_34 : memref<128x128xf32, #tpu.memory_space<hbm>>) dst(%arg6 : memref<128x128xf32, #tpu.memory_space<vmem>>)
        tpu.yield
      }) : () -> ()
      "tpu.region"() ({
        %run_scoped3A = tpu.sem_alloc : memref<!tpu.dma_semaphore, #tpu.memory_space<semaphore_mem>>
        %dma_start3A = arith.constant 0 : i32
        %dma_start3A_29 = tpu.memref_slice %arg5[%scan3A_23, %dma_start3A] : memref<10x128xi32, #tpu.memory_space<vmem>> -> memref<1x128xi32, #tpu.memory_space<vmem>>
        %dma_start3A_30 = tpu.memref_squeeze %dma_start3A_29 : memref<1x128xi32, #tpu.memory_space<vmem>> -> memref<128xi32, #tpu.memory_space<vmem>>
        %dma_start3A_31 = arith.constant 0 : i32
        %dma_start3A_32 = arith.constant 0 : i32
        %dma_start3A_33 = tpu.memref_slice %arg8[%dma_start3A_31, %dma_start3A_32] : memref<2560x128xf32, #tpu.memory_space<vmem_shared>> -> memref<2560x128xf32, #tpu.memory_space<vmem_shared>>
        tpu.enqueue_indirect_dma source(%arg6 : memref<128x128xf32, #tpu.memory_space<vmem>>) target(%dma_start3A_33 : memref<2560x128xf32, #tpu.memory_space<vmem_shared>>) offsets(%dma_start3A_30 : memref<128xi32, #tpu.memory_space<vmem>>) semaphore(%run_scoped3A : memref<!tpu.dma_semaphore, #tpu.memory_space<semaphore_mem>>) {add = true}
        %dma_wait3A = arith.constant 0 : i32
        %dma_wait3A_34 = tpu.memref_slice %arg5[%scan3A_23, %dma_wait3A] : memref<10x128xi32, #tpu.memory_space<vmem>> -> memref<1x128xi32, #tpu.memory_space<vmem>>
        %dma_wait3A_35 = tpu.memref_squeeze %dma_wait3A_34 : memref<1x128xi32, #tpu.memory_space<vmem>> -> memref<128xi32, #tpu.memory_space<vmem>>
        %dma_wait3A_36 = arith.constant 0 : i32
        %dma_wait3A_37 = arith.constant 0 : i32
        %dma_wait3A_38 = tpu.memref_slice %arg8[%dma_wait3A_36, %dma_wait3A_37] : memref<2560x128xf32, #tpu.memory_space<vmem_shared>> -> memref<2560x128xf32, #tpu.memory_space<vmem_shared>>
        tpu.wait_indirect_dma semaphore(%run_scoped3A : memref<!tpu.dma_semaphore, #tpu.memory_space<semaphore_mem>>) src(%arg6 : memref<128x128xf32, #tpu.memory_space<vmem>>) dst(%dma_wait3A_38 : memref<2560x128xf32, #tpu.memory_space<vmem_shared>>)
        tpu.yield
      }) : () -> ()
    }
    %scan3A_19 = arith.constant 10 : i32
    %barrier3A_20 = arith.constant 0 : index
    tpu.barrier barrier_id(%barrier3A_20)
    %mul3A_21 = arith.constant 160 : i32
    %mul3A_22 = arith.muli %arg1, %mul3A_21 : i32
    "tpu.region"() ({
      %run_scoped3A = tpu.sem_alloc : memref<!tpu.dma_semaphore, #tpu.memory_space<semaphore_mem>>
      %dma_start3A = arith.constant 0 : i32
      %dma_start3A_23 = tpu.memref_slice %arg4[%arg0, %mul3A_22, %dma_start3A] : memref<2x2560x128xf32, #tpu.memory_space<hbm>> -> memref<1x160x128xf32, #tpu.memory_space<hbm>>
      %dma_start3A_24 = tpu.memref_squeeze %dma_start3A_23 : memref<1x160x128xf32, #tpu.memory_space<hbm>> -> memref<160x128xf32, #tpu.memory_space<hbm>>
      %dma_start3A_25 = arith.constant 0 : i32
      %dma_start3A_26 = tpu.memref_slice %arg8[%mul3A_22, %dma_start3A_25] : memref<2560x128xf32, #tpu.memory_space<vmem_shared>> -> memref<160x128xf32, #tpu.memory_space<vmem_shared>>
      tpu.enqueue_dma source(%dma_start3A_26 : memref<160x128xf32, #tpu.memory_space<vmem_shared>>) target(%dma_start3A_24 : memref<160x128xf32, #tpu.memory_space<hbm>>) target_semaphore(%run_scoped3A : memref<!tpu.dma_semaphore, #tpu.memory_space<semaphore_mem>>)
      %dma_wait3A = arith.constant 0 : i32
      %dma_wait3A_27 = tpu.memref_slice %arg4[%arg0, %mul3A_22, %dma_wait3A] : memref<2x2560x128xf32, #tpu.memory_space<hbm>> -> memref<1x160x128xf32, #tpu.memory_space<hbm>>
      %dma_wait3A_28 = tpu.memref_squeeze %dma_wait3A_27 : memref<1x160x128xf32, #tpu.memory_space<hbm>> -> memref<160x128xf32, #tpu.memory_space<hbm>>
      %dma_wait3A_29 = arith.constant 0 : i32
      %dma_wait3A_30 = tpu.memref_slice %arg8[%mul3A_22, %dma_wait3A_29] : memref<2560x128xf32, #tpu.memory_space<vmem_shared>> -> memref<160x128xf32, #tpu.memory_space<vmem_shared>>
      tpu.wait_dma2 semaphore(%run_scoped3A : memref<!tpu.dma_semaphore, #tpu.memory_space<semaphore_mem>>) src(%dma_wait3A_30 : memref<160x128xf32, #tpu.memory_space<vmem_shared>>) dst(%dma_wait3A_28 : memref<160x128xf32, #tpu.memory_space<hbm>>)
      tpu.yield
    }) : () -> ()
    return
  }
}

#map = affine_map<(d0, d1) -> (0, 0)>
#map1 = affine_map<(d0, d1) -> (0, 0, 0)>
module attributes {stable_mosaic.version = 14 : i64} {
  func.func @k(%arg0: i32, %arg1: i32, %arg2: memref<163840x128xf32, #tpu.memory_space<hbm>>, %arg3: memref<32x40x128xi32, #tpu.memory_space<hbm>>, %arg4: memref<2x10240x128xf32, #tpu.memory_space<hbm>>, %arg5: memref<40x128xi32, #tpu.memory_space<vmem>>, %arg6: memref<128x128xf32, #tpu.memory_space<vmem>>, %arg7: memref<128x128xf32, #tpu.memory_space<vmem>>, %arg8: memref<10240x128xf32, #tpu.memory_space<vmem_shared>>) attributes {dimension_semantics = [#tpu.dimension_semantics<core_parallel>, #tpu.dimension_semantics<subcore_parallel>], iteration_bounds = array<i64: 2, 16>, scalar_prefetch = 0 : i64, scratch_operands = 4 : i64, tpu.core_type = #tpu.core_type<sc_vector_subcore>, window_params = [{transform_indices = #map}, {transform_indices = #map1}, {transform_indices = #map1}]} {
    %mul3A = arith.constant 2 : i32
    %mul3A_0 = arith.muli %arg1, %mul3A : i32
    %add3A = arith.addi %mul3A_0, %arg0 : i32
    %scan3A = arith.constant 0 : i32
    %scan3A_1 = arith.constant 0 : i32
    %scan3A_2 = arith.constant 128 : i32
    %scan3A_3 = arith.addi %scan3A_1, %scan3A_2 : i32
    %scan3A_4 = arith.constant 1 : i32
    scf.for %scan3A_21 = %scan3A_1 to %scan3A_3 step %scan3A_4  : i32 {
      %broadcast_in_dim3A = arith.constant 0.000000e+00 : f32
      %broadcast_in_dim3A_22 = vector.broadcast %broadcast_in_dim3A : f32 to vector<16xf32>
      %swap3A = arith.index_cast %scan3A_21 : i32 to index
      %swap3A_23 = arith.constant 0 : index
      %swap3A_24 = tpu.vector_load %arg7[%swap3A, %swap3A_23] {strides = array<i32>} : memref<128x128xf32, #tpu.memory_space<vmem>>, vector<1x16xf32>,
      %swap3A_25 = vector.shape_cast %swap3A_24 : vector<1x16xf32> to vector<16xf32>
      %swap3A_26 = vector.shape_cast %broadcast_in_dim3A_22 : vector<16xf32> to vector<1x16xf32>
      tpu.vector_store %arg7[%swap3A, %swap3A_23], %swap3A_26 {strides = array<i32>} : memref<128x128xf32, #tpu.memory_space<vmem>>, vector<1x16xf32>,
      %broadcast_in_dim3A_27 = arith.constant 0.000000e+00 : f32
      %broadcast_in_dim3A_28 = vector.broadcast %broadcast_in_dim3A_27 : f32 to vector<16xf32>
      %swap3A_29 = arith.index_cast %scan3A_21 : i32 to index
      %swap3A_30 = arith.constant 16 : index
      %swap3A_31 = tpu.vector_load %arg7[%swap3A_29, %swap3A_30] {strides = array<i32>} : memref<128x128xf32, #tpu.memory_space<vmem>>, vector<1x16xf32>,
      %swap3A_32 = vector.shape_cast %swap3A_31 : vector<1x16xf32> to vector<16xf32>
      %swap3A_33 = vector.shape_cast %broadcast_in_dim3A_28 : vector<16xf32> to vector<1x16xf32>
      tpu.vector_store %arg7[%swap3A_29, %swap3A_30], %swap3A_33 {strides = array<i32>} : memref<128x128xf32, #tpu.memory_space<vmem>>, vector<1x16xf32>,
      %broadcast_in_dim3A_34 = arith.constant 0.000000e+00 : f32
      %broadcast_in_dim3A_35 = vector.broadcast %broadcast_in_dim3A_34 : f32 to vector<16xf32>
      %swap3A_36 = arith.index_cast %scan3A_21 : i32 to index
      %swap3A_37 = arith.constant 32 : index
      %swap3A_38 = tpu.vector_load %arg7[%swap3A_36, %swap3A_37] {strides = array<i32>} : memref<128x128xf32, #tpu.memory_space<vmem>>, vector<1x16xf32>,
      %swap3A_39 = vector.shape_cast %swap3A_38 : vector<1x16xf32> to vector<16xf32>
      %swap3A_40 = vector.shape_cast %broadcast_in_dim3A_35 : vector<16xf32> to vector<1x16xf32>
      tpu.vector_store %arg7[%swap3A_36, %swap3A_37], %swap3A_40 {strides = array<i32>} : memref<128x128xf32, #tpu.memory_space<vmem>>, vector<1x16xf32>,
      %broadcast_in_dim3A_41 = arith.constant 0.000000e+00 : f32
      %broadcast_in_dim3A_42 = vector.broadcast %broadcast_in_dim3A_41 : f32 to vector<16xf32>
      %swap3A_43 = arith.index_cast %scan3A_21 : i32 to index
      %swap3A_44 = arith.constant 48 : index
      %swap3A_45 = tpu.vector_load %arg7[%swap3A_43, %swap3A_44] {strides = array<i32>} : memref<128x128xf32, #tpu.memory_space<vmem>>, vector<1x16xf32>,
      %swap3A_46 = vector.shape_cast %swap3A_45 : vector<1x16xf32> to vector<16xf32>
      %swap3A_47 = vector.shape_cast %broadcast_in_dim3A_42 : vector<16xf32> to vector<1x16xf32>
      tpu.vector_store %arg7[%swap3A_43, %swap3A_44], %swap3A_47 {strides = array<i32>} : memref<128x128xf32, #tpu.memory_space<vmem>>, vector<1x16xf32>,
      %broadcast_in_dim3A_48 = arith.constant 0.000000e+00 : f32
      %broadcast_in_dim3A_49 = vector.broadcast %broadcast_in_dim3A_48 : f32 to vector<16xf32>
      %swap3A_50 = arith.index_cast %scan3A_21 : i32 to index
      %swap3A_51 = arith.constant 64 : index
      %swap3A_52 = tpu.vector_load %arg7[%swap3A_50, %swap3A_51] {strides = array<i32>} : memref<128x128xf32, #tpu.memory_space<vmem>>, vector<1x16xf32>,
      %swap3A_53 = vector.shape_cast %swap3A_52 : vector<1x16xf32> to vector<16xf32>
      %swap3A_54 = vector.shape_cast %broadcast_in_dim3A_49 : vector<16xf32> to vector<1x16xf32>
      tpu.vector_store %arg7[%swap3A_50, %swap3A_51], %swap3A_54 {strides = array<i32>} : memref<128x128xf32, #tpu.memory_space<vmem>>, vector<1x16xf32>,
      %broadcast_in_dim3A_55 = arith.constant 0.000000e+00 : f32
      %broadcast_in_dim3A_56 = vector.broadcast %broadcast_in_dim3A_55 : f32 to vector<16xf32>
      %swap3A_57 = arith.index_cast %scan3A_21 : i32 to index
      %swap3A_58 = arith.constant 80 : index
      %swap3A_59 = tpu.vector_load %arg7[%swap3A_57, %swap3A_58] {strides = array<i32>} : memref<128x128xf32, #tpu.memory_space<vmem>>, vector<1x16xf32>,
      %swap3A_60 = vector.shape_cast %swap3A_59 : vector<1x16xf32> to vector<16xf32>
      %swap3A_61 = vector.shape_cast %broadcast_in_dim3A_56 : vector<16xf32> to vector<1x16xf32>
      tpu.vector_store %arg7[%swap3A_57, %swap3A_58], %swap3A_61 {strides = array<i32>} : memref<128x128xf32, #tpu.memory_space<vmem>>, vector<1x16xf32>,
      %broadcast_in_dim3A_62 = arith.constant 0.000000e+00 : f32
      %broadcast_in_dim3A_63 = vector.broadcast %broadcast_in_dim3A_62 : f32 to vector<16xf32>
      %swap3A_64 = arith.index_cast %scan3A_21 : i32 to index
      %swap3A_65 = arith.constant 96 : index
      %swap3A_66 = tpu.vector_load %arg7[%swap3A_64, %swap3A_65] {strides = array<i32>} : memref<128x128xf32, #tpu.memory_space<vmem>>, vector<1x16xf32>,
      %swap3A_67 = vector.shape_cast %swap3A_66 : vector<1x16xf32> to vector<16xf32>
      %swap3A_68 = vector.shape_cast %broadcast_in_dim3A_63 : vector<16xf32> to vector<1x16xf32>
      tpu.vector_store %arg7[%swap3A_64, %swap3A_65], %swap3A_68 {strides = array<i32>} : memref<128x128xf32, #tpu.memory_space<vmem>>, vector<1x16xf32>,
      %broadcast_in_dim3A_69 = arith.constant 0.000000e+00 : f32
      %broadcast_in_dim3A_70 = vector.broadcast %broadcast_in_dim3A_69 : f32 to vector<16xf32>
      %swap3A_71 = arith.index_cast %scan3A_21 : i32 to index
      %swap3A_72 = arith.constant 112 : index
      %swap3A_73 = tpu.vector_load %arg7[%swap3A_71, %swap3A_72] {strides = array<i32>} : memref<128x128xf32, #tpu.memory_space<vmem>>, vector<1x16xf32>,
      %swap3A_74 = vector.shape_cast %swap3A_73 : vector<1x16xf32> to vector<16xf32>
      %swap3A_75 = vector.shape_cast %broadcast_in_dim3A_70 : vector<16xf32> to vector<1x16xf32>
      tpu.vector_store %arg7[%swap3A_71, %swap3A_72], %swap3A_75 {strides = array<i32>} : memref<128x128xf32, #tpu.memory_space<vmem>>, vector<1x16xf32>,
    }
    %scan3A_5 = arith.constant 128 : i32
    %scan3A_6 = arith.constant 0 : i32
    %scan3A_7 = arith.constant 0 : i32
    %scan3A_8 = arith.constant 5 : i32
    %scan3A_9 = arith.addi %scan3A_7, %scan3A_8 : i32
    %scan3A_10 = arith.constant 1 : i32
    scf.for %scan3A_21 = %scan3A_7 to %scan3A_9 step %scan3A_10  : i32 {
      %mul3A_22 = arith.constant 640 : i32
      %mul3A_23 = arith.muli %arg1, %mul3A_22 : i32
      %mul3A_24 = arith.constant 128 : i32
      %mul3A_25 = arith.muli %scan3A_21, %mul3A_24 : i32
      %add3A_26 = arith.addi %mul3A_23, %mul3A_25 : i32
      "tpu.region"() ({
        %run_scoped3A = tpu.sem_alloc : memref<!tpu.dma_semaphore, #tpu.memory_space<semaphore_mem>>
        %dma_start3A = arith.constant 0 : i32
        %dma_start3A_27 = tpu.memref_slice %arg8[%add3A_26, %dma_start3A] : memref<10240x128xf32, #tpu.memory_space<vmem_shared>> -> memref<128x128xf32, #tpu.memory_space<vmem_shared>>
        %dma_start3A_28 = arith.constant 0 : i32
        %dma_start3A_29 = tpu.memref_slice %arg8[%add3A_26, %dma_start3A_28] : memref<10240x128xf32, #tpu.memory_space<vmem_shared>> -> memref<128x128xf32, #tpu.memory_space<vmem_shared>>
        tpu.enqueue_dma source(%arg7 : memref<128x128xf32, #tpu.memory_space<vmem>>) target(%dma_start3A_29 : memref<128x128xf32, #tpu.memory_space<vmem_shared>>) target_semaphore(%run_scoped3A : memref<!tpu.dma_semaphore, #tpu.memory_space<semaphore_mem>>)
        %dma_wait3A = arith.constant 0 : i32
        %dma_wait3A_30 = tpu.memref_slice %arg8[%add3A_26, %dma_wait3A] : memref<10240x128xf32, #tpu.memory_space<vmem_shared>> -> memref<128x128xf32, #tpu.memory_space<vmem_shared>>
        %dma_wait3A_31 = arith.constant 0 : i32
        %dma_wait3A_32 = tpu.memref_slice %arg8[%add3A_26, %dma_wait3A_31] : memref<10240x128xf32, #tpu.memory_space<vmem_shared>> -> memref<128x128xf32, #tpu.memory_space<vmem_shared>>
        tpu.wait_dma2 semaphore(%run_scoped3A : memref<!tpu.dma_semaphore, #tpu.memory_space<semaphore_mem>>) src(%arg7 : memref<128x128xf32, #tpu.memory_space<vmem>>) dst(%dma_wait3A_32 : memref<128x128xf32, #tpu.memory_space<vmem_shared>>)
        tpu.yield
      }) : () -> ()
    }
    %scan3A_11 = arith.constant 5 : i32
    "tpu.region"() ({
      %run_scoped3A = tpu.sem_alloc : memref<!tpu.dma_semaphore, #tpu.memory_space<semaphore_mem>>
      %dma_start3A = arith.constant 0 : i32
      %dma_start3A_21 = arith.constant 0 : i32
      %dma_start3A_22 = tpu.memref_slice %arg3[%add3A, %dma_start3A, %dma_start3A_21] : memref<32x40x128xi32, #tpu.memory_space<hbm>> -> memref<1x40x128xi32, #tpu.memory_space<hbm>>
      %dma_start3A_23 = tpu.memref_squeeze %dma_start3A_22 : memref<1x40x128xi32, #tpu.memory_space<hbm>> -> memref<40x128xi32, #tpu.memory_space<hbm>>
      %dma_start3A_24 = arith.constant 0 : i32
      %dma_start3A_25 = arith.constant 0 : i32
      %dma_start3A_26 = tpu.memref_slice %arg3[%add3A, %dma_start3A_24, %dma_start3A_25] : memref<32x40x128xi32, #tpu.memory_space<hbm>> -> memref<1x40x128xi32, #tpu.memory_space<hbm>>
      %dma_start3A_27 = tpu.memref_squeeze %dma_start3A_26 : memref<1x40x128xi32, #tpu.memory_space<hbm>> -> memref<40x128xi32, #tpu.memory_space<hbm>>
      tpu.enqueue_dma source(%dma_start3A_27 : memref<40x128xi32, #tpu.memory_space<hbm>>) target(%arg5 : memref<40x128xi32, #tpu.memory_space<vmem>>) target_semaphore(%run_scoped3A : memref<!tpu.dma_semaphore, #tpu.memory_space<semaphore_mem>>)
      %dma_wait3A = arith.constant 0 : i32
      %dma_wait3A_28 = arith.constant 0 : i32
      %dma_wait3A_29 = tpu.memref_slice %arg3[%add3A, %dma_wait3A, %dma_wait3A_28] : memref<32x40x128xi32, #tpu.memory_space<hbm>> -> memref<1x40x128xi32, #tpu.memory_space<hbm>>
      %dma_wait3A_30 = tpu.memref_squeeze %dma_wait3A_29 : memref<1x40x128xi32, #tpu.memory_space<hbm>> -> memref<40x128xi32, #tpu.memory_space<hbm>>
      %dma_wait3A_31 = arith.constant 0 : i32
      %dma_wait3A_32 = arith.constant 0 : i32
      %dma_wait3A_33 = tpu.memref_slice %arg3[%add3A, %dma_wait3A_31, %dma_wait3A_32] : memref<32x40x128xi32, #tpu.memory_space<hbm>> -> memref<1x40x128xi32, #tpu.memory_space<hbm>>
      %dma_wait3A_34 = tpu.memref_squeeze %dma_wait3A_33 : memref<1x40x128xi32, #tpu.memory_space<hbm>> -> memref<40x128xi32, #tpu.memory_space<hbm>>
      tpu.wait_dma2 semaphore(%run_scoped3A : memref<!tpu.dma_semaphore, #tpu.memory_space<semaphore_mem>>) src(%dma_wait3A_34 : memref<40x128xi32, #tpu.memory_space<hbm>>) dst(%arg5 : memref<40x128xi32, #tpu.memory_space<vmem>>)
      tpu.yield
    }) : () -> ()
    %barrier3A = arith.constant 0 : index
    tpu.barrier barrier_id(%barrier3A)
    %scan3A_12 = arith.constant 0 : i32
    %scan3A_13 = arith.constant 0 : i32
    %scan3A_14 = arith.constant 40 : i32
    %scan3A_15 = arith.addi %scan3A_13, %scan3A_14 : i32
    %scan3A_16 = arith.constant 1 : i32
    scf.for %scan3A_21 = %scan3A_13 to %scan3A_15 step %scan3A_16  : i32 {
      %mul3A_22 = arith.constant 40 : i32
      %mul3A_23 = arith.muli %add3A, %mul3A_22 : i32
      %add3A_24 = arith.addi %mul3A_23, %scan3A_21 : i32
      %mul3A_25 = arith.constant 128 : i32
      %mul3A_26 = arith.muli %add3A_24, %mul3A_25 : i32
      "tpu.region"() ({
        %run_scoped3A = tpu.sem_alloc : memref<!tpu.dma_semaphore, #tpu.memory_space<semaphore_mem>>
        %dma_start3A = arith.constant 0 : i32
        %dma_start3A_27 = tpu.memref_slice %arg2[%mul3A_26, %dma_start3A] : memref<163840x128xf32, #tpu.memory_space<hbm>> -> memref<128x128xf32, #tpu.memory_space<hbm>>
        %dma_start3A_28 = arith.constant 0 : i32
        %dma_start3A_29 = tpu.memref_slice %arg2[%mul3A_26, %dma_start3A_28] : memref<163840x128xf32, #tpu.memory_space<hbm>> -> memref<128x128xf32, #tpu.memory_space<hbm>>
        tpu.enqueue_dma source(%dma_start3A_29 : memref<128x128xf32, #tpu.memory_space<hbm>>) target(%arg6 : memref<128x128xf32, #tpu.memory_space<vmem>>) target_semaphore(%run_scoped3A : memref<!tpu.dma_semaphore, #tpu.memory_space<semaphore_mem>>)
        %dma_wait3A = arith.constant 0 : i32
        %dma_wait3A_30 = tpu.memref_slice %arg2[%mul3A_26, %dma_wait3A] : memref<163840x128xf32, #tpu.memory_space<hbm>> -> memref<128x128xf32, #tpu.memory_space<hbm>>
        %dma_wait3A_31 = arith.constant 0 : i32
        %dma_wait3A_32 = tpu.memref_slice %arg2[%mul3A_26, %dma_wait3A_31] : memref<163840x128xf32, #tpu.memory_space<hbm>> -> memref<128x128xf32, #tpu.memory_space<hbm>>
        tpu.wait_dma2 semaphore(%run_scoped3A : memref<!tpu.dma_semaphore, #tpu.memory_space<semaphore_mem>>) src(%dma_wait3A_32 : memref<128x128xf32, #tpu.memory_space<hbm>>) dst(%arg6 : memref<128x128xf32, #tpu.memory_space<vmem>>)
        tpu.yield
      }) : () -> ()
      "tpu.region"() ({
        %run_scoped3A = tpu.sem_alloc : memref<!tpu.dma_semaphore, #tpu.memory_space<semaphore_mem>>
        %dma_start3A = arith.constant 0 : i32
        %dma_start3A_27 = tpu.memref_slice %arg5[%scan3A_21, %dma_start3A] : memref<40x128xi32, #tpu.memory_space<vmem>> -> memref<1x128xi32, #tpu.memory_space<vmem>>
        %dma_start3A_28 = tpu.memref_squeeze %dma_start3A_27 : memref<1x128xi32, #tpu.memory_space<vmem>> -> memref<128xi32, #tpu.memory_space<vmem>>
        %dma_start3A_29 = arith.constant 0 : i32
        %dma_start3A_30 = arith.constant 0 : i32
        %dma_start3A_31 = tpu.memref_slice %arg8[%dma_start3A_29, %dma_start3A_30] : memref<10240x128xf32, #tpu.memory_space<vmem_shared>> -> memref<10240x128xf32, #tpu.memory_space<vmem_shared>>
        tpu.enqueue_indirect_dma source(%arg6 : memref<128x128xf32, #tpu.memory_space<vmem>>) target(%dma_start3A_31 : memref<10240x128xf32, #tpu.memory_space<vmem_shared>>) offsets(%dma_start3A_28 : memref<128xi32, #tpu.memory_space<vmem>>) semaphore(%run_scoped3A : memref<!tpu.dma_semaphore, #tpu.memory_space<semaphore_mem>>) {add = true}
        %dma_wait3A = arith.constant 0 : i32
        %dma_wait3A_32 = tpu.memref_slice %arg5[%scan3A_21, %dma_wait3A] : memref<40x128xi32, #tpu.memory_space<vmem>> -> memref<1x128xi32, #tpu.memory_space<vmem>>
        %dma_wait3A_33 = tpu.memref_squeeze %dma_wait3A_32 : memref<1x128xi32, #tpu.memory_space<vmem>> -> memref<128xi32, #tpu.memory_space<vmem>>
        %dma_wait3A_34 = arith.constant 0 : i32
        %dma_wait3A_35 = arith.constant 0 : i32
        %dma_wait3A_36 = tpu.memref_slice %arg8[%dma_wait3A_34, %dma_wait3A_35] : memref<10240x128xf32, #tpu.memory_space<vmem_shared>> -> memref<10240x128xf32, #tpu.memory_space<vmem_shared>>
        tpu.wait_indirect_dma semaphore(%run_scoped3A : memref<!tpu.dma_semaphore, #tpu.memory_space<semaphore_mem>>) src(%arg6 : memref<128x128xf32, #tpu.memory_space<vmem>>) dst(%dma_wait3A_36 : memref<10240x128xf32, #tpu.memory_space<vmem_shared>>)
        tpu.yield
      }) : () -> ()
    }
    %scan3A_17 = arith.constant 40 : i32
    %barrier3A_18 = arith.constant 0 : index
    tpu.barrier barrier_id(%barrier3A_18)
    %mul3A_19 = arith.constant 640 : i32
    %mul3A_20 = arith.muli %arg1, %mul3A_19 : i32
    "tpu.region"() ({
      %run_scoped3A = tpu.sem_alloc : memref<!tpu.dma_semaphore, #tpu.memory_space<semaphore_mem>>
      %dma_start3A = arith.constant 0 : i32
      %dma_start3A_21 = tpu.memref_slice %arg4[%arg0, %mul3A_20, %dma_start3A] : memref<2x10240x128xf32, #tpu.memory_space<hbm>> -> memref<1x640x128xf32, #tpu.memory_space<hbm>>
      %dma_start3A_22 = tpu.memref_squeeze %dma_start3A_21 : memref<1x640x128xf32, #tpu.memory_space<hbm>> -> memref<640x128xf32, #tpu.memory_space<hbm>>
      %dma_start3A_23 = arith.constant 0 : i32
      %dma_start3A_24 = tpu.memref_slice %arg8[%mul3A_20, %dma_start3A_23] : memref<10240x128xf32, #tpu.memory_space<vmem_shared>> -> memref<640x128xf32, #tpu.memory_space<vmem_shared>>
      tpu.enqueue_dma source(%dma_start3A_24 : memref<640x128xf32, #tpu.memory_space<vmem_shared>>) target(%dma_start3A_22 : memref<640x128xf32, #tpu.memory_space<hbm>>) target_semaphore(%run_scoped3A : memref<!tpu.dma_semaphore, #tpu.memory_space<semaphore_mem>>)
      %dma_wait3A = arith.constant 0 : i32
      %dma_wait3A_25 = tpu.memref_slice %arg4[%arg0, %mul3A_20, %dma_wait3A] : memref<2x10240x128xf32, #tpu.memory_space<hbm>> -> memref<1x640x128xf32, #tpu.memory_space<hbm>>
      %dma_wait3A_26 = tpu.memref_squeeze %dma_wait3A_25 : memref<1x640x128xf32, #tpu.memory_space<hbm>> -> memref<640x128xf32, #tpu.memory_space<hbm>>
      %dma_wait3A_27 = arith.constant 0 : i32
      %dma_wait3A_28 = tpu.memref_slice %arg8[%mul3A_20, %dma_wait3A_27] : memref<10240x128xf32, #tpu.memory_space<vmem_shared>> -> memref<640x128xf32, #tpu.memory_space<vmem_shared>>
      tpu.wait_dma2 semaphore(%run_scoped3A : memref<!tpu.dma_semaphore, #tpu.memory_space<semaphore_mem>>) src(%dma_wait3A_28 : memref<640x128xf32, #tpu.memory_space<vmem_shared>>) dst(%dma_wait3A_26 : memref<640x128xf32, #tpu.memory_space<hbm>>)
      tpu.yield
    }) : () -> ()
    return
  }
}

#map = affine_map<(d0, d1) -> (0, 0)>
#map1 = affine_map<(d0, d1) -> (0, 0, 0)>
module attributes {stable_mosaic.version = 14 : i64} {
  func.func @k(%arg0: i32, %arg1: i32, %arg2: memref<2560x128xf32, #tpu.memory_space<hbm>>, %arg3: memref<32x3x128xi32, #tpu.memory_space<hbm>>, %arg4: memref<12288x128xf32, #tpu.memory_space<hbm>>, %arg5: memref<3x128xi32, #tpu.memory_space<vmem>>, %arg6: memref<128x128xf32, #tpu.memory_space<vmem>>, %arg7: memref<!tpu.dma_semaphore, #tpu.memory_space<semaphore_mem>>) attributes {dimension_semantics = [#tpu.dimension_semantics<core_parallel>, #tpu.dimension_semantics<subcore_parallel>], iteration_bounds = array<i64: 2, 16>, scalar_prefetch = 0 : i64, scratch_operands = 3 : i64, tpu.core_type = #tpu.core_type<sc_vector_subcore>, window_params = [{transform_indices = #map}, {transform_indices = #map1}, {transform_indices = #map}]} {
    %mul3A = arith.constant 2 : i32
    %mul3A_0 = arith.muli %arg1, %mul3A : i32
    %add3A = arith.addi %mul3A_0, %arg0 : i32
    "tpu.region"() ({
      %run_scoped3A = tpu.sem_alloc : memref<!tpu.dma_semaphore, #tpu.memory_space<semaphore_mem>>
      %dma_start3A = arith.constant 0 : i32
      %dma_start3A_6 = arith.constant 0 : i32
      %dma_start3A_7 = tpu.memref_slice %arg3[%add3A, %dma_start3A, %dma_start3A_6] : memref<32x3x128xi32, #tpu.memory_space<hbm>> -> memref<1x3x128xi32, #tpu.memory_space<hbm>>
      %dma_start3A_8 = tpu.memref_squeeze %dma_start3A_7 : memref<1x3x128xi32, #tpu.memory_space<hbm>> -> memref<3x128xi32, #tpu.memory_space<hbm>>
      %dma_start3A_9 = arith.constant 0 : i32
      %dma_start3A_10 = arith.constant 0 : i32
      %dma_start3A_11 = tpu.memref_slice %arg3[%add3A, %dma_start3A_9, %dma_start3A_10] : memref<32x3x128xi32, #tpu.memory_space<hbm>> -> memref<1x3x128xi32, #tpu.memory_space<hbm>>
      %dma_start3A_12 = tpu.memref_squeeze %dma_start3A_11 : memref<1x3x128xi32, #tpu.memory_space<hbm>> -> memref<3x128xi32, #tpu.memory_space<hbm>>
      tpu.enqueue_dma source(%dma_start3A_12 : memref<3x128xi32, #tpu.memory_space<hbm>>) target(%arg5 : memref<3x128xi32, #tpu.memory_space<vmem>>) target_semaphore(%run_scoped3A : memref<!tpu.dma_semaphore, #tpu.memory_space<semaphore_mem>>)
      %dma_wait3A = arith.constant 0 : i32
      %dma_wait3A_13 = arith.constant 0 : i32
      %dma_wait3A_14 = tpu.memref_slice %arg3[%add3A, %dma_wait3A, %dma_wait3A_13] : memref<32x3x128xi32, #tpu.memory_space<hbm>> -> memref<1x3x128xi32, #tpu.memory_space<hbm>>
      %dma_wait3A_15 = tpu.memref_squeeze %dma_wait3A_14 : memref<1x3x128xi32, #tpu.memory_space<hbm>> -> memref<3x128xi32, #tpu.memory_space<hbm>>
      %dma_wait3A_16 = arith.constant 0 : i32
      %dma_wait3A_17 = arith.constant 0 : i32
      %dma_wait3A_18 = tpu.memref_slice %arg3[%add3A, %dma_wait3A_16, %dma_wait3A_17] : memref<32x3x128xi32, #tpu.memory_space<hbm>> -> memref<1x3x128xi32, #tpu.memory_space<hbm>>
      %dma_wait3A_19 = tpu.memref_squeeze %dma_wait3A_18 : memref<1x3x128xi32, #tpu.memory_space<hbm>> -> memref<3x128xi32, #tpu.memory_space<hbm>>
      tpu.wait_dma2 semaphore(%run_scoped3A : memref<!tpu.dma_semaphore, #tpu.memory_space<semaphore_mem>>) src(%dma_wait3A_19 : memref<3x128xi32, #tpu.memory_space<hbm>>) dst(%arg5 : memref<3x128xi32, #tpu.memory_space<vmem>>)
      tpu.yield
    }) : () -> ()
    %scan3A = arith.constant 0 : i32
    %scan3A_1 = arith.constant 0 : i32
    %scan3A_2 = arith.constant 3 : i32
    %scan3A_3 = arith.addi %scan3A_1, %scan3A_2 : i32
    %scan3A_4 = arith.constant 1 : i32
    scf.for %scan3A_6 = %scan3A_1 to %scan3A_3 step %scan3A_4  : i32 {
      %dma_start3A = arith.constant 0 : i32
      %dma_start3A_7 = tpu.memref_slice %arg5[%scan3A_6, %dma_start3A] : memref<3x128xi32, #tpu.memory_space<vmem>> -> memref<1x128xi32, #tpu.memory_space<vmem>>
      %dma_start3A_8 = tpu.memref_squeeze %dma_start3A_7 : memref<1x128xi32, #tpu.memory_space<vmem>> -> memref<128xi32, #tpu.memory_space<vmem>>
      %dma_start3A_9 = arith.constant 0 : i32
      %dma_start3A_10 = arith.constant 0 : i32
      %dma_start3A_11 = tpu.memref_slice %arg2[%dma_start3A_9, %dma_start3A_10] : memref<2560x128xf32, #tpu.memory_space<hbm>> -> memref<2560x128xf32, #tpu.memory_space<hbm>>
      tpu.enqueue_indirect_dma source(%dma_start3A_11 : memref<2560x128xf32, #tpu.memory_space<hbm>>) target(%arg6 : memref<128x128xf32, #tpu.memory_space<vmem>>) offsets(%dma_start3A_8 : memref<128xi32, #tpu.memory_space<vmem>>) semaphore(%arg7 : memref<!tpu.dma_semaphore, #tpu.memory_space<semaphore_mem>>)
      %dma_wait3A = arith.constant 0 : i32
      %dma_wait3A_12 = tpu.memref_slice %arg5[%scan3A_6, %dma_wait3A] : memref<3x128xi32, #tpu.memory_space<vmem>> -> memref<1x128xi32, #tpu.memory_space<vmem>>
      %dma_wait3A_13 = tpu.memref_squeeze %dma_wait3A_12 : memref<1x128xi32, #tpu.memory_space<vmem>> -> memref<128xi32, #tpu.memory_space<vmem>>
      %dma_wait3A_14 = arith.constant 0 : i32
      %dma_wait3A_15 = arith.constant 0 : i32
      %dma_wait3A_16 = tpu.memref_slice %arg2[%dma_wait3A_14, %dma_wait3A_15] : memref<2560x128xf32, #tpu.memory_space<hbm>> -> memref<2560x128xf32, #tpu.memory_space<hbm>>
      tpu.wait_indirect_dma semaphore(%arg7 : memref<!tpu.dma_semaphore, #tpu.memory_space<semaphore_mem>>) src(%dma_wait3A_16 : memref<2560x128xf32, #tpu.memory_space<hbm>>) dst(%arg6 : memref<128x128xf32, #tpu.memory_space<vmem>>)
      %mul3A_17 = arith.constant 3 : i32
      %mul3A_18 = arith.muli %add3A, %mul3A_17 : i32
      %add3A_19 = arith.addi %mul3A_18, %scan3A_6 : i32
      %mul3A_20 = arith.constant 128 : i32
      %mul3A_21 = arith.muli %add3A_19, %mul3A_20 : i32
      "tpu.region"() ({
        %run_scoped3A = tpu.sem_alloc : memref<!tpu.dma_semaphore, #tpu.memory_space<semaphore_mem>>
        %dma_start3A_22 = arith.constant 0 : i32
        %dma_start3A_23 = tpu.memref_slice %arg4[%mul3A_21, %dma_start3A_22] : memref<12288x128xf32, #tpu.memory_space<hbm>> -> memref<128x128xf32, #tpu.memory_space<hbm>>
        %dma_start3A_24 = arith.constant 0 : i32
        %dma_start3A_25 = tpu.memref_slice %arg4[%mul3A_21, %dma_start3A_24] : memref<12288x128xf32, #tpu.memory_space<hbm>> -> memref<128x128xf32, #tpu.memory_space<hbm>>
        tpu.enqueue_dma source(%arg6 : memref<128x128xf32, #tpu.memory_space<vmem>>) target(%dma_start3A_25 : memref<128x128xf32, #tpu.memory_space<hbm>>) target_semaphore(%run_scoped3A : memref<!tpu.dma_semaphore, #tpu.memory_space<semaphore_mem>>)
        %dma_wait3A_26 = arith.constant 0 : i32
        %dma_wait3A_27 = tpu.memref_slice %arg4[%mul3A_21, %dma_wait3A_26] : memref<12288x128xf32, #tpu.memory_space<hbm>> -> memref<128x128xf32, #tpu.memory_space<hbm>>
        %dma_wait3A_28 = arith.constant 0 : i32
        %dma_wait3A_29 = tpu.memref_slice %arg4[%mul3A_21, %dma_wait3A_28] : memref<12288x128xf32, #tpu.memory_space<hbm>> -> memref<128x128xf32, #tpu.memory_space<hbm>>
        tpu.wait_dma2 semaphore(%run_scoped3A : memref<!tpu.dma_semaphore, #tpu.memory_space<semaphore_mem>>) src(%arg6 : memref<128x128xf32, #tpu.memory_space<vmem>>) dst(%dma_wait3A_29 : memref<128x128xf32, #tpu.memory_space<hbm>>)
        tpu.yield
      }) : () -> ()
    }
    %scan3A_5 = arith.constant 3 : i32
    return
  }
}

#map = affine_map<(d0, d1) -> (0, 0)>
#map1 = affine_map<(d0, d1) -> (0, 0, 0)>
module attributes {stable_mosaic.version = 14 : i64} {
  func.func @k(%arg0: i32, %arg1: i32, %arg2: memref<10240x128xf32, #tpu.memory_space<hbm>>, %arg3: memref<32x3x128xi32, #tpu.memory_space<hbm>>, %arg4: memref<12288x128xf32, #tpu.memory_space<hbm>>, %arg5: memref<3x128xi32, #tpu.memory_space<vmem>>, %arg6: memref<128x128xf32, #tpu.memory_space<vmem>>, %arg7: memref<!tpu.dma_semaphore, #tpu.memory_space<semaphore_mem>>) attributes {dimension_semantics = [#tpu.dimension_semantics<core_parallel>, #tpu.dimension_semantics<subcore_parallel>], iteration_bounds = array<i64: 2, 16>, scalar_prefetch = 0 : i64, scratch_operands = 3 : i64, tpu.core_type = #tpu.core_type<sc_vector_subcore>, window_params = [{transform_indices = #map}, {transform_indices = #map1}, {transform_indices = #map}]} {
    %mul3A = arith.constant 2 : i32
    %mul3A_0 = arith.muli %arg1, %mul3A : i32
    %add3A = arith.addi %mul3A_0, %arg0 : i32
    "tpu.region"() ({
      %run_scoped3A = tpu.sem_alloc : memref<!tpu.dma_semaphore, #tpu.memory_space<semaphore_mem>>
      %dma_start3A = arith.constant 0 : i32
      %dma_start3A_6 = arith.constant 0 : i32
      %dma_start3A_7 = tpu.memref_slice %arg3[%add3A, %dma_start3A, %dma_start3A_6] : memref<32x3x128xi32, #tpu.memory_space<hbm>> -> memref<1x3x128xi32, #tpu.memory_space<hbm>>
      %dma_start3A_8 = tpu.memref_squeeze %dma_start3A_7 : memref<1x3x128xi32, #tpu.memory_space<hbm>> -> memref<3x128xi32, #tpu.memory_space<hbm>>
      %dma_start3A_9 = arith.constant 0 : i32
      %dma_start3A_10 = arith.constant 0 : i32
      %dma_start3A_11 = tpu.memref_slice %arg3[%add3A, %dma_start3A_9, %dma_start3A_10] : memref<32x3x128xi32, #tpu.memory_space<hbm>> -> memref<1x3x128xi32, #tpu.memory_space<hbm>>
      %dma_start3A_12 = tpu.memref_squeeze %dma_start3A_11 : memref<1x3x128xi32, #tpu.memory_space<hbm>> -> memref<3x128xi32, #tpu.memory_space<hbm>>
      tpu.enqueue_dma source(%dma_start3A_12 : memref<3x128xi32, #tpu.memory_space<hbm>>) target(%arg5 : memref<3x128xi32, #tpu.memory_space<vmem>>) target_semaphore(%run_scoped3A : memref<!tpu.dma_semaphore, #tpu.memory_space<semaphore_mem>>)
      %dma_wait3A = arith.constant 0 : i32
      %dma_wait3A_13 = arith.constant 0 : i32
      %dma_wait3A_14 = tpu.memref_slice %arg3[%add3A, %dma_wait3A, %dma_wait3A_13] : memref<32x3x128xi32, #tpu.memory_space<hbm>> -> memref<1x3x128xi32, #tpu.memory_space<hbm>>
      %dma_wait3A_15 = tpu.memref_squeeze %dma_wait3A_14 : memref<1x3x128xi32, #tpu.memory_space<hbm>> -> memref<3x128xi32, #tpu.memory_space<hbm>>
      %dma_wait3A_16 = arith.constant 0 : i32
      %dma_wait3A_17 = arith.constant 0 : i32
      %dma_wait3A_18 = tpu.memref_slice %arg3[%add3A, %dma_wait3A_16, %dma_wait3A_17] : memref<32x3x128xi32, #tpu.memory_space<hbm>> -> memref<1x3x128xi32, #tpu.memory_space<hbm>>
      %dma_wait3A_19 = tpu.memref_squeeze %dma_wait3A_18 : memref<1x3x128xi32, #tpu.memory_space<hbm>> -> memref<3x128xi32, #tpu.memory_space<hbm>>
      tpu.wait_dma2 semaphore(%run_scoped3A : memref<!tpu.dma_semaphore, #tpu.memory_space<semaphore_mem>>) src(%dma_wait3A_19 : memref<3x128xi32, #tpu.memory_space<hbm>>) dst(%arg5 : memref<3x128xi32, #tpu.memory_space<vmem>>)
      tpu.yield
    }) : () -> ()
    %scan3A = arith.constant 0 : i32
    %scan3A_1 = arith.constant 0 : i32
    %scan3A_2 = arith.constant 3 : i32
    %scan3A_3 = arith.addi %scan3A_1, %scan3A_2 : i32
    %scan3A_4 = arith.constant 1 : i32
    scf.for %scan3A_6 = %scan3A_1 to %scan3A_3 step %scan3A_4  : i32 {
      %dma_start3A = arith.constant 0 : i32
      %dma_start3A_7 = tpu.memref_slice %arg5[%scan3A_6, %dma_start3A] : memref<3x128xi32, #tpu.memory_space<vmem>> -> memref<1x128xi32, #tpu.memory_space<vmem>>
      %dma_start3A_8 = tpu.memref_squeeze %dma_start3A_7 : memref<1x128xi32, #tpu.memory_space<vmem>> -> memref<128xi32, #tpu.memory_space<vmem>>
      %dma_start3A_9 = arith.constant 0 : i32
      %dma_start3A_10 = arith.constant 0 : i32
      %dma_start3A_11 = tpu.memref_slice %arg2[%dma_start3A_9, %dma_start3A_10] : memref<10240x128xf32, #tpu.memory_space<hbm>> -> memref<10240x128xf32, #tpu.memory_space<hbm>>
      tpu.enqueue_indirect_dma source(%dma_start3A_11 : memref<10240x128xf32, #tpu.memory_space<hbm>>) target(%arg6 : memref<128x128xf32, #tpu.memory_space<vmem>>) offsets(%dma_start3A_8 : memref<128xi32, #tpu.memory_space<vmem>>) semaphore(%arg7 : memref<!tpu.dma_semaphore, #tpu.memory_space<semaphore_mem>>)
      %dma_wait3A = arith.constant 0 : i32
      %dma_wait3A_12 = tpu.memref_slice %arg5[%scan3A_6, %dma_wait3A] : memref<3x128xi32, #tpu.memory_space<vmem>> -> memref<1x128xi32, #tpu.memory_space<vmem>>
      %dma_wait3A_13 = tpu.memref_squeeze %dma_wait3A_12 : memref<1x128xi32, #tpu.memory_space<vmem>> -> memref<128xi32, #tpu.memory_space<vmem>>
      %dma_wait3A_14 = arith.constant 0 : i32
      %dma_wait3A_15 = arith.constant 0 : i32
      %dma_wait3A_16 = tpu.memref_slice %arg2[%dma_wait3A_14, %dma_wait3A_15] : memref<10240x128xf32, #tpu.memory_space<hbm>> -> memref<10240x128xf32, #tpu.memory_space<hbm>>
      tpu.wait_indirect_dma semaphore(%arg7 : memref<!tpu.dma_semaphore, #tpu.memory_space<semaphore_mem>>) src(%dma_wait3A_16 : memref<10240x128xf32, #tpu.memory_space<hbm>>) dst(%arg6 : memref<128x128xf32, #tpu.memory_space<vmem>>)
      %mul3A_17 = arith.constant 3 : i32
      %mul3A_18 = arith.muli %add3A, %mul3A_17 : i32
      %add3A_19 = arith.addi %mul3A_18, %scan3A_6 : i32
      %mul3A_20 = arith.constant 128 : i32
      %mul3A_21 = arith.muli %add3A_19, %mul3A_20 : i32
      "tpu.region"() ({
        %run_scoped3A = tpu.sem_alloc : memref<!tpu.dma_semaphore, #tpu.memory_space<semaphore_mem>>
        %dma_start3A_22 = arith.constant 0 : i32
        %dma_start3A_23 = tpu.memref_slice %arg4[%mul3A_21, %dma_start3A_22] : memref<12288x128xf32, #tpu.memory_space<hbm>> -> memref<128x128xf32, #tpu.memory_space<hbm>>
        %dma_start3A_24 = arith.constant 0 : i32
        %dma_start3A_25 = tpu.memref_slice %arg4[%mul3A_21, %dma_start3A_24] : memref<12288x128xf32, #tpu.memory_space<hbm>> -> memref<128x128xf32, #tpu.memory_space<hbm>>
        tpu.enqueue_dma source(%arg6 : memref<128x128xf32, #tpu.memory_space<vmem>>) target(%dma_start3A_25 : memref<128x128xf32, #tpu.memory_space<hbm>>) target_semaphore(%run_scoped3A : memref<!tpu.dma_semaphore, #tpu.memory_space<semaphore_mem>>)
        %dma_wait3A_26 = arith.constant 0 : i32
        %dma_wait3A_27 = tpu.memref_slice %arg4[%mul3A_21, %dma_wait3A_26] : memref<12288x128xf32, #tpu.memory_space<hbm>> -> memref<128x128xf32, #tpu.memory_space<hbm>>
        %dma_wait3A_28 = arith.constant 0 : i32
        %dma_wait3A_29 = tpu.memref_slice %arg4[%mul3A_21, %dma_wait3A_28] : memref<12288x128xf32, #tpu.memory_space<hbm>> -> memref<128x128xf32, #tpu.memory_space<hbm>>
        tpu.wait_dma2 semaphore(%run_scoped3A : memref<!tpu.dma_semaphore, #tpu.memory_space<semaphore_mem>>) src(%arg6 : memref<128x128xf32, #tpu.memory_space<vmem>>) dst(%dma_wait3A_29 : memref<128x128xf32, #tpu.memory_space<hbm>>)
        tpu.yield
      }) : () -> ()
    }
    %scan3A_5 = arith.constant 3 : i32
    return
  }
}

#map = affine_map<(d0, d1) -> (0, 0)>
#map1 = affine_map<(d0, d1) -> (0, 0, 0)>
module attributes {stable_mosaic.version = 14 : i64} {
  func.func @k(%arg0: i32, %arg1: i32, %arg2: memref<10240x128xf32, #tpu.memory_space<hbm>>, %arg3: memref<32x40x128xi32, #tpu.memory_space<hbm>>, %arg4: memref<32x40x128xi32, #tpu.memory_space<hbm>>, %arg5: memref<2x10240x128xf32, #tpu.memory_space<hbm>>, %arg6: memref<40x128xi32, #tpu.memory_space<vmem>>, %arg7: memref<40x128xi32, #tpu.memory_space<vmem>>, %arg8: memref<2x128x128xf32, #tpu.memory_space<vmem>>, %arg9: memref<10240x128xf32, #tpu.memory_space<vmem_shared>>, %arg10: memref<!tpu.dma_semaphore, #tpu.memory_space<semaphore_mem>>, %arg11: memref<!tpu.dma_semaphore, #tpu.memory_space<semaphore_mem>>) attributes {dimension_semantics = [#tpu.dimension_semantics<core_parallel>, #tpu.dimension_semantics<subcore_parallel>], iteration_bounds = array<i64: 2, 16>, scalar_prefetch = 0 : i64, scratch_operands = 6 : i64, tpu.core_type = #tpu.core_type<sc_vector_subcore>, window_params = [{transform_indices = #map}, {transform_indices = #map1}, {transform_indices = #map1}, {transform_indices = #map1}]} {
    %mul3A = arith.constant 2 : i32
    %mul3A_0 = arith.muli %arg1, %mul3A : i32
    %add3A = arith.addi %mul3A_0, %arg0 : i32
    %scan3A = arith.constant 0 : i32
    %scan3A_1 = arith.constant 0 : i32
    %scan3A_2 = arith.constant 0 : i32
    %scan3A_3 = arith.constant 128 : i32
    %scan3A_4 = arith.addi %scan3A_2, %scan3A_3 : i32
    %scan3A_5 = arith.constant 1 : i32
    scf.for %scan3A_24 = %scan3A_2 to %scan3A_4 step %scan3A_5  : i32 {
      %broadcast_in_dim3A = arith.constant 0.000000e+00 : f32
      %broadcast_in_dim3A_25 = vector.broadcast %broadcast_in_dim3A : f32 to vector<16xf32>
      %swap3A = arith.constant 0 : i32
      %swap3A_26 = arith.constant 0 : i32
      %swap3A_27 = tpu.memref_slice %arg8[%scan3A_1, %swap3A, %swap3A_26] : memref<2x128x128xf32, #tpu.memory_space<vmem>> -> memref<1x128x128xf32, #tpu.memory_space<vmem>>
      %swap3A_28 = tpu.memref_squeeze %swap3A_27 : memref<1x128x128xf32, #tpu.memory_space<vmem>> -> memref<128x128xf32, #tpu.memory_space<vmem>>
      %swap3A_29 = arith.index_cast %scan3A_24 : i32 to index
      %swap3A_30 = arith.constant 0 : index
      %swap3A_31 = tpu.vector_load %swap3A_28[%swap3A_29, %swap3A_30] {strides = array<i32>} : memref<128x128xf32, #tpu.memory_space<vmem>>, vector<1x16xf32>,
      %swap3A_32 = vector.shape_cast %swap3A_31 : vector<1x16xf32> to vector<16xf32>
      %swap3A_33 = vector.shape_cast %broadcast_in_dim3A_25 : vector<16xf32> to vector<1x16xf32>
      tpu.vector_store %swap3A_28[%swap3A_29, %swap3A_30], %swap3A_33 {strides = array<i32>} : memref<128x128xf32, #tpu.memory_space<vmem>>, vector<1x16xf32>,
      %broadcast_in_dim3A_34 = arith.constant 0.000000e+00 : f32
      %broadcast_in_dim3A_35 = vector.broadcast %broadcast_in_dim3A_34 : f32 to vector<16xf32>
      %swap3A_36 = arith.constant 0 : i32
      %swap3A_37 = arith.constant 0 : i32
      %swap3A_38 = tpu.memref_slice %arg8[%scan3A_1, %swap3A_36, %swap3A_37] : memref<2x128x128xf32, #tpu.memory_space<vmem>> -> memref<1x128x128xf32, #tpu.memory_space<vmem>>
      %swap3A_39 = tpu.memref_squeeze %swap3A_38 : memref<1x128x128xf32, #tpu.memory_space<vmem>> -> memref<128x128xf32, #tpu.memory_space<vmem>>
      %swap3A_40 = arith.index_cast %scan3A_24 : i32 to index
      %swap3A_41 = arith.constant 16 : index
      %swap3A_42 = tpu.vector_load %swap3A_39[%swap3A_40, %swap3A_41] {strides = array<i32>} : memref<128x128xf32, #tpu.memory_space<vmem>>, vector<1x16xf32>,
      %swap3A_43 = vector.shape_cast %swap3A_42 : vector<1x16xf32> to vector<16xf32>
      %swap3A_44 = vector.shape_cast %broadcast_in_dim3A_35 : vector<16xf32> to vector<1x16xf32>
      tpu.vector_store %swap3A_39[%swap3A_40, %swap3A_41], %swap3A_44 {strides = array<i32>} : memref<128x128xf32, #tpu.memory_space<vmem>>, vector<1x16xf32>,
      %broadcast_in_dim3A_45 = arith.constant 0.000000e+00 : f32
      %broadcast_in_dim3A_46 = vector.broadcast %broadcast_in_dim3A_45 : f32 to vector<16xf32>
      %swap3A_47 = arith.constant 0 : i32
      %swap3A_48 = arith.constant 0 : i32
      %swap3A_49 = tpu.memref_slice %arg8[%scan3A_1, %swap3A_47, %swap3A_48] : memref<2x128x128xf32, #tpu.memory_space<vmem>> -> memref<1x128x128xf32, #tpu.memory_space<vmem>>
      %swap3A_50 = tpu.memref_squeeze %swap3A_49 : memref<1x128x128xf32, #tpu.memory_space<vmem>> -> memref<128x128xf32, #tpu.memory_space<vmem>>
      %swap3A_51 = arith.index_cast %scan3A_24 : i32 to index
      %swap3A_52 = arith.constant 32 : index
      %swap3A_53 = tpu.vector_load %swap3A_50[%swap3A_51, %swap3A_52] {strides = array<i32>} : memref<128x128xf32, #tpu.memory_space<vmem>>, vector<1x16xf32>,
      %swap3A_54 = vector.shape_cast %swap3A_53 : vector<1x16xf32> to vector<16xf32>
      %swap3A_55 = vector.shape_cast %broadcast_in_dim3A_46 : vector<16xf32> to vector<1x16xf32>
      tpu.vector_store %swap3A_50[%swap3A_51, %swap3A_52], %swap3A_55 {strides = array<i32>} : memref<128x128xf32, #tpu.memory_space<vmem>>, vector<1x16xf32>,
      %broadcast_in_dim3A_56 = arith.constant 0.000000e+00 : f32
      %broadcast_in_dim3A_57 = vector.broadcast %broadcast_in_dim3A_56 : f32 to vector<16xf32>
      %swap3A_58 = arith.constant 0 : i32
      %swap3A_59 = arith.constant 0 : i32
      %swap3A_60 = tpu.memref_slice %arg8[%scan3A_1, %swap3A_58, %swap3A_59] : memref<2x128x128xf32, #tpu.memory_space<vmem>> -> memref<1x128x128xf32, #tpu.memory_space<vmem>>
      %swap3A_61 = tpu.memref_squeeze %swap3A_60 : memref<1x128x128xf32, #tpu.memory_space<vmem>> -> memref<128x128xf32, #tpu.memory_space<vmem>>
      %swap3A_62 = arith.index_cast %scan3A_24 : i32 to index
      %swap3A_63 = arith.constant 48 : index
      %swap3A_64 = tpu.vector_load %swap3A_61[%swap3A_62, %swap3A_63] {strides = array<i32>} : memref<128x128xf32, #tpu.memory_space<vmem>>, vector<1x16xf32>,
      %swap3A_65 = vector.shape_cast %swap3A_64 : vector<1x16xf32> to vector<16xf32>
      %swap3A_66 = vector.shape_cast %broadcast_in_dim3A_57 : vector<16xf32> to vector<1x16xf32>
      tpu.vector_store %swap3A_61[%swap3A_62, %swap3A_63], %swap3A_66 {strides = array<i32>} : memref<128x128xf32, #tpu.memory_space<vmem>>, vector<1x16xf32>,
      %broadcast_in_dim3A_67 = arith.constant 0.000000e+00 : f32
      %broadcast_in_dim3A_68 = vector.broadcast %broadcast_in_dim3A_67 : f32 to vector<16xf32>
      %swap3A_69 = arith.constant 0 : i32
      %swap3A_70 = arith.constant 0 : i32
      %swap3A_71 = tpu.memref_slice %arg8[%scan3A_1, %swap3A_69, %swap3A_70] : memref<2x128x128xf32, #tpu.memory_space<vmem>> -> memref<1x128x128xf32, #tpu.memory_space<vmem>>
      %swap3A_72 = tpu.memref_squeeze %swap3A_71 : memref<1x128x128xf32, #tpu.memory_space<vmem>> -> memref<128x128xf32, #tpu.memory_space<vmem>>
      %swap3A_73 = arith.index_cast %scan3A_24 : i32 to index
      %swap3A_74 = arith.constant 64 : index
      %swap3A_75 = tpu.vector_load %swap3A_72[%swap3A_73, %swap3A_74] {strides = array<i32>} : memref<128x128xf32, #tpu.memory_space<vmem>>, vector<1x16xf32>,
      %swap3A_76 = vector.shape_cast %swap3A_75 : vector<1x16xf32> to vector<16xf32>
      %swap3A_77 = vector.shape_cast %broadcast_in_dim3A_68 : vector<16xf32> to vector<1x16xf32>
      tpu.vector_store %swap3A_72[%swap3A_73, %swap3A_74], %swap3A_77 {strides = array<i32>} : memref<128x128xf32, #tpu.memory_space<vmem>>, vector<1x16xf32>,
      %broadcast_in_dim3A_78 = arith.constant 0.000000e+00 : f32
      %broadcast_in_dim3A_79 = vector.broadcast %broadcast_in_dim3A_78 : f32 to vector<16xf32>
      %swap3A_80 = arith.constant 0 : i32
      %swap3A_81 = arith.constant 0 : i32
      %swap3A_82 = tpu.memref_slice %arg8[%scan3A_1, %swap3A_80, %swap3A_81] : memref<2x128x128xf32, #tpu.memory_space<vmem>> -> memref<1x128x128xf32, #tpu.memory_space<vmem>>
      %swap3A_83 = tpu.memref_squeeze %swap3A_82 : memref<1x128x128xf32, #tpu.memory_space<vmem>> -> memref<128x128xf32, #tpu.memory_space<vmem>>
      %swap3A_84 = arith.index_cast %scan3A_24 : i32 to index
      %swap3A_85 = arith.constant 80 : index
      %swap3A_86 = tpu.vector_load %swap3A_83[%swap3A_84, %swap3A_85] {strides = array<i32>} : memref<128x128xf32, #tpu.memory_space<vmem>>, vector<1x16xf32>,
      %swap3A_87 = vector.shape_cast %swap3A_86 : vector<1x16xf32> to vector<16xf32>
      %swap3A_88 = vector.shape_cast %broadcast_in_dim3A_79 : vector<16xf32> to vector<1x16xf32>
      tpu.vector_store %swap3A_83[%swap3A_84, %swap3A_85], %swap3A_88 {strides = array<i32>} : memref<128x128xf32, #tpu.memory_space<vmem>>, vector<1x16xf32>,
      %broadcast_in_dim3A_89 = arith.constant 0.000000e+00 : f32
      %broadcast_in_dim3A_90 = vector.broadcast %broadcast_in_dim3A_89 : f32 to vector<16xf32>
      %swap3A_91 = arith.constant 0 : i32
      %swap3A_92 = arith.constant 0 : i32
      %swap3A_93 = tpu.memref_slice %arg8[%scan3A_1, %swap3A_91, %swap3A_92] : memref<2x128x128xf32, #tpu.memory_space<vmem>> -> memref<1x128x128xf32, #tpu.memory_space<vmem>>
      %swap3A_94 = tpu.memref_squeeze %swap3A_93 : memref<1x128x128xf32, #tpu.memory_space<vmem>> -> memref<128x128xf32, #tpu.memory_space<vmem>>
      %swap3A_95 = arith.index_cast %scan3A_24 : i32 to index
      %swap3A_96 = arith.constant 96 : index
      %swap3A_97 = tpu.vector_load %swap3A_94[%swap3A_95, %swap3A_96] {strides = array<i32>} : memref<128x128xf32, #tpu.memory_space<vmem>>, vector<1x16xf32>,
      %swap3A_98 = vector.shape_cast %swap3A_97 : vector<1x16xf32> to vector<16xf32>
      %swap3A_99 = vector.shape_cast %broadcast_in_dim3A_90 : vector<16xf32> to vector<1x16xf32>
      tpu.vector_store %swap3A_94[%swap3A_95, %swap3A_96], %swap3A_99 {strides = array<i32>} : memref<128x128xf32, #tpu.memory_space<vmem>>, vector<1x16xf32>,
      %broadcast_in_dim3A_100 = arith.constant 0.000000e+00 : f32
      %broadcast_in_dim3A_101 = vector.broadcast %broadcast_in_dim3A_100 : f32 to vector<16xf32>
      %swap3A_102 = arith.constant 0 : i32
      %swap3A_103 = arith.constant 0 : i32
      %swap3A_104 = tpu.memref_slice %arg8[%scan3A_1, %swap3A_102, %swap3A_103] : memref<2x128x128xf32, #tpu.memory_space<vmem>> -> memref<1x128x128xf32, #tpu.memory_space<vmem>>
      %swap3A_105 = tpu.memref_squeeze %swap3A_104 : memref<1x128x128xf32, #tpu.memory_space<vmem>> -> memref<128x128xf32, #tpu.memory_space<vmem>>
      %swap3A_106 = arith.index_cast %scan3A_24 : i32 to index
      %swap3A_107 = arith.constant 112 : index
      %swap3A_108 = tpu.vector_load %swap3A_105[%swap3A_106, %swap3A_107] {strides = array<i32>} : memref<128x128xf32, #tpu.memory_space<vmem>>, vector<1x16xf32>,
      %swap3A_109 = vector.shape_cast %swap3A_108 : vector<1x16xf32> to vector<16xf32>
      %swap3A_110 = vector.shape_cast %broadcast_in_dim3A_101 : vector<16xf32> to vector<1x16xf32>
      tpu.vector_store %swap3A_105[%swap3A_106, %swap3A_107], %swap3A_110 {strides = array<i32>} : memref<128x128xf32, #tpu.memory_space<vmem>>, vector<1x16xf32>,
    }
    %scan3A_6 = arith.constant 128 : i32
    %scan3A_7 = arith.constant 0 : i32
    %scan3A_8 = arith.constant 0 : i32
    %scan3A_9 = arith.constant 5 : i32
    %scan3A_10 = arith.addi %scan3A_8, %scan3A_9 : i32
    %scan3A_11 = arith.constant 1 : i32
    scf.for %scan3A_24 = %scan3A_8 to %scan3A_10 step %scan3A_11  : i32 {
      %mul3A_25 = arith.constant 640 : i32
      %mul3A_26 = arith.muli %arg1, %mul3A_25 : i32
      %mul3A_27 = arith.constant 128 : i32
      %mul3A_28 = arith.muli %scan3A_24, %mul3A_27 : i32
      %add3A_29 = arith.addi %mul3A_26, %mul3A_28 : i32
      %run_scoped3A = arith.constant 0 : i32
      "tpu.region"() ({
        %run_scoped3A_30 = tpu.sem_alloc : memref<!tpu.dma_semaphore, #tpu.memory_space<semaphore_mem>>
        %dma_start3A = arith.constant 0 : i32
        %dma_start3A_31 = arith.constant 0 : i32
        %dma_start3A_32 = tpu.memref_slice %arg8[%run_scoped3A, %dma_start3A, %dma_start3A_31] : memref<2x128x128xf32, #tpu.memory_space<vmem>> -> memref<1x128x128xf32, #tpu.memory_space<vmem>>
        %dma_start3A_33 = tpu.memref_squeeze %dma_start3A_32 : memref<1x128x128xf32, #tpu.memory_space<vmem>> -> memref<128x128xf32, #tpu.memory_space<vmem>>
        %dma_start3A_34 = arith.constant 0 : i32
        %dma_start3A_35 = tpu.memref_slice %arg9[%add3A_29, %dma_start3A_34] : memref<10240x128xf32, #tpu.memory_space<vmem_shared>> -> memref<128x128xf32, #tpu.memory_space<vmem_shared>>
        %dma_start3A_36 = arith.constant 0 : i32
        %dma_start3A_37 = tpu.memref_slice %arg9[%add3A_29, %dma_start3A_36] : memref<10240x128xf32, #tpu.memory_space<vmem_shared>> -> memref<128x128xf32, #tpu.memory_space<vmem_shared>>
        %dma_start3A_38 = arith.constant 0 : i32
        %dma_start3A_39 = arith.constant 0 : i32
        %dma_start3A_40 = tpu.memref_slice %arg8[%run_scoped3A, %dma_start3A_38, %dma_start3A_39] : memref<2x128x128xf32, #tpu.memory_space<vmem>> -> memref<1x128x128xf32, #tpu.memory_space<vmem>>
        %dma_start3A_41 = tpu.memref_squeeze %dma_start3A_40 : memref<1x128x128xf32, #tpu.memory_space<vmem>> -> memref<128x128xf32, #tpu.memory_space<vmem>>
        tpu.enqueue_dma source(%dma_start3A_41 : memref<128x128xf32, #tpu.memory_space<vmem>>) target(%dma_start3A_37 : memref<128x128xf32, #tpu.memory_space<vmem_shared>>) target_semaphore(%run_scoped3A_30 : memref<!tpu.dma_semaphore, #tpu.memory_space<semaphore_mem>>)
        %dma_wait3A = arith.constant 0 : i32
        %dma_wait3A_42 = arith.constant 0 : i32
        %dma_wait3A_43 = tpu.memref_slice %arg8[%run_scoped3A, %dma_wait3A, %dma_wait3A_42] : memref<2x128x128xf32, #tpu.memory_space<vmem>> -> memref<1x128x128xf32, #tpu.memory_space<vmem>>
        %dma_wait3A_44 = tpu.memref_squeeze %dma_wait3A_43 : memref<1x128x128xf32, #tpu.memory_space<vmem>> -> memref<128x128xf32, #tpu.memory_space<vmem>>
        %dma_wait3A_45 = arith.constant 0 : i32
        %dma_wait3A_46 = tpu.memref_slice %arg9[%add3A_29, %dma_wait3A_45] : memref<10240x128xf32, #tpu.memory_space<vmem_shared>> -> memref<128x128xf32, #tpu.memory_space<vmem_shared>>
        %dma_wait3A_47 = arith.constant 0 : i32
        %dma_wait3A_48 = tpu.memref_slice %arg9[%add3A_29, %dma_wait3A_47] : memref<10240x128xf32, #tpu.memory_space<vmem_shared>> -> memref<128x128xf32, #tpu.memory_space<vmem_shared>>
        %dma_wait3A_49 = arith.constant 0 : i32
        %dma_wait3A_50 = arith.constant 0 : i32
        %dma_wait3A_51 = tpu.memref_slice %arg8[%run_scoped3A, %dma_wait3A_49, %dma_wait3A_50] : memref<2x128x128xf32, #tpu.memory_space<vmem>> -> memref<1x128x128xf32, #tpu.memory_space<vmem>>
        %dma_wait3A_52 = tpu.memref_squeeze %dma_wait3A_51 : memref<1x128x128xf32, #tpu.memory_space<vmem>> -> memref<128x128xf32, #tpu.memory_space<vmem>>
        tpu.wait_dma2 semaphore(%run_scoped3A_30 : memref<!tpu.dma_semaphore, #tpu.memory_space<semaphore_mem>>) src(%dma_wait3A_52 : memref<128x128xf32, #tpu.memory_space<vmem>>) dst(%dma_wait3A_48 : memref<128x128xf32, #tpu.memory_space<vmem_shared>>)
        tpu.yield
      }) : () -> ()
    }
    %scan3A_12 = arith.constant 5 : i32
    "tpu.region"() ({
      %run_scoped3A = tpu.sem_alloc : memref<!tpu.dma_semaphore, #tpu.memory_space<semaphore_mem>>
      %dma_start3A = arith.constant 0 : i32
      %dma_start3A_24 = arith.constant 0 : i32
      %dma_start3A_25 = tpu.memref_slice %arg3[%add3A, %dma_start3A, %dma_start3A_24] : memref<32x40x128xi32, #tpu.memory_space<hbm>> -> memref<1x40x128xi32, #tpu.memory_space<hbm>>
      %dma_start3A_26 = tpu.memref_squeeze %dma_start3A_25 : memref<1x40x128xi32, #tpu.memory_space<hbm>> -> memref<40x128xi32, #tpu.memory_space<hbm>>
      %dma_start3A_27 = arith.constant 0 : i32
      %dma_start3A_28 = arith.constant 0 : i32
      %dma_start3A_29 = tpu.memref_slice %arg3[%add3A, %dma_start3A_27, %dma_start3A_28] : memref<32x40x128xi32, #tpu.memory_space<hbm>> -> memref<1x40x128xi32, #tpu.memory_space<hbm>>
      %dma_start3A_30 = tpu.memref_squeeze %dma_start3A_29 : memref<1x40x128xi32, #tpu.memory_space<hbm>> -> memref<40x128xi32, #tpu.memory_space<hbm>>
      tpu.enqueue_dma source(%dma_start3A_30 : memref<40x128xi32, #tpu.memory_space<hbm>>) target(%arg6 : memref<40x128xi32, #tpu.memory_space<vmem>>) target_semaphore(%run_scoped3A : memref<!tpu.dma_semaphore, #tpu.memory_space<semaphore_mem>>)
      %dma_wait3A = arith.constant 0 : i32
      %dma_wait3A_31 = arith.constant 0 : i32
      %dma_wait3A_32 = tpu.memref_slice %arg3[%add3A, %dma_wait3A, %dma_wait3A_31] : memref<32x40x128xi32, #tpu.memory_space<hbm>> -> memref<1x40x128xi32, #tpu.memory_space<hbm>>
      %dma_wait3A_33 = tpu.memref_squeeze %dma_wait3A_32 : memref<1x40x128xi32, #tpu.memory_space<hbm>> -> memref<40x128xi32, #tpu.memory_space<hbm>>
      %dma_wait3A_34 = arith.constant 0 : i32
      %dma_wait3A_35 = arith.constant 0 : i32
      %dma_wait3A_36 = tpu.memref_slice %arg3[%add3A, %dma_wait3A_34, %dma_wait3A_35] : memref<32x40x128xi32, #tpu.memory_space<hbm>> -> memref<1x40x128xi32, #tpu.memory_space<hbm>>
      %dma_wait3A_37 = tpu.memref_squeeze %dma_wait3A_36 : memref<1x40x128xi32, #tpu.memory_space<hbm>> -> memref<40x128xi32, #tpu.memory_space<hbm>>
      tpu.wait_dma2 semaphore(%run_scoped3A : memref<!tpu.dma_semaphore, #tpu.memory_space<semaphore_mem>>) src(%dma_wait3A_37 : memref<40x128xi32, #tpu.memory_space<hbm>>) dst(%arg6 : memref<40x128xi32, #tpu.memory_space<vmem>>)
      tpu.yield
    }) : () -> ()
    "tpu.region"() ({
      %run_scoped3A = tpu.sem_alloc : memref<!tpu.dma_semaphore, #tpu.memory_space<semaphore_mem>>
      %dma_start3A = arith.constant 0 : i32
      %dma_start3A_24 = arith.constant 0 : i32
      %dma_start3A_25 = tpu.memref_slice %arg4[%add3A, %dma_start3A, %dma_start3A_24] : memref<32x40x128xi32, #tpu.memory_space<hbm>> -> memref<1x40x128xi32, #tpu.memory_space<hbm>>
      %dma_start3A_26 = tpu.memref_squeeze %dma_start3A_25 : memref<1x40x128xi32, #tpu.memory_space<hbm>> -> memref<40x128xi32, #tpu.memory_space<hbm>>
      %dma_start3A_27 = arith.constant 0 : i32
      %dma_start3A_28 = arith.constant 0 : i32
      %dma_start3A_29 = tpu.memref_slice %arg4[%add3A, %dma_start3A_27, %dma_start3A_28] : memref<32x40x128xi32, #tpu.memory_space<hbm>> -> memref<1x40x128xi32, #tpu.memory_space<hbm>>
      %dma_start3A_30 = tpu.memref_squeeze %dma_start3A_29 : memref<1x40x128xi32, #tpu.memory_space<hbm>> -> memref<40x128xi32, #tpu.memory_space<hbm>>
      tpu.enqueue_dma source(%dma_start3A_30 : memref<40x128xi32, #tpu.memory_space<hbm>>) target(%arg7 : memref<40x128xi32, #tpu.memory_space<vmem>>) target_semaphore(%run_scoped3A : memref<!tpu.dma_semaphore, #tpu.memory_space<semaphore_mem>>)
      %dma_wait3A = arith.constant 0 : i32
      %dma_wait3A_31 = arith.constant 0 : i32
      %dma_wait3A_32 = tpu.memref_slice %arg4[%add3A, %dma_wait3A, %dma_wait3A_31] : memref<32x40x128xi32, #tpu.memory_space<hbm>> -> memref<1x40x128xi32, #tpu.memory_space<hbm>>
      %dma_wait3A_33 = tpu.memref_squeeze %dma_wait3A_32 : memref<1x40x128xi32, #tpu.memory_space<hbm>> -> memref<40x128xi32, #tpu.memory_space<hbm>>
      %dma_wait3A_34 = arith.constant 0 : i32
      %dma_wait3A_35 = arith.constant 0 : i32
      %dma_wait3A_36 = tpu.memref_slice %arg4[%add3A, %dma_wait3A_34, %dma_wait3A_35] : memref<32x40x128xi32, #tpu.memory_space<hbm>> -> memref<1x40x128xi32, #tpu.memory_space<hbm>>
      %dma_wait3A_37 = tpu.memref_squeeze %dma_wait3A_36 : memref<1x40x128xi32, #tpu.memory_space<hbm>> -> memref<40x128xi32, #tpu.memory_space<hbm>>
      tpu.wait_dma2 semaphore(%run_scoped3A : memref<!tpu.dma_semaphore, #tpu.memory_space<semaphore_mem>>) src(%dma_wait3A_37 : memref<40x128xi32, #tpu.memory_space<hbm>>) dst(%arg7 : memref<40x128xi32, #tpu.memory_space<vmem>>)
      tpu.yield
    }) : () -> ()
    %barrier3A = arith.constant 0 : index
    tpu.barrier barrier_id(%barrier3A)
    %scan3A_13 = arith.constant 0 : i32
    %scan3A_14 = arith.constant 0 : i32
    %scan3A_15 = arith.constant 1 : i32
    %scan3A_16 = arith.constant 0 : i32
    %scan3A_17 = arith.constant 20 : i32
    %scan3A_18 = arith.addi %scan3A_16, %scan3A_17 : i32
    %scan3A_19 = arith.constant 1 : i32
    scf.for %scan3A_24 = %scan3A_16 to %scan3A_18 step %scan3A_19  : i32 {
      %mul3A_25 = arith.constant 2 : i32
      %mul3A_26 = arith.muli %scan3A_24, %mul3A_25 : i32
      %add3A_27 = arith.constant 0 : i32
      %add3A_28 = arith.addi %mul3A_26, %add3A_27 : i32
      %dma_start3A = arith.constant 0 : i32
      %dma_start3A_29 = arith.constant 0 : i32
      %dma_start3A_30 = tpu.memref_slice %arg8[%scan3A_14, %dma_start3A, %dma_start3A_29] : memref<2x128x128xf32, #tpu.memory_space<vmem>> -> memref<1x128x128xf32, #tpu.memory_space<vmem>>
      %dma_start3A_31 = tpu.memref_squeeze %dma_start3A_30 : memref<1x128x128xf32, #tpu.memory_space<vmem>> -> memref<128x128xf32, #tpu.memory_space<vmem>>
      %dma_start3A_32 = arith.constant 0 : i32
      %dma_start3A_33 = tpu.memref_slice %arg6[%add3A_28, %dma_start3A_32] : memref<40x128xi32, #tpu.memory_space<vmem>> -> memref<1x128xi32, #tpu.memory_space<vmem>>
      %dma_start3A_34 = tpu.memref_squeeze %dma_start3A_33 : memref<1x128xi32, #tpu.memory_space<vmem>> -> memref<128xi32, #tpu.memory_space<vmem>>
      %dma_start3A_35 = arith.constant 0 : i32
      %dma_start3A_36 = arith.constant 0 : i32
      %dma_start3A_37 = tpu.memref_slice %arg2[%dma_start3A_35, %dma_start3A_36] : memref<10240x128xf32, #tpu.memory_space<hbm>> -> memref<10240x128xf32, #tpu.memory_space<hbm>>
      tpu.enqueue_indirect_dma source(%dma_start3A_37 : memref<10240x128xf32, #tpu.memory_space<hbm>>) target(%dma_start3A_31 : memref<128x128xf32, #tpu.memory_space<vmem>>) offsets(%dma_start3A_34 : memref<128xi32, #tpu.memory_space<vmem>>) semaphore(%arg10 : memref<!tpu.dma_semaphore, #tpu.memory_space<semaphore_mem>>)
      %mul3A_38 = arith.constant 2 : i32
      %mul3A_39 = arith.muli %scan3A_24, %mul3A_38 : i32
      %add3A_40 = arith.constant 1 : i32
      %add3A_41 = arith.addi %mul3A_39, %add3A_40 : i32
      %dma_start3A_42 = arith.constant 0 : i32
      %dma_start3A_43 = arith.constant 0 : i32
      %dma_start3A_44 = tpu.memref_slice %arg8[%scan3A_15, %dma_start3A_42, %dma_start3A_43] : memref<2x128x128xf32, #tpu.memory_space<vmem>> -> memref<1x128x128xf32, #tpu.memory_space<vmem>>
      %dma_start3A_45 = tpu.memref_squeeze %dma_start3A_44 : memref<1x128x128xf32, #tpu.memory_space<vmem>> -> memref<128x128xf32, #tpu.memory_space<vmem>>
      %dma_start3A_46 = arith.constant 0 : i32
      %dma_start3A_47 = tpu.memref_slice %arg6[%add3A_41, %dma_start3A_46] : memref<40x128xi32, #tpu.memory_space<vmem>> -> memref<1x128xi32, #tpu.memory_space<vmem>>
      %dma_start3A_48 = tpu.memref_squeeze %dma_start3A_47 : memref<1x128xi32, #tpu.memory_space<vmem>> -> memref<128xi32, #tpu.memory_space<vmem>>
      %dma_start3A_49 = arith.constant 0 : i32
      %dma_start3A_50 = arith.constant 0 : i32
      %dma_start3A_51 = tpu.memref_slice %arg2[%dma_start3A_49, %dma_start3A_50] : memref<10240x128xf32, #tpu.memory_space<hbm>> -> memref<10240x128xf32, #tpu.memory_space<hbm>>
      tpu.enqueue_indirect_dma source(%dma_start3A_51 : memref<10240x128xf32, #tpu.memory_space<hbm>>) target(%dma_start3A_45 : memref<128x128xf32, #tpu.memory_space<vmem>>) offsets(%dma_start3A_48 : memref<128xi32, #tpu.memory_space<vmem>>) semaphore(%arg10 : memref<!tpu.dma_semaphore, #tpu.memory_space<semaphore_mem>>)
      %dma_wait3A = arith.constant 0 : i32
      %dma_wait3A_52 = arith.constant 0 : i32
      %dma_wait3A_53 = tpu.memref_slice %arg8[%scan3A_14, %dma_wait3A, %dma_wait3A_52] : memref<2x128x128xf32, #tpu.memory_space<vmem>> -> memref<1x128x128xf32, #tpu.memory_space<vmem>>
      %dma_wait3A_54 = tpu.memref_squeeze %dma_wait3A_53 : memref<1x128x128xf32, #tpu.memory_space<vmem>> -> memref<128x128xf32, #tpu.memory_space<vmem>>
      %dma_wait3A_55 = arith.constant 0 : i32
      %dma_wait3A_56 = tpu.memref_slice %arg6[%add3A_28, %dma_wait3A_55] : memref<40x128xi32, #tpu.memory_space<vmem>> -> memref<1x128xi32, #tpu.memory_space<vmem>>
      %dma_wait3A_57 = tpu.memref_squeeze %dma_wait3A_56 : memref<1x128xi32, #tpu.memory_space<vmem>> -> memref<128xi32, #tpu.memory_space<vmem>>
      %dma_wait3A_58 = arith.constant 0 : i32
      %dma_wait3A_59 = arith.constant 0 : i32
      %dma_wait3A_60 = tpu.memref_slice %arg2[%dma_wait3A_58, %dma_wait3A_59] : memref<10240x128xf32, #tpu.memory_space<hbm>> -> memref<10240x128xf32, #tpu.memory_space<hbm>>
      tpu.wait_indirect_dma semaphore(%arg10 : memref<!tpu.dma_semaphore, #tpu.memory_space<semaphore_mem>>) src(%dma_wait3A_60 : memref<10240x128xf32, #tpu.memory_space<hbm>>) dst(%dma_wait3A_54 : memref<128x128xf32, #tpu.memory_space<vmem>>)
      %mul3A_61 = arith.constant 2 : i32
      %mul3A_62 = arith.muli %scan3A_24, %mul3A_61 : i32
      %add3A_63 = arith.constant 0 : i32
      %add3A_64 = arith.addi %mul3A_62, %add3A_63 : i32
      %dma_start3A_65 = arith.constant 0 : i32
      %dma_start3A_66 = arith.constant 0 : i32
      %dma_start3A_67 = tpu.memref_slice %arg8[%scan3A_14, %dma_start3A_65, %dma_start3A_66] : memref<2x128x128xf32, #tpu.memory_space<vmem>> -> memref<1x128x128xf32, #tpu.memory_space<vmem>>
      %dma_start3A_68 = tpu.memref_squeeze %dma_start3A_67 : memref<1x128x128xf32, #tpu.memory_space<vmem>> -> memref<128x128xf32, #tpu.memory_space<vmem>>
      %dma_start3A_69 = arith.constant 0 : i32
      %dma_start3A_70 = tpu.memref_slice %arg7[%add3A_64, %dma_start3A_69] : memref<40x128xi32, #tpu.memory_space<vmem>> -> memref<1x128xi32, #tpu.memory_space<vmem>>
      %dma_start3A_71 = tpu.memref_squeeze %dma_start3A_70 : memref<1x128xi32, #tpu.memory_space<vmem>> -> memref<128xi32, #tpu.memory_space<vmem>>
      %dma_start3A_72 = arith.constant 0 : i32
      %dma_start3A_73 = arith.constant 0 : i32
      %dma_start3A_74 = tpu.memref_slice %arg9[%dma_start3A_72, %dma_start3A_73] : memref<10240x128xf32, #tpu.memory_space<vmem_shared>> -> memref<10240x128xf32, #tpu.memory_space<vmem_shared>>
      tpu.enqueue_indirect_dma source(%dma_start3A_68 : memref<128x128xf32, #tpu.memory_space<vmem>>) target(%dma_start3A_74 : memref<10240x128xf32, #tpu.memory_space<vmem_shared>>) offsets(%dma_start3A_71 : memref<128xi32, #tpu.memory_space<vmem>>) semaphore(%arg11 : memref<!tpu.dma_semaphore, #tpu.memory_space<semaphore_mem>>) {add = true}
      %dma_wait3A_75 = arith.constant 0 : i32
      %dma_wait3A_76 = arith.constant 0 : i32
      %dma_wait3A_77 = tpu.memref_slice %arg8[%scan3A_15, %dma_wait3A_75, %dma_wait3A_76] : memref<2x128x128xf32, #tpu.memory_space<vmem>> -> memref<1x128x128xf32, #tpu.memory_space<vmem>>
      %dma_wait3A_78 = tpu.memref_squeeze %dma_wait3A_77 : memref<1x128x128xf32, #tpu.memory_space<vmem>> -> memref<128x128xf32, #tpu.memory_space<vmem>>
      %dma_wait3A_79 = arith.constant 0 : i32
      %dma_wait3A_80 = tpu.memref_slice %arg6[%add3A_41, %dma_wait3A_79] : memref<40x128xi32, #tpu.memory_space<vmem>> -> memref<1x128xi32, #tpu.memory_space<vmem>>
      %dma_wait3A_81 = tpu.memref_squeeze %dma_wait3A_80 : memref<1x128xi32, #tpu.memory_space<vmem>> -> memref<128xi32, #tpu.memory_space<vmem>>
      %dma_wait3A_82 = arith.constant 0 : i32
      %dma_wait3A_83 = arith.constant 0 : i32
      %dma_wait3A_84 = tpu.memref_slice %arg2[%dma_wait3A_82, %dma_wait3A_83] : memref<10240x128xf32, #tpu.memory_space<hbm>> -> memref<10240x128xf32, #tpu.memory_space<hbm>>
      tpu.wait_indirect_dma semaphore(%arg10 : memref<!tpu.dma_semaphore, #tpu.memory_space<semaphore_mem>>) src(%dma_wait3A_84 : memref<10240x128xf32, #tpu.memory_space<hbm>>) dst(%dma_wait3A_78 : memref<128x128xf32, #tpu.memory_space<vmem>>)
      %mul3A_85 = arith.constant 2 : i32
      %mul3A_86 = arith.muli %scan3A_24, %mul3A_85 : i32
      %add3A_87 = arith.constant 1 : i32
      %add3A_88 = arith.addi %mul3A_86, %add3A_87 : i32
      %dma_start3A_89 = arith.constant 0 : i32
      %dma_start3A_90 = arith.constant 0 : i32
      %dma_start3A_91 = tpu.memref_slice %arg8[%scan3A_15, %dma_start3A_89, %dma_start3A_90] : memref<2x128x128xf32, #tpu.memory_space<vmem>> -> memref<1x128x128xf32, #tpu.memory_space<vmem>>
      %dma_start3A_92 = tpu.memref_squeeze %dma_start3A_91 : memref<1x128x128xf32, #tpu.memory_space<vmem>> -> memref<128x128xf32, #tpu.memory_space<vmem>>
      %dma_start3A_93 = arith.constant 0 : i32
      %dma_start3A_94 = tpu.memref_slice %arg7[%add3A_88, %dma_start3A_93] : memref<40x128xi32, #tpu.memory_space<vmem>> -> memref<1x128xi32, #tpu.memory_space<vmem>>
      %dma_start3A_95 = tpu.memref_squeeze %dma_start3A_94 : memref<1x128xi32, #tpu.memory_space<vmem>> -> memref<128xi32, #tpu.memory_space<vmem>>
      %dma_start3A_96 = arith.constant 0 : i32
      %dma_start3A_97 = arith.constant 0 : i32
      %dma_start3A_98 = tpu.memref_slice %arg9[%dma_start3A_96, %dma_start3A_97] : memref<10240x128xf32, #tpu.memory_space<vmem_shared>> -> memref<10240x128xf32, #tpu.memory_space<vmem_shared>>
      tpu.enqueue_indirect_dma source(%dma_start3A_92 : memref<128x128xf32, #tpu.memory_space<vmem>>) target(%dma_start3A_98 : memref<10240x128xf32, #tpu.memory_space<vmem_shared>>) offsets(%dma_start3A_95 : memref<128xi32, #tpu.memory_space<vmem>>) semaphore(%arg11 : memref<!tpu.dma_semaphore, #tpu.memory_space<semaphore_mem>>) {add = true}
      %dma_wait3A_99 = arith.constant 0 : i32
      %dma_wait3A_100 = arith.constant 0 : i32
      %dma_wait3A_101 = tpu.memref_slice %arg8[%scan3A_14, %dma_wait3A_99, %dma_wait3A_100] : memref<2x128x128xf32, #tpu.memory_space<vmem>> -> memref<1x128x128xf32, #tpu.memory_space<vmem>>
      %dma_wait3A_102 = tpu.memref_squeeze %dma_wait3A_101 : memref<1x128x128xf32, #tpu.memory_space<vmem>> -> memref<128x128xf32, #tpu.memory_space<vmem>>
      %dma_wait3A_103 = arith.constant 0 : i32
      %dma_wait3A_104 = tpu.memref_slice %arg7[%add3A_64, %dma_wait3A_103] : memref<40x128xi32, #tpu.memory_space<vmem>> -> memref<1x128xi32, #tpu.memory_space<vmem>>
      %dma_wait3A_105 = tpu.memref_squeeze %dma_wait3A_104 : memref<1x128xi32, #tpu.memory_space<vmem>> -> memref<128xi32, #tpu.memory_space<vmem>>
      %dma_wait3A_106 = arith.constant 0 : i32
      %dma_wait3A_107 = arith.constant 0 : i32
      %dma_wait3A_108 = tpu.memref_slice %arg9[%dma_wait3A_106, %dma_wait3A_107] : memref<10240x128xf32, #tpu.memory_space<vmem_shared>> -> memref<10240x128xf32, #tpu.memory_space<vmem_shared>>
      tpu.wait_indirect_dma semaphore(%arg11 : memref<!tpu.dma_semaphore, #tpu.memory_space<semaphore_mem>>) src(%dma_wait3A_102 : memref<128x128xf32, #tpu.memory_space<vmem>>) dst(%dma_wait3A_108 : memref<10240x128xf32, #tpu.memory_space<vmem_shared>>)
      %dma_wait3A_109 = arith.constant 0 : i32
      %dma_wait3A_110 = arith.constant 0 : i32
      %dma_wait3A_111 = tpu.memref_slice %arg8[%scan3A_15, %dma_wait3A_109, %dma_wait3A_110] : memref<2x128x128xf32, #tpu.memory_space<vmem>> -> memref<1x128x128xf32, #tpu.memory_space<vmem>>
      %dma_wait3A_112 = tpu.memref_squeeze %dma_wait3A_111 : memref<1x128x128xf32, #tpu.memory_space<vmem>> -> memref<128x128xf32, #tpu.memory_space<vmem>>
      %dma_wait3A_113 = arith.constant 0 : i32
      %dma_wait3A_114 = tpu.memref_slice %arg7[%add3A_88, %dma_wait3A_113] : memref<40x128xi32, #tpu.memory_space<vmem>> -> memref<1x128xi32, #tpu.memory_space<vmem>>
      %dma_wait3A_115 = tpu.memref_squeeze %dma_wait3A_114 : memref<1x128xi32, #tpu.memory_space<vmem>> -> memref<128xi32, #tpu.memory_space<vmem>>
      %dma_wait3A_116 = arith.constant 0 : i32
      %dma_wait3A_117 = arith.constant 0 : i32
      %dma_wait3A_118 = tpu.memref_slice %arg9[%dma_wait3A_116, %dma_wait3A_117] : memref<10240x128xf32, #tpu.memory_space<vmem_shared>> -> memref<10240x128xf32, #tpu.memory_space<vmem_shared>>
      tpu.wait_indirect_dma semaphore(%arg11 : memref<!tpu.dma_semaphore, #tpu.memory_space<semaphore_mem>>) src(%dma_wait3A_112 : memref<128x128xf32, #tpu.memory_space<vmem>>) dst(%dma_wait3A_118 : memref<10240x128xf32, #tpu.memory_space<vmem_shared>>)
    }
    %scan3A_20 = arith.constant 20 : i32
    %barrier3A_21 = arith.constant 0 : index
    tpu.barrier barrier_id(%barrier3A_21)
    %mul3A_22 = arith.constant 640 : i32
    %mul3A_23 = arith.muli %arg1, %mul3A_22 : i32
    "tpu.region"() ({
      %run_scoped3A = tpu.sem_alloc : memref<!tpu.dma_semaphore, #tpu.memory_space<semaphore_mem>>
      %dma_start3A = arith.constant 0 : i32
      %dma_start3A_24 = tpu.memref_slice %arg5[%arg0, %mul3A_23, %dma_start3A] : memref<2x10240x128xf32, #tpu.memory_space<hbm>> -> memref<1x640x128xf32, #tpu.memory_space<hbm>>
      %dma_start3A_25 = tpu.memref_squeeze %dma_start3A_24 : memref<1x640x128xf32, #tpu.memory_space<hbm>> -> memref<640x128xf32, #tpu.memory_space<hbm>>
      %dma_start3A_26 = arith.constant 0 : i32
      %dma_start3A_27 = tpu.memref_slice %arg9[%mul3A_23, %dma_start3A_26] : memref<10240x128xf32, #tpu.memory_space<vmem_shared>> -> memref<640x128xf32, #tpu.memory_space<vmem_shared>>
      tpu.enqueue_dma source(%dma_start3A_27 : memref<640x128xf32, #tpu.memory_space<vmem_shared>>) target(%dma_start3A_25 : memref<640x128xf32, #tpu.memory_space<hbm>>) target_semaphore(%run_scoped3A : memref<!tpu.dma_semaphore, #tpu.memory_space<semaphore_mem>>)
      %dma_wait3A = arith.constant 0 : i32
      %dma_wait3A_28 = tpu.memref_slice %arg5[%arg0, %mul3A_23, %dma_wait3A] : memref<2x10240x128xf32, #tpu.memory_space<hbm>> -> memref<1x640x128xf32, #tpu.memory_space<hbm>>
      %dma_wait3A_29 = tpu.memref_squeeze %dma_wait3A_28 : memref<1x640x128xf32, #tpu.memory_space<hbm>> -> memref<640x128xf32, #tpu.memory_space<hbm>>
      %dma_wait3A_30 = arith.constant 0 : i32
      %dma_wait3A_31 = tpu.memref_slice %arg9[%mul3A_23, %dma_wait3A_30] : memref<10240x128xf32, #tpu.memory_space<vmem_shared>> -> memref<640x128xf32, #tpu.memory_space<vmem_shared>>
      tpu.wait_dma2 semaphore(%run_scoped3A : memref<!tpu.dma_semaphore, #tpu.memory_space<semaphore_mem>>) src(%dma_wait3A_31 : memref<640x128xf32, #tpu.memory_space<vmem_shared>>) dst(%dma_wait3A_29 : memref<640x128xf32, #tpu.memory_space<hbm>>)
      tpu.yield
    }) : () -> ()
    return
  }
}

#map = affine_map<(d0, d1) -> (0, 0)>
#map1 = affine_map<(d0, d1) -> (0, 0, 0)>
module attributes {stable_mosaic.version = 14 : i64} {
  func.func @k(%arg0: i32, %arg1: i32, %arg2: memref<2560x128xf32, #tpu.memory_space<hbm>>, %arg3: memref<32x10x128xi32, #tpu.memory_space<hbm>>, %arg4: memref<32x10x128xi32, #tpu.memory_space<hbm>>, %arg5: memref<2x2560x128xf32, #tpu.memory_space<hbm>>, %arg6: memref<10x128xi32, #tpu.memory_space<vmem>>, %arg7: memref<10x128xi32, #tpu.memory_space<vmem>>, %arg8: memref<2x128x128xf32, #tpu.memory_space<vmem>>, %arg9: memref<2560x128xf32, #tpu.memory_space<vmem_shared>>, %arg10: memref<!tpu.dma_semaphore, #tpu.memory_space<semaphore_mem>>, %arg11: memref<!tpu.dma_semaphore, #tpu.memory_space<semaphore_mem>>) attributes {dimension_semantics = [#tpu.dimension_semantics<core_parallel>, #tpu.dimension_semantics<subcore_parallel>], iteration_bounds = array<i64: 2, 16>, scalar_prefetch = 0 : i64, scratch_operands = 6 : i64, tpu.core_type = #tpu.core_type<sc_vector_subcore>, window_params = [{transform_indices = #map}, {transform_indices = #map1}, {transform_indices = #map1}, {transform_indices = #map1}]} {
    %mul3A = arith.constant 2 : i32
    %mul3A_0 = arith.muli %arg1, %mul3A : i32
    %add3A = arith.addi %mul3A_0, %arg0 : i32
    %scan3A = arith.constant 0 : i32
    %scan3A_1 = arith.constant 0 : i32
    %scan3A_2 = arith.constant 0 : i32
    %scan3A_3 = arith.constant 80 : i32
    %scan3A_4 = arith.addi %scan3A_2, %scan3A_3 : i32
    %scan3A_5 = arith.constant 1 : i32
    scf.for %scan3A_24 = %scan3A_2 to %scan3A_4 step %scan3A_5  : i32 {
      %broadcast_in_dim3A = arith.constant 0.000000e+00 : f32
      %broadcast_in_dim3A_25 = vector.broadcast %broadcast_in_dim3A : f32 to vector<16xf32>
      %swap3A = arith.constant 0 : i32
      %swap3A_26 = arith.constant 0 : i32
      %swap3A_27 = tpu.memref_slice %arg8[%scan3A_1, %swap3A, %swap3A_26] : memref<2x128x128xf32, #tpu.memory_space<vmem>> -> memref<1x128x128xf32, #tpu.memory_space<vmem>>
      %swap3A_28 = tpu.memref_squeeze %swap3A_27 : memref<1x128x128xf32, #tpu.memory_space<vmem>> -> memref<128x128xf32, #tpu.memory_space<vmem>>
      %swap3A_29 = arith.index_cast %scan3A_24 : i32 to index
      %swap3A_30 = arith.constant 0 : index
      %swap3A_31 = tpu.vector_load %swap3A_28[%swap3A_29, %swap3A_30] {strides = array<i32>} : memref<128x128xf32, #tpu.memory_space<vmem>>, vector<1x16xf32>,
      %swap3A_32 = vector.shape_cast %swap3A_31 : vector<1x16xf32> to vector<16xf32>
      %swap3A_33 = vector.shape_cast %broadcast_in_dim3A_25 : vector<16xf32> to vector<1x16xf32>
      tpu.vector_store %swap3A_28[%swap3A_29, %swap3A_30], %swap3A_33 {strides = array<i32>} : memref<128x128xf32, #tpu.memory_space<vmem>>, vector<1x16xf32>,
      %broadcast_in_dim3A_34 = arith.constant 0.000000e+00 : f32
      %broadcast_in_dim3A_35 = vector.broadcast %broadcast_in_dim3A_34 : f32 to vector<16xf32>
      %swap3A_36 = arith.constant 0 : i32
      %swap3A_37 = arith.constant 0 : i32
      %swap3A_38 = tpu.memref_slice %arg8[%scan3A_1, %swap3A_36, %swap3A_37] : memref<2x128x128xf32, #tpu.memory_space<vmem>> -> memref<1x128x128xf32, #tpu.memory_space<vmem>>
      %swap3A_39 = tpu.memref_squeeze %swap3A_38 : memref<1x128x128xf32, #tpu.memory_space<vmem>> -> memref<128x128xf32, #tpu.memory_space<vmem>>
      %swap3A_40 = arith.index_cast %scan3A_24 : i32 to index
      %swap3A_41 = arith.constant 16 : index
      %swap3A_42 = tpu.vector_load %swap3A_39[%swap3A_40, %swap3A_41] {strides = array<i32>} : memref<128x128xf32, #tpu.memory_space<vmem>>, vector<1x16xf32>,
      %swap3A_43 = vector.shape_cast %swap3A_42 : vector<1x16xf32> to vector<16xf32>
      %swap3A_44 = vector.shape_cast %broadcast_in_dim3A_35 : vector<16xf32> to vector<1x16xf32>
      tpu.vector_store %swap3A_39[%swap3A_40, %swap3A_41], %swap3A_44 {strides = array<i32>} : memref<128x128xf32, #tpu.memory_space<vmem>>, vector<1x16xf32>,
      %broadcast_in_dim3A_45 = arith.constant 0.000000e+00 : f32
      %broadcast_in_dim3A_46 = vector.broadcast %broadcast_in_dim3A_45 : f32 to vector<16xf32>
      %swap3A_47 = arith.constant 0 : i32
      %swap3A_48 = arith.constant 0 : i32
      %swap3A_49 = tpu.memref_slice %arg8[%scan3A_1, %swap3A_47, %swap3A_48] : memref<2x128x128xf32, #tpu.memory_space<vmem>> -> memref<1x128x128xf32, #tpu.memory_space<vmem>>
      %swap3A_50 = tpu.memref_squeeze %swap3A_49 : memref<1x128x128xf32, #tpu.memory_space<vmem>> -> memref<128x128xf32, #tpu.memory_space<vmem>>
      %swap3A_51 = arith.index_cast %scan3A_24 : i32 to index
      %swap3A_52 = arith.constant 32 : index
      %swap3A_53 = tpu.vector_load %swap3A_50[%swap3A_51, %swap3A_52] {strides = array<i32>} : memref<128x128xf32, #tpu.memory_space<vmem>>, vector<1x16xf32>,
      %swap3A_54 = vector.shape_cast %swap3A_53 : vector<1x16xf32> to vector<16xf32>
      %swap3A_55 = vector.shape_cast %broadcast_in_dim3A_46 : vector<16xf32> to vector<1x16xf32>
      tpu.vector_store %swap3A_50[%swap3A_51, %swap3A_52], %swap3A_55 {strides = array<i32>} : memref<128x128xf32, #tpu.memory_space<vmem>>, vector<1x16xf32>,
      %broadcast_in_dim3A_56 = arith.constant 0.000000e+00 : f32
      %broadcast_in_dim3A_57 = vector.broadcast %broadcast_in_dim3A_56 : f32 to vector<16xf32>
      %swap3A_58 = arith.constant 0 : i32
      %swap3A_59 = arith.constant 0 : i32
      %swap3A_60 = tpu.memref_slice %arg8[%scan3A_1, %swap3A_58, %swap3A_59] : memref<2x128x128xf32, #tpu.memory_space<vmem>> -> memref<1x128x128xf32, #tpu.memory_space<vmem>>
      %swap3A_61 = tpu.memref_squeeze %swap3A_60 : memref<1x128x128xf32, #tpu.memory_space<vmem>> -> memref<128x128xf32, #tpu.memory_space<vmem>>
      %swap3A_62 = arith.index_cast %scan3A_24 : i32 to index
      %swap3A_63 = arith.constant 48 : index
      %swap3A_64 = tpu.vector_load %swap3A_61[%swap3A_62, %swap3A_63] {strides = array<i32>} : memref<128x128xf32, #tpu.memory_space<vmem>>, vector<1x16xf32>,
      %swap3A_65 = vector.shape_cast %swap3A_64 : vector<1x16xf32> to vector<16xf32>
      %swap3A_66 = vector.shape_cast %broadcast_in_dim3A_57 : vector<16xf32> to vector<1x16xf32>
      tpu.vector_store %swap3A_61[%swap3A_62, %swap3A_63], %swap3A_66 {strides = array<i32>} : memref<128x128xf32, #tpu.memory_space<vmem>>, vector<1x16xf32>,
      %broadcast_in_dim3A_67 = arith.constant 0.000000e+00 : f32
      %broadcast_in_dim3A_68 = vector.broadcast %broadcast_in_dim3A_67 : f32 to vector<16xf32>
      %swap3A_69 = arith.constant 0 : i32
      %swap3A_70 = arith.constant 0 : i32
      %swap3A_71 = tpu.memref_slice %arg8[%scan3A_1, %swap3A_69, %swap3A_70] : memref<2x128x128xf32, #tpu.memory_space<vmem>> -> memref<1x128x128xf32, #tpu.memory_space<vmem>>
      %swap3A_72 = tpu.memref_squeeze %swap3A_71 : memref<1x128x128xf32, #tpu.memory_space<vmem>> -> memref<128x128xf32, #tpu.memory_space<vmem>>
      %swap3A_73 = arith.index_cast %scan3A_24 : i32 to index
      %swap3A_74 = arith.constant 64 : index
      %swap3A_75 = tpu.vector_load %swap3A_72[%swap3A_73, %swap3A_74] {strides = array<i32>} : memref<128x128xf32, #tpu.memory_space<vmem>>, vector<1x16xf32>,
      %swap3A_76 = vector.shape_cast %swap3A_75 : vector<1x16xf32> to vector<16xf32>
      %swap3A_77 = vector.shape_cast %broadcast_in_dim3A_68 : vector<16xf32> to vector<1x16xf32>
      tpu.vector_store %swap3A_72[%swap3A_73, %swap3A_74], %swap3A_77 {strides = array<i32>} : memref<128x128xf32, #tpu.memory_space<vmem>>, vector<1x16xf32>,
      %broadcast_in_dim3A_78 = arith.constant 0.000000e+00 : f32
      %broadcast_in_dim3A_79 = vector.broadcast %broadcast_in_dim3A_78 : f32 to vector<16xf32>
      %swap3A_80 = arith.constant 0 : i32
      %swap3A_81 = arith.constant 0 : i32
      %swap3A_82 = tpu.memref_slice %arg8[%scan3A_1, %swap3A_80, %swap3A_81] : memref<2x128x128xf32, #tpu.memory_space<vmem>> -> memref<1x128x128xf32, #tpu.memory_space<vmem>>
      %swap3A_83 = tpu.memref_squeeze %swap3A_82 : memref<1x128x128xf32, #tpu.memory_space<vmem>> -> memref<128x128xf32, #tpu.memory_space<vmem>>
      %swap3A_84 = arith.index_cast %scan3A_24 : i32 to index
      %swap3A_85 = arith.constant 80 : index
      %swap3A_86 = tpu.vector_load %swap3A_83[%swap3A_84, %swap3A_85] {strides = array<i32>} : memref<128x128xf32, #tpu.memory_space<vmem>>, vector<1x16xf32>,
      %swap3A_87 = vector.shape_cast %swap3A_86 : vector<1x16xf32> to vector<16xf32>
      %swap3A_88 = vector.shape_cast %broadcast_in_dim3A_79 : vector<16xf32> to vector<1x16xf32>
      tpu.vector_store %swap3A_83[%swap3A_84, %swap3A_85], %swap3A_88 {strides = array<i32>} : memref<128x128xf32, #tpu.memory_space<vmem>>, vector<1x16xf32>,
      %broadcast_in_dim3A_89 = arith.constant 0.000000e+00 : f32
      %broadcast_in_dim3A_90 = vector.broadcast %broadcast_in_dim3A_89 : f32 to vector<16xf32>
      %swap3A_91 = arith.constant 0 : i32
      %swap3A_92 = arith.constant 0 : i32
      %swap3A_93 = tpu.memref_slice %arg8[%scan3A_1, %swap3A_91, %swap3A_92] : memref<2x128x128xf32, #tpu.memory_space<vmem>> -> memref<1x128x128xf32, #tpu.memory_space<vmem>>
      %swap3A_94 = tpu.memref_squeeze %swap3A_93 : memref<1x128x128xf32, #tpu.memory_space<vmem>> -> memref<128x128xf32, #tpu.memory_space<vmem>>
      %swap3A_95 = arith.index_cast %scan3A_24 : i32 to index
      %swap3A_96 = arith.constant 96 : index
      %swap3A_97 = tpu.vector_load %swap3A_94[%swap3A_95, %swap3A_96] {strides = array<i32>} : memref<128x128xf32, #tpu.memory_space<vmem>>, vector<1x16xf32>,
      %swap3A_98 = vector.shape_cast %swap3A_97 : vector<1x16xf32> to vector<16xf32>
      %swap3A_99 = vector.shape_cast %broadcast_in_dim3A_90 : vector<16xf32> to vector<1x16xf32>
      tpu.vector_store %swap3A_94[%swap3A_95, %swap3A_96], %swap3A_99 {strides = array<i32>} : memref<128x128xf32, #tpu.memory_space<vmem>>, vector<1x16xf32>,
      %broadcast_in_dim3A_100 = arith.constant 0.000000e+00 : f32
      %broadcast_in_dim3A_101 = vector.broadcast %broadcast_in_dim3A_100 : f32 to vector<16xf32>
      %swap3A_102 = arith.constant 0 : i32
      %swap3A_103 = arith.constant 0 : i32
      %swap3A_104 = tpu.memref_slice %arg8[%scan3A_1, %swap3A_102, %swap3A_103] : memref<2x128x128xf32, #tpu.memory_space<vmem>> -> memref<1x128x128xf32, #tpu.memory_space<vmem>>
      %swap3A_105 = tpu.memref_squeeze %swap3A_104 : memref<1x128x128xf32, #tpu.memory_space<vmem>> -> memref<128x128xf32, #tpu.memory_space<vmem>>
      %swap3A_106 = arith.index_cast %scan3A_24 : i32 to index
      %swap3A_107 = arith.constant 112 : index
      %swap3A_108 = tpu.vector_load %swap3A_105[%swap3A_106, %swap3A_107] {strides = array<i32>} : memref<128x128xf32, #tpu.memory_space<vmem>>, vector<1x16xf32>,
      %swap3A_109 = vector.shape_cast %swap3A_108 : vector<1x16xf32> to vector<16xf32>
      %swap3A_110 = vector.shape_cast %broadcast_in_dim3A_101 : vector<16xf32> to vector<1x16xf32>
      tpu.vector_store %swap3A_105[%swap3A_106, %swap3A_107], %swap3A_110 {strides = array<i32>} : memref<128x128xf32, #tpu.memory_space<vmem>>, vector<1x16xf32>,
    }
    %scan3A_6 = arith.constant 80 : i32
    %scan3A_7 = arith.constant 0 : i32
    %scan3A_8 = arith.constant 0 : i32
    %scan3A_9 = arith.constant 2 : i32
    %scan3A_10 = arith.addi %scan3A_8, %scan3A_9 : i32
    %scan3A_11 = arith.constant 1 : i32
    scf.for %scan3A_24 = %scan3A_8 to %scan3A_10 step %scan3A_11  : i32 {
      %mul3A_25 = arith.constant 160 : i32
      %mul3A_26 = arith.muli %arg1, %mul3A_25 : i32
      %mul3A_27 = arith.constant 80 : i32
      %mul3A_28 = arith.muli %scan3A_24, %mul3A_27 : i32
      %add3A_29 = arith.addi %mul3A_26, %mul3A_28 : i32
      %run_scoped3A = arith.constant 0 : i32
      "tpu.region"() ({
        %run_scoped3A_30 = tpu.sem_alloc : memref<!tpu.dma_semaphore, #tpu.memory_space<semaphore_mem>>
        %dma_start3A = arith.constant 0 : i32
        %dma_start3A_31 = arith.constant 0 : i32
        %dma_start3A_32 = tpu.memref_slice %arg8[%run_scoped3A, %dma_start3A, %dma_start3A_31] : memref<2x128x128xf32, #tpu.memory_space<vmem>> -> memref<1x80x128xf32, #tpu.memory_space<vmem>>
        %dma_start3A_33 = tpu.memref_squeeze %dma_start3A_32 : memref<1x80x128xf32, #tpu.memory_space<vmem>> -> memref<80x128xf32, #tpu.memory_space<vmem>>
        %dma_start3A_34 = arith.constant 0 : i32
        %dma_start3A_35 = tpu.memref_slice %arg9[%add3A_29, %dma_start3A_34] : memref<2560x128xf32, #tpu.memory_space<vmem_shared>> -> memref<80x128xf32, #tpu.memory_space<vmem_shared>>
        %dma_start3A_36 = arith.constant 0 : i32
        %dma_start3A_37 = tpu.memref_slice %arg9[%add3A_29, %dma_start3A_36] : memref<2560x128xf32, #tpu.memory_space<vmem_shared>> -> memref<80x128xf32, #tpu.memory_space<vmem_shared>>
        %dma_start3A_38 = arith.constant 0 : i32
        %dma_start3A_39 = arith.constant 0 : i32
        %dma_start3A_40 = tpu.memref_slice %arg8[%run_scoped3A, %dma_start3A_38, %dma_start3A_39] : memref<2x128x128xf32, #tpu.memory_space<vmem>> -> memref<1x80x128xf32, #tpu.memory_space<vmem>>
        %dma_start3A_41 = tpu.memref_squeeze %dma_start3A_40 : memref<1x80x128xf32, #tpu.memory_space<vmem>> -> memref<80x128xf32, #tpu.memory_space<vmem>>
        tpu.enqueue_dma source(%dma_start3A_41 : memref<80x128xf32, #tpu.memory_space<vmem>>) target(%dma_start3A_37 : memref<80x128xf32, #tpu.memory_space<vmem_shared>>) target_semaphore(%run_scoped3A_30 : memref<!tpu.dma_semaphore, #tpu.memory_space<semaphore_mem>>)
        %dma_wait3A = arith.constant 0 : i32
        %dma_wait3A_42 = arith.constant 0 : i32
        %dma_wait3A_43 = tpu.memref_slice %arg8[%run_scoped3A, %dma_wait3A, %dma_wait3A_42] : memref<2x128x128xf32, #tpu.memory_space<vmem>> -> memref<1x80x128xf32, #tpu.memory_space<vmem>>
        %dma_wait3A_44 = tpu.memref_squeeze %dma_wait3A_43 : memref<1x80x128xf32, #tpu.memory_space<vmem>> -> memref<80x128xf32, #tpu.memory_space<vmem>>
        %dma_wait3A_45 = arith.constant 0 : i32
        %dma_wait3A_46 = tpu.memref_slice %arg9[%add3A_29, %dma_wait3A_45] : memref<2560x128xf32, #tpu.memory_space<vmem_shared>> -> memref<80x128xf32, #tpu.memory_space<vmem_shared>>
        %dma_wait3A_47 = arith.constant 0 : i32
        %dma_wait3A_48 = tpu.memref_slice %arg9[%add3A_29, %dma_wait3A_47] : memref<2560x128xf32, #tpu.memory_space<vmem_shared>> -> memref<80x128xf32, #tpu.memory_space<vmem_shared>>
        %dma_wait3A_49 = arith.constant 0 : i32
        %dma_wait3A_50 = arith.constant 0 : i32
        %dma_wait3A_51 = tpu.memref_slice %arg8[%run_scoped3A, %dma_wait3A_49, %dma_wait3A_50] : memref<2x128x128xf32, #tpu.memory_space<vmem>> -> memref<1x80x128xf32, #tpu.memory_space<vmem>>
        %dma_wait3A_52 = tpu.memref_squeeze %dma_wait3A_51 : memref<1x80x128xf32, #tpu.memory_space<vmem>> -> memref<80x128xf32, #tpu.memory_space<vmem>>
        tpu.wait_dma2 semaphore(%run_scoped3A_30 : memref<!tpu.dma_semaphore, #tpu.memory_space<semaphore_mem>>) src(%dma_wait3A_52 : memref<80x128xf32, #tpu.memory_space<vmem>>) dst(%dma_wait3A_48 : memref<80x128xf32, #tpu.memory_space<vmem_shared>>)
        tpu.yield
      }) : () -> ()
    }
    %scan3A_12 = arith.constant 2 : i32
    "tpu.region"() ({
      %run_scoped3A = tpu.sem_alloc : memref<!tpu.dma_semaphore, #tpu.memory_space<semaphore_mem>>
      %dma_start3A = arith.constant 0 : i32
      %dma_start3A_24 = arith.constant 0 : i32
      %dma_start3A_25 = tpu.memref_slice %arg3[%add3A, %dma_start3A, %dma_start3A_24] : memref<32x10x128xi32, #tpu.memory_space<hbm>> -> memref<1x10x128xi32, #tpu.memory_space<hbm>>
      %dma_start3A_26 = tpu.memref_squeeze %dma_start3A_25 : memref<1x10x128xi32, #tpu.memory_space<hbm>> -> memref<10x128xi32, #tpu.memory_space<hbm>>
      %dma_start3A_27 = arith.constant 0 : i32
      %dma_start3A_28 = arith.constant 0 : i32
      %dma_start3A_29 = tpu.memref_slice %arg3[%add3A, %dma_start3A_27, %dma_start3A_28] : memref<32x10x128xi32, #tpu.memory_space<hbm>> -> memref<1x10x128xi32, #tpu.memory_space<hbm>>
      %dma_start3A_30 = tpu.memref_squeeze %dma_start3A_29 : memref<1x10x128xi32, #tpu.memory_space<hbm>> -> memref<10x128xi32, #tpu.memory_space<hbm>>
      tpu.enqueue_dma source(%dma_start3A_30 : memref<10x128xi32, #tpu.memory_space<hbm>>) target(%arg6 : memref<10x128xi32, #tpu.memory_space<vmem>>) target_semaphore(%run_scoped3A : memref<!tpu.dma_semaphore, #tpu.memory_space<semaphore_mem>>)
      %dma_wait3A = arith.constant 0 : i32
      %dma_wait3A_31 = arith.constant 0 : i32
      %dma_wait3A_32 = tpu.memref_slice %arg3[%add3A, %dma_wait3A, %dma_wait3A_31] : memref<32x10x128xi32, #tpu.memory_space<hbm>> -> memref<1x10x128xi32, #tpu.memory_space<hbm>>
      %dma_wait3A_33 = tpu.memref_squeeze %dma_wait3A_32 : memref<1x10x128xi32, #tpu.memory_space<hbm>> -> memref<10x128xi32, #tpu.memory_space<hbm>>
      %dma_wait3A_34 = arith.constant 0 : i32
      %dma_wait3A_35 = arith.constant 0 : i32
      %dma_wait3A_36 = tpu.memref_slice %arg3[%add3A, %dma_wait3A_34, %dma_wait3A_35] : memref<32x10x128xi32, #tpu.memory_space<hbm>> -> memref<1x10x128xi32, #tpu.memory_space<hbm>>
      %dma_wait3A_37 = tpu.memref_squeeze %dma_wait3A_36 : memref<1x10x128xi32, #tpu.memory_space<hbm>> -> memref<10x128xi32, #tpu.memory_space<hbm>>
      tpu.wait_dma2 semaphore(%run_scoped3A : memref<!tpu.dma_semaphore, #tpu.memory_space<semaphore_mem>>) src(%dma_wait3A_37 : memref<10x128xi32, #tpu.memory_space<hbm>>) dst(%arg6 : memref<10x128xi32, #tpu.memory_space<vmem>>)
      tpu.yield
    }) : () -> ()
    "tpu.region"() ({
      %run_scoped3A = tpu.sem_alloc : memref<!tpu.dma_semaphore, #tpu.memory_space<semaphore_mem>>
      %dma_start3A = arith.constant 0 : i32
      %dma_start3A_24 = arith.constant 0 : i32
      %dma_start3A_25 = tpu.memref_slice %arg4[%add3A, %dma_start3A, %dma_start3A_24] : memref<32x10x128xi32, #tpu.memory_space<hbm>> -> memref<1x10x128xi32, #tpu.memory_space<hbm>>
      %dma_start3A_26 = tpu.memref_squeeze %dma_start3A_25 : memref<1x10x128xi32, #tpu.memory_space<hbm>> -> memref<10x128xi32, #tpu.memory_space<hbm>>
      %dma_start3A_27 = arith.constant 0 : i32
      %dma_start3A_28 = arith.constant 0 : i32
      %dma_start3A_29 = tpu.memref_slice %arg4[%add3A, %dma_start3A_27, %dma_start3A_28] : memref<32x10x128xi32, #tpu.memory_space<hbm>> -> memref<1x10x128xi32, #tpu.memory_space<hbm>>
      %dma_start3A_30 = tpu.memref_squeeze %dma_start3A_29 : memref<1x10x128xi32, #tpu.memory_space<hbm>> -> memref<10x128xi32, #tpu.memory_space<hbm>>
      tpu.enqueue_dma source(%dma_start3A_30 : memref<10x128xi32, #tpu.memory_space<hbm>>) target(%arg7 : memref<10x128xi32, #tpu.memory_space<vmem>>) target_semaphore(%run_scoped3A : memref<!tpu.dma_semaphore, #tpu.memory_space<semaphore_mem>>)
      %dma_wait3A = arith.constant 0 : i32
      %dma_wait3A_31 = arith.constant 0 : i32
      %dma_wait3A_32 = tpu.memref_slice %arg4[%add3A, %dma_wait3A, %dma_wait3A_31] : memref<32x10x128xi32, #tpu.memory_space<hbm>> -> memref<1x10x128xi32, #tpu.memory_space<hbm>>
      %dma_wait3A_33 = tpu.memref_squeeze %dma_wait3A_32 : memref<1x10x128xi32, #tpu.memory_space<hbm>> -> memref<10x128xi32, #tpu.memory_space<hbm>>
      %dma_wait3A_34 = arith.constant 0 : i32
      %dma_wait3A_35 = arith.constant 0 : i32
      %dma_wait3A_36 = tpu.memref_slice %arg4[%add3A, %dma_wait3A_34, %dma_wait3A_35] : memref<32x10x128xi32, #tpu.memory_space<hbm>> -> memref<1x10x128xi32, #tpu.memory_space<hbm>>
      %dma_wait3A_37 = tpu.memref_squeeze %dma_wait3A_36 : memref<1x10x128xi32, #tpu.memory_space<hbm>> -> memref<10x128xi32, #tpu.memory_space<hbm>>
      tpu.wait_dma2 semaphore(%run_scoped3A : memref<!tpu.dma_semaphore, #tpu.memory_space<semaphore_mem>>) src(%dma_wait3A_37 : memref<10x128xi32, #tpu.memory_space<hbm>>) dst(%arg7 : memref<10x128xi32, #tpu.memory_space<vmem>>)
      tpu.yield
    }) : () -> ()
    %barrier3A = arith.constant 0 : index
    tpu.barrier barrier_id(%barrier3A)
    %scan3A_13 = arith.constant 0 : i32
    %scan3A_14 = arith.constant 0 : i32
    %scan3A_15 = arith.constant 1 : i32
    %scan3A_16 = arith.constant 0 : i32
    %scan3A_17 = arith.constant 5 : i32
    %scan3A_18 = arith.addi %scan3A_16, %scan3A_17 : i32
    %scan3A_19 = arith.constant 1 : i32
    scf.for %scan3A_24 = %scan3A_16 to %scan3A_18 step %scan3A_19  : i32 {
      %mul3A_25 = arith.constant 2 : i32
      %mul3A_26 = arith.muli %scan3A_24, %mul3A_25 : i32
      %add3A_27 = arith.constant 0 : i32
      %add3A_28 = arith.addi %mul3A_26, %add3A_27 : i32
      %dma_start3A = arith.constant 0 : i32
      %dma_start3A_29 = arith.constant 0 : i32
      %dma_start3A_30 = tpu.memref_slice %arg8[%scan3A_14, %dma_start3A, %dma_start3A_29] : memref<2x128x128xf32, #tpu.memory_space<vmem>> -> memref<1x128x128xf32, #tpu.memory_space<vmem>>
      %dma_start3A_31 = tpu.memref_squeeze %dma_start3A_30 : memref<1x128x128xf32, #tpu.memory_space<vmem>> -> memref<128x128xf32, #tpu.memory_space<vmem>>
      %dma_start3A_32 = arith.constant 0 : i32
      %dma_start3A_33 = tpu.memref_slice %arg6[%add3A_28, %dma_start3A_32] : memref<10x128xi32, #tpu.memory_space<vmem>> -> memref<1x128xi32, #tpu.memory_space<vmem>>
      %dma_start3A_34 = tpu.memref_squeeze %dma_start3A_33 : memref<1x128xi32, #tpu.memory_space<vmem>> -> memref<128xi32, #tpu.memory_space<vmem>>
      %dma_start3A_35 = arith.constant 0 : i32
      %dma_start3A_36 = arith.constant 0 : i32
      %dma_start3A_37 = tpu.memref_slice %arg2[%dma_start3A_35, %dma_start3A_36] : memref<2560x128xf32, #tpu.memory_space<hbm>> -> memref<2560x128xf32, #tpu.memory_space<hbm>>
      tpu.enqueue_indirect_dma source(%dma_start3A_37 : memref<2560x128xf32, #tpu.memory_space<hbm>>) target(%dma_start3A_31 : memref<128x128xf32, #tpu.memory_space<vmem>>) offsets(%dma_start3A_34 : memref<128xi32, #tpu.memory_space<vmem>>) semaphore(%arg10 : memref<!tpu.dma_semaphore, #tpu.memory_space<semaphore_mem>>)
      %mul3A_38 = arith.constant 2 : i32
      %mul3A_39 = arith.muli %scan3A_24, %mul3A_38 : i32
      %add3A_40 = arith.constant 1 : i32
      %add3A_41 = arith.addi %mul3A_39, %add3A_40 : i32
      %dma_start3A_42 = arith.constant 0 : i32
      %dma_start3A_43 = arith.constant 0 : i32
      %dma_start3A_44 = tpu.memref_slice %arg8[%scan3A_15, %dma_start3A_42, %dma_start3A_43] : memref<2x128x128xf32, #tpu.memory_space<vmem>> -> memref<1x128x128xf32, #tpu.memory_space<vmem>>
      %dma_start3A_45 = tpu.memref_squeeze %dma_start3A_44 : memref<1x128x128xf32, #tpu.memory_space<vmem>> -> memref<128x128xf32, #tpu.memory_space<vmem>>
      %dma_start3A_46 = arith.constant 0 : i32
      %dma_start3A_47 = tpu.memref_slice %arg6[%add3A_41, %dma_start3A_46] : memref<10x128xi32, #tpu.memory_space<vmem>> -> memref<1x128xi32, #tpu.memory_space<vmem>>
      %dma_start3A_48 = tpu.memref_squeeze %dma_start3A_47 : memref<1x128xi32, #tpu.memory_space<vmem>> -> memref<128xi32, #tpu.memory_space<vmem>>
      %dma_start3A_49 = arith.constant 0 : i32
      %dma_start3A_50 = arith.constant 0 : i32
      %dma_start3A_51 = tpu.memref_slice %arg2[%dma_start3A_49, %dma_start3A_50] : memref<2560x128xf32, #tpu.memory_space<hbm>> -> memref<2560x128xf32, #tpu.memory_space<hbm>>
      tpu.enqueue_indirect_dma source(%dma_start3A_51 : memref<2560x128xf32, #tpu.memory_space<hbm>>) target(%dma_start3A_45 : memref<128x128xf32, #tpu.memory_space<vmem>>) offsets(%dma_start3A_48 : memref<128xi32, #tpu.memory_space<vmem>>) semaphore(%arg10 : memref<!tpu.dma_semaphore, #tpu.memory_space<semaphore_mem>>)
      %dma_wait3A = arith.constant 0 : i32
      %dma_wait3A_52 = arith.constant 0 : i32
      %dma_wait3A_53 = tpu.memref_slice %arg8[%scan3A_14, %dma_wait3A, %dma_wait3A_52] : memref<2x128x128xf32, #tpu.memory_space<vmem>> -> memref<1x128x128xf32, #tpu.memory_space<vmem>>
      %dma_wait3A_54 = tpu.memref_squeeze %dma_wait3A_53 : memref<1x128x128xf32, #tpu.memory_space<vmem>> -> memref<128x128xf32, #tpu.memory_space<vmem>>
      %dma_wait3A_55 = arith.constant 0 : i32
      %dma_wait3A_56 = tpu.memref_slice %arg6[%add3A_28, %dma_wait3A_55] : memref<10x128xi32, #tpu.memory_space<vmem>> -> memref<1x128xi32, #tpu.memory_space<vmem>>
      %dma_wait3A_57 = tpu.memref_squeeze %dma_wait3A_56 : memref<1x128xi32, #tpu.memory_space<vmem>> -> memref<128xi32, #tpu.memory_space<vmem>>
      %dma_wait3A_58 = arith.constant 0 : i32
      %dma_wait3A_59 = arith.constant 0 : i32
      %dma_wait3A_60 = tpu.memref_slice %arg2[%dma_wait3A_58, %dma_wait3A_59] : memref<2560x128xf32, #tpu.memory_space<hbm>> -> memref<2560x128xf32, #tpu.memory_space<hbm>>
      tpu.wait_indirect_dma semaphore(%arg10 : memref<!tpu.dma_semaphore, #tpu.memory_space<semaphore_mem>>) src(%dma_wait3A_60 : memref<2560x128xf32, #tpu.memory_space<hbm>>) dst(%dma_wait3A_54 : memref<128x128xf32, #tpu.memory_space<vmem>>)
      %mul3A_61 = arith.constant 2 : i32
      %mul3A_62 = arith.muli %scan3A_24, %mul3A_61 : i32
      %add3A_63 = arith.constant 0 : i32
      %add3A_64 = arith.addi %mul3A_62, %add3A_63 : i32
      %dma_start3A_65 = arith.constant 0 : i32
      %dma_start3A_66 = arith.constant 0 : i32
      %dma_start3A_67 = tpu.memref_slice %arg8[%scan3A_14, %dma_start3A_65, %dma_start3A_66] : memref<2x128x128xf32, #tpu.memory_space<vmem>> -> memref<1x128x128xf32, #tpu.memory_space<vmem>>
      %dma_start3A_68 = tpu.memref_squeeze %dma_start3A_67 : memref<1x128x128xf32, #tpu.memory_space<vmem>> -> memref<128x128xf32, #tpu.memory_space<vmem>>
      %dma_start3A_69 = arith.constant 0 : i32
      %dma_start3A_70 = tpu.memref_slice %arg7[%add3A_64, %dma_start3A_69] : memref<10x128xi32, #tpu.memory_space<vmem>> -> memref<1x128xi32, #tpu.memory_space<vmem>>
      %dma_start3A_71 = tpu.memref_squeeze %dma_start3A_70 : memref<1x128xi32, #tpu.memory_space<vmem>> -> memref<128xi32, #tpu.memory_space<vmem>>
      %dma_start3A_72 = arith.constant 0 : i32
      %dma_start3A_73 = arith.constant 0 : i32
      %dma_start3A_74 = tpu.memref_slice %arg9[%dma_start3A_72, %dma_start3A_73] : memref<2560x128xf32, #tpu.memory_space<vmem_shared>> -> memref<2560x128xf32, #tpu.memory_space<vmem_shared>>
      tpu.enqueue_indirect_dma source(%dma_start3A_68 : memref<128x128xf32, #tpu.memory_space<vmem>>) target(%dma_start3A_74 : memref<2560x128xf32, #tpu.memory_space<vmem_shared>>) offsets(%dma_start3A_71 : memref<128xi32, #tpu.memory_space<vmem>>) semaphore(%arg11 : memref<!tpu.dma_semaphore, #tpu.memory_space<semaphore_mem>>) {add = true}
      %dma_wait3A_75 = arith.constant 0 : i32
      %dma_wait3A_76 = arith.constant 0 : i32
      %dma_wait3A_77 = tpu.memref_slice %arg8[%scan3A_15, %dma_wait3A_75, %dma_wait3A_76] : memref<2x128x128xf32, #tpu.memory_space<vmem>> -> memref<1x128x128xf32, #tpu.memory_space<vmem>>
      %dma_wait3A_78 = tpu.memref_squeeze %dma_wait3A_77 : memref<1x128x128xf32, #tpu.memory_space<vmem>> -> memref<128x128xf32, #tpu.memory_space<vmem>>
      %dma_wait3A_79 = arith.constant 0 : i32
      %dma_wait3A_80 = tpu.memref_slice %arg6[%add3A_41, %dma_wait3A_79] : memref<10x128xi32, #tpu.memory_space<vmem>> -> memref<1x128xi32, #tpu.memory_space<vmem>>
      %dma_wait3A_81 = tpu.memref_squeeze %dma_wait3A_80 : memref<1x128xi32, #tpu.memory_space<vmem>> -> memref<128xi32, #tpu.memory_space<vmem>>
      %dma_wait3A_82 = arith.constant 0 : i32
      %dma_wait3A_83 = arith.constant 0 : i32
      %dma_wait3A_84 = tpu.memref_slice %arg2[%dma_wait3A_82, %dma_wait3A_83] : memref<2560x128xf32, #tpu.memory_space<hbm>> -> memref<2560x128xf32, #tpu.memory_space<hbm>>
      tpu.wait_indirect_dma semaphore(%arg10 : memref<!tpu.dma_semaphore, #tpu.memory_space<semaphore_mem>>) src(%dma_wait3A_84 : memref<2560x128xf32, #tpu.memory_space<hbm>>) dst(%dma_wait3A_78 : memref<128x128xf32, #tpu.memory_space<vmem>>)
      %mul3A_85 = arith.constant 2 : i32
      %mul3A_86 = arith.muli %scan3A_24, %mul3A_85 : i32
      %add3A_87 = arith.constant 1 : i32
      %add3A_88 = arith.addi %mul3A_86, %add3A_87 : i32
      %dma_start3A_89 = arith.constant 0 : i32
      %dma_start3A_90 = arith.constant 0 : i32
      %dma_start3A_91 = tpu.memref_slice %arg8[%scan3A_15, %dma_start3A_89, %dma_start3A_90] : memref<2x128x128xf32, #tpu.memory_space<vmem>> -> memref<1x128x128xf32, #tpu.memory_space<vmem>>
      %dma_start3A_92 = tpu.memref_squeeze %dma_start3A_91 : memref<1x128x128xf32, #tpu.memory_space<vmem>> -> memref<128x128xf32, #tpu.memory_space<vmem>>
      %dma_start3A_93 = arith.constant 0 : i32
      %dma_start3A_94 = tpu.memref_slice %arg7[%add3A_88, %dma_start3A_93] : memref<10x128xi32, #tpu.memory_space<vmem>> -> memref<1x128xi32, #tpu.memory_space<vmem>>
      %dma_start3A_95 = tpu.memref_squeeze %dma_start3A_94 : memref<1x128xi32, #tpu.memory_space<vmem>> -> memref<128xi32, #tpu.memory_space<vmem>>
      %dma_start3A_96 = arith.constant 0 : i32
      %dma_start3A_97 = arith.constant 0 : i32
      %dma_start3A_98 = tpu.memref_slice %arg9[%dma_start3A_96, %dma_start3A_97] : memref<2560x128xf32, #tpu.memory_space<vmem_shared>> -> memref<2560x128xf32, #tpu.memory_space<vmem_shared>>
      tpu.enqueue_indirect_dma source(%dma_start3A_92 : memref<128x128xf32, #tpu.memory_space<vmem>>) target(%dma_start3A_98 : memref<2560x128xf32, #tpu.memory_space<vmem_shared>>) offsets(%dma_start3A_95 : memref<128xi32, #tpu.memory_space<vmem>>) semaphore(%arg11 : memref<!tpu.dma_semaphore, #tpu.memory_space<semaphore_mem>>) {add = true}
      %dma_wait3A_99 = arith.constant 0 : i32
      %dma_wait3A_100 = arith.constant 0 : i32
      %dma_wait3A_101 = tpu.memref_slice %arg8[%scan3A_14, %dma_wait3A_99, %dma_wait3A_100] : memref<2x128x128xf32, #tpu.memory_space<vmem>> -> memref<1x128x128xf32, #tpu.memory_space<vmem>>
      %dma_wait3A_102 = tpu.memref_squeeze %dma_wait3A_101 : memref<1x128x128xf32, #tpu.memory_space<vmem>> -> memref<128x128xf32, #tpu.memory_space<vmem>>
      %dma_wait3A_103 = arith.constant 0 : i32
      %dma_wait3A_104 = tpu.memref_slice %arg7[%add3A_64, %dma_wait3A_103] : memref<10x128xi32, #tpu.memory_space<vmem>> -> memref<1x128xi32, #tpu.memory_space<vmem>>
      %dma_wait3A_105 = tpu.memref_squeeze %dma_wait3A_104 : memref<1x128xi32, #tpu.memory_space<vmem>> -> memref<128xi32, #tpu.memory_space<vmem>>
      %dma_wait3A_106 = arith.constant 0 : i32
      %dma_wait3A_107 = arith.constant 0 : i32
      %dma_wait3A_108 = tpu.memref_slice %arg9[%dma_wait3A_106, %dma_wait3A_107] : memref<2560x128xf32, #tpu.memory_space<vmem_shared>> -> memref<2560x128xf32, #tpu.memory_space<vmem_shared>>
      tpu.wait_indirect_dma semaphore(%arg11 : memref<!tpu.dma_semaphore, #tpu.memory_space<semaphore_mem>>) src(%dma_wait3A_102 : memref<128x128xf32, #tpu.memory_space<vmem>>) dst(%dma_wait3A_108 : memref<2560x128xf32, #tpu.memory_space<vmem_shared>>)
      %dma_wait3A_109 = arith.constant 0 : i32
      %dma_wait3A_110 = arith.constant 0 : i32
      %dma_wait3A_111 = tpu.memref_slice %arg8[%scan3A_15, %dma_wait3A_109, %dma_wait3A_110] : memref<2x128x128xf32, #tpu.memory_space<vmem>> -> memref<1x128x128xf32, #tpu.memory_space<vmem>>
      %dma_wait3A_112 = tpu.memref_squeeze %dma_wait3A_111 : memref<1x128x128xf32, #tpu.memory_space<vmem>> -> memref<128x128xf32, #tpu.memory_space<vmem>>
      %dma_wait3A_113 = arith.constant 0 : i32
      %dma_wait3A_114 = tpu.memref_slice %arg7[%add3A_88, %dma_wait3A_113] : memref<10x128xi32, #tpu.memory_space<vmem>> -> memref<1x128xi32, #tpu.memory_space<vmem>>
      %dma_wait3A_115 = tpu.memref_squeeze %dma_wait3A_114 : memref<1x128xi32, #tpu.memory_space<vmem>> -> memref<128xi32, #tpu.memory_space<vmem>>
      %dma_wait3A_116 = arith.constant 0 : i32
      %dma_wait3A_117 = arith.constant 0 : i32
      %dma_wait3A_118 = tpu.memref_slice %arg9[%dma_wait3A_116, %dma_wait3A_117] : memref<2560x128xf32, #tpu.memory_space<vmem_shared>> -> memref<2560x128xf32, #tpu.memory_space<vmem_shared>>
      tpu.wait_indirect_dma semaphore(%arg11 : memref<!tpu.dma_semaphore, #tpu.memory_space<semaphore_mem>>) src(%dma_wait3A_112 : memref<128x128xf32, #tpu.memory_space<vmem>>) dst(%dma_wait3A_118 : memref<2560x128xf32, #tpu.memory_space<vmem_shared>>)
    }
    %scan3A_20 = arith.constant 5 : i32
    %barrier3A_21 = arith.constant 0 : index
    tpu.barrier barrier_id(%barrier3A_21)
    %mul3A_22 = arith.constant 160 : i32
    %mul3A_23 = arith.muli %arg1, %mul3A_22 : i32
    "tpu.region"() ({
      %run_scoped3A = tpu.sem_alloc : memref<!tpu.dma_semaphore, #tpu.memory_space<semaphore_mem>>
      %dma_start3A = arith.constant 0 : i32
      %dma_start3A_24 = tpu.memref_slice %arg5[%arg0, %mul3A_23, %dma_start3A] : memref<2x2560x128xf32, #tpu.memory_space<hbm>> -> memref<1x160x128xf32, #tpu.memory_space<hbm>>
      %dma_start3A_25 = tpu.memref_squeeze %dma_start3A_24 : memref<1x160x128xf32, #tpu.memory_space<hbm>> -> memref<160x128xf32, #tpu.memory_space<hbm>>
      %dma_start3A_26 = arith.constant 0 : i32
      %dma_start3A_27 = tpu.memref_slice %arg9[%mul3A_23, %dma_start3A_26] : memref<2560x128xf32, #tpu.memory_space<vmem_shared>> -> memref<160x128xf32, #tpu.memory_space<vmem_shared>>
      tpu.enqueue_dma source(%dma_start3A_27 : memref<160x128xf32, #tpu.memory_space<vmem_shared>>) target(%dma_start3A_25 : memref<160x128xf32, #tpu.memory_space<hbm>>) target_semaphore(%run_scoped3A : memref<!tpu.dma_semaphore, #tpu.memory_space<semaphore_mem>>)
      %dma_wait3A = arith.constant 0 : i32
      %dma_wait3A_28 = tpu.memref_slice %arg5[%arg0, %mul3A_23, %dma_wait3A] : memref<2x2560x128xf32, #tpu.memory_space<hbm>> -> memref<1x160x128xf32, #tpu.memory_space<hbm>>
      %dma_wait3A_29 = tpu.memref_squeeze %dma_wait3A_28 : memref<1x160x128xf32, #tpu.memory_space<hbm>> -> memref<160x128xf32, #tpu.memory_space<hbm>>
      %dma_wait3A_30 = arith.constant 0 : i32
      %dma_wait3A_31 = tpu.memref_slice %arg9[%mul3A_23, %dma_wait3A_30] : memref<2560x128xf32, #tpu.memory_space<vmem_shared>> -> memref<160x128xf32, #tpu.memory_space<vmem_shared>>
      tpu.wait_dma2 semaphore(%run_scoped3A : memref<!tpu.dma_semaphore, #tpu.memory_space<semaphore_mem>>) src(%dma_wait3A_31 : memref<160x128xf32, #tpu.memory_space<vmem_shared>>) dst(%dma_wait3A_29 : memref<160x128xf32, #tpu.memory_space<hbm>>)
      tpu.yield
    }) : () -> ()
    return
  }
}

module attributes {stable_mosaic.version = 14 : i64} {
  func.func @body(%arg0: i32, %arg1: memref<2560x128xf32, #tpu.memory_space<vmem>>, %arg2: memref<2x2560x128xf32, #tpu.memory_space<vmem>>, %arg3: memref<128x128xf32, #tpu.memory_space<vmem>>, %arg4: memref<1x128xf32, #tpu.memory_space<vmem>>, %arg5: memref<128x128xf32, #tpu.memory_space<vmem>>, %arg6: memref<128x128xf32, #tpu.memory_space<vmem>>, %arg7: memref<2560x128xf32, #tpu.memory_space<vmem>>, %arg8: memref<2560x128xf32, #tpu.memory_space<vmem>>, %arg9: memref<2560x128xf32, #tpu.memory_space<vmem>>) attributes {dimension_semantics = [#tpu.dimension_semantics<arbitrary>], iteration_bounds = array<i64: 1>, scalar_prefetch = 0 : i64, scratch_operands = 0 : i64, tpu.core_type = #tpu.core_type<tc>, window_params = [{transform_indices = @transform_0, window_bounds = array<i64: 2560, 128>}, {transform_indices = @transform_1, window_bounds = array<i64: 2, 2560, 128>}, {pipeline_mode = #tpu.pipeline_mode<synchronous>, transform_indices = @transform_2, window_bounds = array<i64: 128, 128>}, {pipeline_mode = #tpu.pipeline_mode<synchronous>, transform_indices = @transform_3, window_bounds = array<i64: 1, 128>}, {pipeline_mode = #tpu.pipeline_mode<synchronous>, transform_indices = @transform_4, window_bounds = array<i64: 128, 128>}, {pipeline_mode = #tpu.pipeline_mode<synchronous>, transform_indices = @transform_5, window_bounds = array<i64: 128, 128>}, {transform_indices = @transform_6, window_bounds = array<i64: 2560, 128>}, {transform_indices = @transform_7, window_bounds = array<i64: 2560, 128>}, {transform_indices = @transform_8, window_bounds = array<i64: 2560, 128>}]} {
    %get3A = arith.constant 0 : index
    %get3A_0 = arith.constant 0 : index
    %get3A_1 = vector.load %arg1[%get3A, %get3A_0] : memref<2560x128xf32, #tpu.memory_space<vmem>>, vector<2560x128xf32>
    %ne3A = arith.cmpf one, %get3A_1, %get3A_1 : vector<2560x128xf32>
    %jit3A = arith.constant 0.000000e+00 : f32
    %broadcast_in_dim3A = vector.broadcast %jit3A : f32 to vector<2560x128xf32>
    %select_n3A = arith.select %ne3A, %broadcast_in_dim3A, %get3A_1 : vector<2560x128xi1>, vector<2560x128xf32>
    %eq3A = arith.constant 0x7F800000 : f32
    %eq3A_2 = vector.broadcast %eq3A : f32 to vector<2560x128xf32>
    %eq3A_3 = arith.cmpf oeq, %select_n3A, %eq3A_2 : vector<2560x128xf32>
    %jit3A_4 = arith.constant 3.40282347E+38 : f32
    %broadcast_in_dim3A_5 = vector.broadcast %jit3A_4 : f32 to vector<2560x128xf32>
    %select_n3A_6 = arith.select %eq3A_3, %broadcast_in_dim3A_5, %select_n3A : vector<2560x128xi1>, vector<2560x128xf32>
    %eq3A_7 = arith.constant 0xFF800000 : f32
    %eq3A_8 = vector.broadcast %eq3A_7 : f32 to vector<2560x128xf32>
    %eq3A_9 = arith.cmpf oeq, %select_n3A_6, %eq3A_8 : vector<2560x128xf32>
    %jit3A_10 = arith.constant -3.40282347E+38 : f32
    %broadcast_in_dim3A_11 = vector.broadcast %jit3A_10 : f32 to vector<2560x128xf32>
    %select_n3A_12 = arith.select %eq3A_9, %broadcast_in_dim3A_11, %select_n3A_6 : vector<2560x128xi1>, vector<2560x128xf32>
    %get3A_13 = arith.constant 0 : index
    %get3A_14 = arith.constant 0 : index
    %get3A_15 = vector.load %arg3[%get3A_13, %get3A_14] : memref<128x128xf32, #tpu.memory_space<vmem>>, vector<128x128xf32>
    %dot_general3A = arith.constant dense<0.000000e+00> : vector<2560x128xf32>
    %dot_general3A_16 = tpu.matmul %select_n3A_12, %get3A_15, %dot_general3A {dimension_numbers = #tpu.dot_dimension_numbers<[1], [0], [0], [1], [0, 0, 1, 1], [], []>, transpose_lhs_hint = false} : vector<2560x128xf32>, vector<128x128xf32>, vector<2560x128xf32> -> vector<2560x128xf32>
    %get3A_17 = arith.constant 0 : index
    %get3A_18 = arith.constant 0 : index
    %get3A_19 = vector.load %arg4[%get3A_17, %get3A_18] : memref<1x128xf32, #tpu.memory_space<vmem>>, vector<1x128xf32>
    %add3A = vector.broadcast %get3A_19 : vector<1x128xf32> to vector<2560x128xf32>
    %add3A_20 = arith.addf %dot_general3A_16, %add3A : vector<2560x128xf32>
    %swap3A = arith.constant 0 : index
    %swap3A_21 = arith.constant 0 : index
    %swap3A_22 = vector.load %arg7[%swap3A, %swap3A_21] : memref<2560x128xf32, #tpu.memory_space<vmem>>, vector<2560x128xf32>
    tpu.vector_store %arg7[%swap3A, %swap3A_21], %add3A_20 {strides = array<i32>} : memref<2560x128xf32, #tpu.memory_space<vmem>>, vector<2560x128xf32>,
    %get3A_23 = arith.constant 0 : index
    %get3A_24 = arith.constant 0 : index
    %get3A_25 = arith.constant 0 : index
    %get3A_26 = vector.load %arg2[%get3A_23, %get3A_24, %get3A_25] : memref<2x2560x128xf32, #tpu.memory_space<vmem>>, vector<1x2560x128xf32>
    %get3A_27 = vector.shape_cast %get3A_26 : vector<1x2560x128xf32> to vector<2560x128xf32>
    %get3A_28 = arith.constant 1 : index
    %get3A_29 = arith.constant 0 : index
    %get3A_30 = arith.constant 0 : index
    %get3A_31 = vector.load %arg2[%get3A_28, %get3A_29, %get3A_30] : memref<2x2560x128xf32, #tpu.memory_space<vmem>>, vector<1x2560x128xf32>
    %get3A_32 = vector.shape_cast %get3A_31 : vector<1x2560x128xf32> to vector<2560x128xf32>
    %add3A_33 = arith.addf %get3A_27, %get3A_32 : vector<2560x128xf32>
    %get3A_34 = arith.constant 0 : index
    %get3A_35 = arith.constant 0 : index
    %get3A_36 = vector.load %arg5[%get3A_34, %get3A_35] : memref<128x128xf32, #tpu.memory_space<vmem>>, vector<128x128xf32>
    %dot_general3A_37 = arith.constant dense<0.000000e+00> : vector<2560x128xf32>
    %dot_general3A_38 = tpu.matmul %add3A_33, %get3A_36, %dot_general3A_37 {dimension_numbers = #tpu.dot_dimension_numbers<[1], [0], [0], [1], [0, 0, 1, 1], [], []>, transpose_lhs_hint = false} : vector<2560x128xf32>, vector<128x128xf32>, vector<2560x128xf32> -> vector<2560x128xf32>
    %swap3A_39 = arith.constant 0 : index
    %swap3A_40 = arith.constant 0 : index
    %swap3A_41 = vector.load %arg8[%swap3A_39, %swap3A_40] : memref<2560x128xf32, #tpu.memory_space<vmem>>, vector<2560x128xf32>
    tpu.vector_store %arg8[%swap3A_39, %swap3A_40], %dot_general3A_38 {strides = array<i32>} : memref<2560x128xf32, #tpu.memory_space<vmem>>, vector<2560x128xf32>,
    %get3A_42 = arith.constant 0 : index
    %get3A_43 = arith.constant 0 : index
    %get3A_44 = vector.load %arg6[%get3A_42, %get3A_43] : memref<128x128xf32, #tpu.memory_space<vmem>>, vector<128x128xf32>
    %dot_general3A_45 = arith.constant dense<0.000000e+00> : vector<2560x128xf32>
    %dot_general3A_46 = tpu.matmul %add3A_33, %get3A_44, %dot_general3A_45 {dimension_numbers = #tpu.dot_dimension_numbers<[1], [0], [0], [1], [0, 0, 1, 1], [], []>, transpose_lhs_hint = false} : vector<2560x128xf32>, vector<128x128xf32>, vector<2560x128xf32> -> vector<2560x128xf32>
    %swap3A_47 = arith.constant 0 : index
    %swap3A_48 = arith.constant 0 : index
    %swap3A_49 = vector.load %arg9[%swap3A_47, %swap3A_48] : memref<2560x128xf32, #tpu.memory_space<vmem>>, vector<2560x128xf32>
    tpu.vector_store %arg9[%swap3A_47, %swap3A_48], %dot_general3A_46 {strides = array<i32>} : memref<2560x128xf32, #tpu.memory_space<vmem>>, vector<2560x128xf32>,
    return
  }
  func.func @transform_0(%arg0: i32) -> (i32, i32) {
    %c0_i32 = arith.constant 0 : i32
    %c0_i32_0 = arith.constant 0 : i32
    return %arg0, %c0_i32 : i32, i32
  }
  func.func @transform_1(%arg0: i32) -> (i32, i32, i32) {
    %c0_i32 = arith.constant 0 : i32
    %c0_i32_0 = arith.constant 0 : i32
    %c0_i32_1 = arith.constant 0 : i32
    return %c0_i32, %arg0, %c0_i32_0 : i32, i32, i32
  }
  func.func @transform_2(%arg0: i32) -> (i32, i32) {
    %c0_i32 = arith.constant 0 : i32
    %c0_i32_0 = arith.constant 0 : i32
    %c0_i32_1 = arith.constant 0 : i32
    return %c0_i32, %c0_i32_0 : i32, i32
  }
  func.func @transform_3(%arg0: i32) -> (i32, i32) {
    %c0_i32 = arith.constant 0 : i32
    %c0_i32_0 = arith.constant 0 : i32
    %c0_i32_1 = arith.constant 0 : i32
    return %c0_i32, %c0_i32_0 : i32, i32
  }
  func.func @transform_4(%arg0: i32) -> (i32, i32) {
    %c0_i32 = arith.constant 0 : i32
    %c0_i32_0 = arith.constant 0 : i32
    %c0_i32_1 = arith.constant 0 : i32
    return %c0_i32, %c0_i32_0 : i32, i32
  }
  func.func @transform_5(%arg0: i32) -> (i32, i32) {
    %c0_i32 = arith.constant 0 : i32
    %c0_i32_0 = arith.constant 0 : i32
    %c0_i32_1 = arith.constant 0 : i32
    return %c0_i32, %c0_i32_0 : i32, i32
  }
  func.func @transform_6(%arg0: i32) -> (i32, i32) {
    %c0_i32 = arith.constant 0 : i32
    %c0_i32_0 = arith.constant 0 : i32
    return %arg0, %c0_i32 : i32, i32
  }
  func.func @transform_7(%arg0: i32) -> (i32, i32) {
    %c0_i32 = arith.constant 0 : i32
    %c0_i32_0 = arith.constant 0 : i32
    return %arg0, %c0_i32 : i32, i32
  }
  func.func @transform_8(%arg0: i32) -> (i32, i32) {
    %c0_i32 = arith.constant 0 : i32
    %c0_i32_0 = arith.constant 0 : i32
    return %arg0, %c0_i32 : i32, i32
  }
}

module attributes {stable_mosaic.version = 14 : i64} {
  func.func @body(%arg0: i32, %arg1: memref<2048x128xf32, #tpu.memory_space<vmem>>, %arg2: memref<2x2048x128xf32, #tpu.memory_space<vmem>>, %arg3: memref<128x128xf32, #tpu.memory_space<vmem>>, %arg4: memref<1x128xf32, #tpu.memory_space<vmem>>, %arg5: memref<128x128xf32, #tpu.memory_space<vmem>>, %arg6: memref<128x128xf32, #tpu.memory_space<vmem>>, %arg7: memref<2048x128xf32, #tpu.memory_space<vmem>>, %arg8: memref<2048x128xf32, #tpu.memory_space<vmem>>, %arg9: memref<2048x128xf32, #tpu.memory_space<vmem>>) attributes {dimension_semantics = [#tpu.dimension_semantics<arbitrary>], iteration_bounds = array<i64: 5>, scalar_prefetch = 0 : i64, scratch_operands = 0 : i64, tpu.core_type = #tpu.core_type<tc>, window_params = [{transform_indices = @transform_0, window_bounds = array<i64: 2048, 128>}, {transform_indices = @transform_1, window_bounds = array<i64: 2, 2048, 128>}, {pipeline_mode = #tpu.pipeline_mode<synchronous>, transform_indices = @transform_2, window_bounds = array<i64: 128, 128>}, {pipeline_mode = #tpu.pipeline_mode<synchronous>, transform_indices = @transform_3, window_bounds = array<i64: 1, 128>}, {pipeline_mode = #tpu.pipeline_mode<synchronous>, transform_indices = @transform_4, window_bounds = array<i64: 128, 128>}, {pipeline_mode = #tpu.pipeline_mode<synchronous>, transform_indices = @transform_5, window_bounds = array<i64: 128, 128>}, {transform_indices = @transform_6, window_bounds = array<i64: 2048, 128>}, {transform_indices = @transform_7, window_bounds = array<i64: 2048, 128>}, {transform_indices = @transform_8, window_bounds = array<i64: 2048, 128>}]} {
    %get3A = arith.constant 0 : index
    %get3A_0 = arith.constant 0 : index
    %get3A_1 = vector.load %arg1[%get3A, %get3A_0] : memref<2048x128xf32, #tpu.memory_space<vmem>>, vector<2048x128xf32>
    %ne3A = arith.cmpf one, %get3A_1, %get3A_1 : vector<2048x128xf32>
    %jit3A = arith.constant 0.000000e+00 : f32
    %broadcast_in_dim3A = vector.broadcast %jit3A : f32 to vector<2048x128xf32>
    %select_n3A = arith.select %ne3A, %broadcast_in_dim3A, %get3A_1 : vector<2048x128xi1>, vector<2048x128xf32>
    %eq3A = arith.constant 0x7F800000 : f32
    %eq3A_2 = vector.broadcast %eq3A : f32 to vector<2048x128xf32>
    %eq3A_3 = arith.cmpf oeq, %select_n3A, %eq3A_2 : vector<2048x128xf32>
    %jit3A_4 = arith.constant 3.40282347E+38 : f32
    %broadcast_in_dim3A_5 = vector.broadcast %jit3A_4 : f32 to vector<2048x128xf32>
    %select_n3A_6 = arith.select %eq3A_3, %broadcast_in_dim3A_5, %select_n3A : vector<2048x128xi1>, vector<2048x128xf32>
    %eq3A_7 = arith.constant 0xFF800000 : f32
    %eq3A_8 = vector.broadcast %eq3A_7 : f32 to vector<2048x128xf32>
    %eq3A_9 = arith.cmpf oeq, %select_n3A_6, %eq3A_8 : vector<2048x128xf32>
    %jit3A_10 = arith.constant -3.40282347E+38 : f32
    %broadcast_in_dim3A_11 = vector.broadcast %jit3A_10 : f32 to vector<2048x128xf32>
    %select_n3A_12 = arith.select %eq3A_9, %broadcast_in_dim3A_11, %select_n3A_6 : vector<2048x128xi1>, vector<2048x128xf32>
    %get3A_13 = arith.constant 0 : index
    %get3A_14 = arith.constant 0 : index
    %get3A_15 = vector.load %arg3[%get3A_13, %get3A_14] : memref<128x128xf32, #tpu.memory_space<vmem>>, vector<128x128xf32>
    %dot_general3A = arith.constant dense<0.000000e+00> : vector<2048x128xf32>
    %dot_general3A_16 = tpu.matmul %select_n3A_12, %get3A_15, %dot_general3A {dimension_numbers = #tpu.dot_dimension_numbers<[1], [0], [0], [1], [0, 0, 1, 1], [], []>, transpose_lhs_hint = false} : vector<2048x128xf32>, vector<128x128xf32>, vector<2048x128xf32> -> vector<2048x128xf32>
    %get3A_17 = arith.constant 0 : index
    %get3A_18 = arith.constant 0 : index
    %get3A_19 = vector.load %arg4[%get3A_17, %get3A_18] : memref<1x128xf32, #tpu.memory_space<vmem>>, vector<1x128xf32>
    %add3A = vector.broadcast %get3A_19 : vector<1x128xf32> to vector<2048x128xf32>
    %add3A_20 = arith.addf %dot_general3A_16, %add3A : vector<2048x128xf32>
    %swap3A = arith.constant 0 : index
    %swap3A_21 = arith.constant 0 : index
    %swap3A_22 = vector.load %arg7[%swap3A, %swap3A_21] : memref<2048x128xf32, #tpu.memory_space<vmem>>, vector<2048x128xf32>
    tpu.vector_store %arg7[%swap3A, %swap3A_21], %add3A_20 {strides = array<i32>} : memref<2048x128xf32, #tpu.memory_space<vmem>>, vector<2048x128xf32>,
    %get3A_23 = arith.constant 0 : index
    %get3A_24 = arith.constant 0 : index
    %get3A_25 = arith.constant 0 : index
    %get3A_26 = vector.load %arg2[%get3A_23, %get3A_24, %get3A_25] : memref<2x2048x128xf32, #tpu.memory_space<vmem>>, vector<1x2048x128xf32>
    %get3A_27 = vector.shape_cast %get3A_26 : vector<1x2048x128xf32> to vector<2048x128xf32>
    %get3A_28 = arith.constant 1 : index
    %get3A_29 = arith.constant 0 : index
    %get3A_30 = arith.constant 0 : index
    %get3A_31 = vector.load %arg2[%get3A_28, %get3A_29, %get3A_30] : memref<2x2048x128xf32, #tpu.memory_space<vmem>>, vector<1x2048x128xf32>
    %get3A_32 = vector.shape_cast %get3A_31 : vector<1x2048x128xf32> to vector<2048x128xf32>
    %add3A_33 = arith.addf %get3A_27, %get3A_32 : vector<2048x128xf32>
    %get3A_34 = arith.constant 0 : index
    %get3A_35 = arith.constant 0 : index
    %get3A_36 = vector.load %arg5[%get3A_34, %get3A_35] : memref<128x128xf32, #tpu.memory_space<vmem>>, vector<128x128xf32>
    %dot_general3A_37 = arith.constant dense<0.000000e+00> : vector<2048x128xf32>
    %dot_general3A_38 = tpu.matmul %add3A_33, %get3A_36, %dot_general3A_37 {dimension_numbers = #tpu.dot_dimension_numbers<[1], [0], [0], [1], [0, 0, 1, 1], [], []>, transpose_lhs_hint = false} : vector<2048x128xf32>, vector<128x128xf32>, vector<2048x128xf32> -> vector<2048x128xf32>
    %swap3A_39 = arith.constant 0 : index
    %swap3A_40 = arith.constant 0 : index
    %swap3A_41 = vector.load %arg8[%swap3A_39, %swap3A_40] : memref<2048x128xf32, #tpu.memory_space<vmem>>, vector<2048x128xf32>
    tpu.vector_store %arg8[%swap3A_39, %swap3A_40], %dot_general3A_38 {strides = array<i32>} : memref<2048x128xf32, #tpu.memory_space<vmem>>, vector<2048x128xf32>,
    %get3A_42 = arith.constant 0 : index
    %get3A_43 = arith.constant 0 : index
    %get3A_44 = vector.load %arg6[%get3A_42, %get3A_43] : memref<128x128xf32, #tpu.memory_space<vmem>>, vector<128x128xf32>
    %dot_general3A_45 = arith.constant dense<0.000000e+00> : vector<2048x128xf32>
    %dot_general3A_46 = tpu.matmul %add3A_33, %get3A_44, %dot_general3A_45 {dimension_numbers = #tpu.dot_dimension_numbers<[1], [0], [0], [1], [0, 0, 1, 1], [], []>, transpose_lhs_hint = false} : vector<2048x128xf32>, vector<128x128xf32>, vector<2048x128xf32> -> vector<2048x128xf32>
    %swap3A_47 = arith.constant 0 : index
    %swap3A_48 = arith.constant 0 : index
    %swap3A_49 = vector.load %arg9[%swap3A_47, %swap3A_48] : memref<2048x128xf32, #tpu.memory_space<vmem>>, vector<2048x128xf32>
    tpu.vector_store %arg9[%swap3A_47, %swap3A_48], %dot_general3A_46 {strides = array<i32>} : memref<2048x128xf32, #tpu.memory_space<vmem>>, vector<2048x128xf32>,
    return
  }
  func.func @transform_0(%arg0: i32) -> (i32, i32) {
    %c0_i32 = arith.constant 0 : i32
    %c0_i32_0 = arith.constant 0 : i32
    return %arg0, %c0_i32 : i32, i32
  }
  func.func @transform_1(%arg0: i32) -> (i32, i32, i32) {
    %c0_i32 = arith.constant 0 : i32
    %c0_i32_0 = arith.constant 0 : i32
    %c0_i32_1 = arith.constant 0 : i32
    return %c0_i32, %arg0, %c0_i32_0 : i32, i32, i32
  }
  func.func @transform_2(%arg0: i32) -> (i32, i32) {
    %c0_i32 = arith.constant 0 : i32
    %c0_i32_0 = arith.constant 0 : i32
    %c0_i32_1 = arith.constant 0 : i32
    return %c0_i32, %c0_i32_0 : i32, i32
  }
  func.func @transform_3(%arg0: i32) -> (i32, i32) {
    %c0_i32 = arith.constant 0 : i32
    %c0_i32_0 = arith.constant 0 : i32
    %c0_i32_1 = arith.constant 0 : i32
    return %c0_i32, %c0_i32_0 : i32, i32
  }
  func.func @transform_4(%arg0: i32) -> (i32, i32) {
    %c0_i32 = arith.constant 0 : i32
    %c0_i32_0 = arith.constant 0 : i32
    %c0_i32_1 = arith.constant 0 : i32
    return %c0_i32, %c0_i32_0 : i32, i32
  }
  func.func @transform_5(%arg0: i32) -> (i32, i32) {
    %c0_i32 = arith.constant 0 : i32
    %c0_i32_0 = arith.constant 0 : i32
    %c0_i32_1 = arith.constant 0 : i32
    return %c0_i32, %c0_i32_0 : i32, i32
  }
  func.func @transform_6(%arg0: i32) -> (i32, i32) {
    %c0_i32 = arith.constant 0 : i32
    %c0_i32_0 = arith.constant 0 : i32
    return %arg0, %c0_i32 : i32, i32
  }
  func.func @transform_7(%arg0: i32) -> (i32, i32) {
    %c0_i32 = arith.constant 0 : i32
    %c0_i32_0 = arith.constant 0 : i32
    return %arg0, %c0_i32 : i32, i32
  }
  func.func @transform_8(%arg0: i32) -> (i32, i32) {
    %c0_i32 = arith.constant 0 : i32
    %c0_i32_0 = arith.constant 0 : i32
    return %arg0, %c0_i32 : i32, i32
  }
}

module attributes {stable_mosaic.version = 14 : i64} {
  func.func @body(%arg0: i32, %arg1: memref<2048x128xf32, #tpu.memory_space<vmem>>, %arg2: memref<2x2048x128xf32, #tpu.memory_space<vmem>>, %arg3: memref<2048x128xf32, #tpu.memory_space<vmem>>, %arg4: memref<2048x128xf32, #tpu.memory_space<vmem>>, %arg5: memref<384x128xf32, #tpu.memory_space<vmem>>, %arg6: memref<1x128xf32, #tpu.memory_space<vmem>>, %arg7: memref<256x128xf32, #tpu.memory_space<vmem>>, %arg8: memref<1x128xf32, #tpu.memory_space<vmem>>, %arg9: memref<2048x128xf32, #tpu.memory_space<vmem>>) attributes {dimension_semantics = [#tpu.dimension_semantics<arbitrary>], iteration_bounds = array<i64: 5>, scalar_prefetch = 0 : i64, scratch_operands = 0 : i64, tpu.core_type = #tpu.core_type<tc>, window_params = [{transform_indices = @transform_0, window_bounds = array<i64: 2048, 128>}, {transform_indices = @transform_1, window_bounds = array<i64: 2, 2048, 128>}, {transform_indices = @transform_2, window_bounds = array<i64: 2048, 128>}, {transform_indices = @transform_3, window_bounds = array<i64: 2048, 128>}, {pipeline_mode = #tpu.pipeline_mode<synchronous>, transform_indices = @transform_4, window_bounds = array<i64: 384, 128>}, {pipeline_mode = #tpu.pipeline_mode<synchronous>, transform_indices = @transform_5, window_bounds = array<i64: 1, 128>}, {pipeline_mode = #tpu.pipeline_mode<synchronous>, transform_indices = @transform_6, window_bounds = array<i64: 256, 128>}, {pipeline_mode = #tpu.pipeline_mode<synchronous>, transform_indices = @transform_7, window_bounds = array<i64: 1, 128>}, {transform_indices = @transform_8, window_bounds = array<i64: 2048, 128>}]} {
    %get3A = arith.constant 0 : index
    %get3A_0 = arith.constant 0 : index
    %get3A_1 = vector.load %arg1[%get3A, %get3A_0] : memref<2048x128xf32, #tpu.memory_space<vmem>>, vector<2048x128xf32>
    %get3A_2 = arith.constant 0 : index
    %get3A_3 = arith.constant 0 : index
    %get3A_4 = vector.load %arg4[%get3A_2, %get3A_3] : memref<2048x128xf32, #tpu.memory_space<vmem>>, vector<2048x128xf32>
    %get3A_5 = arith.constant 0 : index
    %get3A_6 = arith.constant 0 : index
    %get3A_7 = arith.constant 0 : index
    %get3A_8 = vector.load %arg2[%get3A_5, %get3A_6, %get3A_7] : memref<2x2048x128xf32, #tpu.memory_space<vmem>>, vector<1x2048x128xf32>
    %get3A_9 = vector.shape_cast %get3A_8 : vector<1x2048x128xf32> to vector<2048x128xf32>
    %get3A_10 = arith.constant 1 : index
    %get3A_11 = arith.constant 0 : index
    %get3A_12 = arith.constant 0 : index
    %get3A_13 = vector.load %arg2[%get3A_10, %get3A_11, %get3A_12] : memref<2x2048x128xf32, #tpu.memory_space<vmem>>, vector<1x2048x128xf32>
    %get3A_14 = vector.shape_cast %get3A_13 : vector<1x2048x128xf32> to vector<2048x128xf32>
    %add3A = arith.addf %get3A_9, %get3A_14 : vector<2048x128xf32>
    %get3A_15 = arith.constant 0 : index
    %get3A_16 = arith.constant 0 : index
    %get3A_17 = vector.load %arg5[%get3A_15, %get3A_16] : memref<384x128xf32, #tpu.memory_space<vmem>>, vector<128x128xf32>
    %dot_general3A = arith.constant dense<0.000000e+00> : vector<2048x128xf32>
    %dot_general3A_18 = tpu.matmul %add3A, %get3A_17, %dot_general3A {dimension_numbers = #tpu.dot_dimension_numbers<[1], [0], [0], [1], [0, 0, 1, 1], [], []>, transpose_lhs_hint = false} : vector<2048x128xf32>, vector<128x128xf32>, vector<2048x128xf32> -> vector<2048x128xf32>
    %get3A_19 = arith.constant 0 : index
    %get3A_20 = arith.constant 0 : index
    %get3A_21 = vector.load %arg3[%get3A_19, %get3A_20] : memref<2048x128xf32, #tpu.memory_space<vmem>>, vector<2048x128xf32>
    %get3A_22 = arith.constant 128 : index
    %get3A_23 = arith.constant 0 : index
    %get3A_24 = vector.load %arg5[%get3A_22, %get3A_23] : memref<384x128xf32, #tpu.memory_space<vmem>>, vector<128x128xf32>
    %dot_general3A_25 = arith.constant dense<0.000000e+00> : vector<2048x128xf32>
    %dot_general3A_26 = tpu.matmul %get3A_21, %get3A_24, %dot_general3A_25 {dimension_numbers = #tpu.dot_dimension_numbers<[1], [0], [0], [1], [0, 0, 1, 1], [], []>, transpose_lhs_hint = false} : vector<2048x128xf32>, vector<128x128xf32>, vector<2048x128xf32> -> vector<2048x128xf32>
    %add3A_27 = arith.addf %dot_general3A_18, %dot_general3A_26 : vector<2048x128xf32>
    %mul3A = arith.mulf %get3A_4, %get3A_1 : vector<2048x128xf32>
    %get3A_28 = arith.constant 256 : index
    %get3A_29 = arith.constant 0 : index
    %get3A_30 = vector.load %arg5[%get3A_28, %get3A_29] : memref<384x128xf32, #tpu.memory_space<vmem>>, vector<128x128xf32>
    %dot_general3A_31 = arith.constant dense<0.000000e+00> : vector<2048x128xf32>
    %dot_general3A_32 = tpu.matmul %mul3A, %get3A_30, %dot_general3A_31 {dimension_numbers = #tpu.dot_dimension_numbers<[1], [0], [0], [1], [0, 0, 1, 1], [], []>, transpose_lhs_hint = false} : vector<2048x128xf32>, vector<128x128xf32>, vector<2048x128xf32> -> vector<2048x128xf32>
    %add3A_33 = arith.addf %add3A_27, %dot_general3A_32 : vector<2048x128xf32>
    %get3A_34 = arith.constant 0 : index
    %get3A_35 = arith.constant 0 : index
    %get3A_36 = vector.load %arg6[%get3A_34, %get3A_35] : memref<1x128xf32, #tpu.memory_space<vmem>>, vector<1x128xf32>
    %mul3A_37 = vector.broadcast %get3A_36 : vector<1x128xf32> to vector<2048x128xf32>
    %mul3A_38 = arith.mulf %get3A_4, %mul3A_37 : vector<2048x128xf32>
    %add3A_39 = arith.addf %add3A_33, %mul3A_38 : vector<2048x128xf32>
    %div3A = arith.constant 1.000000e+01 : f32
    %div3A_40 = vector.broadcast %div3A : f32 to vector<2048x128xf32>
    %div3A_41 = arith.divf %add3A_39, %div3A_40 : vector<2048x128xf32>
    %get3A_42 = arith.constant 0 : index
    %get3A_43 = arith.constant 0 : index
    %get3A_44 = vector.load %arg7[%get3A_42, %get3A_43] : memref<256x128xf32, #tpu.memory_space<vmem>>, vector<128x128xf32>
    %dot_general3A_45 = arith.constant dense<0.000000e+00> : vector<2048x128xf32>
    %dot_general3A_46 = tpu.matmul %get3A_1, %get3A_44, %dot_general3A_45 {dimension_numbers = #tpu.dot_dimension_numbers<[1], [0], [0], [1], [0, 0, 1, 1], [], []>, transpose_lhs_hint = false} : vector<2048x128xf32>, vector<128x128xf32>, vector<2048x128xf32> -> vector<2048x128xf32>
    %add3A_47 = arith.addf %get3A_1, %dot_general3A_46 : vector<2048x128xf32>
    %get3A_48 = arith.constant 128 : index
    %get3A_49 = arith.constant 0 : index
    %get3A_50 = vector.load %arg7[%get3A_48, %get3A_49] : memref<256x128xf32, #tpu.memory_space<vmem>>, vector<128x128xf32>
    %dot_general3A_51 = arith.constant dense<0.000000e+00> : vector<2048x128xf32>
    %dot_general3A_52 = tpu.matmul %div3A_41, %get3A_50, %dot_general3A_51 {dimension_numbers = #tpu.dot_dimension_numbers<[1], [0], [0], [1], [0, 0, 1, 1], [], []>, transpose_lhs_hint = false} : vector<2048x128xf32>, vector<128x128xf32>, vector<2048x128xf32> -> vector<2048x128xf32>
    %add3A_53 = arith.addf %add3A_47, %dot_general3A_52 : vector<2048x128xf32>
    %get3A_54 = arith.constant 0 : index
    %get3A_55 = arith.constant 0 : index
    %get3A_56 = vector.load %arg8[%get3A_54, %get3A_55] : memref<1x128xf32, #tpu.memory_space<vmem>>, vector<1x128xf32>
    %add3A_57 = vector.broadcast %get3A_56 : vector<1x128xf32> to vector<2048x128xf32>
    %add3A_58 = arith.addf %add3A_53, %add3A_57 : vector<2048x128xf32>
    %swap3A = arith.constant 0 : index
    %swap3A_59 = arith.constant 0 : index
    %swap3A_60 = vector.load %arg9[%swap3A, %swap3A_59] : memref<2048x128xf32, #tpu.memory_space<vmem>>, vector<2048x128xf32>
    tpu.vector_store %arg9[%swap3A, %swap3A_59], %add3A_58 {strides = array<i32>} : memref<2048x128xf32, #tpu.memory_space<vmem>>, vector<2048x128xf32>,
    return
  }
  func.func @transform_0(%arg0: i32) -> (i32, i32) {
    %c0_i32 = arith.constant 0 : i32
    %c0_i32_0 = arith.constant 0 : i32
    return %arg0, %c0_i32 : i32, i32
  }
  func.func @transform_1(%arg0: i32) -> (i32, i32, i32) {
    %c0_i32 = arith.constant 0 : i32
    %c0_i32_0 = arith.constant 0 : i32
    %c0_i32_1 = arith.constant 0 : i32
    return %c0_i32, %arg0, %c0_i32_0 : i32, i32, i32
  }
  func.func @transform_2(%arg0: i32) -> (i32, i32) {
    %c0_i32 = arith.constant 0 : i32
    %c0_i32_0 = arith.constant 0 : i32
    return %arg0, %c0_i32 : i32, i32
  }
  func.func @transform_3(%arg0: i32) -> (i32, i32) {
    %c0_i32 = arith.constant 0 : i32
    %c0_i32_0 = arith.constant 0 : i32
    return %arg0, %c0_i32 : i32, i32
  }
  func.func @transform_4(%arg0: i32) -> (i32, i32) {
    %c0_i32 = arith.constant 0 : i32
    %c0_i32_0 = arith.constant 0 : i32
    %c0_i32_1 = arith.constant 0 : i32
    return %c0_i32, %c0_i32_0 : i32, i32
  }
  func.func @transform_5(%arg0: i32) -> (i32, i32) {
    %c0_i32 = arith.constant 0 : i32
    %c0_i32_0 = arith.constant 0 : i32
    %c0_i32_1 = arith.constant 0 : i32
    return %c0_i32, %c0_i32_0 : i32, i32
  }
  func.func @transform_6(%arg0: i32) -> (i32, i32) {
    %c0_i32 = arith.constant 0 : i32
    %c0_i32_0 = arith.constant 0 : i32
    %c0_i32_1 = arith.constant 0 : i32
    return %c0_i32, %c0_i32_0 : i32, i32
  }
  func.func @transform_7(%arg0: i32) -> (i32, i32) {
    %c0_i32 = arith.constant 0 : i32
    %c0_i32_0 = arith.constant 0 : i32
    %c0_i32_1 = arith.constant 0 : i32
    return %c0_i32, %c0_i32_0 : i32, i32
  }
  func.func @transform_8(%arg0: i32) -> (i32, i32) {
    %c0_i32 = arith.constant 0 : i32
    %c0_i32_0 = arith.constant 0 : i32
    return %arg0, %c0_i32 : i32, i32
  }
}

module attributes {stable_mosaic.version = 14 : i64} {
  func.func @body(%arg0: i32, %arg1: memref<2000x128xf32, #tpu.memory_space<vmem>>, %arg2: memref<2000x16xf32, #tpu.memory_space<vmem>>, %arg3: memref<2000x128xf32, #tpu.memory_space<vmem>>, %arg4: memref<16x128xf32, #tpu.memory_space<vmem>>, %arg5: memref<1x128xf32, #tpu.memory_space<vmem>>, %arg6: memref<384x128xf32, #tpu.memory_space<vmem>>, %arg7: memref<1x128xf32, #tpu.memory_space<vmem>>, %arg8: memref<2000x128xf32, #tpu.memory_space<vmem>>) attributes {dimension_semantics = [#tpu.dimension_semantics<arbitrary>], iteration_bounds = array<i64: 5>, scalar_prefetch = 0 : i64, scratch_operands = 0 : i64, tpu.core_type = #tpu.core_type<tc>, window_params = [{transform_indices = @transform_0, window_bounds = array<i64: 2000, 128>}, {transform_indices = @transform_1, window_bounds = array<i64: 2000, 16>}, {transform_indices = @transform_2, window_bounds = array<i64: 2000, 128>}, {pipeline_mode = #tpu.pipeline_mode<synchronous>, transform_indices = @transform_3, window_bounds = array<i64: 16, 128>}, {pipeline_mode = #tpu.pipeline_mode<synchronous>, transform_indices = @transform_4, window_bounds = array<i64: 1, 128>}, {pipeline_mode = #tpu.pipeline_mode<synchronous>, transform_indices = @transform_5, window_bounds = array<i64: 384, 128>}, {pipeline_mode = #tpu.pipeline_mode<synchronous>, transform_indices = @transform_6, window_bounds = array<i64: 1, 128>}, {transform_indices = @transform_7, window_bounds = array<i64: 2000, 128>}]} {
    %get3A = arith.constant 0 : index
    %get3A_0 = arith.constant 0 : index
    %get3A_1 = vector.load %arg2[%get3A, %get3A_0] : memref<2000x16xf32, #tpu.memory_space<vmem>>, vector<2000x16xf32>
    %ne3A = arith.cmpf one, %get3A_1, %get3A_1 : vector<2000x16xf32>
    %jit3A = arith.constant 0.000000e+00 : f32
    %broadcast_in_dim3A = vector.broadcast %jit3A : f32 to vector<2000x16xf32>
    %select_n3A = arith.select %ne3A, %broadcast_in_dim3A, %get3A_1 : vector<2000x16xi1>, vector<2000x16xf32>
    %eq3A = arith.constant 0x7F800000 : f32
    %eq3A_2 = vector.broadcast %eq3A : f32 to vector<2000x16xf32>
    %eq3A_3 = arith.cmpf oeq, %select_n3A, %eq3A_2 : vector<2000x16xf32>
    %jit3A_4 = arith.constant 3.40282347E+38 : f32
    %broadcast_in_dim3A_5 = vector.broadcast %jit3A_4 : f32 to vector<2000x16xf32>
    %select_n3A_6 = arith.select %eq3A_3, %broadcast_in_dim3A_5, %select_n3A : vector<2000x16xi1>, vector<2000x16xf32>
    %eq3A_7 = arith.constant 0xFF800000 : f32
    %eq3A_8 = vector.broadcast %eq3A_7 : f32 to vector<2000x16xf32>
    %eq3A_9 = arith.cmpf oeq, %select_n3A_6, %eq3A_8 : vector<2000x16xf32>
    %jit3A_10 = arith.constant -3.40282347E+38 : f32
    %broadcast_in_dim3A_11 = vector.broadcast %jit3A_10 : f32 to vector<2000x16xf32>
    %select_n3A_12 = arith.select %eq3A_9, %broadcast_in_dim3A_11, %select_n3A_6 : vector<2000x16xi1>, vector<2000x16xf32>
    %get3A_13 = arith.constant 0 : index
    %get3A_14 = arith.constant 0 : index
    %get3A_15 = vector.load %arg4[%get3A_13, %get3A_14] : memref<16x128xf32, #tpu.memory_space<vmem>>, vector<16x128xf32>
    %dot_general3A = arith.constant dense<0.000000e+00> : vector<2000x128xf32>
    %dot_general3A_16 = tpu.matmul %select_n3A_12, %get3A_15, %dot_general3A {dimension_numbers = #tpu.dot_dimension_numbers<[1], [0], [0], [1], [0, 0, 1, 1], [], []>, transpose_lhs_hint = false} : vector<2000x16xf32>, vector<16x128xf32>, vector<2000x128xf32> -> vector<2000x128xf32>
    %get3A_17 = arith.constant 0 : index
    %get3A_18 = arith.constant 0 : index
    %get3A_19 = vector.load %arg5[%get3A_17, %get3A_18] : memref<1x128xf32, #tpu.memory_space<vmem>>, vector<1x128xf32>
    %add3A = vector.broadcast %get3A_19 : vector<1x128xf32> to vector<2000x128xf32>
    %add3A_20 = arith.addf %dot_general3A_16, %add3A : vector<2000x128xf32>
    %get3A_21 = arith.constant 0 : index
    %get3A_22 = arith.constant 0 : index
    %get3A_23 = vector.load %arg1[%get3A_21, %get3A_22] : memref<2000x128xf32, #tpu.memory_space<vmem>>, vector<2000x128xf32>
    %get3A_24 = arith.constant 0 : index
    %get3A_25 = arith.constant 0 : index
    %get3A_26 = vector.load %arg6[%get3A_24, %get3A_25] : memref<384x128xf32, #tpu.memory_space<vmem>>, vector<128x128xf32>
    %dot_general3A_27 = arith.constant dense<0.000000e+00> : vector<2000x128xf32>
    %dot_general3A_28 = tpu.matmul %get3A_23, %get3A_26, %dot_general3A_27 {dimension_numbers = #tpu.dot_dimension_numbers<[1], [0], [0], [1], [0, 0, 1, 1], [], []>, transpose_lhs_hint = false} : vector<2000x128xf32>, vector<128x128xf32>, vector<2000x128xf32> -> vector<2000x128xf32>
    %get3A_29 = arith.constant 128 : index
    %get3A_30 = arith.constant 0 : index
    %get3A_31 = vector.load %arg6[%get3A_29, %get3A_30] : memref<384x128xf32, #tpu.memory_space<vmem>>, vector<128x128xf32>
    %dot_general3A_32 = arith.constant dense<0.000000e+00> : vector<2000x128xf32>
    %dot_general3A_33 = tpu.matmul %add3A_20, %get3A_31, %dot_general3A_32 {dimension_numbers = #tpu.dot_dimension_numbers<[1], [0], [0], [1], [0, 0, 1, 1], [], []>, transpose_lhs_hint = false} : vector<2000x128xf32>, vector<128x128xf32>, vector<2000x128xf32> -> vector<2000x128xf32>
    %add3A_34 = arith.addf %dot_general3A_28, %dot_general3A_33 : vector<2000x128xf32>
    %get3A_35 = arith.constant 0 : index
    %get3A_36 = arith.constant 0 : index
    %get3A_37 = vector.load %arg3[%get3A_35, %get3A_36] : memref<2000x128xf32, #tpu.memory_space<vmem>>, vector<2000x128xf32>
    %get3A_38 = arith.constant 256 : index
    %get3A_39 = arith.constant 0 : index
    %get3A_40 = vector.load %arg6[%get3A_38, %get3A_39] : memref<384x128xf32, #tpu.memory_space<vmem>>, vector<128x128xf32>
    %dot_general3A_41 = arith.constant dense<0.000000e+00> : vector<2000x128xf32>
    %dot_general3A_42 = tpu.matmul %get3A_37, %get3A_40, %dot_general3A_41 {dimension_numbers = #tpu.dot_dimension_numbers<[1], [0], [0], [1], [0, 0, 1, 1], [], []>, transpose_lhs_hint = false} : vector<2000x128xf32>, vector<128x128xf32>, vector<2000x128xf32> -> vector<2000x128xf32>
    %add3A_43 = arith.addf %add3A_34, %dot_general3A_42 : vector<2000x128xf32>
    %get3A_44 = arith.constant 0 : index
    %get3A_45 = arith.constant 0 : index
    %get3A_46 = vector.load %arg7[%get3A_44, %get3A_45] : memref<1x128xf32, #tpu.memory_space<vmem>>, vector<1x128xf32>
    %add3A_47 = vector.broadcast %get3A_46 : vector<1x128xf32> to vector<2000x128xf32>
    %add3A_48 = arith.addf %add3A_43, %add3A_47 : vector<2000x128xf32>
    %swap3A = arith.constant 0 : index
    %swap3A_49 = arith.constant 0 : index
    %swap3A_50 = vector.load %arg8[%swap3A, %swap3A_49] : memref<2000x128xf32, #tpu.memory_space<vmem>>, vector<2000x128xf32>
    tpu.vector_store %arg8[%swap3A, %swap3A_49], %add3A_48 {strides = array<i32>} : memref<2000x128xf32, #tpu.memory_space<vmem>>, vector<2000x128xf32>,
    return
  }
  func.func @transform_0(%arg0: i32) -> (i32, i32) {
    %c0_i32 = arith.constant 0 : i32
    %c0_i32_0 = arith.constant 0 : i32
    return %arg0, %c0_i32 : i32, i32
  }
  func.func @transform_1(%arg0: i32) -> (i32, i32) {
    %c0_i32 = arith.constant 0 : i32
    %c0_i32_0 = arith.constant 0 : i32
    return %arg0, %c0_i32 : i32, i32
  }
  func.func @transform_2(%arg0: i32) -> (i32, i32) {
    %c0_i32 = arith.constant 0 : i32
    %c0_i32_0 = arith.constant 0 : i32
    return %arg0, %c0_i32 : i32, i32
  }
  func.func @transform_3(%arg0: i32) -> (i32, i32) {
    %c0_i32 = arith.constant 0 : i32
    %c0_i32_0 = arith.constant 0 : i32
    %c0_i32_1 = arith.constant 0 : i32
    return %c0_i32, %c0_i32_0 : i32, i32
  }
  func.func @transform_4(%arg0: i32) -> (i32, i32) {
    %c0_i32 = arith.constant 0 : i32
    %c0_i32_0 = arith.constant 0 : i32
    %c0_i32_1 = arith.constant 0 : i32
    return %c0_i32, %c0_i32_0 : i32, i32
  }
  func.func @transform_5(%arg0: i32) -> (i32, i32) {
    %c0_i32 = arith.constant 0 : i32
    %c0_i32_0 = arith.constant 0 : i32
    %c0_i32_1 = arith.constant 0 : i32
    return %c0_i32, %c0_i32_0 : i32, i32
  }
  func.func @transform_6(%arg0: i32) -> (i32, i32) {
    %c0_i32 = arith.constant 0 : i32
    %c0_i32_0 = arith.constant 0 : i32
    %c0_i32_1 = arith.constant 0 : i32
    return %c0_i32, %c0_i32_0 : i32, i32
  }
  func.func @transform_7(%arg0: i32) -> (i32, i32) {
    %c0_i32 = arith.constant 0 : i32
    %c0_i32_0 = arith.constant 0 : i32
    return %arg0, %c0_i32 : i32, i32
  }
}

module attributes {stable_mosaic.version = 14 : i64} {
  func.func @body(%arg0: memref<2500x512xf32, #tpu.memory_space<vmem>>, %arg1: memref<512x128xf32, #tpu.memory_space<vmem>>, %arg2: memref<1x128xf32, #tpu.memory_space<vmem>>, %arg3: memref<2500x128xf32, #tpu.memory_space<vmem>>) attributes {dimension_semantics = [], scalar_prefetch = 0 : i64, scratch_operands = 0 : i64, tpu.core_type = #tpu.core_type<tc>} {
    %get3A = arith.constant 0 : index
    %get3A_0 = arith.constant 0 : index
    %get3A_1 = vector.load %arg0[%get3A, %get3A_0] : memref<2500x512xf32, #tpu.memory_space<vmem>>, vector<2500x512xf32>
    %get3A_2 = arith.constant 0 : index
    %get3A_3 = arith.constant 0 : index
    %get3A_4 = vector.load %arg1[%get3A_2, %get3A_3] : memref<512x128xf32, #tpu.memory_space<vmem>>, vector<512x128xf32>
    %dot_general3A = arith.constant dense<0.000000e+00> : vector<2500x128xf32>
    %dot_general3A_5 = tpu.matmul %get3A_1, %get3A_4, %dot_general3A {dimension_numbers = #tpu.dot_dimension_numbers<[1], [0], [0], [1], [0, 0, 1, 1], [], []>, transpose_lhs_hint = false} : vector<2500x512xf32>, vector<512x128xf32>, vector<2500x128xf32> -> vector<2500x128xf32>
    %get3A_6 = arith.constant 0 : index
    %get3A_7 = arith.constant 0 : index
    %get3A_8 = vector.load %arg2[%get3A_6, %get3A_7] : memref<1x128xf32, #tpu.memory_space<vmem>>, vector<1x128xf32>
    %add3A = vector.broadcast %get3A_8 : vector<1x128xf32> to vector<2500x128xf32>
    %add3A_9 = arith.addf %dot_general3A_5, %add3A : vector<2500x128xf32>
    %swap3A = arith.constant 0 : index
    %swap3A_10 = arith.constant 0 : index
    %swap3A_11 = vector.load %arg3[%swap3A, %swap3A_10] : memref<2500x128xf32, #tpu.memory_space<vmem>>, vector<2500x128xf32>
    tpu.vector_store %arg3[%swap3A, %swap3A_10], %add3A_9 {strides = array<i32>} : memref<2500x128xf32, #tpu.memory_space<vmem>>, vector<2500x128xf32>,
    return
  }
}

module attributes {stable_mosaic.version = 14 : i64} {
  func.func @body(%arg0: i32, %arg1: memref<2560x128xf32, #tpu.memory_space<vmem>>, %arg2: memref<2x2560x128xf32, #tpu.memory_space<vmem>>, %arg3: memref<2560x128xf32, #tpu.memory_space<vmem>>, %arg4: memref<2560x128xf32, #tpu.memory_space<vmem>>, %arg5: memref<384x128xf32, #tpu.memory_space<vmem>>, %arg6: memref<1x128xf32, #tpu.memory_space<vmem>>, %arg7: memref<256x128xf32, #tpu.memory_space<vmem>>, %arg8: memref<1x128xf32, #tpu.memory_space<vmem>>, %arg9: memref<2560x128xf32, #tpu.memory_space<vmem>>) attributes {dimension_semantics = [#tpu.dimension_semantics<arbitrary>], iteration_bounds = array<i64: 1>, scalar_prefetch = 0 : i64, scratch_operands = 0 : i64, tpu.core_type = #tpu.core_type<tc>, window_params = [{transform_indices = @transform_0, window_bounds = array<i64: 2560, 128>}, {transform_indices = @transform_1, window_bounds = array<i64: 2, 2560, 128>}, {transform_indices = @transform_2, window_bounds = array<i64: 2560, 128>}, {transform_indices = @transform_3, window_bounds = array<i64: 2560, 128>}, {pipeline_mode = #tpu.pipeline_mode<synchronous>, transform_indices = @transform_4, window_bounds = array<i64: 384, 128>}, {pipeline_mode = #tpu.pipeline_mode<synchronous>, transform_indices = @transform_5, window_bounds = array<i64: 1, 128>}, {pipeline_mode = #tpu.pipeline_mode<synchronous>, transform_indices = @transform_6, window_bounds = array<i64: 256, 128>}, {pipeline_mode = #tpu.pipeline_mode<synchronous>, transform_indices = @transform_7, window_bounds = array<i64: 1, 128>}, {transform_indices = @transform_8, window_bounds = array<i64: 2560, 128>}]} {
    %get3A = arith.constant 0 : index
    %get3A_0 = arith.constant 0 : index
    %get3A_1 = vector.load %arg1[%get3A, %get3A_0] : memref<2560x128xf32, #tpu.memory_space<vmem>>, vector<2560x128xf32>
    %get3A_2 = arith.constant 0 : index
    %get3A_3 = arith.constant 0 : index
    %get3A_4 = vector.load %arg4[%get3A_2, %get3A_3] : memref<2560x128xf32, #tpu.memory_space<vmem>>, vector<2560x128xf32>
    %get3A_5 = arith.constant 0 : index
    %get3A_6 = arith.constant 0 : index
    %get3A_7 = arith.constant 0 : index
    %get3A_8 = vector.load %arg2[%get3A_5, %get3A_6, %get3A_7] : memref<2x2560x128xf32, #tpu.memory_space<vmem>>, vector<1x2560x128xf32>
    %get3A_9 = vector.shape_cast %get3A_8 : vector<1x2560x128xf32> to vector<2560x128xf32>
    %get3A_10 = arith.constant 1 : index
    %get3A_11 = arith.constant 0 : index
    %get3A_12 = arith.constant 0 : index
    %get3A_13 = vector.load %arg2[%get3A_10, %get3A_11, %get3A_12] : memref<2x2560x128xf32, #tpu.memory_space<vmem>>, vector<1x2560x128xf32>
    %get3A_14 = vector.shape_cast %get3A_13 : vector<1x2560x128xf32> to vector<2560x128xf32>
    %add3A = arith.addf %get3A_9, %get3A_14 : vector<2560x128xf32>
    %get3A_15 = arith.constant 0 : index
    %get3A_16 = arith.constant 0 : index
    %get3A_17 = vector.load %arg5[%get3A_15, %get3A_16] : memref<384x128xf32, #tpu.memory_space<vmem>>, vector<128x128xf32>
    %dot_general3A = arith.constant dense<0.000000e+00> : vector<2560x128xf32>
    %dot_general3A_18 = tpu.matmul %add3A, %get3A_17, %dot_general3A {dimension_numbers = #tpu.dot_dimension_numbers<[1], [0], [0], [1], [0, 0, 1, 1], [], []>, transpose_lhs_hint = false} : vector<2560x128xf32>, vector<128x128xf32>, vector<2560x128xf32> -> vector<2560x128xf32>
    %get3A_19 = arith.constant 0 : index
    %get3A_20 = arith.constant 0 : index
    %get3A_21 = vector.load %arg3[%get3A_19, %get3A_20] : memref<2560x128xf32, #tpu.memory_space<vmem>>, vector<2560x128xf32>
    %get3A_22 = arith.constant 128 : index
    %get3A_23 = arith.constant 0 : index
    %get3A_24 = vector.load %arg5[%get3A_22, %get3A_23] : memref<384x128xf32, #tpu.memory_space<vmem>>, vector<128x128xf32>
    %dot_general3A_25 = arith.constant dense<0.000000e+00> : vector<2560x128xf32>
    %dot_general3A_26 = tpu.matmul %get3A_21, %get3A_24, %dot_general3A_25 {dimension_numbers = #tpu.dot_dimension_numbers<[1], [0], [0], [1], [0, 0, 1, 1], [], []>, transpose_lhs_hint = false} : vector<2560x128xf32>, vector<128x128xf32>, vector<2560x128xf32> -> vector<2560x128xf32>
    %add3A_27 = arith.addf %dot_general3A_18, %dot_general3A_26 : vector<2560x128xf32>
    %mul3A = arith.mulf %get3A_4, %get3A_1 : vector<2560x128xf32>
    %get3A_28 = arith.constant 256 : index
    %get3A_29 = arith.constant 0 : index
    %get3A_30 = vector.load %arg5[%get3A_28, %get3A_29] : memref<384x128xf32, #tpu.memory_space<vmem>>, vector<128x128xf32>
    %dot_general3A_31 = arith.constant dense<0.000000e+00> : vector<2560x128xf32>
    %dot_general3A_32 = tpu.matmul %mul3A, %get3A_30, %dot_general3A_31 {dimension_numbers = #tpu.dot_dimension_numbers<[1], [0], [0], [1], [0, 0, 1, 1], [], []>, transpose_lhs_hint = false} : vector<2560x128xf32>, vector<128x128xf32>, vector<2560x128xf32> -> vector<2560x128xf32>
    %add3A_33 = arith.addf %add3A_27, %dot_general3A_32 : vector<2560x128xf32>
    %get3A_34 = arith.constant 0 : index
    %get3A_35 = arith.constant 0 : index
    %get3A_36 = vector.load %arg6[%get3A_34, %get3A_35] : memref<1x128xf32, #tpu.memory_space<vmem>>, vector<1x128xf32>
    %mul3A_37 = vector.broadcast %get3A_36 : vector<1x128xf32> to vector<2560x128xf32>
    %mul3A_38 = arith.mulf %get3A_4, %mul3A_37 : vector<2560x128xf32>
    %add3A_39 = arith.addf %add3A_33, %mul3A_38 : vector<2560x128xf32>
    %div3A = arith.constant 1.000000e+01 : f32
    %div3A_40 = vector.broadcast %div3A : f32 to vector<2560x128xf32>
    %div3A_41 = arith.divf %add3A_39, %div3A_40 : vector<2560x128xf32>
    %get3A_42 = arith.constant 0 : index
    %get3A_43 = arith.constant 0 : index
    %get3A_44 = vector.load %arg7[%get3A_42, %get3A_43] : memref<256x128xf32, #tpu.memory_space<vmem>>, vector<128x128xf32>
    %dot_general3A_45 = arith.constant dense<0.000000e+00> : vector<2560x128xf32>
    %dot_general3A_46 = tpu.matmul %get3A_1, %get3A_44, %dot_general3A_45 {dimension_numbers = #tpu.dot_dimension_numbers<[1], [0], [0], [1], [0, 0, 1, 1], [], []>, transpose_lhs_hint = false} : vector<2560x128xf32>, vector<128x128xf32>, vector<2560x128xf32> -> vector<2560x128xf32>
    %add3A_47 = arith.addf %get3A_1, %dot_general3A_46 : vector<2560x128xf32>
    %get3A_48 = arith.constant 128 : index
    %get3A_49 = arith.constant 0 : index
    %get3A_50 = vector.load %arg7[%get3A_48, %get3A_49] : memref<256x128xf32, #tpu.memory_space<vmem>>, vector<128x128xf32>
    %dot_general3A_51 = arith.constant dense<0.000000e+00> : vector<2560x128xf32>
    %dot_general3A_52 = tpu.matmul %div3A_41, %get3A_50, %dot_general3A_51 {dimension_numbers = #tpu.dot_dimension_numbers<[1], [0], [0], [1], [0, 0, 1, 1], [], []>, transpose_lhs_hint = false} : vector<2560x128xf32>, vector<128x128xf32>, vector<2560x128xf32> -> vector<2560x128xf32>
    %add3A_53 = arith.addf %add3A_47, %dot_general3A_52 : vector<2560x128xf32>
    %get3A_54 = arith.constant 0 : index
    %get3A_55 = arith.constant 0 : index
    %get3A_56 = vector.load %arg8[%get3A_54, %get3A_55] : memref<1x128xf32, #tpu.memory_space<vmem>>, vector<1x128xf32>
    %add3A_57 = vector.broadcast %get3A_56 : vector<1x128xf32> to vector<2560x128xf32>
    %add3A_58 = arith.addf %add3A_53, %add3A_57 : vector<2560x128xf32>
    %swap3A = arith.constant 0 : index
    %swap3A_59 = arith.constant 0 : index
    %swap3A_60 = vector.load %arg9[%swap3A, %swap3A_59] : memref<2560x128xf32, #tpu.memory_space<vmem>>, vector<2560x128xf32>
    tpu.vector_store %arg9[%swap3A, %swap3A_59], %add3A_58 {strides = array<i32>} : memref<2560x128xf32, #tpu.memory_space<vmem>>, vector<2560x128xf32>,
    return
  }
  func.func @transform_0(%arg0: i32) -> (i32, i32) {
    %c0_i32 = arith.constant 0 : i32
    %c0_i32_0 = arith.constant 0 : i32
    return %arg0, %c0_i32 : i32, i32
  }
  func.func @transform_1(%arg0: i32) -> (i32, i32, i32) {
    %c0_i32 = arith.constant 0 : i32
    %c0_i32_0 = arith.constant 0 : i32
    %c0_i32_1 = arith.constant 0 : i32
    return %c0_i32, %arg0, %c0_i32_0 : i32, i32, i32
  }
  func.func @transform_2(%arg0: i32) -> (i32, i32) {
    %c0_i32 = arith.constant 0 : i32
    %c0_i32_0 = arith.constant 0 : i32
    return %arg0, %c0_i32 : i32, i32
  }
  func.func @transform_3(%arg0: i32) -> (i32, i32) {
    %c0_i32 = arith.constant 0 : i32
    %c0_i32_0 = arith.constant 0 : i32
    return %arg0, %c0_i32 : i32, i32
  }
  func.func @transform_4(%arg0: i32) -> (i32, i32) {
    %c0_i32 = arith.constant 0 : i32
    %c0_i32_0 = arith.constant 0 : i32
    %c0_i32_1 = arith.constant 0 : i32
    return %c0_i32, %c0_i32_0 : i32, i32
  }
  func.func @transform_5(%arg0: i32) -> (i32, i32) {
    %c0_i32 = arith.constant 0 : i32
    %c0_i32_0 = arith.constant 0 : i32
    %c0_i32_1 = arith.constant 0 : i32
    return %c0_i32, %c0_i32_0 : i32, i32
  }
  func.func @transform_6(%arg0: i32) -> (i32, i32) {
    %c0_i32 = arith.constant 0 : i32
    %c0_i32_0 = arith.constant 0 : i32
    %c0_i32_1 = arith.constant 0 : i32
    return %c0_i32, %c0_i32_0 : i32, i32
  }
  func.func @transform_7(%arg0: i32) -> (i32, i32) {
    %c0_i32 = arith.constant 0 : i32
    %c0_i32_0 = arith.constant 0 : i32
    %c0_i32_1 = arith.constant 0 : i32
    return %c0_i32, %c0_i32_0 : i32, i32
  }
  func.func @transform_8(%arg0: i32) -> (i32, i32) {
    %c0_i32 = arith.constant 0 : i32
    %c0_i32_0 = arith.constant 0 : i32
    return %arg0, %c0_i32 : i32, i32
  }
}

module attributes {stable_mosaic.version = 14 : i64} {
  func.func @body(%arg0: memref<2560x128xf32, #tpu.memory_space<vmem>>, %arg1: memref<128x128xf32, #tpu.memory_space<vmem>>, %arg2: memref<1x128xf32, #tpu.memory_space<vmem>>, %arg3: memref<2560x128xf32, #tpu.memory_space<vmem>>) attributes {dimension_semantics = [], scalar_prefetch = 0 : i64, scratch_operands = 0 : i64, tpu.core_type = #tpu.core_type<tc>} {
    %get3A = arith.constant 0 : index
    %get3A_0 = arith.constant 0 : index
    %get3A_1 = vector.load %arg0[%get3A, %get3A_0] : memref<2560x128xf32, #tpu.memory_space<vmem>>, vector<2560x128xf32>
    %get3A_2 = arith.constant 0 : index
    %get3A_3 = arith.constant 0 : index
    %get3A_4 = vector.load %arg1[%get3A_2, %get3A_3] : memref<128x128xf32, #tpu.memory_space<vmem>>, vector<128x128xf32>
    %dot_general3A = arith.constant dense<0.000000e+00> : vector<2560x128xf32>
    %dot_general3A_5 = tpu.matmul %get3A_1, %get3A_4, %dot_general3A {dimension_numbers = #tpu.dot_dimension_numbers<[1], [0], [0], [1], [0, 0, 1, 1], [], []>, transpose_lhs_hint = false} : vector<2560x128xf32>, vector<128x128xf32>, vector<2560x128xf32> -> vector<2560x128xf32>
    %get3A_6 = arith.constant 0 : index
    %get3A_7 = arith.constant 0 : index
    %get3A_8 = vector.load %arg2[%get3A_6, %get3A_7] : memref<1x128xf32, #tpu.memory_space<vmem>>, vector<1x128xf32>
    %add3A = vector.broadcast %get3A_8 : vector<1x128xf32> to vector<2560x128xf32>
    %add3A_9 = arith.addf %dot_general3A_5, %add3A : vector<2560x128xf32>
    %swap3A = arith.constant 0 : index
    %swap3A_10 = arith.constant 0 : index
    %swap3A_11 = vector.load %arg3[%swap3A, %swap3A_10] : memref<2560x128xf32, #tpu.memory_space<vmem>>, vector<2560x128xf32>
    tpu.vector_store %arg3[%swap3A, %swap3A_10], %add3A_9 {strides = array<i32>} : memref<2560x128xf32, #tpu.memory_space<vmem>>, vector<2560x128xf32>,
    return
  }
}

</mosaic_0001>

<sc_bundles>
// kernel: closed_call.36.cloned.1.call-start
scs
__scs_entry_jumppad:
0x0: {  	(pc) =	sbr.rel $0x88, $3  }
0x1: {  	(tag) =	ssettag $0x0;
	lr =	simm.s32 $0x1  }
0x2: {  	[smem:$0x3F81] =	sst lr;
	_ =	strace $0xD0000000  }
0x3: {  	_ = 	snop  }
0x4: {  	_ = 	snop  }
0x5: {  	_ = 	snop  }
0x6: {  	_ = 	snop  }
0x7: {  	_ = 	snop  }
__scs_overlays_trampoline_lowered:
0x8: {  	[smem:$0x3F90] =	sst s0  }
0x9: {  	[smem:$0x3F91] =	sst s1  }
0xa: {  	[smem:$0x3F92] =	sst s2  }
0xb: {  	[smem:$0x3F93] =	sst s3  }
0xc: {  	[smem:$0x3F94] =	sst s4  }
0xd: {  	[smem:$0x3F95] =	sst s5  }
0xe: {  	[smem:$0x3F96] =	sst s6  }
0xf: {  	[smem:$0x3F97] =	sst s7  }
0x10: {  	[smem:$0x3F98] =	sst s8  }
0x11: {  	[smem:$0x3F99] =	sst s9;
	s0 =	simm.s32 @!p0 $0x0  }
0x12: {  	s1 =	sld [smem:$0x3F7F];
	s0 =	simm.s32 @p0 $0x1  }
0x13: {  	[smem:$0x3F9A] =	sst s0;
	s0 =	simm.s32 @!p1 $0x0  }
0x14: {  	s2 =	sld [smem:$0x3F7E];
	s0 =	simm.s32 @p1 $0x1  }
0x15: {  	[smem:$0x3F9B] =	sst s0;
	s0 =	simm.s32 @!p2 $0x0  }
0x16: {  	s3 =	sld [smem:$0x3FDB];
	s0 =	simm.s32 @p2 $0x1  }
0x17: {  	s4 =	simm.s32 $0x1BF5;
	[smem:$0x3F9D] =	sst s0  }
0x18: {  	s0 =	sld [smem:$0x3F80];
	_ =	swait.ge [sflag:s4], $0x0  }
0x19: {  	s7 =	sld [smem:$0x3F81]  }
0x1a: {  	s8 =	sadd.s32 $0xFFFFE003, lr  }
0x1b: {  	s9 =	sadd.s32 $0xFFFFFEF7, lr;
	s5 =	simm.s32 $0xFFFFFFFF;
	p2 =	slt.u32 s8, $0xFFFFF086  }
0x1c: {  	p1 =	slt.u32 s9, $0xF7A;
	s5 =	simm.s32 @!p2 $0x0  }
0x1d: {  	s5 =	simm.s32 @p1 $0x1;
	p0 =	seq.s32 s7, s2  }
0x1e: {  	s7 =	smul.u32 @!p0 $0xF7A, s2;
	p2 =	seq.s32 @!p0 s5, $0x0  }
0x1f: {  	s9 =	smul.u32 $0xF7A, s1;
	s8 =	simm.s32 @!p0 $0x1BF5;
	p2 =	por !p2, p0  }
0x20: {  	[sflag:s8] =	ssyncset.s32 @!p0 $0xFFFFF086;
	s6 =	sadd.s32 @!p0 s3, s7;
	s7 =	simm.s32 @!p0 $0x108  }
0x21: {  	s3 =	sadd.s32 s3, s9;
	s6 =	sadd.s32 @!p0 $0x88, s6;
	s7 =	simm.s32 @p2 $0x1082  }
0x22: {  	[simem:s7], [sflag:s8] =	dma.local @!p0 [hbm:s6], $0xF7A  }
0x23: {  	s9 =	sor.u32 $0xD0000000, s2;
	s6 =	simm.s32 $0x108;
	_ =	swait.ge @!p0 [sflag:s8], $0x0  }
0x24: {  	s3 =	sadd.s32 $0x88, s3;
	s6 =	simm.s32 @!p1 $0x1082;
	[sflag:s4] =	ssyncset.s32 $0xFFFFF086  }
0x25: {  	[simem:s6], [sflag:s4] =	dma.local [hbm:s3], $0xF7A  }
0x26: {  	[smem:$0x3F81] =	sst s1;
	(tag) =	ssettag s2;
	_ =	strace s9  }
0x27: {  	s1 =	sld [smem:$0x3F91]  }
0x28: {  	s2 =	sld [smem:$0x3F92]  }
0x29: {  	s4 =	sld [smem:$0x3F94]  }
0x2a: {  	p0 =	seq.s32 s5, $0x0;
	s5 =	sld [smem:$0x3F95]  }
0x2b: {  	s6 =	sld [smem:$0x3F96]  }
0x2c: {  	s7 =	sld [smem:$0x3F97]  }
0x2d: {  	s3 =	simm.s32 $0x108;
	s8 =	sld [smem:$0x3F98]  }
0x2e: {  	s3 =	simm.s32 @!p0 $0x1082;
	s9 =	sld [smem:$0x3F99]  }
0x2f: {  	lr =	sadd.s32 s0, s3;
	s0 =	sld [smem:$0x3F90]  }
0x30: {  	s3 =	sld [smem:$0x3F93]  }
0x31: {  	[smem:$0x3F9C] =	sst s10  }
0x32: {  	s10 =	sld [smem:$0x3F9A];
	_ =	sdelay $0x3  }
0x33: {  	p0 =	seq.s32 s10, $0x1;
	s10 =	sld [smem:$0x3F9C];
	_ =	sdelay $0x3  }
0x34: {  	[smem:$0x3F9C] =	sst s10  }
0x35: {  	s10 =	sld [smem:$0x3F9B];
	_ =	sdelay $0x3  }
0x36: {  	p1 =	seq.s32 s10, $0x1;
	s10 =	sld [smem:$0x3F9C];
	_ =	sdelay $0x3  }
0x37: {  	[smem:$0x3F9C] =	sst s10  }
0x38: {  	s10 =	sld [smem:$0x3F9D]  }
0x39: {  	_ = 	snop;
	(pc) =	sbr.ind lr, $3  }
0x3a: {  	_ = 	snop  }
0x3b: {  	_ = 	snop  }
0x3c: {  	p2 =	seq.s32 s10, $0x1;
	s10 =	sld [smem:$0x3F9C]  }
0x3d: {  	_ =	shalt  }
0x3e: {  	_ =	shalt  }
0x3f: {  	_ =	shalt  }
0x40: {  	_ =	shalt  }
0x41: {  	_ =	shalt  }
0x42: {  	_ =	shalt  }
0x43: {  	_ =	shalt  }
0x44: {  	_ =	shalt  }
0x45: {  	_ =	shalt  }
0x46: {  	_ =	shalt  }
0x47: {  	_ =	shalt  }
0x48: {  	_ =	shalt  }
0x49: {  	_ =	shalt  }
0x4a: {  	_ =	shalt  }
0x4b: {  	_ =	shalt  }
0x4c: {  	_ =	shalt  }
0x4d: {  	_ =	shalt  }
0x4e: {  	_ =	shalt  }
0x4f: {  	_ =	shalt  }
0x50: {  	_ =	shalt  }
0x51: {  	_ =	shalt  }
0x52: {  	_ =	shalt  }
0x53: {  	_ =	shalt  }
0x54: {  	_ =	shalt  }
0x55: {  	_ =	shalt  }
0x56: {  	_ =	shalt  }
0x57: {  	_ =	shalt  }
0x58: {  	_ =	shalt  }
0x59: {  	_ =	shalt  }
0x5a: {  	_ =	shalt  }
0x5b: {  	_ =	shalt  }
0x5c: {  	_ =	shalt  }
0x5d: {  	_ =	shalt  }
0x5e: {  	_ =	shalt  }
0x5f: {  	_ =	shalt  }
0x60: {  	_ =	shalt  }
0x61: {  	_ =	shalt  }
0x62: {  	_ =	shalt  }
0x63: {  	_ =	shalt  }
0x64: {  	_ =	shalt  }
0x65: {  	_ =	shalt  }
0x66: {  	_ =	shalt  }
0x67: {  	_ =	shalt  }
0x68: {  	_ =	shalt  }
0x69: {  	_ =	shalt  }
0x6a: {  	_ =	shalt  }
0x6b: {  	_ =	shalt  }
0x6c: {  	_ =	shalt  }
0x6d: {  	_ =	shalt  }
0x6e: {  	_ =	shalt  }
0x6f: {  	_ =	shalt  }
0x70: {  	_ =	shalt  }
0x71: {  	_ =	shalt  }
0x72: {  	_ =	shalt  }
0x73: {  	_ =	shalt  }
0x74: {  	_ =	shalt  }
0x75: {  	_ =	shalt  }
0x76: {  	_ =	shalt  }
0x77: {  	_ =	shalt  }
0x78: {  	_ =	shalt  }
0x79: {  	_ =	shalt  }
0x7a: {  	_ =	shalt  }
0x7b: {  	_ =	shalt  }
0x7c: {  	_ =	shalt  }
0x7d: {  	_ =	shalt  }
0x7e: {  	_ =	shalt  }
0x7f: {  	_ =	shalt  }
0x80: {  	_ =	shalt  }
0x81: {  	_ =	shalt  }
0x82: {  	_ =	shalt  }
0x83: {  	_ =	shalt  }
0x84: {  	_ =	shalt  }
0x85: {  	_ =	shalt  }
0x86: {  	_ =	shalt  }
0x87: {  	_ =	shalt  }
.Lfunc_end0:
.L_simem_size_0:
called_computation.6_lowered:
.L_overlay_start_0:
0x88: {  	s2 =	sld [smem:$0x3FD9]  }
0x89: {  	s3 =	sld [smem:$0x3FFE];
	_ =	sdelay $0x1  }
0x8a: {  	s1 =	srdreg.scid  }
0x8b: {  	s0 =	sand.u32 $0x1, s1  }
0x8c: {  	s16 =	sshll.u32 s0, $0xA;
	s2 =	sadd.s32 s3, s2  }
0x8d: {  	s2 =	sadd.s32 s2, s16  }
0x8e: {  	[smem:$0x3FA8] =	sst s2  }
0x8f: {  	_ = 	snop  }
0x90: {  	(tm) =	ssettm $0x1  }
0x91: {  	s17 =	sld [smem:$0x3FFB];
	_ =	sdelay $0x3  }
0x92: {  	_ =	strace s17  }
0x93: {  	s2 =	sld [smem:$0x3FFC];
	_ =	sdelay $0x3  }
0x94: {  	_ =	strace s2  }
0x95: {  	s2 =	sld [smem:$0x3FFD];
	_ =	sdelay $0x3  }
0x96: {  	_ =	strace s2  }
0x97: {  	_ =	strace $0x8FFFFFFF  }
0x98: {  	s18 =	sld [smem:$0x3FDB];
	_ =	sdelay $0x1  }
0x99: {  	s19 =	simm.s32 $_scs_section_size  }
0x9a: {  	s4 =	simm.s32 $_size__tile_overlayer_lowered;
	s5 =	simm.s32 $_tile_overlayer_lowered  }
0x9b: {  	s22 =	simm.s32 $0x1BFF;
	s21 =	sshll.u32 s5, $0x1;
	s2 =	sadd.s32 s19, s18  }
0x9c: {  	s6 =	simm.s32 $0x0;
	s20 =	sshll.u32 s4, $0x1;
	s4 =	sadd.s32 s21, s2  }
0x9d: {  	[timem:s6], [sflag:s22] =	dma.local [hbm:s4], s20  }
0x9e: {  	_ =	swait.ge [sflag:s22], s20  }
0x9f: {  	s3 =	ssub.s32 $0x0, s20;
	[sflag:s22] =	ssyncset.done $0x0  }
0xa0: {  	[sflag:s22] =	ssyncadd.s32 s3;
	_ =	sdelay $0x1  }
0xa1: {  	s23 =	simm.s32 $0x1B8B  }
0xa2: {  	_ =	swait.ge [sflag:s23], $0x1  }
0xa3: {  	[sflag:s23] =	ssyncset.done $0x0  }
0xa4: {  	s25 =	simm.s32 $0x1B8E;
	s24 =	sld [smem:$0x3FFE];
	[sflag:s23] =	ssyncadd.s32 $0xFFFFFFFF  }
0xa5: {  	s26 =	simm.s32 $execute0_lowered;
	[smem:$0x3FD2] =	sst s25  }
0xa6: {  	s4 =	sshll.u32 s26, $0x1;
	_ =	strace $0x80000064;
	[dreg:$0x1] =	wrdreg $0xFFFFFFFF  }
0xa7: {  	s28 =	simm.s32 $_size_execute0_lowered;
	s2 =	sadd.s32 s2, s4;
	[dreg:$0x0] =	wrdreg $0x0  }
0xa8: {  	s4 =	sshll.u32 s28, $0x1;
	[dreg:$0x2] =	wrdreg s2  }
0xa9: {  	[dreg:$0x3] =	wrdreg s4  }
0xaa: {  	[dreg:$0x4] =	wrdreg $0xC0  }
0xab: {  	_ =	task [dreg:s6], $0x5FFFF  }
0xac: {  	[dreg:$0x1] =	wrdreg $0xFFFFFFFF  }
0xad: {  	[dreg:$0x0] =	wrdreg $0x60  }
0xae: {  	[dreg:$0x2] =	wrdreg s24  }
0xaf: {  	[dreg:$0x3] =	wrdreg $0xA8000  }
0xb0: {  	[dreg:$0x4] =	wrdreg $0x9  }
0xb1: {  	_ =	task.clear_ibuf [dreg:s6], $0x5FFFF;
	_ =	strace $0x90000064  }
0xb2: {  	s29 =	simm.s32 $0x9;
	_ =	strace $0x80000066  }
0xb3: {  	_ =	swait.ge [sflag:s29], $0x1  }
0xb4: {  	[sflag:s29] =	ssyncadd.s32 $0xFFFFFFFF  }
0xb5: {  	_ =	strace $0x90000066  }
0xb6: {  	_ =	sfence  }
0xb7: {  	s30 =	sld [smem:$0x0];
	_ =	sdelay $0x2  }
0xb8: {  	s31 =	sshll.u32 s1, $0xD;
	s1 =	sshrl.u32 s1, $0x2  }
0xb9: {  	s3 =	sand.u32 $0x4000, s31;
	s1 =	sadd.s32 s1, s30  }
0xba: {  	s0 =	sor.u32 s3, s0;
	s1 =	sshll.u32 s1, $0x11  }
0xbb: {  	s0 =	sor.u32 s1, s0  }
0xbc: {  	s0 =	sadd.s32 $0x8F2B, s0  }
0xbd: {  	[sflag:s0] =	ssyncadd.remote.s32 $0x1  }
0xbe: {  	_ =	sfence.sel $0xFFFF  }
0xbf: {  	[dreg:$0x0] =	wrdreg $0xFFFFFFFF;
	(pc) =	sbr.abs _section_cstart, $3  }
0xc0: {  	[dreg:$0x1] =	wrdreg $0xFFFFFFFF  }
0xc1: {  	_ =	task.clear_ibuf [dreg:s6], $0x2FFFF;
	_ =	strace $0x9FFFFFFF  }
0xc2: {  	(tm) =	ssettm $0x7FFFFFFF  }
0xc3: {  	_ =	shalt  }
tec
execute0_lowered:
.L_overlay_start_1:
0x0: {  	(tag) =	ssettag $0x1  }
0x1: {  	s5 =	rddreg [dreg:$0x0]  }
0x2: {  	s2 =	rddreg [dreg:$0x1]  }
0x3: {  	s0 =	rddreg [dreg:$0x2]  }
0x4: {  	s4 =	srdreg.scid;
	s3 =	simm.s32 $0x0;
	s1 =	stileid.u32  }
0x5: {  	s14 =	simm.s32 $0x2800;
	s15 =	simm.s32 $0x3;
	s16 =	simm.s32 $0x1400  }
0x6: {  	s17 =	simm.s32 $0x80;
	s18 =	simm.s32 $0x6800;
	s19 =	simm.s32 $0x1  }
0x7: {  	s20 =	simm.s32 $0x2;
	s6 =	sand.u32 $0x1, s4;
	s9 =	smul.u32 $0x14000, s1  }
0x8: {  	[smem:$0x7FF] =	sst s3;
	s29 =	sshll.u32 s1, $0x1;
	s30 =	smul.u32 $0x50000, s1  }
0x9: {  	s4 =	sadd.s32 $0x33E200, s5;
	s21 =	sshll.u32 s1, $0x6;
	s7 =	smul.u32 $0x140000, s6  }
0xa: {  	_ =	strace $0x80000065;
	s8 =	sor.u32 s6, s29;
	s6 =	ssub.s32 $0x2, s6  }
0xb: {  	s21 =	sor.u32 $0x1C03, s21;
	s8 =	smul.u32 $0x280, s8;
	s10 =	sshrl.u32 s6, $0x1  }
0xc: {  	s31 =	sshrl.u32 s30, $0x2;
	s7 =	sadd.s32 s9, s7;
	s10 =	ssub.s32 s6, s10  }
0xd: {  	s8 =	sadd.s32 s8, s5;
	s7 =	sshrl.u32 s7, $0x3;
	s9 =	smax.u32 s10, $0x1  }
0xe: {  	s11 =	sadd.s32 s7, s5;
	s5 =	sadd.s32 s31, s2;
	s6 =	sadd.s32 $0x6A00, s8  }
0xf: {  	s7 =	sadd.s32 $0x2D600, s8;
	s8 =	sadd.s32 $0x366200, s11;
	s10 =	sadd.s32 $0x4000, s5  }
0x10: {  	v0 =	vimm.f32 $0.0e+00;
	s11 =	sadd.s32 $0x8000, s5;
	s12 =	sadd.s32 $0xC000, s5;
	s13 =	sadd.s32 $0x10000, s5  }
.LBB2_1:
0x11: {  	s22 =	simm.s32 $0x0;
	s23 =	simm.s32 $0x200  }
.LBB2_2:
0x12: {  	p0 =	sne.s32 s23, $0xFE00;
	[tilespmem:s22+$0x2870] =	vst v0  }
0x13: {  	[tilespmem:s22+$0x2800] =	vst v0  }
0x14: {  	[tilespmem:s22+$0x2810] =	vst v0  }
.Ltmp0:
0x15: {  	[tilespmem:s22+$0x2820] =	vst v0;
	(pc) =	sbr.rel @p0 .LBB2_2-.Ltmp0, $4  }
0x16: {  	[tilespmem:s22+$0x2830] =	vst v0  }
0x17: {  	[tilespmem:s22+$0x2840] =	vst v0  }
0x18: {  	[tilespmem:s22+$0x2850] =	vst v0  }
0x19: {  	[tilespmem:s22+$0x2860] =	vst v0;
	s22 =	sshra.s32 s23, $0x2;
	s23 =	sadd.s32 $0x200, s23  }
0x1a: {  	[tilespmem:s22+$0x2870] =	vst v0  }
0x1b: {  	[tilespmem:s22+$0x2800] =	vst v0  }
0x1c: {  	[tilespmem:s22+$0x2810] =	vst v0  }
0x1d: {  	[tilespmem:s22+$0x2820] =	vst v0  }
0x1e: {  	[tilespmem:s22+$0x2830] =	vst v0  }
0x1f: {  	[tilespmem:s22+$0x2840] =	vst v0  }
0x20: {  	[tilespmem:s22+$0x2850] =	vst v0  }
0x21: {  	[tilespmem:s22+$0x2860] =	vst v0  }
0x22: {  	[spmem:s5] =	stream.linear.scatter [tilespmem:s14], [sflag:$0x3], $0x4000, $0x38;
	[tilespmem:$0x1E800] =	vst v63  }
0x23: {  	_ =	swait.ge [sflag:s15], $0x4000  }
0x24: {  	[sflag:s15] =	ssyncset.done $0x0  }
0x25: {  	[sflag:s15] =	ssyncadd.s32 $0xFFFFC000  }
0x26: {  	[spmem:s10] =	stream.linear.scatter [tilespmem:s14], [sflag:$0x3], $0x4000, $0x38;
	[tilespmem:$0x1E800] =	vst v63  }
0x27: {  	_ =	swait.ge [sflag:s15], $0x4000  }
0x28: {  	[sflag:s15] =	ssyncset.done $0x0  }
0x29: {  	[sflag:s15] =	ssyncadd.s32 $0xFFFFC000  }
0x2a: {  	[spmem:s11] =	stream.linear.scatter [tilespmem:s14], [sflag:$0x3], $0x4000, $0x38;
	[tilespmem:$0x1E800] =	vst v63  }
0x2b: {  	_ =	swait.ge [sflag:s15], $0x4000  }
0x2c: {  	[sflag:s15] =	ssyncset.done $0x0  }
0x2d: {  	[sflag:s15] =	ssyncadd.s32 $0xFFFFC000  }
0x2e: {  	[spmem:s12] =	stream.linear.scatter [tilespmem:s14], [sflag:$0x3], $0x4000, $0x38;
	[tilespmem:$0x1E800] =	vst v63  }
0x2f: {  	_ =	swait.ge [sflag:s15], $0x4000  }
0x30: {  	[sflag:s15] =	ssyncset.done $0x0  }
0x31: {  	[sflag:s15] =	ssyncadd.s32 $0xFFFFC000  }
0x32: {  	[spmem:s13] =	stream.linear.scatter [tilespmem:s14], [sflag:$0x3], $0x4000, $0x38;
	[tilespmem:$0x1E800] =	vst v63  }
0x33: {  	_ =	swait.ge [sflag:s15], $0x4000  }
0x34: {  	[sflag:s15] =	ssyncset.done $0x0  }
0x35: {  	s26 =	simm.s32 $0x0;
	[sflag:s15] =	ssyncadd.s32 $0xFFFFC000  }
0x36: {  	[tilespmem:s26], [sflag:$0x3] =	stream.linear.gather [hbm4b:s6+s26], $0x1400, $0x38;
	[tilespmem:$0x1E800] =	vst v63  }
0x37: {  	_ =	swait.ge [sflag:s15], $0x1400  }
0x38: {  	[sflag:s15] =	ssyncset.done $0x0  }
0x39: {  	[sflag:s15] =	ssyncadd.s32 $0xFFFFEC00  }
0x3a: {  	[tilespmem:s16], [sflag:$0x3] =	stream.linear.gather [hbm4b:s7+s26], $0x1400, $0x38;
	[tilespmem:$0x1E800] =	vst v63  }
0x3b: {  	_ =	swait.ge [sflag:s15], $0x1400  }
0x3c: {  	[sflag:s15] =	ssyncset.done $0x0  }
0x3d: {  	[sflag:s15] =	ssyncadd.s32 $0xFFFFEC00  }
0x3e: {  	s28 =	simm.s32 $0x0;
	[bflag:$0x0] =	sbarrier.arrive $0xFFFF  }
0x3f: {  	[tilespmem:s14], [sflag:$0x1] =	stream.indirect.gather [hbm4b:s4+s17], $0x80, s28, s17, $0xb8;
	[tilespmem:$0x1E800] =	vst v63  }
0x40: {  	s29 =	simm.s32 $0x80  }
0x41: {  	[tilespmem:s18], [sflag:$0x1] =	stream.indirect.gather [hbm4b:s4+s17], $0x80, s29, s17, $0xb8;
	[tilespmem:$0x1E800] =	vst v63  }
0x42: {  	_ =	swait.ge [sflag:s19], $0x4000  }
0x43: {  	[sflag:s19] =	ssyncset.done $0x0  }
0x44: {  	s30 =	simm.s32 $0x1400;
	[sflag:s19] =	ssyncadd.s32 $0xFFFFC000  }
0x45: {  	[spmem:s2] =	stream.indirect.scatter.add.f32 [tilespmem:s14], [sflag:$0x2], $0x80, s30, s17, $0xb8;
	[tilespmem:$0x1E800] =	vst v63  }
0x46: {  	_ =	swait.ge [sflag:s19], $0x4000  }
0x47: {  	[sflag:s19] =	ssyncset.done $0x0  }
0x48: {  	s31 =	simm.s32 $0x1480;
	[sflag:s19] =	ssyncadd.s32 $0xFFFFC000  }
0x49: {  	[spmem:s2] =	stream.indirect.scatter.add.f32 [tilespmem:s18], [sflag:$0x2], $0x80, s31, s17, $0xb8;
	[tilespmem:$0x1E800] =	vst v63  }
0x4a: {  	_ =	swait.ge [sflag:s20], $0x4000  }
0x4b: {  	[sflag:s20] =	ssyncset.done $0x0  }
0x4c: {  	[sflag:s20] =	ssyncadd.s32 $0xFFFFC000  }
0x4d: {  	_ =	swait.ge [sflag:s20], $0x4000  }
0x4e: {  	s22 =	simm.s32 $0x400;
	s23 =	simm.s32 $0x800;
	[sflag:s20] =	ssyncset.done $0x0  }
.LBB2_4:
0x4f: {  	s24 =	sshra.s32 s22, $0x2  }
0x50: {  	[sflag:s20] =	ssyncadd.s32 $0xFFFFC000;
	s22 =	smov.u32 s23;
	s25 =	sadd.s32 $0x400, s23  }
0x51: {  	[tilespmem:s14], [sflag:$0x1] =	stream.indirect.gather [hbm4b:s4+s17], $0x80, s24, s17, $0xb8;
	[tilespmem:$0x1E800] =	vst v63  }
0x52: {  	p0 =	sne.s32 s23, $0x4C00;
	s23 =	sadd.s32 $0x80, s24  }
0x53: {  	[tilespmem:s18], [sflag:$0x1] =	stream.indirect.gather [hbm4b:s4+s17], $0x80, s23, s17, $0xb8;
	[tilespmem:$0x1E800] =	vst v63  }
0x54: {  	_ =	swait.ge [sflag:s19], $0x4000  }
0x55: {  	[sflag:s19] =	ssyncset.done $0x0  }
0x56: {  	s23 =	sadd.s32 $0x1400, s24;
	[sflag:s19] =	ssyncadd.s32 $0xFFFFC000  }
0x57: {  	[spmem:s2] =	stream.indirect.scatter.add.f32 [tilespmem:s14], [sflag:$0x2], $0x80, s23, s17, $0xb8;
	[tilespmem:$0x1E800] =	vst v63  }
0x58: {  	_ =	swait.ge [sflag:s19], $0x4000  }
0x59: {  	[sflag:s19] =	ssyncset.done $0x0  }
0x5a: {  	s23 =	sadd.s32 $0x1480, s24;
	[sflag:s19] =	ssyncadd.s32 $0xFFFFC000  }
0x5b: {  	[spmem:s2] =	stream.indirect.scatter.add.f32 [tilespmem:s18], [sflag:$0x2], $0x80, s23, s17, $0xb8;
	[tilespmem:$0x1E800] =	vst v63  }
.Ltmp1:
0x5c: {  	_ =	swait.ge [sflag:s20], $0x4000;
	(pc) =	sbr.rel @p0 .LBB2_4-.Ltmp1, $4  }
0x5d: {  	[sflag:s20] =	ssyncset.done $0x0  }
0x5e: {  	[sflag:s20] =	ssyncadd.s32 $0xFFFFC000  }
0x5f: {  	_ =	swait.ge [sflag:s20], $0x4000  }
0x60: {  	s23 =	smov.u32 s25;
	[sflag:s20] =	ssyncset.done $0x0  }
0x61: {  	s22 =	sshra.s32 s22, $0x2;
	[sflag:s20] =	ssyncadd.s32 $0xFFFFC000  }
0x62: {  	[tilespmem:s14], [sflag:$0x1] =	stream.indirect.gather [hbm4b:s4+s17], $0x80, s22, s17, $0xb8;
	[tilespmem:$0x1E800] =	vst v63  }
0x63: {  	s23 =	sadd.s32 $0x80, s22  }
0x64: {  	[tilespmem:s18], [sflag:$0x1] =	stream.indirect.gather [hbm4b:s4+s17], $0x80, s23, s17, $0xb8;
	[tilespmem:$0x1E800] =	vst v63  }
0x65: {  	_ =	swait.ge [sflag:s19], $0x4000  }
0x66: {  	[sflag:s19] =	ssyncset.done $0x0  }
0x67: {  	s30 =	sadd.s32 $0x1400, s22;
	[sflag:s19] =	ssyncadd.s32 $0xFFFFC000  }
0x68: {  	[spmem:s2] =	stream.indirect.scatter.add.f32 [tilespmem:s14], [sflag:$0x2], $0x80, s30, s17, $0xb8;
	[tilespmem:$0x1E800] =	vst v63  }
0x69: {  	_ =	swait.ge [sflag:s19], $0x4000  }
0x6a: {  	[sflag:s19] =	ssyncset.done $0x0  }
0x6b: {  	s22 =	sadd.s32 $0x1480, s22;
	[sflag:s19] =	ssyncadd.s32 $0xFFFFC000  }
0x6c: {  	[spmem:s2] =	stream.indirect.scatter.add.f32 [tilespmem:s18], [sflag:$0x2], $0x80, s22, s17, $0xb8;
	[tilespmem:$0x1E800] =	vst v63  }
0x6d: {  	_ =	swait.ge [sflag:s20], $0x4000  }
0x6e: {  	[sflag:s20] =	ssyncset.done $0x0  }
0x6f: {  	[sflag:s20] =	ssyncadd.s32 $0xFFFFC000  }
0x70: {  	_ =	swait.ge [sflag:s20], $0x4000  }
0x71: {  	s3 =	sadd.s32 $0x1, s3;
	[sflag:s20] =	ssyncset.done $0x0  }
0x72: {  	p0 =	sne.s32 s3, s9;
	[sflag:s20] =	ssyncadd.s32 $0xFFFFC000  }
.Ltmp2:
0x73: {  	s31 =	sshrl.u32 s5, $0x3;
	[bflag:$0x0] =	sbarrier.arrive $0xFFFF;
	(pc) =	sbr.rel @p0 .LBB2_1-.Ltmp2, $4  }
0x74: {  	[hbm:s8], [sflag:s21] =	dma.local [spmem:s31], $0x2800  }
0x75: {  	_ =	swait.ge [sflag:s15], $0x2800  }
0x76: {  	[sflag:s15] =	ssyncset.done $0x0  }
0x77: {  	[sflag:s15] =	ssyncadd.s32 $0xFFFFD800  }
0x78: {  	_ =	sfence.sel $0x180000  }
0x79: {  	[bflag:$0x0] =	sbarrier.arrive $0xFFFF  }
0x7a: {  	p0 =	sne.s32 s1, $0x0;
	_ =	strace $0x90000065  }
0x7b: {  	s0 =	sadd.s32 @!p0 $0x100000, s0;
	[bflag:$0x2] =	sbarrier.arrive $0xFFFF  }
0x7c: {  	[sflag:s0] =	ssyncadd.tile.s32 @!p0 $0x1;
	_ =	shalt  }
.Lfunc_end2:
_tile_overlayer_lowered:
.L_overlay_start_2:
0x7d: {  	(tag) =	ssettag $0x2  }
0x7e: {  	s0 =	rddreg [dreg:$0x0];
	s2 =	stileid.u32  }
0x7f: {  	s1 =	rddreg [dreg:$0x1];
	p0 =	sne.s32 s2, $0x0  }
0x80: {  	s3 =	rddreg [dreg:$0x2];
	[bflag:$0x3] =	sbarrier.arrive $0xFFFF;
	s2 =	simm.s32 @!p0 $0x1C03  }
0x81: {  	[timem:s3], [sflag:s2] =	dma.local @!p0 [hbm:s0], s1  }
0x82: {  	s0 =	simm.s32 @!p0 $0x3  }
0x83: {  	_ =	swait.ge @!p0 [sflag:s0], s1  }
0x84: {  	s1 =	ssub.s32 @!p0 $0x0, s1;
	[sflag:s0] =	ssyncset.done @!p0 $0x0  }
0x85: {  	[sflag:s0] =	ssyncadd.s32 @!p0 s1  }
0x86: {  	[bflag:$0x3] =	sbarrier.arrive $0xFFFF  }
0x87: {  	_ =	shalt  }

// kernel: closed_call.39.cloned.1.call-start
scs
__scs_entry_jumppad:
0x0: {  	(pc) =	sbr.rel $0x88, $3  }
0x1: {  	(tag) =	ssettag $0x0;
	lr =	simm.s32 $0x1  }
0x2: {  	[smem:$0x3F81] =	sst lr;
	_ =	strace $0xD0000000  }
0x3: {  	_ = 	snop  }
0x4: {  	_ = 	snop  }
0x5: {  	_ = 	snop  }
0x6: {  	_ = 	snop  }
0x7: {  	_ = 	snop  }
__scs_overlays_trampoline_lowered:
0x8: {  	[smem:$0x3F90] =	sst s0  }
0x9: {  	[smem:$0x3F91] =	sst s1  }
0xa: {  	[smem:$0x3F92] =	sst s2  }
0xb: {  	[smem:$0x3F93] =	sst s3  }
0xc: {  	[smem:$0x3F94] =	sst s4  }
0xd: {  	[smem:$0x3F95] =	sst s5  }
0xe: {  	[smem:$0x3F96] =	sst s6  }
0xf: {  	[smem:$0x3F97] =	sst s7  }
0x10: {  	[smem:$0x3F98] =	sst s8  }
0x11: {  	[smem:$0x3F99] =	sst s9;
	s0 =	simm.s32 @!p0 $0x0  }
0x12: {  	s1 =	sld [smem:$0x3F7F];
	s0 =	simm.s32 @p0 $0x1  }
0x13: {  	[smem:$0x3F9A] =	sst s0;
	s0 =	simm.s32 @!p1 $0x0  }
0x14: {  	s2 =	sld [smem:$0x3F7E];
	s0 =	simm.s32 @p1 $0x1  }
0x15: {  	[smem:$0x3F9B] =	sst s0;
	s0 =	simm.s32 @!p2 $0x0  }
0x16: {  	s3 =	sld [smem:$0x3FDB];
	s0 =	simm.s32 @p2 $0x1  }
0x17: {  	s4 =	simm.s32 $0x1BF5;
	[smem:$0x3F9D] =	sst s0  }
0x18: {  	s0 =	sld [smem:$0x3F80];
	_ =	swait.ge [sflag:s4], $0x0  }
0x19: {  	s7 =	sld [smem:$0x3F81]  }
0x1a: {  	s8 =	sadd.s32 $0xFFFFE003, lr  }
0x1b: {  	s9 =	sadd.s32 $0xFFFFFEF7, lr;
	s5 =	simm.s32 $0xFFFFFFFF;
	p2 =	slt.u32 s8, $0xFFFFF086  }
0x1c: {  	p1 =	slt.u32 s9, $0xF7A;
	s5 =	simm.s32 @!p2 $0x0  }
0x1d: {  	s5 =	simm.s32 @p1 $0x1;
	p0 =	seq.s32 s7, s2  }
0x1e: {  	s7 =	smul.u32 @!p0 $0xF7A, s2;
	p2 =	seq.s32 @!p0 s5, $0x0  }
0x1f: {  	s9 =	smul.u32 $0xF7A, s1;
	s8 =	simm.s32 @!p0 $0x1BF5;
	p2 =	por !p2, p0  }
0x20: {  	[sflag:s8] =	ssyncset.s32 @!p0 $0xFFFFF086;
	s6 =	sadd.s32 @!p0 s3, s7;
	s7 =	simm.s32 @!p0 $0x108  }
0x21: {  	s3 =	sadd.s32 s3, s9;
	s6 =	sadd.s32 @!p0 $0x88, s6;
	s7 =	simm.s32 @p2 $0x1082  }
0x22: {  	[simem:s7], [sflag:s8] =	dma.local @!p0 [hbm:s6], $0xF7A  }
0x23: {  	s9 =	sor.u32 $0xD0000000, s2;
	s6 =	simm.s32 $0x108;
	_ =	swait.ge @!p0 [sflag:s8], $0x0  }
0x24: {  	s3 =	sadd.s32 $0x88, s3;
	s6 =	simm.s32 @!p1 $0x1082;
	[sflag:s4] =	ssyncset.s32 $0xFFFFF086  }
0x25: {  	[simem:s6], [sflag:s4] =	dma.local [hbm:s3], $0xF7A  }
0x26: {  	[smem:$0x3F81] =	sst s1;
	(tag) =	ssettag s2;
	_ =	strace s9  }
0x27: {  	s1 =	sld [smem:$0x3F91]  }
0x28: {  	s2 =	sld [smem:$0x3F92]  }
0x29: {  	s4 =	sld [smem:$0x3F94]  }
0x2a: {  	p0 =	seq.s32 s5, $0x0;
	s5 =	sld [smem:$0x3F95]  }
0x2b: {  	s6 =	sld [smem:$0x3F96]  }
0x2c: {  	s7 =	sld [smem:$0x3F97]  }
0x2d: {  	s3 =	simm.s32 $0x108;
	s8 =	sld [smem:$0x3F98]  }
0x2e: {  	s3 =	simm.s32 @!p0 $0x1082;
	s9 =	sld [smem:$0x3F99]  }
0x2f: {  	lr =	sadd.s32 s0, s3;
	s0 =	sld [smem:$0x3F90]  }
0x30: {  	s3 =	sld [smem:$0x3F93]  }
0x31: {  	[smem:$0x3F9C] =	sst s10  }
0x32: {  	s10 =	sld [smem:$0x3F9A];
	_ =	sdelay $0x3  }
0x33: {  	p0 =	seq.s32 s10, $0x1;
	s10 =	sld [smem:$0x3F9C];
	_ =	sdelay $0x3  }
0x34: {  	[smem:$0x3F9C] =	sst s10  }
0x35: {  	s10 =	sld [smem:$0x3F9B];
	_ =	sdelay $0x3  }
0x36: {  	p1 =	seq.s32 s10, $0x1;
	s10 =	sld [smem:$0x3F9C];
	_ =	sdelay $0x3  }
0x37: {  	[smem:$0x3F9C] =	sst s10  }
0x38: {  	s10 =	sld [smem:$0x3F9D]  }
0x39: {  	_ = 	snop;
	(pc) =	sbr.ind lr, $3  }
0x3a: {  	_ = 	snop  }
0x3b: {  	_ = 	snop  }
0x3c: {  	p2 =	seq.s32 s10, $0x1;
	s10 =	sld [smem:$0x3F9C]  }
0x3d: {  	_ =	shalt  }
0x3e: {  	_ =	shalt  }
0x3f: {  	_ =	shalt  }
0x40: {  	_ =	shalt  }
0x41: {  	_ =	shalt  }
0x42: {  	_ =	shalt  }
0x43: {  	_ =	shalt  }
0x44: {  	_ =	shalt  }
0x45: {  	_ =	shalt  }
0x46: {  	_ =	shalt  }
0x47: {  	_ =	shalt  }
0x48: {  	_ =	shalt  }
0x49: {  	_ =	shalt  }
0x4a: {  	_ =	shalt  }
0x4b: {  	_ =	shalt  }
0x4c: {  	_ =	shalt  }
0x4d: {  	_ =	shalt  }
0x4e: {  	_ =	shalt  }
0x4f: {  	_ =	shalt  }
0x50: {  	_ =	shalt  }
0x51: {  	_ =	shalt  }
0x52: {  	_ =	shalt  }
0x53: {  	_ =	shalt  }
0x54: {  	_ =	shalt  }
0x55: {  	_ =	shalt  }
0x56: {  	_ =	shalt  }
0x57: {  	_ =	shalt  }
0x58: {  	_ =	shalt  }
0x59: {  	_ =	shalt  }
0x5a: {  	_ =	shalt  }
0x5b: {  	_ =	shalt  }
0x5c: {  	_ =	shalt  }
0x5d: {  	_ =	shalt  }
0x5e: {  	_ =	shalt  }
0x5f: {  	_ =	shalt  }
0x60: {  	_ =	shalt  }
0x61: {  	_ =	shalt  }
0x62: {  	_ =	shalt  }
0x63: {  	_ =	shalt  }
0x64: {  	_ =	shalt  }
0x65: {  	_ =	shalt  }
0x66: {  	_ =	shalt  }
0x67: {  	_ =	shalt  }
0x68: {  	_ =	shalt  }
0x69: {  	_ =	shalt  }
0x6a: {  	_ =	shalt  }
0x6b: {  	_ =	shalt  }
0x6c: {  	_ =	shalt  }
0x6d: {  	_ =	shalt  }
0x6e: {  	_ =	shalt  }
0x6f: {  	_ =	shalt  }
0x70: {  	_ =	shalt  }
0x71: {  	_ =	shalt  }
0x72: {  	_ =	shalt  }
0x73: {  	_ =	shalt  }
0x74: {  	_ =	shalt  }
0x75: {  	_ =	shalt  }
0x76: {  	_ =	shalt  }
0x77: {  	_ =	shalt  }
0x78: {  	_ =	shalt  }
0x79: {  	_ =	shalt  }
0x7a: {  	_ =	shalt  }
0x7b: {  	_ =	shalt  }
0x7c: {  	_ =	shalt  }
0x7d: {  	_ =	shalt  }
0x7e: {  	_ =	shalt  }
0x7f: {  	_ =	shalt  }
0x80: {  	_ =	shalt  }
0x81: {  	_ =	shalt  }
0x82: {  	_ =	shalt  }
0x83: {  	_ =	shalt  }
0x84: {  	_ =	shalt  }
0x85: {  	_ =	shalt  }
0x86: {  	_ =	shalt  }
0x87: {  	_ =	shalt  }
.Lfunc_end0:
.L_simem_size_0:
called_computation.7_lowered:
.L_overlay_start_0:
0x88: {  	s2 =	sld [smem:$0x3FD9]  }
0x89: {  	s3 =	sld [smem:$0x3FFE];
	_ =	sdelay $0x1  }
0x8a: {  	s1 =	srdreg.scid  }
0x8b: {  	s0 =	sand.u32 $0x1, s1  }
0x8c: {  	s16 =	sshll.u32 s0, $0xA;
	s2 =	sadd.s32 s3, s2  }
0x8d: {  	s2 =	sadd.s32 s2, s16  }
0x8e: {  	[smem:$0x3FA8] =	sst s2  }
0x8f: {  	_ = 	snop  }
0x90: {  	(tm) =	ssettm $0x1  }
0x91: {  	s17 =	sld [smem:$0x3FFB];
	_ =	sdelay $0x3  }
0x92: {  	_ =	strace s17  }
0x93: {  	s2 =	sld [smem:$0x3FFC];
	_ =	sdelay $0x3  }
0x94: {  	_ =	strace s2  }
0x95: {  	s2 =	sld [smem:$0x3FFD];
	_ =	sdelay $0x3  }
0x96: {  	_ =	strace s2  }
0x97: {  	_ =	strace $0x8FFFFFFF  }
0x98: {  	s18 =	sld [smem:$0x3FDB];
	_ =	sdelay $0x1  }
0x99: {  	s19 =	simm.s32 $_scs_section_size  }
0x9a: {  	s4 =	simm.s32 $_size__tile_overlayer_lowered;
	s5 =	simm.s32 $_tile_overlayer_lowered  }
0x9b: {  	s22 =	simm.s32 $0x1BFF;
	s21 =	sshll.u32 s5, $0x1;
	s2 =	sadd.s32 s19, s18  }
0x9c: {  	s6 =	simm.s32 $0x0;
	s20 =	sshll.u32 s4, $0x1;
	s4 =	sadd.s32 s21, s2  }
0x9d: {  	[timem:s6], [sflag:s22] =	dma.local [hbm:s4], s20  }
0x9e: {  	_ =	swait.ge [sflag:s22], s20  }
0x9f: {  	s3 =	ssub.s32 $0x0, s20;
	[sflag:s22] =	ssyncset.done $0x0  }
0xa0: {  	[sflag:s22] =	ssyncadd.s32 s3;
	_ =	sdelay $0x1  }
0xa1: {  	s23 =	simm.s32 $0x1B8B  }
0xa2: {  	_ =	swait.ge [sflag:s23], $0x1  }
0xa3: {  	[sflag:s23] =	ssyncset.done $0x0  }
0xa4: {  	s25 =	simm.s32 $0x1B8E;
	s24 =	sld [smem:$0x3FFE];
	[sflag:s23] =	ssyncadd.s32 $0xFFFFFFFF  }
0xa5: {  	s26 =	simm.s32 $execute0_lowered;
	[smem:$0x3FD2] =	sst s25  }
0xa6: {  	s4 =	sshll.u32 s26, $0x1;
	_ =	strace $0x80000067;
	[dreg:$0x1] =	wrdreg $0xFFFFFFFF  }
0xa7: {  	s28 =	simm.s32 $_size_execute0_lowered;
	s2 =	sadd.s32 s2, s4;
	[dreg:$0x0] =	wrdreg $0x0  }
0xa8: {  	s4 =	sshll.u32 s28, $0x1;
	[dreg:$0x2] =	wrdreg s2  }
0xa9: {  	[dreg:$0x3] =	wrdreg s4  }
0xaa: {  	[dreg:$0x4] =	wrdreg $0xC0  }
0xab: {  	_ =	task [dreg:s6], $0x5FFFF  }
0xac: {  	[dreg:$0x1] =	wrdreg $0xFFFFFFFF  }
0xad: {  	[dreg:$0x0] =	wrdreg $0x60  }
0xae: {  	[dreg:$0x2] =	wrdreg s24  }
0xaf: {  	[dreg:$0x3] =	wrdreg $0x90000  }
0xb0: {  	[dreg:$0x4] =	wrdreg $0x9  }
0xb1: {  	_ =	task.clear_ibuf [dreg:s6], $0x5FFFF;
	_ =	strace $0x90000067  }
0xb2: {  	s29 =	simm.s32 $0x9;
	_ =	strace $0x80000069  }
0xb3: {  	_ =	swait.ge [sflag:s29], $0x1  }
0xb4: {  	[sflag:s29] =	ssyncadd.s32 $0xFFFFFFFF  }
0xb5: {  	_ =	strace $0x90000069  }
0xb6: {  	_ =	sfence  }
0xb7: {  	s30 =	sld [smem:$0x0];
	_ =	sdelay $0x2  }
0xb8: {  	s31 =	sshll.u32 s1, $0xD;
	s1 =	sshrl.u32 s1, $0x2  }
0xb9: {  	s3 =	sand.u32 $0x4000, s31;
	s1 =	sadd.s32 s1, s30  }
0xba: {  	s0 =	sor.u32 s3, s0;
	s1 =	sshll.u32 s1, $0x11  }
0xbb: {  	s0 =	sor.u32 s1, s0  }
0xbc: {  	s0 =	sadd.s32 $0x8F2B, s0  }
0xbd: {  	[sflag:s0] =	ssyncadd.remote.s32 $0x1  }
0xbe: {  	_ =	sfence.sel $0xFFFF  }
0xbf: {  	[dreg:$0x0] =	wrdreg $0xFFFFFFFF;
	(pc) =	sbr.abs _section_cstart, $3  }
0xc0: {  	[dreg:$0x1] =	wrdreg $0xFFFFFFFF  }
0xc1: {  	_ =	task.clear_ibuf [dreg:s6], $0x2FFFF;
	_ =	strace $0x9FFFFFFF  }
0xc2: {  	(tm) =	ssettm $0x7FFFFFFF  }
0xc3: {  	_ =	shalt  }
tec
execute0_lowered:
.L_overlay_start_1:
0x0: {  	(tag) =	ssettag $0x1  }
0x1: {  	s0 =	rddreg [dreg:$0x0]  }
0x2: {  	s1 =	rddreg [dreg:$0x1];
	s2 =	srdreg.scid;
	s3 =	simm.s32 $0x0  }
0x3: {  	s9 =	stileid.u32;
	s11 =	simm.s32 $0x1000;
	s12 =	simm.s32 $0x3  }
0x4: {  	s13 =	simm.s32 $0x800;
	s14 =	simm.s32 $0x80;
	s15 =	simm.s32 $0x5000  }
0x5: {  	s16 =	simm.s32 $0x1;
	s18 =	simm.s32 $0x2;
	s23 =	simm.s32 $0x200  }
0x6: {  	s28 =	simm.s32 $0x300;
	s29 =	simm.s32 $0x380;
	s30 =	simm.s32 $0xB00  }
0x7: {  	s31 =	simm.s32 $0xB80;
	s17 =	simm.s32 $0xC00;
	s19 =	simm.s32 $0xC80  }
0x8: {  	s20 =	simm.s32 $0x0;
	s2 =	sand.u32 $0x1, s2;
	s6 =	smul.u32 $0x5000, s9  }
0x9: {  	[smem:$0x7FF] =	sst s3;
	s7 =	sshll.u32 s9, $0x9;
	s24 =	smul.u32 $0x14000, s9  }
0xa: {  	s4 =	sadd.s32 $0x8A00, s0;
	s5 =	smul.u32 $0x50000, s2;
	s8 =	sshll.u32 s2, $0x8  }
0xb: {  	_ =	strace $0x80000068;
	s2 =	ssub.s32 $0x2, s2;
	s7 =	sor.u32 s8, s7  }
0xc: {  	s25 =	sshrl.u32 s2, $0x1;
	s26 =	sshrl.u32 s24, $0x2;
	s24 =	simm.s32 $0x280  }
0xd: {  	s5 =	sadd.s32 s6, s5;
	s7 =	sadd.s32 s7, s0;
	s2 =	ssub.s32 s2, s25  }
0xe: {  	s8 =	sadd.s32 s26, s1;
	s25 =	simm.s32 $0xA00;
	s26 =	simm.s32 $0xA80  }
0xf: {  	s5 =	sshrl.u32 s5, $0x3;
	s6 =	sadd.s32 $0x3C4400, s7;
	s9 =	smax.u32 s2, $0x1  }
0x10: {  	s10 =	sadd.s32 $0x2800, s8;
	s2 =	simm.s32 $0x480;
	s0 =	sadd.s32 s5, s0  }
0x11: {  	v0 =	vimm.f32 $0.0e+00;
	s5 =	sadd.s32 $0x6A00, s7;
	s7 =	sadd.s32 $0x17000, s0;
	s0 =	simm.s32 $0x400  }
.LBB2_1:
0x12: {  	s21 =	simm.s32 $0x0;
	s22 =	simm.s32 $0x200  }
.LBB2_2:
0x13: {  	p0 =	sne.s32 s22, $0x9E00;
	[tilespmem:s21+$0x1070] =	vst v0  }
0x14: {  	[tilespmem:s21+$0x1000] =	vst v0  }
0x15: {  	[tilespmem:s21+$0x1010] =	vst v0  }
.Ltmp0:
0x16: {  	[tilespmem:s21+$0x1020] =	vst v0;
	(pc) =	sbr.rel @p0 .LBB2_2-.Ltmp0, $4  }
0x17: {  	[tilespmem:s21+$0x1030] =	vst v0  }
0x18: {  	[tilespmem:s21+$0x1040] =	vst v0  }
0x19: {  	[tilespmem:s21+$0x1050] =	vst v0  }
0x1a: {  	[tilespmem:s21+$0x1060] =	vst v0;
	s21 =	sshra.s32 s22, $0x2;
	s22 =	sadd.s32 $0x200, s22  }
0x1b: {  	[tilespmem:s21+$0x1070] =	vst v0  }
0x1c: {  	[tilespmem:s21+$0x1000] =	vst v0  }
0x1d: {  	[tilespmem:s21+$0x1010] =	vst v0  }
0x1e: {  	[tilespmem:s21+$0x1020] =	vst v0  }
0x1f: {  	[tilespmem:s21+$0x1030] =	vst v0  }
0x20: {  	[tilespmem:s21+$0x1040] =	vst v0  }
0x21: {  	[tilespmem:s21+$0x1050] =	vst v0  }
0x22: {  	[tilespmem:s21+$0x1060] =	vst v0  }
0x23: {  	[spmem:s8] =	stream.linear.scatter [tilespmem:s11], [sflag:$0x3], $0x2800, $0x38;
	[tilespmem:$0xE000] =	vst v63  }
0x24: {  	_ =	swait.ge [sflag:s12], $0x2800  }
0x25: {  	[sflag:s12] =	ssyncset.done $0x0  }
0x26: {  	[sflag:s12] =	ssyncadd.s32 $0xFFFFD800  }
0x27: {  	[spmem:s10] =	stream.linear.scatter [tilespmem:s11], [sflag:$0x3], $0x2800, $0x38;
	[tilespmem:$0xE000] =	vst v63  }
0x28: {  	_ =	swait.ge [sflag:s12], $0x2800  }
0x29: {  	[sflag:s12] =	ssyncset.done $0x0  }
0x2a: {  	[sflag:s12] =	ssyncadd.s32 $0xFFFFD800  }
0x2b: {  	[tilespmem:s3], [sflag:$0x3] =	stream.linear.gather [hbm4b:s5+s3], $0x500, $0x38;
	[tilespmem:$0xE000] =	vst v63  }
0x2c: {  	_ =	swait.ge [sflag:s12], $0x500  }
0x2d: {  	[sflag:s12] =	ssyncset.done $0x0  }
0x2e: {  	[sflag:s12] =	ssyncadd.s32 $0xFFFFFB00  }
0x2f: {  	[tilespmem:s13], [sflag:$0x3] =	stream.linear.gather [hbm4b:s6+s3], $0x500, $0x38;
	[tilespmem:$0xE000] =	vst v63  }
0x30: {  	_ =	swait.ge [sflag:s12], $0x500  }
0x31: {  	[sflag:s12] =	ssyncset.done $0x0  }
0x32: {  	[sflag:s12] =	ssyncadd.s32 $0xFFFFFB00  }
0x33: {  	[bflag:$0x0] =	sbarrier.arrive $0xFFFF  }
0x34: {  	[tilespmem:s11], [sflag:$0x1] =	stream.indirect.gather [hbm4b:s4+s14], $0x80, s3, s14, $0xb8;
	[tilespmem:$0xE000] =	vst v63  }
0x35: {  	_ = 	snop  }
0x36: {  	[tilespmem:s15], [sflag:$0x1] =	stream.indirect.gather [hbm4b:s4+s14], $0x80, s14, s14, $0xb8;
	[tilespmem:$0xE000] =	vst v63  }
0x37: {  	_ =	swait.ge [sflag:s16], $0x4000  }
0x38: {  	[sflag:s16] =	ssyncset.done $0x0  }
0x39: {  	[sflag:s16] =	ssyncadd.s32 $0xFFFFC000  }
0x3a: {  	[spmem:s1] =	stream.indirect.scatter.add.f32 [tilespmem:s11], [sflag:$0x2], $0x80, s13, s14, $0xb8;
	[tilespmem:$0xE000] =	vst v63  }
0x3b: {  	_ =	swait.ge [sflag:s16], $0x4000  }
0x3c: {  	[sflag:s16] =	ssyncset.done $0x0  }
0x3d: {  	s22 =	simm.s32 $0x880;
	[sflag:s16] =	ssyncadd.s32 $0xFFFFC000  }
0x3e: {  	[spmem:s1] =	stream.indirect.scatter.add.f32 [tilespmem:s15], [sflag:$0x2], $0x80, s22, s14, $0xb8;
	[tilespmem:$0xE000] =	vst v63  }
0x3f: {  	_ =	swait.ge [sflag:s18], $0x4000  }
0x40: {  	[sflag:s18] =	ssyncset.done $0x0  }
0x41: {  	[sflag:s18] =	ssyncadd.s32 $0xFFFFC000  }
0x42: {  	_ =	swait.ge [sflag:s18], $0x4000  }
0x43: {  	[sflag:s18] =	ssyncset.done $0x0  }
0x44: {  	s22 =	simm.s32 $0x100;
	[sflag:s18] =	ssyncadd.s32 $0xFFFFC000  }
0x45: {  	[tilespmem:s11], [sflag:$0x1] =	stream.indirect.gather [hbm4b:s4+s14], $0x80, s22, s14, $0xb8;
	[tilespmem:$0xE000] =	vst v63  }
0x46: {  	s22 =	simm.s32 $0x180  }
0x47: {  	[tilespmem:s15], [sflag:$0x1] =	stream.indirect.gather [hbm4b:s4+s14], $0x80, s22, s14, $0xb8;
	[tilespmem:$0xE000] =	vst v63  }
0x48: {  	_ =	swait.ge [sflag:s16], $0x4000  }
0x49: {  	[sflag:s16] =	ssyncset.done $0x0  }
0x4a: {  	s22 =	simm.s32 $0x900;
	[sflag:s16] =	ssyncadd.s32 $0xFFFFC000  }
0x4b: {  	[spmem:s1] =	stream.indirect.scatter.add.f32 [tilespmem:s11], [sflag:$0x2], $0x80, s22, s14, $0xb8;
	[tilespmem:$0xE000] =	vst v63  }
0x4c: {  	_ =	swait.ge [sflag:s16], $0x4000  }
0x4d: {  	[sflag:s16] =	ssyncset.done $0x0  }
0x4e: {  	s22 =	simm.s32 $0x980;
	[sflag:s16] =	ssyncadd.s32 $0xFFFFC000  }
0x4f: {  	[spmem:s1] =	stream.indirect.scatter.add.f32 [tilespmem:s15], [sflag:$0x2], $0x80, s22, s14, $0xb8;
	[tilespmem:$0xE000] =	vst v63  }
0x50: {  	_ =	swait.ge [sflag:s18], $0x4000  }
0x51: {  	[sflag:s18] =	ssyncset.done $0x0  }
0x52: {  	[sflag:s18] =	ssyncadd.s32 $0xFFFFC000  }
0x53: {  	_ =	swait.ge [sflag:s18], $0x4000  }
0x54: {  	[sflag:s18] =	ssyncset.done $0x0  }
0x55: {  	[sflag:s18] =	ssyncadd.s32 $0xFFFFC000  }
0x56: {  	[tilespmem:s11], [sflag:$0x1] =	stream.indirect.gather [hbm4b:s4+s14], $0x80, s23, s14, $0xb8;
	[tilespmem:$0xE000] =	vst v63  }
0x57: {  	_ = 	snop  }
0x58: {  	[tilespmem:s15], [sflag:$0x1] =	stream.indirect.gather [hbm4b:s4+s14], $0x80, s24, s14, $0xb8;
	[tilespmem:$0xE000] =	vst v63  }
0x59: {  	_ =	swait.ge [sflag:s16], $0x4000  }
0x5a: {  	[sflag:s16] =	ssyncset.done $0x0  }
0x5b: {  	[sflag:s16] =	ssyncadd.s32 $0xFFFFC000  }
0x5c: {  	[spmem:s1] =	stream.indirect.scatter.add.f32 [tilespmem:s11], [sflag:$0x2], $0x80, s25, s14, $0xb8;
	[tilespmem:$0xE000] =	vst v63  }
0x5d: {  	_ =	swait.ge [sflag:s16], $0x4000  }
0x5e: {  	[sflag:s16] =	ssyncset.done $0x0  }
0x5f: {  	[sflag:s16] =	ssyncadd.s32 $0xFFFFC000  }
0x60: {  	[spmem:s1] =	stream.indirect.scatter.add.f32 [tilespmem:s15], [sflag:$0x2], $0x80, s26, s14, $0xb8;
	[tilespmem:$0xE000] =	vst v63  }
0x61: {  	_ =	swait.ge [sflag:s18], $0x4000  }
0x62: {  	[sflag:s18] =	ssyncset.done $0x0  }
0x63: {  	[sflag:s18] =	ssyncadd.s32 $0xFFFFC000  }
0x64: {  	_ =	swait.ge [sflag:s18], $0x4000  }
0x65: {  	[sflag:s18] =	ssyncset.done $0x0  }
0x66: {  	[sflag:s18] =	ssyncadd.s32 $0xFFFFC000  }
0x67: {  	[tilespmem:s11], [sflag:$0x1] =	stream.indirect.gather [hbm4b:s4+s14], $0x80, s28, s14, $0xb8;
	[tilespmem:$0xE000] =	vst v63  }
0x68: {  	_ = 	snop  }
0x69: {  	[tilespmem:s15], [sflag:$0x1] =	stream.indirect.gather [hbm4b:s4+s14], $0x80, s29, s14, $0xb8;
	[tilespmem:$0xE000] =	vst v63  }
0x6a: {  	_ =	swait.ge [sflag:s16], $0x4000  }
0x6b: {  	[sflag:s16] =	ssyncset.done $0x0  }
0x6c: {  	[sflag:s16] =	ssyncadd.s32 $0xFFFFC000  }
0x6d: {  	[spmem:s1] =	stream.indirect.scatter.add.f32 [tilespmem:s11], [sflag:$0x2], $0x80, s30, s14, $0xb8;
	[tilespmem:$0xE000] =	vst v63  }
0x6e: {  	_ =	swait.ge [sflag:s16], $0x4000  }
0x6f: {  	[sflag:s16] =	ssyncset.done $0x0  }
0x70: {  	[sflag:s16] =	ssyncadd.s32 $0xFFFFC000  }
0x71: {  	[spmem:s1] =	stream.indirect.scatter.add.f32 [tilespmem:s15], [sflag:$0x2], $0x80, s31, s14, $0xb8;
	[tilespmem:$0xE000] =	vst v63  }
0x72: {  	_ =	swait.ge [sflag:s18], $0x4000  }
0x73: {  	[sflag:s18] =	ssyncset.done $0x0  }
0x74: {  	[sflag:s18] =	ssyncadd.s32 $0xFFFFC000  }
0x75: {  	_ =	swait.ge [sflag:s18], $0x4000  }
0x76: {  	[sflag:s18] =	ssyncset.done $0x0  }
0x77: {  	[sflag:s18] =	ssyncadd.s32 $0xFFFFC000  }
0x78: {  	[tilespmem:s11], [sflag:$0x1] =	stream.indirect.gather [hbm4b:s4+s14], $0x80, s0, s14, $0xb8;
	[tilespmem:$0xE000] =	vst v63  }
0x79: {  	_ = 	snop  }
0x7a: {  	[tilespmem:s15], [sflag:$0x1] =	stream.indirect.gather [hbm4b:s4+s14], $0x80, s2, s14, $0xb8;
	[tilespmem:$0xE000] =	vst v63  }
0x7b: {  	_ =	swait.ge [sflag:s16], $0x4000  }
0x7c: {  	[sflag:s16] =	ssyncset.done $0x0  }
0x7d: {  	[sflag:s16] =	ssyncadd.s32 $0xFFFFC000  }
0x7e: {  	[spmem:s1] =	stream.indirect.scatter.add.f32 [tilespmem:s11], [sflag:$0x2], $0x80, s17, s14, $0xb8;
	[tilespmem:$0xE000] =	vst v63  }
0x7f: {  	_ =	swait.ge [sflag:s16], $0x4000  }
0x80: {  	[sflag:s16] =	ssyncset.done $0x0  }
0x81: {  	[sflag:s16] =	ssyncadd.s32 $0xFFFFC000  }
0x82: {  	[spmem:s1] =	stream.indirect.scatter.add.f32 [tilespmem:s15], [sflag:$0x2], $0x80, s19, s14, $0xb8;
	[tilespmem:$0xE000] =	vst v63  }
0x83: {  	_ =	swait.ge [sflag:s18], $0x4000  }
0x84: {  	[sflag:s18] =	ssyncset.done $0x0  }
0x85: {  	[sflag:s18] =	ssyncadd.s32 $0xFFFFC000  }
0x86: {  	s20 =	sadd.s32 $0x1, s20;
	_ =	swait.ge [sflag:s18], $0x4000  }
0x87: {  	p0 =	sne.s32 s20, s9;
	s22 =	stileid.u32;
	[sflag:s18] =	ssyncset.done $0x0  }
0x88: {  	s21 =	sshll.u32 s22, $0x6;
	s22 =	sshrl.u32 s8, $0x3;
	[sflag:s18] =	ssyncadd.s32 $0xFFFFC000  }
.Ltmp1:
0x89: {  	s21 =	sor.u32 $0x1C03, s21;
	[bflag:$0x0] =	sbarrier.arrive $0xFFFF;
	(pc) =	sbr.rel @p0 .LBB2_1-.Ltmp1, $4  }
0x8a: {  	[hbm:s7], [sflag:s21] =	dma.local [spmem:s22], $0xA00  }
0x8b: {  	_ =	swait.ge [sflag:s12], $0xA00  }
0x8c: {  	[sflag:s12] =	ssyncset.done $0x0  }
0x8d: {  	[sflag:s12] =	ssyncadd.s32 $0xFFFFF600  }
0x8e: {  	_ =	sfence.sel $0x180000  }
0x8f: {  	[bflag:$0x0] =	sbarrier.arrive $0xFFFF  }
0x90: {  	_ =	strace $0x90000068  }
0x91: {  	s0 =	stileid.u32;
	[bflag:$0x2] =	sbarrier.arrive $0xFFFF  }
0x92: {  	p0 =	sne.s32 s0, $0x0;
	s0 =	rddreg [dreg:$0x2]  }
0x93: {  	s0 =	sadd.s32 @!p0 $0x100000, s0  }
0x94: {  	[sflag:s0] =	ssyncadd.tile.s32 @!p0 $0x1;
	_ =	shalt  }
.Lfunc_end2:
_tile_overlayer_lowered:
.L_overlay_start_2:
0x95: {  	(tag) =	ssettag $0x2  }
0x96: {  	s0 =	rddreg [dreg:$0x0];
	s2 =	stileid.u32  }
0x97: {  	s1 =	rddreg [dreg:$0x1];
	p0 =	sne.s32 s2, $0x0  }
0x98: {  	s3 =	rddreg [dreg:$0x2];
	[bflag:$0x3] =	sbarrier.arrive $0xFFFF;
	s2 =	simm.s32 @!p0 $0x1C03  }
0x99: {  	[timem:s3], [sflag:s2] =	dma.local @!p0 [hbm:s0], s1  }
0x9a: {  	s0 =	simm.s32 @!p0 $0x3  }
0x9b: {  	_ =	swait.ge @!p0 [sflag:s0], s1  }
0x9c: {  	s1 =	ssub.s32 @!p0 $0x0, s1;
	[sflag:s0] =	ssyncset.done @!p0 $0x0  }
0x9d: {  	[sflag:s0] =	ssyncadd.s32 @!p0 s1  }
0x9e: {  	[bflag:$0x3] =	sbarrier.arrive $0xFFFF  }
0x9f: {  	_ =	shalt  }

// kernel: gather_offload_async_start.1
scs
__scs_entry_jumppad:
0x0: {  	(pc) =	sbr.rel $0x88, $3  }
0x1: {  	(tag) =	ssettag $0x0;
	lr =	simm.s32 $0x1  }
0x2: {  	[smem:$0x3F81] =	sst lr;
	_ =	strace $0xD0000000  }
0x3: {  	_ = 	snop  }
0x4: {  	_ = 	snop  }
0x5: {  	_ = 	snop  }
0x6: {  	_ = 	snop  }
0x7: {  	_ = 	snop  }
__scs_overlays_trampoline_lowered:
0x8: {  	[smem:$0x3F90] =	sst s0  }
0x9: {  	[smem:$0x3F91] =	sst s1  }
0xa: {  	[smem:$0x3F92] =	sst s2  }
0xb: {  	[smem:$0x3F93] =	sst s3  }
0xc: {  	[smem:$0x3F94] =	sst s4  }
0xd: {  	[smem:$0x3F95] =	sst s5  }
0xe: {  	[smem:$0x3F96] =	sst s6  }
0xf: {  	[smem:$0x3F97] =	sst s7  }
0x10: {  	[smem:$0x3F98] =	sst s8  }
0x11: {  	[smem:$0x3F99] =	sst s9;
	s0 =	simm.s32 @!p0 $0x0  }
0x12: {  	s1 =	sld [smem:$0x3F7F];
	s0 =	simm.s32 @p0 $0x1  }
0x13: {  	[smem:$0x3F9A] =	sst s0;
	s0 =	simm.s32 @!p1 $0x0  }
0x14: {  	s2 =	sld [smem:$0x3F7E];
	s0 =	simm.s32 @p1 $0x1  }
0x15: {  	[smem:$0x3F9B] =	sst s0;
	s0 =	simm.s32 @!p2 $0x0  }
0x16: {  	s3 =	sld [smem:$0x3FDB];
	s0 =	simm.s32 @p2 $0x1  }
0x17: {  	s4 =	simm.s32 $0x1BF5;
	[smem:$0x3F9D] =	sst s0  }
0x18: {  	s0 =	sld [smem:$0x3F80];
	_ =	swait.ge [sflag:s4], $0x0  }
0x19: {  	s7 =	sld [smem:$0x3F81]  }
0x1a: {  	s8 =	sadd.s32 $0xFFFFE003, lr  }
0x1b: {  	s9 =	sadd.s32 $0xFFFFFEF7, lr;
	s5 =	simm.s32 $0xFFFFFFFF;
	p2 =	slt.u32 s8, $0xFFFFF086  }
0x1c: {  	p1 =	slt.u32 s9, $0xF7A;
	s5 =	simm.s32 @!p2 $0x0  }
0x1d: {  	s5 =	simm.s32 @p1 $0x1;
	p0 =	seq.s32 s7, s2  }
0x1e: {  	s7 =	smul.u32 @!p0 $0xF7A, s2;
	p2 =	seq.s32 @!p0 s5, $0x0  }
0x1f: {  	s9 =	smul.u32 $0xF7A, s1;
	s8 =	simm.s32 @!p0 $0x1BF5;
	p2 =	por !p2, p0  }
0x20: {  	[sflag:s8] =	ssyncset.s32 @!p0 $0xFFFFF086;
	s6 =	sadd.s32 @!p0 s3, s7;
	s7 =	simm.s32 @!p0 $0x108  }
0x21: {  	s3 =	sadd.s32 s3, s9;
	s6 =	sadd.s32 @!p0 $0x88, s6;
	s7 =	simm.s32 @p2 $0x1082  }
0x22: {  	[simem:s7], [sflag:s8] =	dma.local @!p0 [hbm:s6], $0xF7A  }
0x23: {  	s9 =	sor.u32 $0xD0000000, s2;
	s6 =	simm.s32 $0x108;
	_ =	swait.ge @!p0 [sflag:s8], $0x0  }
0x24: {  	s3 =	sadd.s32 $0x88, s3;
	s6 =	simm.s32 @!p1 $0x1082;
	[sflag:s4] =	ssyncset.s32 $0xFFFFF086  }
0x25: {  	[simem:s6], [sflag:s4] =	dma.local [hbm:s3], $0xF7A  }
0x26: {  	[smem:$0x3F81] =	sst s1;
	(tag) =	ssettag s2;
	_ =	strace s9  }
0x27: {  	s1 =	sld [smem:$0x3F91]  }
0x28: {  	s2 =	sld [smem:$0x3F92]  }
0x29: {  	s4 =	sld [smem:$0x3F94]  }
0x2a: {  	p0 =	seq.s32 s5, $0x0;
	s5 =	sld [smem:$0x3F95]  }
0x2b: {  	s6 =	sld [smem:$0x3F96]  }
0x2c: {  	s7 =	sld [smem:$0x3F97]  }
0x2d: {  	s3 =	simm.s32 $0x108;
	s8 =	sld [smem:$0x3F98]  }
0x2e: {  	s3 =	simm.s32 @!p0 $0x1082;
	s9 =	sld [smem:$0x3F99]  }
0x2f: {  	lr =	sadd.s32 s0, s3;
	s0 =	sld [smem:$0x3F90]  }
0x30: {  	s3 =	sld [smem:$0x3F93]  }
0x31: {  	[smem:$0x3F9C] =	sst s10  }
0x32: {  	s10 =	sld [smem:$0x3F9A];
	_ =	sdelay $0x3  }
0x33: {  	p0 =	seq.s32 s10, $0x1;
	s10 =	sld [smem:$0x3F9C];
	_ =	sdelay $0x3  }
0x34: {  	[smem:$0x3F9C] =	sst s10  }
0x35: {  	s10 =	sld [smem:$0x3F9B];
	_ =	sdelay $0x3  }
0x36: {  	p1 =	seq.s32 s10, $0x1;
	s10 =	sld [smem:$0x3F9C];
	_ =	sdelay $0x3  }
0x37: {  	[smem:$0x3F9C] =	sst s10  }
0x38: {  	s10 =	sld [smem:$0x3F9D]  }
0x39: {  	_ = 	snop;
	(pc) =	sbr.ind lr, $3  }
0x3a: {  	_ = 	snop  }
0x3b: {  	_ = 	snop  }
0x3c: {  	p2 =	seq.s32 s10, $0x1;
	s10 =	sld [smem:$0x3F9C]  }
0x3d: {  	_ =	shalt  }
0x3e: {  	_ =	shalt  }
0x3f: {  	_ =	shalt  }
0x40: {  	_ =	shalt  }
0x41: {  	_ =	shalt  }
0x42: {  	_ =	shalt  }
0x43: {  	_ =	shalt  }
0x44: {  	_ =	shalt  }
0x45: {  	_ =	shalt  }
0x46: {  	_ =	shalt  }
0x47: {  	_ =	shalt  }
0x48: {  	_ =	shalt  }
0x49: {  	_ =	shalt  }
0x4a: {  	_ =	shalt  }
0x4b: {  	_ =	shalt  }
0x4c: {  	_ =	shalt  }
0x4d: {  	_ =	shalt  }
0x4e: {  	_ =	shalt  }
0x4f: {  	_ =	shalt  }
0x50: {  	_ =	shalt  }
0x51: {  	_ =	shalt  }
0x52: {  	_ =	shalt  }
0x53: {  	_ =	shalt  }
0x54: {  	_ =	shalt  }
0x55: {  	_ =	shalt  }
0x56: {  	_ =	shalt  }
0x57: {  	_ =	shalt  }
0x58: {  	_ =	shalt  }
0x59: {  	_ =	shalt  }
0x5a: {  	_ =	shalt  }
0x5b: {  	_ =	shalt  }
0x5c: {  	_ =	shalt  }
0x5d: {  	_ =	shalt  }
0x5e: {  	_ =	shalt  }
0x5f: {  	_ =	shalt  }
0x60: {  	_ =	shalt  }
0x61: {  	_ =	shalt  }
0x62: {  	_ =	shalt  }
0x63: {  	_ =	shalt  }
0x64: {  	_ =	shalt  }
0x65: {  	_ =	shalt  }
0x66: {  	_ =	shalt  }
0x67: {  	_ =	shalt  }
0x68: {  	_ =	shalt  }
0x69: {  	_ =	shalt  }
0x6a: {  	_ =	shalt  }
0x6b: {  	_ =	shalt  }
0x6c: {  	_ =	shalt  }
0x6d: {  	_ =	shalt  }
0x6e: {  	_ =	shalt  }
0x6f: {  	_ =	shalt  }
0x70: {  	_ =	shalt  }
0x71: {  	_ =	shalt  }
0x72: {  	_ =	shalt  }
0x73: {  	_ =	shalt  }
0x74: {  	_ =	shalt  }
0x75: {  	_ =	shalt  }
0x76: {  	_ =	shalt  }
0x77: {  	_ =	shalt  }
0x78: {  	_ =	shalt  }
0x79: {  	_ =	shalt  }
0x7a: {  	_ =	shalt  }
0x7b: {  	_ =	shalt  }
0x7c: {  	_ =	shalt  }
0x7d: {  	_ =	shalt  }
0x7e: {  	_ =	shalt  }
0x7f: {  	_ =	shalt  }
0x80: {  	_ =	shalt  }
0x81: {  	_ =	shalt  }
0x82: {  	_ =	shalt  }
0x83: {  	_ =	shalt  }
0x84: {  	_ =	shalt  }
0x85: {  	_ =	shalt  }
0x86: {  	_ =	shalt  }
0x87: {  	_ =	shalt  }
.Lfunc_end0:
.L_simem_size_0:
called_computation.1_lowered:
.L_overlay_start_0:
0x88: {  	s2 =	sld [smem:$0x3FD9]  }
0x89: {  	s3 =	sld [smem:$0x3FFE];
	_ =	sdelay $0x1  }
0x8a: {  	s1 =	srdreg.scid  }
0x8b: {  	s0 =	sand.u32 $0x1, s1  }
0x8c: {  	s17 =	sshll.u32 s0, $0xA;
	s2 =	sadd.s32 s3, s2  }
0x8d: {  	s2 =	sadd.s32 s2, s17  }
0x8e: {  	[smem:$0x3FA8] =	sst s2  }
0x8f: {  	_ = 	snop  }
0x90: {  	(tm) =	ssettm $0x1  }
0x91: {  	s18 =	sld [smem:$0x3FFB];
	_ =	sdelay $0x3  }
0x92: {  	_ =	strace s18  }
0x93: {  	s2 =	sld [smem:$0x3FFC];
	_ =	sdelay $0x3  }
0x94: {  	_ =	strace s2  }
0x95: {  	s2 =	sld [smem:$0x3FFD];
	_ =	sdelay $0x3  }
0x96: {  	_ =	strace s2  }
0x97: {  	_ =	strace $0x8FFFFFFF  }
0x98: {  	s19 =	sld [smem:$0x3FDB];
	_ =	sdelay $0x1  }
0x99: {  	s20 =	simm.s32 $_scs_section_size  }
0x9a: {  	s4 =	simm.s32 $_size__tile_overlayer_lowered;
	s5 =	simm.s32 $_tile_overlayer_lowered  }
0x9b: {  	s6 =	simm.s32 $0x1BFF;
	s21 =	sshll.u32 s5, $0x1;
	s3 =	sadd.s32 s20, s19  }
0x9c: {  	s22 =	simm.s32 $0x0;
	s4 =	sshll.u32 s4, $0x1;
	s5 =	sadd.s32 s21, s3  }
0x9d: {  	[timem:s22], [sflag:s6] =	dma.local [hbm:s5], s4  }
0x9e: {  	_ =	swait.ge [sflag:s6], s4  }
0x9f: {  	s4 =	ssub.s32 $0x0, s4;
	[sflag:s6] =	ssyncset.done $0x0  }
0xa0: {  	[sflag:s6] =	ssyncadd.s32 s4;
	_ =	sdelay $0x1  }
0xa1: {  	s23 =	simm.s32 $0x1B8B  }
0xa2: {  	_ =	swait.ge [sflag:s23], $0x1  }
0xa3: {  	[sflag:s23] =	ssyncset.done $0x0  }
0xa4: {  	[sflag:s23] =	ssyncadd.s32 $0xFFFFFFFF  }
0xa5: {  	s4 =	sld [smem:$0x0]  }
0xa6: {  	s5 =	sand.u32 $0xFFFFFFFE, s1  }
0xa7: {  	p0 =	sne.s32 s1, s5  }
0xa8: {  	s5 =	sshll.u32 @p0 s5, $0xE  }
0xa9: {  	s5 =	sadd.s32 @p0 $0x11B8D, s5;
	s6 =	sshll.u32 @p0 s4, $0x11  }
0xaa: {  	s5 =	sor.u32 @p0 s6, s5  }
0xab: {  	[sflag:s5] =	ssyncadd.remote.s32 @p0 $0x1;
	_ =	sdelay $0x1  }
0xac: {  	s5 =	simm.s32 @p0 $0x1B8D  }
0xad: {  	_ =	swait.eq @p0 [sflag:s5], $0x1  }
0xae: {  	[sflag:s5] =	ssyncadd.s32 @p0 $0xFFFFFFFF  }
0xaf: {  	s6 =	sshll.u32 @!p0 s1, $0xE  }
0xb0: {  	s6 =	sor.u32 @!p0 $0x4000, s6;
	s5 =	simm.s32 @!p0 $0x1B8D  }
0xb1: {  	s4 =	sshll.u32 @!p0 s4, $0x11;
	s6 =	sadd.s32 @!p0 $0x11B8D, s6;
	_ =	swait.eq @!p0 [sflag:s5], $0x1  }
0xb2: {  	s4 =	sor.u32 @!p0 s4, s6;
	[sflag:s5] =	ssyncadd.s32 @!p0 $0xFFFFFFFF  }
0xb3: {  	s25 =	simm.s32 $0x1B8E;
	s24 =	sld [smem:$0x3FFE];
	[sflag:s4] =	ssyncadd.remote.s32 @!p0 $0x1  }
0xb4: {  	s26 =	simm.s32 $execute0_lowered;
	[smem:$0x3FD2] =	sst s25  }
0xb5: {  	s5 =	sshll.u32 s26, $0x1;
	_ =	strace $0x8000004C;
	[dreg:$0x1] =	wrdreg $0xFFFFFFFF  }
0xb6: {  	s28 =	simm.s32 $_size_execute0_lowered;
	s3 =	sadd.s32 s3, s5;
	[dreg:$0x0] =	wrdreg $0x0  }
0xb7: {  	s5 =	sshll.u32 s28, $0x1;
	[dreg:$0x2] =	wrdreg s3  }
0xb8: {  	[dreg:$0x3] =	wrdreg s5  }
0xb9: {  	[dreg:$0x4] =	wrdreg $0xC0  }
0xba: {  	_ =	task [dreg:s22], $0x5FFFF  }
0xbb: {  	[dreg:$0x1] =	wrdreg $0xFFFFFFFF  }
0xbc: {  	[dreg:$0x0] =	wrdreg $0x60  }
0xbd: {  	[dreg:$0x2] =	wrdreg s24  }
0xbe: {  	[dreg:$0x3] =	wrdreg $0x9  }
0xbf: {  	_ =	task.clear_ibuf [dreg:s22], $0x4FFFF;
	_ =	strace $0x9000004C  }
0xc0: {  	s29 =	simm.s32 $0x9;
	_ =	strace $0x8000004E  }
0xc1: {  	_ =	swait.ge [sflag:s29], $0x1  }
0xc2: {  	[sflag:s29] =	ssyncadd.s32 $0xFFFFFFFF  }
0xc3: {  	_ =	strace $0x9000004E  }
0xc4: {  	_ =	sfence  }
0xc5: {  	s30 =	sld [smem:$0x0];
	_ =	sdelay $0x2  }
0xc6: {  	s31 =	sshll.u32 s1, $0xD;
	s1 =	sshrl.u32 s1, $0x2  }
0xc7: {  	s4 =	sand.u32 $0x4000, s31;
	s1 =	sadd.s32 s1, s30  }
0xc8: {  	s0 =	sor.u32 s4, s0;
	s1 =	sshll.u32 s1, $0x11  }
0xc9: {  	s0 =	sor.u32 s1, s0  }
0xca: {  	s0 =	sadd.s32 $0x8F2B, s0  }
0xcb: {  	[sflag:s0] =	ssyncadd.remote.s32 $0x1  }
0xcc: {  	_ =	sfence.sel $0xFFFF  }
0xcd: {  	[dreg:$0x0] =	wrdreg $0xFFFFFFFF;
	(pc) =	sbr.abs _section_cstart, $3  }
0xce: {  	[dreg:$0x1] =	wrdreg $0xFFFFFFFF  }
0xcf: {  	_ =	task.clear_ibuf [dreg:s22], $0x2FFFF;
	_ =	strace $0x9FFFFFFF  }
0xd0: {  	(tm) =	ssettm $0x7FFFFFFF  }
0xd1: {  	_ =	shalt  }
tec
execute0_lowered:
.L_overlay_start_1:
0x0: {  	(tag) =	ssettag $0x1  }
0x1: {  	s8 =	rddreg [dreg:$0x0]  }
0x2: {  	s0 =	rddreg [dreg:$0x1];
	_ =	strace $0x8000004D;
	s1 =	stileid.u32  }
0x3: {  	s3 =	srdreg.scid;
	s4 =	simm.s32 $0x1;
	s7 =	simm.s32 $0x1  }
0x4: {  	s9 =	simm.s32 $0x1;
	s10 =	simm.s32 $0x3;
	s13 =	simm.s32 $0x0  }
0x5: {  	s12 =	simm.s32 $0x0;
	s5 =	sand.u32 $0x1, s3;
	s6 =	sshll.u32 s1, $0x1  }
0x6: {  	s2 =	sadd.s32 $0xBA00, s8;
	s3 =	sadd.s32 $0x10A00, s8;
	s5 =	sor.u32 s6, s5  }
.Ltmp0:
0x7: {  	[sflag:s4] =	ssyncpa.u1 $0x0;
	p0 =	slt.u32 s5, $0x9;
	(pc) =	sbr.rel .LBB2_1-.Ltmp0, $4  }
0x8: {  	s6 =	simm.s32 $0x2;
	s7 =	simm.s32 @!p0 $0x0;
	p0 =	sne.s32 s5, $0x8  }
0x9: {  	[sflag:s6] =	ssyncpa.u1 $0x0;
	s5 =	smul.u32 $0xFA0, s5;
	s9 =	simm.s32 @!p0 $0x0  }
0xa: {  	s8 =	sadd.s32 $0x3C6400, s8;
	[sflag:s10] =	ssyncpa.u1 $0x0;
	s7 =	sadd.s32 s9, s7  }
0xb: {  	vm0 =	vmmov $0xffff;
	s10 =	simm.s32 $0x0;
	s11 =	smov.u32 s5;
	s9 =	sadd.s32 $0x1, s7  }
.LBB2_4:
0xc: {  	v2 =	vnsel vm1, $0x0, v2  }
0xd: {  	vm1 =	vgt.s32 v0, $0x0;
	v2 =	vmin.u32 v2, $0x270FF  }
0xe: {  	v0 =	vnsel vm1, $0x0, v0  }
0xf: {  	v0 =	vmin.u32 v0, $0x270FF  }
0x10: {  	[tilespmem:s18], [sflag:$0x1] =	stream.indirect_vreg.gather [hbm4b:s2+s10], $0x1, v1, vm0, $0x4038;
	[tilespmem:$0x3E80] =	vst v63  }
0x11: {  	(ifvalue) =	ssetifvalue $0x7FFFFFFF  }
0x12: {  	[tilespmem:s15], [sflag:$0x1] =	stream.indirect_vreg.gather [hbm4b:s2+s10], $0x1, v2, vm0, $0x4038;
	[tilespmem:$0x3E80] =	vst v63  }
0x13: {  	s29 =	sadd.s32 $0x10, s15;
	(ifvalue) =	ssetifvalue $0x7FFFFFFF  }
0x14: {  	[tilespmem:s29], [sflag:$0x1] =	stream.indirect_vreg.gather [hbm4b:s2+s10], $0x1, v0, vm0, $0x4038;
	[tilespmem:$0x3E80] =	vst v63  }
0x15: {  	_ =	swait.ge [sflag:s4], $0xFA0  }
0x16: {  	s30 =	sshrl.u32 s13, $0x3;
	[sflag:s4] =	ssyncset.done $0x0  }
0x17: {  	s31 =	sand.u32 $0x7, s13;
	s15 =	sadd.s32 s8, s30;
	[sflag:s4] =	ssyncadd.s32 $0xFFFFF060  }
0x18: {  	[hbm4b:s15+s31] =	stream.linear.scatter [tilespmem:s14], [sflag:$0x3], $0xFA0, $0x38;
	[tilespmem:$0x3E80] =	vst v63  }
.LBB2_5:
0x19: {  	s15 =	sadd.s32 $0x1F400, s11  }
0x1a: {  	p1 =	sgt.s32 s15, $0x270FF  }
0x1b: {  	s15 =	smov.u32 @p1 s5;
	p1 =	sne.s32 s12, s9  }
.Ltmp1:
0x1c: {  	p0 =	slt.u32 s12, $0x2;
	(pc) =	sbr.rel @!p1 .LBB2_6-.Ltmp1, $4  }
0x1d: {  	s14 =	simm.s32 @!p0 $0x3  }
0x1e: {  	_ =	swait.ge @!p0 [sflag:s14], $0xFA0  }
0x1f: {  	s16 =	sadd.s32 $0x1, s12;
	s13 =	smov.u32 s11;
	[sflag:s14] =	ssyncset.done @!p0 $0x0  }
0x20: {  	s12 =	smov.u32 s16;
	s11 =	smov.u32 s15;
	[sflag:s14] =	ssyncadd.s32 @!p0 $0xFFFFF060  }
.LBB2_1:
0x21: {  	p0 =	sge.u32 s12, s7  }
0x22: {  	s14 =	sxor.u32 @!p0 $0x1, s12  }
0x23: {  	s14 =	smul.u32 @!p0 $0x3E80, s14  }
0x24: {  	s31 =	sadd.s32 $0xFFFFFFFF, s12;
	s15 =	sshrl.u32 @!p0 s11, $0x3  }
0x25: {  	s16 =	sand.u32 @!p0 $0x7, s11;
	s15 =	sadd.s32 @!p0 s3, s15;
	s14 =	sshra.s32 @!p0 s14, $0x2  }
0x26: {  	[tilespmem:s14], [sflag:$0x2] =	stream.linear.gather @!p0 [hbm4b:s15+s16], $0xFA0, $0x38;
	[tilespmem:$0x3E80] =	vst v63  }
0x27: {  	p0 =	sge.u32 s31, s7  }
.Ltmp2:
0x28: {  	_ = 	snop;
	(pc) =	sbr.rel @p0 .LBB2_5-.Ltmp2, $1  }
0x29: {  	_ =	sdelay $0x3  }
0x2a: {  	s14 =	sand.u32 $0x1, s12  }
0x2b: {  	_ =	swait.ge [sflag:s6], $0xFA0;
	p0 =	seq.s32 s14, $0x1;
	s14 =	simm.s32 $0xFA0  }
0x2c: {  	[sflag:s6] =	ssyncset.done $0x0;
	s14 =	simm.s32 @!p0 $0x0  }
0x2d: {  	[sflag:s6] =	ssyncadd.s32 $0xFFFFF060;
	(ifvalue) =	ssetifvalue $0x7FFFFFFF;
	v0 =	vld.msk [tilespmem:s14+$0x0 ss:$0x1], $0xffff;
	_ =	sdelay $0x4  }
0x2e: {  	s15 =	sadd.s32 $0x10, s14;
	vm1 =	vgt.s32 v0, $0x0  }
0x2f: {  	v2 =	vld.msk [tilespmem:s15+$0x0 ss:$0x1], $0xffff;
	v1 =	vnsel vm1, $0x0, v0  }
0x30: {  	v1 =	vmin.u32 v1, $0x270FF;
	_ =	sdelay $0x2  }
0x31: {  	s17 =	simm.s32 $0x20;
	s14 =	sadd.s32 $0x1F40, s14;
	s16 =	sadd.s32 $0x10, s15  }
0x32: {  	s15 =	sadd.s32 $0x10, s14;
	s18 =	smov.u32 s14;
	v0 =	vld.msk [tilespmem:s16+$0x0 ss:$0x1], $0xffff;
	vm1 =	vgt.s32 v2, $0x0;
	(ifvalue) =	ssetifvalue $0x7FFFFFFF  }
.LBB2_3:
0x33: {  	[tilespmem:s18], [sflag:$0x1] =	stream.indirect_vreg.gather [hbm4b:s2+s10], $0x1, v1, vm0, $0x4038;
	[tilespmem:$0x3E80] =	vst v63  }
0x34: {  	s17 =	sadd.s32 $0x10, s17  }
0x35: {  	v2 =	vnsel vm1, $0x0, v2;
	p0 =	slt.u32 s17, $0xF90  }
.Ltmp3:
0x36: {  	s18 =	smov.u32 s15;
	v1 =	vmin.u32 v2, $0x270FF;
	(pc) =	sbr.rel @p0 .LBB2_3-.Ltmp3, $3  }
0x37: {  	_ =	sdelay $0x1  }
0x38: {  	s16 =	sadd.s32 $0x10, s16  }
0x39: {  	vm1 =	vgt.s32 v0, $0x0;
	s15 =	sadd.s32 $0x10, s15;
	v2 =	vmov v0;
	(ifvalue) =	ssetifvalue $0x7FFFFFFF;
	v0 =	vld.msk [tilespmem:s16+$0x0 ss:$0x1], $0xffff  }
.Ltmp4:
0x3a: {  	_ = 	snop;
	(pc) =	sbr.rel .LBB2_4-.Ltmp4, $1  }
0x3b: {  	_ =	sdelay $0x3  }
.LBB2_6:
0x3c: {  	_ =	sfence.sel $0x180000  }
0x3d: {  	s2 =	simm.s32 $0x2;
	[bflag:$0x0] =	sbarrier.arrive $0xFFFF  }
0x3e: {  	s30 =	simm.s32 $0x3;
	[sflag:s2] =	ssyncpa.u1 $0x1  }
0x3f: {  	s31 =	simm.s32 $0x1;
	[sflag:s30] =	ssyncpa.u1 $0x1  }
0x40: {  	[sflag:s31] =	ssyncpa.u1 $0x1  }
0x41: {  	p0 =	sne.s32 s1, $0x0;
	_ =	strace $0x9000004D  }
0x42: {  	s0 =	sadd.s32 @!p0 $0x100000, s0;
	[bflag:$0x2] =	sbarrier.arrive $0xFFFF  }
0x43: {  	[sflag:s0] =	ssyncadd.tile.s32 @!p0 $0x1;
	_ =	shalt  }
.Lfunc_end2:
_tile_overlayer_lowered:
.L_overlay_start_2:
0x44: {  	(tag) =	ssettag $0x2  }
0x45: {  	s0 =	rddreg [dreg:$0x0];
	s2 =	stileid.u32  }
0x46: {  	s1 =	rddreg [dreg:$0x1];
	p0 =	sne.s32 s2, $0x0  }
0x47: {  	s3 =	rddreg [dreg:$0x2];
	[bflag:$0x3] =	sbarrier.arrive $0xFFFF;
	s2 =	simm.s32 @!p0 $0x1C01  }
0x48: {  	[timem:s3], [sflag:s2] =	dma.local @!p0 [hbm:s0], s1  }
0x49: {  	s0 =	simm.s32 @!p0 $0x1  }
0x4a: {  	_ =	swait.ge @!p0 [sflag:s0], s1  }
0x4b: {  	s1 =	ssub.s32 @!p0 $0x0, s1;
	[sflag:s0] =	ssyncset.done @!p0 $0x0  }
0x4c: {  	[sflag:s0] =	ssyncadd.s32 @!p0 s1  }
0x4d: {  	[bflag:$0x3] =	sbarrier.arrive $0xFFFF  }
0x4e: {  	_ =	shalt  }

// kernel: gather_offload_async_start.2
scs
__scs_entry_jumppad:
0x0: {  	(pc) =	sbr.rel $0x88, $3  }
0x1: {  	(tag) =	ssettag $0x0;
	lr =	simm.s32 $0x1  }
0x2: {  	[smem:$0x3F81] =	sst lr;
	_ =	strace $0xD0000000  }
0x3: {  	_ = 	snop  }
0x4: {  	_ = 	snop  }
0x5: {  	_ = 	snop  }
0x6: {  	_ = 	snop  }
0x7: {  	_ = 	snop  }
__scs_overlays_trampoline_lowered:
0x8: {  	[smem:$0x3F90] =	sst s0  }
0x9: {  	[smem:$0x3F91] =	sst s1  }
0xa: {  	[smem:$0x3F92] =	sst s2  }
0xb: {  	[smem:$0x3F93] =	sst s3  }
0xc: {  	[smem:$0x3F94] =	sst s4  }
0xd: {  	[smem:$0x3F95] =	sst s5  }
0xe: {  	[smem:$0x3F96] =	sst s6  }
0xf: {  	[smem:$0x3F97] =	sst s7  }
0x10: {  	[smem:$0x3F98] =	sst s8  }
0x11: {  	[smem:$0x3F99] =	sst s9;
	s0 =	simm.s32 @!p0 $0x0  }
0x12: {  	s1 =	sld [smem:$0x3F7F];
	s0 =	simm.s32 @p0 $0x1  }
0x13: {  	[smem:$0x3F9A] =	sst s0;
	s0 =	simm.s32 @!p1 $0x0  }
0x14: {  	s2 =	sld [smem:$0x3F7E];
	s0 =	simm.s32 @p1 $0x1  }
0x15: {  	[smem:$0x3F9B] =	sst s0;
	s0 =	simm.s32 @!p2 $0x0  }
0x16: {  	s3 =	sld [smem:$0x3FDB];
	s0 =	simm.s32 @p2 $0x1  }
0x17: {  	s4 =	simm.s32 $0x1BF5;
	[smem:$0x3F9D] =	sst s0  }
0x18: {  	s0 =	sld [smem:$0x3F80];
	_ =	swait.ge [sflag:s4], $0x0  }
0x19: {  	s7 =	sld [smem:$0x3F81]  }
0x1a: {  	s8 =	sadd.s32 $0xFFFFE003, lr  }
0x1b: {  	s9 =	sadd.s32 $0xFFFFFEF7, lr;
	s5 =	simm.s32 $0xFFFFFFFF;
	p2 =	slt.u32 s8, $0xFFFFF086  }
0x1c: {  	p1 =	slt.u32 s9, $0xF7A;
	s5 =	simm.s32 @!p2 $0x0  }
0x1d: {  	s5 =	simm.s32 @p1 $0x1;
	p0 =	seq.s32 s7, s2  }
0x1e: {  	s7 =	smul.u32 @!p0 $0xF7A, s2;
	p2 =	seq.s32 @!p0 s5, $0x0  }
0x1f: {  	s9 =	smul.u32 $0xF7A, s1;
	s8 =	simm.s32 @!p0 $0x1BF5;
	p2 =	por !p2, p0  }
0x20: {  	[sflag:s8] =	ssyncset.s32 @!p0 $0xFFFFF086;
	s6 =	sadd.s32 @!p0 s3, s7;
	s7 =	simm.s32 @!p0 $0x108  }
0x21: {  	s3 =	sadd.s32 s3, s9;
	s6 =	sadd.s32 @!p0 $0x88, s6;
	s7 =	simm.s32 @p2 $0x1082  }
0x22: {  	[simem:s7], [sflag:s8] =	dma.local @!p0 [hbm:s6], $0xF7A  }
0x23: {  	s9 =	sor.u32 $0xD0000000, s2;
	s6 =	simm.s32 $0x108;
	_ =	swait.ge @!p0 [sflag:s8], $0x0  }
0x24: {  	s3 =	sadd.s32 $0x88, s3;
	s6 =	simm.s32 @!p1 $0x1082;
	[sflag:s4] =	ssyncset.s32 $0xFFFFF086  }
0x25: {  	[simem:s6], [sflag:s4] =	dma.local [hbm:s3], $0xF7A  }
0x26: {  	[smem:$0x3F81] =	sst s1;
	(tag) =	ssettag s2;
	_ =	strace s9  }
0x27: {  	s1 =	sld [smem:$0x3F91]  }
0x28: {  	s2 =	sld [smem:$0x3F92]  }
0x29: {  	s4 =	sld [smem:$0x3F94]  }
0x2a: {  	p0 =	seq.s32 s5, $0x0;
	s5 =	sld [smem:$0x3F95]  }
0x2b: {  	s6 =	sld [smem:$0x3F96]  }
0x2c: {  	s7 =	sld [smem:$0x3F97]  }
0x2d: {  	s3 =	simm.s32 $0x108;
	s8 =	sld [smem:$0x3F98]  }
0x2e: {  	s3 =	simm.s32 @!p0 $0x1082;
	s9 =	sld [smem:$0x3F99]  }
0x2f: {  	lr =	sadd.s32 s0, s3;
	s0 =	sld [smem:$0x3F90]  }
0x30: {  	s3 =	sld [smem:$0x3F93]  }
0x31: {  	[smem:$0x3F9C] =	sst s10  }
0x32: {  	s10 =	sld [smem:$0x3F9A];
	_ =	sdelay $0x3  }
0x33: {  	p0 =	seq.s32 s10, $0x1;
	s10 =	sld [smem:$0x3F9C];
	_ =	sdelay $0x3  }
0x34: {  	[smem:$0x3F9C] =	sst s10  }
0x35: {  	s10 =	sld [smem:$0x3F9B];
	_ =	sdelay $0x3  }
0x36: {  	p1 =	seq.s32 s10, $0x1;
	s10 =	sld [smem:$0x3F9C];
	_ =	sdelay $0x3  }
0x37: {  	[smem:$0x3F9C] =	sst s10  }
0x38: {  	s10 =	sld [smem:$0x3F9D]  }
0x39: {  	_ = 	snop;
	(pc) =	sbr.ind lr, $3  }
0x3a: {  	_ = 	snop  }
0x3b: {  	_ = 	snop  }
0x3c: {  	p2 =	seq.s32 s10, $0x1;
	s10 =	sld [smem:$0x3F9C]  }
0x3d: {  	_ =	shalt  }
0x3e: {  	_ =	shalt  }
0x3f: {  	_ =	shalt  }
0x40: {  	_ =	shalt  }
0x41: {  	_ =	shalt  }
0x42: {  	_ =	shalt  }
0x43: {  	_ =	shalt  }
0x44: {  	_ =	shalt  }
0x45: {  	_ =	shalt  }
0x46: {  	_ =	shalt  }
0x47: {  	_ =	shalt  }
0x48: {  	_ =	shalt  }
0x49: {  	_ =	shalt  }
0x4a: {  	_ =	shalt  }
0x4b: {  	_ =	shalt  }
0x4c: {  	_ =	shalt  }
0x4d: {  	_ =	shalt  }
0x4e: {  	_ =	shalt  }
0x4f: {  	_ =	shalt  }
0x50: {  	_ =	shalt  }
0x51: {  	_ =	shalt  }
0x52: {  	_ =	shalt  }
0x53: {  	_ =	shalt  }
0x54: {  	_ =	shalt  }
0x55: {  	_ =	shalt  }
0x56: {  	_ =	shalt  }
0x57: {  	_ =	shalt  }
0x58: {  	_ =	shalt  }
0x59: {  	_ =	shalt  }
0x5a: {  	_ =	shalt  }
0x5b: {  	_ =	shalt  }
0x5c: {  	_ =	shalt  }
0x5d: {  	_ =	shalt  }
0x5e: {  	_ =	shalt  }
0x5f: {  	_ =	shalt  }
0x60: {  	_ =	shalt  }
0x61: {  	_ =	shalt  }
0x62: {  	_ =	shalt  }
0x63: {  	_ =	shalt  }
0x64: {  	_ =	shalt  }
0x65: {  	_ =	shalt  }
0x66: {  	_ =	shalt  }
0x67: {  	_ =	shalt  }
0x68: {  	_ =	shalt  }
0x69: {  	_ =	shalt  }
0x6a: {  	_ =	shalt  }
0x6b: {  	_ =	shalt  }
0x6c: {  	_ =	shalt  }
0x6d: {  	_ =	shalt  }
0x6e: {  	_ =	shalt  }
0x6f: {  	_ =	shalt  }
0x70: {  	_ =	shalt  }
0x71: {  	_ =	shalt  }
0x72: {  	_ =	shalt  }
0x73: {  	_ =	shalt  }
0x74: {  	_ =	shalt  }
0x75: {  	_ =	shalt  }
0x76: {  	_ =	shalt  }
0x77: {  	_ =	shalt  }
0x78: {  	_ =	shalt  }
0x79: {  	_ =	shalt  }
0x7a: {  	_ =	shalt  }
0x7b: {  	_ =	shalt  }
0x7c: {  	_ =	shalt  }
0x7d: {  	_ =	shalt  }
0x7e: {  	_ =	shalt  }
0x7f: {  	_ =	shalt  }
0x80: {  	_ =	shalt  }
0x81: {  	_ =	shalt  }
0x82: {  	_ =	shalt  }
0x83: {  	_ =	shalt  }
0x84: {  	_ =	shalt  }
0x85: {  	_ =	shalt  }
0x86: {  	_ =	shalt  }
0x87: {  	_ =	shalt  }
.Lfunc_end0:
.L_simem_size_0:
called_computation.2_lowered:
.L_overlay_start_0:
0x88: {  	s2 =	sld [smem:$0x3FD9]  }
0x89: {  	s3 =	sld [smem:$0x3FFE];
	_ =	sdelay $0x1  }
0x8a: {  	s1 =	srdreg.scid  }
0x8b: {  	s0 =	sand.u32 $0x1, s1  }
0x8c: {  	s17 =	sshll.u32 s0, $0xA;
	s2 =	sadd.s32 s3, s2  }
0x8d: {  	s2 =	sadd.s32 s2, s17  }
0x8e: {  	[smem:$0x3FA8] =	sst s2  }
0x8f: {  	_ = 	snop  }
0x90: {  	(tm) =	ssettm $0x1  }
0x91: {  	s18 =	sld [smem:$0x3FFB];
	_ =	sdelay $0x3  }
0x92: {  	_ =	strace s18  }
0x93: {  	s2 =	sld [smem:$0x3FFC];
	_ =	sdelay $0x3  }
0x94: {  	_ =	strace s2  }
0x95: {  	s2 =	sld [smem:$0x3FFD];
	_ =	sdelay $0x3  }
0x96: {  	_ =	strace s2  }
0x97: {  	_ =	strace $0x8FFFFFFF  }
0x98: {  	s19 =	sld [smem:$0x3FDB];
	_ =	sdelay $0x1  }
0x99: {  	s20 =	simm.s32 $_scs_section_size  }
0x9a: {  	s4 =	simm.s32 $_size__tile_overlayer_lowered;
	s5 =	simm.s32 $_tile_overlayer_lowered  }
0x9b: {  	s6 =	simm.s32 $0x1BFF;
	s21 =	sshll.u32 s5, $0x1;
	s3 =	sadd.s32 s20, s19  }
0x9c: {  	s22 =	simm.s32 $0x0;
	s4 =	sshll.u32 s4, $0x1;
	s5 =	sadd.s32 s21, s3  }
0x9d: {  	[timem:s22], [sflag:s6] =	dma.local [hbm:s5], s4  }
0x9e: {  	_ =	swait.ge [sflag:s6], s4  }
0x9f: {  	s4 =	ssub.s32 $0x0, s4;
	[sflag:s6] =	ssyncset.done $0x0  }
0xa0: {  	[sflag:s6] =	ssyncadd.s32 s4;
	_ =	sdelay $0x1  }
0xa1: {  	s23 =	simm.s32 $0x1B8B  }
0xa2: {  	_ =	swait.ge [sflag:s23], $0x1  }
0xa3: {  	[sflag:s23] =	ssyncset.done $0x0  }
0xa4: {  	[sflag:s23] =	ssyncadd.s32 $0xFFFFFFFF  }
0xa5: {  	s4 =	sld [smem:$0x0]  }
0xa6: {  	s5 =	sand.u32 $0xFFFFFFFE, s1  }
0xa7: {  	p0 =	sne.s32 s1, s5  }
0xa8: {  	s5 =	sshll.u32 @p0 s5, $0xE  }
0xa9: {  	s5 =	sadd.s32 @p0 $0x11B8D, s5;
	s6 =	sshll.u32 @p0 s4, $0x11  }
0xaa: {  	s5 =	sor.u32 @p0 s6, s5  }
0xab: {  	[sflag:s5] =	ssyncadd.remote.s32 @p0 $0x1;
	_ =	sdelay $0x1  }
0xac: {  	s5 =	simm.s32 @p0 $0x1B8D  }
0xad: {  	_ =	swait.eq @p0 [sflag:s5], $0x1  }
0xae: {  	[sflag:s5] =	ssyncadd.s32 @p0 $0xFFFFFFFF  }
0xaf: {  	s6 =	sshll.u32 @!p0 s1, $0xE  }
0xb0: {  	s6 =	sor.u32 @!p0 $0x4000, s6;
	s5 =	simm.s32 @!p0 $0x1B8D  }
0xb1: {  	s4 =	sshll.u32 @!p0 s4, $0x11;
	s6 =	sadd.s32 @!p0 $0x11B8D, s6;
	_ =	swait.eq @!p0 [sflag:s5], $0x1  }
0xb2: {  	s4 =	sor.u32 @!p0 s4, s6;
	[sflag:s5] =	ssyncadd.s32 @!p0 $0xFFFFFFFF  }
0xb3: {  	s25 =	simm.s32 $0x1B8E;
	s24 =	sld [smem:$0x3FFE];
	[sflag:s4] =	ssyncadd.remote.s32 @!p0 $0x1  }
0xb4: {  	s26 =	simm.s32 $execute0_lowered;
	[smem:$0x3FD2] =	sst s25  }
0xb5: {  	s5 =	sshll.u32 s26, $0x1;
	_ =	strace $0x8000004F;
	[dreg:$0x1] =	wrdreg $0xFFFFFFFF  }
0xb6: {  	s28 =	simm.s32 $_size_execute0_lowered;
	s3 =	sadd.s32 s3, s5;
	[dreg:$0x0] =	wrdreg $0x0  }
0xb7: {  	s5 =	sshll.u32 s28, $0x1;
	[dreg:$0x2] =	wrdreg s3  }
0xb8: {  	[dreg:$0x3] =	wrdreg s5  }
0xb9: {  	[dreg:$0x4] =	wrdreg $0xC0  }
0xba: {  	_ =	task [dreg:s22], $0x5FFFF  }
0xbb: {  	[dreg:$0x1] =	wrdreg $0xFFFFFFFF  }
0xbc: {  	[dreg:$0x0] =	wrdreg $0x60  }
0xbd: {  	[dreg:$0x2] =	wrdreg s24  }
0xbe: {  	[dreg:$0x3] =	wrdreg $0xA  }
0xbf: {  	_ =	task.clear_ibuf [dreg:s22], $0x4FFFF;
	_ =	strace $0x9000004F  }
0xc0: {  	s29 =	simm.s32 $0xA;
	_ =	strace $0x80000051  }
0xc1: {  	_ =	swait.ge [sflag:s29], $0x1  }
0xc2: {  	[sflag:s29] =	ssyncadd.s32 $0xFFFFFFFF  }
0xc3: {  	_ =	strace $0x90000051  }
0xc4: {  	_ =	sfence  }
0xc5: {  	s30 =	sld [smem:$0x0];
	_ =	sdelay $0x2  }
0xc6: {  	s31 =	sshll.u32 s1, $0xD;
	s1 =	sshrl.u32 s1, $0x2  }
0xc7: {  	s4 =	sand.u32 $0x4000, s31;
	s1 =	sadd.s32 s1, s30  }
0xc8: {  	s0 =	sor.u32 s4, s0;
	s1 =	sshll.u32 s1, $0x11  }
0xc9: {  	s0 =	sor.u32 s1, s0  }
0xca: {  	s0 =	sadd.s32 $0x8F2B, s0  }
0xcb: {  	[sflag:s0] =	ssyncadd.remote.s32 $0x1  }
0xcc: {  	_ =	sfence.sel $0xFFFF  }
0xcd: {  	[dreg:$0x0] =	wrdreg $0xFFFFFFFF;
	(pc) =	sbr.abs _section_cstart, $3  }
0xce: {  	[dreg:$0x1] =	wrdreg $0xFFFFFFFF  }
0xcf: {  	_ =	task.clear_ibuf [dreg:s22], $0x2FFFF;
	_ =	strace $0x9FFFFFFF  }
0xd0: {  	(tm) =	ssettm $0x7FFFFFFF  }
0xd1: {  	_ =	shalt  }
tec
execute0_lowered:
.L_overlay_start_1:
0x0: {  	(tag) =	ssettag $0x1  }
0x1: {  	s0 =	srdreg.scid  }
0x2: {  	s1 =	sshll.u32 s0, $0x4  }
0x3: {  	s0 =	stileid.u32;
	s1 =	sand.u32 $0x10, s1  }
0x4: {  	s1 =	sor.u32 s0, s1  }
0x5: {  	s2 =	smul.u32 $0xF, s1  }
0x6: {  	s3 =	smin.u32 s1, $0x14  }
0x7: {  	s2 =	sadd.s32 s3, s2  }
0x8: {  	p0 =	slt.u32 s1, $0x14;
	s1 =	simm.s32 $0x1400;
	s2 =	smul.u32 $0x140, s2  }
0x9: {  	s1 =	simm.s32 @!p0 $0x12C0  }
0xa: {  	s1 =	sadd.s32 s1, s2  }
0xb: {  	s3 =	smin.u32 s1, $0x27100  }
0xc: {  	s7 =	ssub.s32 s3, s2  }
0xd: {  	p0 =	sgt.s32 s7, $0x0  }
0xe: {  	s7 =	simm.s32 @!p0 $0x0  }
0xf: {  	s4 =	smulhi.u32 $0x66666667, s7  }
0x10: {  	s9 =	rddreg [dreg:$0x0];
	s6 =	simm.s32 $0x1;
	s11 =	simm.s32 $0x3  }
0x11: {  	s13 =	simm.s32 $0x0;
	s12 =	simm.s32 $0x0;
	s8 =	sshrl.u32 s4, $0x7  }
0x12: {  	s1 =	rddreg [dreg:$0x1];
	_ =	strace $0x80000050;
	s10 =	smul.u32 $0x140, s8  }
.Ltmp0:
0x13: {  	s5 =	sadd.s32 $0x10A00, s9;
	[sflag:s6] =	ssyncpa.u1 $0x0;
	(pc) =	sbr.rel .LBB2_1-.Ltmp0, $4  }
0x14: {  	s4 =	sadd.s32 $0x153200, s9;
	p0 =	sne.s32 s7, s10;
	s10 =	simm.s32 $0x1  }
0x15: {  	s9 =	sadd.s32 $0x3CB400, s9;
	s7 =	simm.s32 $0x2;
	s10 =	simm.s32 @!p0 $0x0  }
0x16: {  	[sflag:s7] =	ssyncpa.u1 $0x0;
	p0 =	por $0x0, $0x0;
	s8 =	sadd.s32 s10, s8  }
0x17: {  	vm0 =	vmmov $0xff;
	vm1 =	vcmask $0x3F20;
	[sflag:s11] =	ssyncpa.u1 $0x0;
	s11 =	smov.u32 s2;
	s10 =	sadd.s32 $0x1, s8  }
.LBB2_6:
0x18: {  	[hbm:s17] =	stream.linear.scatter [tilespmem:s14], [sflag:$0x3], $0x400, $0x38;
	[tilespmem:$0x14280] =	vst v63  }
.LBB2_7:
0x19: {  	s13 =	sadd.s32 $0x140, s11  }
0x1a: {  	s15 =	smov.u32 s2;
	p2 =	slt.s32 s13, s3  }
0x1b: {  	s15 =	smov.u32 @p2 s13;
	p2 =	sne.s32 s12, s10  }
.Ltmp1:
0x1c: {  	p1 =	slt.u32 s12, $0x2;
	(pc) =	sbr.rel @!p2 .LBB2_8-.Ltmp1, $4  }
0x1d: {  	s14 =	simm.s32 @!p1 $0x3  }
0x1e: {  	s16 =	sadd.s32 $0x1, s12;
	_ =	swait.ge @!p1 [sflag:s14], $0xA000  }
0x1f: {  	p0 =	por !p0, !p0;
	s13 =	smov.u32 s11;
	[sflag:s14] =	ssyncset.done @!p1 $0x0  }
0x20: {  	s12 =	smov.u32 s16;
	s11 =	smov.u32 s15;
	[sflag:s14] =	ssyncadd.s32 @!p1 $0xFFFF6000  }
.LBB2_1:
0x21: {  	p1 =	sge.u32 s12, s8  }
0x22: {  	s14 =	sxor.u32 @!p1 $0xFFFFFFFF, s12  }
0x23: {  	s14 =	sand.u32 @!p1 $0x1, s14  }
0x24: {  	s14 =	smul.u32 @!p1 $0x500, s14  }
0x25: {  	s31 =	sadd.s32 $0xFFFFFFFF, s12;
	s15 =	sshrl.u32 @!p1 s11, $0x3  }
0x26: {  	s16 =	sand.u32 @!p1 $0x7, s11;
	s15 =	sadd.s32 @!p1 s5, s15;
	s14 =	sshrl.u32 @!p1 s14, $0x2  }
0x27: {  	[tilespmem:s14], [sflag:$0x2] =	stream.linear.gather @!p1 [hbm4b:s15+s16], $0x140, $0x38;
	[tilespmem:$0x14280] =	vst v63  }
0x28: {  	p1 =	sge.u32 s31, s8  }
.Ltmp2:
0x29: {  	_ = 	snop;
	(pc) =	sbr.rel @p1 .LBB2_7-.Ltmp2, $1  }
0x2a: {  	_ =	sdelay $0x3  }
0x2b: {  	s14 =	simm.s32 $0x1  }
0x2c: {  	s14 =	simm.s32 @!p0 $0x0  }
0x2d: {  	s15 =	smul.u32 $0x500, s14  }
0x2e: {  	_ =	swait.ge [sflag:s7], $0x140  }
0x2f: {  	[sflag:s7] =	ssyncset.done $0x0;
	s16 =	sshrl.u32 s15, $0x2  }
0x30: {  	[sflag:s7] =	ssyncadd.s32 $0xFFFFFEC0;
	s15 =	sadd.s32 $0x0, s16  }
0x31: {  	v0 =	vld.msk [tilespmem:s15+$0x0 ss:$0x1], $0xffff;
	_ =	sdelay $0x4  }
0x32: {  	vm2 =	vgt.s32 v0, $0x0  }
0x33: {  	v0 =	vnsel vm2, $0x0, v0  }
0x34: {  	v0 =	vmin.u32 v0, $0x270FF  }
0x35: {  	v0 =	vshll.u32 v0, $0x4  }
0x36: {  	s14 =	smul.u32 $0x28000, s14;
	_ =	sdelay $0x1  }
0x37: {  	s14 =	sshrl.u32 s14, $0x2  }
0x38: {  	s14 =	sor.u32 $0x280, s14  }
0x39: {  	[tilespmem:s14], [sflag:$0x1] =	stream.indirect_vreg.gather [hbm:s4], $0x80, v0, vm0, $0x38;
	[tilespmem:$0x14280] =	vst v63  }
0x3a: {  	s17 =	sadd.s32 $0x10, s16;
	s15 =	sadd.s32 $0x400, s14  }
0x3b: {  	[tilespmem:s15], [sflag:$0x1] =	stream.indirect_vreg.gather [hbm:s4], $0x80, v0, vm1, $0x38;
	[tilespmem:$0x14280] =	vst v63  }
0x3c: {  	s18 =	simm.s32 $0x80;
	v0 =	vld.msk [tilespmem:s17+$0x0 ss:$0x1], $0xffff;
	s17 =	smov.u32 s14  }
.LBB2_3:
0x3d: {  	p1 =	sne.s32 s18, $0x4C0;
	_ =	sdelay $0x4  }
0x3e: {  	vm2 =	vgt.s32 v0, $0x0  }
0x3f: {  	v0 =	vnsel vm2, $0x0, v0  }
0x40: {  	v0 =	vmin.u32 v0, $0x270FF  }
0x41: {  	v0 =	vshll.u32 v0, $0x4;
	_ =	sdelay $0x3  }
.Ltmp3:
0x42: {  	s19 =	sshra.s32 s18, $0x2;
	s17 =	sadd.s32 $0x800, s17;
	(pc) =	sbr.rel @p1 .LBB2_3-.Ltmp3, $4  }
0x43: {  	[tilespmem:s17], [sflag:$0x1] =	stream.indirect_vreg.gather [hbm:s4], $0x80, v0, vm0, $0x38;
	[tilespmem:$0x14280] =	vst v63  }
0x44: {  	s19 =	sadd.s32 s19, s16;
	s20 =	sadd.s32 $0x400, s17  }
0x45: {  	[tilespmem:s20], [sflag:$0x1] =	stream.indirect_vreg.gather [hbm:s4], $0x80, v0, vm1, $0x38;
	[tilespmem:$0x14280] =	vst v63  }
0x46: {  	s18 =	sadd.s32 $0x40, s18;
	v0 =	vld.msk [tilespmem:s19+$0x0 ss:$0x1], $0xffff  }
0x47: {  	_ =	sdelay $0x3  }
0x48: {  	vm2 =	vgt.s32 v0, $0x0  }
0x49: {  	v0 =	vnsel vm2, $0x0, v0  }
0x4a: {  	v0 =	vmin.u32 v0, $0x270FF  }
0x4b: {  	v0 =	vshll.u32 v0, $0x4;
	_ =	sdelay $0x3  }
0x4c: {  	s16 =	sadd.s32 $0x800, s17  }
0x4d: {  	[tilespmem:s16], [sflag:$0x1] =	stream.indirect_vreg.gather [hbm:s4], $0x80, v0, vm0, $0x38;
	[tilespmem:$0x14280] =	vst v63  }
0x4e: {  	s16 =	sadd.s32 $0x400, s16  }
0x4f: {  	[tilespmem:s16], [sflag:$0x1] =	stream.indirect_vreg.gather [hbm:s4], $0x80, v0, vm1, $0x38;
	[tilespmem:$0x14280] =	vst v63  }
0x50: {  	s13 =	sshll.u32 s13, $0x4;
	_ =	swait.ge [sflag:s6], $0xA000  }
0x51: {  	s13 =	sadd.s32 s13, s9;
	[sflag:s6] =	ssyncset.done $0x0  }
0x52: {  	s17 =	sadd.s32 $0x0, s13;
	s16 =	simm.s32 $0x80;
	[sflag:s6] =	ssyncadd.s32 $0xFFFF6000  }
.LBB2_5:
0x53: {  	[hbm:s17] =	stream.linear.scatter [tilespmem:s14], [sflag:$0x3], $0x400, $0x38;
	[tilespmem:$0x14280] =	vst v63  }
0x54: {  	s17 =	smov.u32 s16;
	s14 =	smov.u32 s15;
	p1 =	sne.s32 s16, $0x1380  }
.Ltmp4:
0x55: {  	s16 =	sadd.s32 $0x80, s16;
	(pc) =	sbr.rel @p1 .LBB2_5-.Ltmp4, $2  }
0x56: {  	_ =	sdelay $0x2  }
0x57: {  	s15 =	sadd.s32 $0x400, s15;
	s17 =	sadd.s32 s17, s13  }
.Ltmp5:
0x58: {  	_ = 	snop;
	(pc) =	sbr.rel .LBB2_6-.Ltmp5, $1  }
0x59: {  	_ =	sdelay $0x3  }
.LBB2_8:
0x5a: {  	_ =	sfence.sel $0x180000  }
0x5b: {  	s2 =	simm.s32 $0x2;
	[bflag:$0x0] =	sbarrier.arrive $0xFFFF  }
0x5c: {  	s30 =	simm.s32 $0x3;
	[sflag:s2] =	ssyncpa.u1 $0x1  }
0x5d: {  	s31 =	simm.s32 $0x1;
	[sflag:s30] =	ssyncpa.u1 $0x1  }
0x5e: {  	[sflag:s31] =	ssyncpa.u1 $0x1  }
0x5f: {  	p0 =	sne.s32 s0, $0x0;
	_ =	strace $0x90000050  }
0x60: {  	s0 =	sadd.s32 @!p0 $0x100000, s1;
	[bflag:$0x2] =	sbarrier.arrive $0xFFFF  }
0x61: {  	[sflag:s0] =	ssyncadd.tile.s32 @!p0 $0x1;
	_ =	shalt  }
.Lfunc_end2:
_tile_overlayer_lowered:
.L_overlay_start_2:
0x62: {  	(tag) =	ssettag $0x2  }
0x63: {  	s0 =	rddreg [dreg:$0x0];
	s2 =	stileid.u32  }
0x64: {  	s1 =	rddreg [dreg:$0x1];
	p0 =	sne.s32 s2, $0x0  }
0x65: {  	s3 =	rddreg [dreg:$0x2];
	[bflag:$0x3] =	sbarrier.arrive $0xFFFF;
	s2 =	simm.s32 @!p0 $0x1C01  }
0x66: {  	[timem:s3], [sflag:s2] =	dma.local @!p0 [hbm:s0], s1  }
0x67: {  	s0 =	simm.s32 @!p0 $0x1  }
0x68: {  	_ =	swait.ge @!p0 [sflag:s0], s1  }
0x69: {  	s1 =	ssub.s32 @!p0 $0x0, s1;
	[sflag:s0] =	ssyncset.done @!p0 $0x0  }
0x6a: {  	[sflag:s0] =	ssyncadd.s32 @!p0 s1  }
0x6b: {  	[bflag:$0x3] =	sbarrier.arrive $0xFFFF  }
0x6c: {  	_ =	shalt  }

// kernel: gather_offload_async_start.3
scs
__scs_entry_jumppad:
0x0: {  	(pc) =	sbr.rel $0x88, $3  }
0x1: {  	(tag) =	ssettag $0x0;
	lr =	simm.s32 $0x1  }
0x2: {  	[smem:$0x3F81] =	sst lr;
	_ =	strace $0xD0000000  }
0x3: {  	_ = 	snop  }
0x4: {  	_ = 	snop  }
0x5: {  	_ = 	snop  }
0x6: {  	_ = 	snop  }
0x7: {  	_ = 	snop  }
__scs_overlays_trampoline_lowered:
0x8: {  	[smem:$0x3F90] =	sst s0  }
0x9: {  	[smem:$0x3F91] =	sst s1  }
0xa: {  	[smem:$0x3F92] =	sst s2  }
0xb: {  	[smem:$0x3F93] =	sst s3  }
0xc: {  	[smem:$0x3F94] =	sst s4  }
0xd: {  	[smem:$0x3F95] =	sst s5  }
0xe: {  	[smem:$0x3F96] =	sst s6  }
0xf: {  	[smem:$0x3F97] =	sst s7  }
0x10: {  	[smem:$0x3F98] =	sst s8  }
0x11: {  	[smem:$0x3F99] =	sst s9;
	s0 =	simm.s32 @!p0 $0x0  }
0x12: {  	s1 =	sld [smem:$0x3F7F];
	s0 =	simm.s32 @p0 $0x1  }
0x13: {  	[smem:$0x3F9A] =	sst s0;
	s0 =	simm.s32 @!p1 $0x0  }
0x14: {  	s2 =	sld [smem:$0x3F7E];
	s0 =	simm.s32 @p1 $0x1  }
0x15: {  	[smem:$0x3F9B] =	sst s0;
	s0 =	simm.s32 @!p2 $0x0  }
0x16: {  	s3 =	sld [smem:$0x3FDB];
	s0 =	simm.s32 @p2 $0x1  }
0x17: {  	s4 =	simm.s32 $0x1BF5;
	[smem:$0x3F9D] =	sst s0  }
0x18: {  	s0 =	sld [smem:$0x3F80];
	_ =	swait.ge [sflag:s4], $0x0  }
0x19: {  	s7 =	sld [smem:$0x3F81]  }
0x1a: {  	s8 =	sadd.s32 $0xFFFFE003, lr  }
0x1b: {  	s9 =	sadd.s32 $0xFFFFFEF7, lr;
	s5 =	simm.s32 $0xFFFFFFFF;
	p2 =	slt.u32 s8, $0xFFFFF086  }
0x1c: {  	p1 =	slt.u32 s9, $0xF7A;
	s5 =	simm.s32 @!p2 $0x0  }
0x1d: {  	s5 =	simm.s32 @p1 $0x1;
	p0 =	seq.s32 s7, s2  }
0x1e: {  	s7 =	smul.u32 @!p0 $0xF7A, s2;
	p2 =	seq.s32 @!p0 s5, $0x0  }
0x1f: {  	s9 =	smul.u32 $0xF7A, s1;
	s8 =	simm.s32 @!p0 $0x1BF5;
	p2 =	por !p2, p0  }
0x20: {  	[sflag:s8] =	ssyncset.s32 @!p0 $0xFFFFF086;
	s6 =	sadd.s32 @!p0 s3, s7;
	s7 =	simm.s32 @!p0 $0x108  }
0x21: {  	s3 =	sadd.s32 s3, s9;
	s6 =	sadd.s32 @!p0 $0x88, s6;
	s7 =	simm.s32 @p2 $0x1082  }
0x22: {  	[simem:s7], [sflag:s8] =	dma.local @!p0 [hbm:s6], $0xF7A  }
0x23: {  	s9 =	sor.u32 $0xD0000000, s2;
	s6 =	simm.s32 $0x108;
	_ =	swait.ge @!p0 [sflag:s8], $0x0  }
0x24: {  	s3 =	sadd.s32 $0x88, s3;
	s6 =	simm.s32 @!p1 $0x1082;
	[sflag:s4] =	ssyncset.s32 $0xFFFFF086  }
0x25: {  	[simem:s6], [sflag:s4] =	dma.local [hbm:s3], $0xF7A  }
0x26: {  	[smem:$0x3F81] =	sst s1;
	(tag) =	ssettag s2;
	_ =	strace s9  }
0x27: {  	s1 =	sld [smem:$0x3F91]  }
0x28: {  	s2 =	sld [smem:$0x3F92]  }
0x29: {  	s4 =	sld [smem:$0x3F94]  }
0x2a: {  	p0 =	seq.s32 s5, $0x0;
	s5 =	sld [smem:$0x3F95]  }
0x2b: {  	s6 =	sld [smem:$0x3F96]  }
0x2c: {  	s7 =	sld [smem:$0x3F97]  }
0x2d: {  	s3 =	simm.s32 $0x108;
	s8 =	sld [smem:$0x3F98]  }
0x2e: {  	s3 =	simm.s32 @!p0 $0x1082;
	s9 =	sld [smem:$0x3F99]  }
0x2f: {  	lr =	sadd.s32 s0, s3;
	s0 =	sld [smem:$0x3F90]  }
0x30: {  	s3 =	sld [smem:$0x3F93]  }
0x31: {  	[smem:$0x3F9C] =	sst s10  }
0x32: {  	s10 =	sld [smem:$0x3F9A];
	_ =	sdelay $0x3  }
0x33: {  	p0 =	seq.s32 s10, $0x1;
	s10 =	sld [smem:$0x3F9C];
	_ =	sdelay $0x3  }
0x34: {  	[smem:$0x3F9C] =	sst s10  }
0x35: {  	s10 =	sld [smem:$0x3F9B];
	_ =	sdelay $0x3  }
0x36: {  	p1 =	seq.s32 s10, $0x1;
	s10 =	sld [smem:$0x3F9C];
	_ =	sdelay $0x3  }
0x37: {  	[smem:$0x3F9C] =	sst s10  }
0x38: {  	s10 =	sld [smem:$0x3F9D]  }
0x39: {  	_ = 	snop;
	(pc) =	sbr.ind lr, $3  }
0x3a: {  	_ = 	snop  }
0x3b: {  	_ = 	snop  }
0x3c: {  	p2 =	seq.s32 s10, $0x1;
	s10 =	sld [smem:$0x3F9C]  }
0x3d: {  	_ =	shalt  }
0x3e: {  	_ =	shalt  }
0x3f: {  	_ =	shalt  }
0x40: {  	_ =	shalt  }
0x41: {  	_ =	shalt  }
0x42: {  	_ =	shalt  }
0x43: {  	_ =	shalt  }
0x44: {  	_ =	shalt  }
0x45: {  	_ =	shalt  }
0x46: {  	_ =	shalt  }
0x47: {  	_ =	shalt  }
0x48: {  	_ =	shalt  }
0x49: {  	_ =	shalt  }
0x4a: {  	_ =	shalt  }
0x4b: {  	_ =	shalt  }
0x4c: {  	_ =	shalt  }
0x4d: {  	_ =	shalt  }
0x4e: {  	_ =	shalt  }
0x4f: {  	_ =	shalt  }
0x50: {  	_ =	shalt  }
0x51: {  	_ =	shalt  }
0x52: {  	_ =	shalt  }
0x53: {  	_ =	shalt  }
0x54: {  	_ =	shalt  }
0x55: {  	_ =	shalt  }
0x56: {  	_ =	shalt  }
0x57: {  	_ =	shalt  }
0x58: {  	_ =	shalt  }
0x59: {  	_ =	shalt  }
0x5a: {  	_ =	shalt  }
0x5b: {  	_ =	shalt  }
0x5c: {  	_ =	shalt  }
0x5d: {  	_ =	shalt  }
0x5e: {  	_ =	shalt  }
0x5f: {  	_ =	shalt  }
0x60: {  	_ =	shalt  }
0x61: {  	_ =	shalt  }
0x62: {  	_ =	shalt  }
0x63: {  	_ =	shalt  }
0x64: {  	_ =	shalt  }
0x65: {  	_ =	shalt  }
0x66: {  	_ =	shalt  }
0x67: {  	_ =	shalt  }
0x68: {  	_ =	shalt  }
0x69: {  	_ =	shalt  }
0x6a: {  	_ =	shalt  }
0x6b: {  	_ =	shalt  }
0x6c: {  	_ =	shalt  }
0x6d: {  	_ =	shalt  }
0x6e: {  	_ =	shalt  }
0x6f: {  	_ =	shalt  }
0x70: {  	_ =	shalt  }
0x71: {  	_ =	shalt  }
0x72: {  	_ =	shalt  }
0x73: {  	_ =	shalt  }
0x74: {  	_ =	shalt  }
0x75: {  	_ =	shalt  }
0x76: {  	_ =	shalt  }
0x77: {  	_ =	shalt  }
0x78: {  	_ =	shalt  }
0x79: {  	_ =	shalt  }
0x7a: {  	_ =	shalt  }
0x7b: {  	_ =	shalt  }
0x7c: {  	_ =	shalt  }
0x7d: {  	_ =	shalt  }
0x7e: {  	_ =	shalt  }
0x7f: {  	_ =	shalt  }
0x80: {  	_ =	shalt  }
0x81: {  	_ =	shalt  }
0x82: {  	_ =	shalt  }
0x83: {  	_ =	shalt  }
0x84: {  	_ =	shalt  }
0x85: {  	_ =	shalt  }
0x86: {  	_ =	shalt  }
0x87: {  	_ =	shalt  }
.Lfunc_end0:
.L_simem_size_0:
called_computation.3_lowered:
.L_overlay_start_0:
0x88: {  	s2 =	sld [smem:$0x3FD9]  }
0x89: {  	s3 =	sld [smem:$0x3FFE];
	_ =	sdelay $0x1  }
0x8a: {  	s1 =	srdreg.scid  }
0x8b: {  	s0 =	sand.u32 $0x1, s1  }
0x8c: {  	s17 =	sshll.u32 s0, $0xA;
	s2 =	sadd.s32 s3, s2  }
0x8d: {  	s2 =	sadd.s32 s2, s17  }
0x8e: {  	[smem:$0x3FA8] =	sst s2  }
0x8f: {  	_ = 	snop  }
0x90: {  	(tm) =	ssettm $0x1  }
0x91: {  	s18 =	sld [smem:$0x3FFB];
	_ =	sdelay $0x3  }
0x92: {  	_ =	strace s18  }
0x93: {  	s2 =	sld [smem:$0x3FFC];
	_ =	sdelay $0x3  }
0x94: {  	_ =	strace s2  }
0x95: {  	s2 =	sld [smem:$0x3FFD];
	_ =	sdelay $0x3  }
0x96: {  	_ =	strace s2  }
0x97: {  	_ =	strace $0x8FFFFFFF  }
0x98: {  	s19 =	sld [smem:$0x3FDB];
	_ =	sdelay $0x1  }
0x99: {  	s20 =	simm.s32 $_scs_section_size  }
0x9a: {  	s4 =	simm.s32 $_size__tile_overlayer_lowered;
	s5 =	simm.s32 $_tile_overlayer_lowered  }
0x9b: {  	s6 =	simm.s32 $0x1BFF;
	s21 =	sshll.u32 s5, $0x1;
	s3 =	sadd.s32 s20, s19  }
0x9c: {  	s22 =	simm.s32 $0x0;
	s4 =	sshll.u32 s4, $0x1;
	s5 =	sadd.s32 s21, s3  }
0x9d: {  	[timem:s22], [sflag:s6] =	dma.local [hbm:s5], s4  }
0x9e: {  	_ =	swait.ge [sflag:s6], s4  }
0x9f: {  	s4 =	ssub.s32 $0x0, s4;
	[sflag:s6] =	ssyncset.done $0x0  }
0xa0: {  	[sflag:s6] =	ssyncadd.s32 s4;
	_ =	sdelay $0x1  }
0xa1: {  	s23 =	simm.s32 $0x1B8B  }
0xa2: {  	_ =	swait.ge [sflag:s23], $0x1  }
0xa3: {  	[sflag:s23] =	ssyncset.done $0x0  }
0xa4: {  	[sflag:s23] =	ssyncadd.s32 $0xFFFFFFFF  }
0xa5: {  	s4 =	sld [smem:$0x0]  }
0xa6: {  	s5 =	sand.u32 $0xFFFFFFFE, s1  }
0xa7: {  	p0 =	sne.s32 s1, s5  }
0xa8: {  	s5 =	sshll.u32 @p0 s5, $0xE  }
0xa9: {  	s5 =	sadd.s32 @p0 $0x11B8D, s5;
	s6 =	sshll.u32 @p0 s4, $0x11  }
0xaa: {  	s5 =	sor.u32 @p0 s6, s5  }
0xab: {  	[sflag:s5] =	ssyncadd.remote.s32 @p0 $0x1;
	_ =	sdelay $0x1  }
0xac: {  	s5 =	simm.s32 @p0 $0x1B8D  }
0xad: {  	_ =	swait.eq @p0 [sflag:s5], $0x1  }
0xae: {  	[sflag:s5] =	ssyncadd.s32 @p0 $0xFFFFFFFF  }
0xaf: {  	s6 =	sshll.u32 @!p0 s1, $0xE  }
0xb0: {  	s6 =	sor.u32 @!p0 $0x4000, s6;
	s5 =	simm.s32 @!p0 $0x1B8D  }
0xb1: {  	s4 =	sshll.u32 @!p0 s4, $0x11;
	s6 =	sadd.s32 @!p0 $0x11B8D, s6;
	_ =	swait.eq @!p0 [sflag:s5], $0x1  }
0xb2: {  	s4 =	sor.u32 @!p0 s4, s6;
	[sflag:s5] =	ssyncadd.s32 @!p0 $0xFFFFFFFF  }
0xb3: {  	s25 =	simm.s32 $0x1B8E;
	s24 =	sld [smem:$0x3FFE];
	[sflag:s4] =	ssyncadd.remote.s32 @!p0 $0x1  }
0xb4: {  	s26 =	simm.s32 $execute0_lowered;
	[smem:$0x3FD2] =	sst s25  }
0xb5: {  	s5 =	sshll.u32 s26, $0x1;
	_ =	strace $0x8000005B;
	[dreg:$0x1] =	wrdreg $0xFFFFFFFF  }
0xb6: {  	s28 =	simm.s32 $_size_execute0_lowered;
	s3 =	sadd.s32 s3, s5;
	[dreg:$0x0] =	wrdreg $0x0  }
0xb7: {  	s5 =	sshll.u32 s28, $0x1;
	[dreg:$0x2] =	wrdreg s3  }
0xb8: {  	[dreg:$0x3] =	wrdreg s5  }
0xb9: {  	[dreg:$0x4] =	wrdreg $0xC0  }
0xba: {  	_ =	task [dreg:s22], $0x5FFFF  }
0xbb: {  	[dreg:$0x1] =	wrdreg $0xFFFFFFFF  }
0xbc: {  	[dreg:$0x0] =	wrdreg $0x60  }
0xbd: {  	[dreg:$0x2] =	wrdreg s24  }
0xbe: {  	[dreg:$0x3] =	wrdreg $0xB  }
0xbf: {  	_ =	task.clear_ibuf [dreg:s22], $0x4FFFF;
	_ =	strace $0x9000005B  }
0xc0: {  	s29 =	simm.s32 $0xB;
	_ =	strace $0x8000005D  }
0xc1: {  	_ =	swait.ge [sflag:s29], $0x1  }
0xc2: {  	[sflag:s29] =	ssyncadd.s32 $0xFFFFFFFF  }
0xc3: {  	_ =	strace $0x9000005D  }
0xc4: {  	_ =	sfence  }
0xc5: {  	s30 =	sld [smem:$0x0];
	_ =	sdelay $0x2  }
0xc6: {  	s31 =	sshll.u32 s1, $0xD;
	s1 =	sshrl.u32 s1, $0x2  }
0xc7: {  	s4 =	sand.u32 $0x4000, s31;
	s1 =	sadd.s32 s1, s30  }
0xc8: {  	s0 =	sor.u32 s4, s0;
	s1 =	sshll.u32 s1, $0x11  }
0xc9: {  	s0 =	sor.u32 s1, s0  }
0xca: {  	s0 =	sadd.s32 $0x8F2B, s0  }
0xcb: {  	[sflag:s0] =	ssyncadd.remote.s32 $0x1  }
0xcc: {  	_ =	sfence.sel $0xFFFF  }
0xcd: {  	[dreg:$0x0] =	wrdreg $0xFFFFFFFF;
	(pc) =	sbr.abs _section_cstart, $3  }
0xce: {  	[dreg:$0x1] =	wrdreg $0xFFFFFFFF  }
0xcf: {  	_ =	task.clear_ibuf [dreg:s22], $0x2FFFF;
	_ =	strace $0x9FFFFFFF  }
0xd0: {  	(tm) =	ssettm $0x7FFFFFFF  }
0xd1: {  	_ =	shalt  }
tec
execute0_lowered:
.L_overlay_start_1:
0x0: {  	(tag) =	ssettag $0x1  }
0x1: {  	s8 =	rddreg [dreg:$0x0]  }
0x2: {  	s0 =	rddreg [dreg:$0x1];
	_ =	strace $0x8000005C;
	s1 =	stileid.u32  }
0x3: {  	s3 =	srdreg.scid;
	s4 =	simm.s32 $0x1;
	s7 =	simm.s32 $0x1  }
0x4: {  	s9 =	simm.s32 $0x1;
	s10 =	simm.s32 $0x3;
	s13 =	simm.s32 $0x0  }
0x5: {  	s12 =	simm.s32 $0x0;
	s5 =	sand.u32 $0x1, s3;
	s6 =	sshll.u32 s1, $0x1  }
0x6: {  	s2 =	sadd.s32 $0x15A00, s8;
	s3 =	sadd.s32 $0x18200, s8;
	s5 =	sor.u32 s6, s5  }
.Ltmp0:
0x7: {  	[sflag:s4] =	ssyncpa.u1 $0x0;
	p0 =	slt.u32 s5, $0x13;
	(pc) =	sbr.rel .LBB2_1-.Ltmp0, $4  }
0x8: {  	s6 =	simm.s32 $0x2;
	s7 =	simm.s32 @!p0 $0x0;
	p0 =	sne.s32 s5, $0x12  }
0x9: {  	[sflag:s6] =	ssyncpa.u1 $0x0;
	s5 =	smul.u32 $0x320, s5;
	s9 =	simm.s32 @!p0 $0x0  }
0xa: {  	s8 =	sadd.s32 $0x30C600, s8;
	[sflag:s10] =	ssyncpa.u1 $0x0;
	s7 =	sadd.s32 s9, s7  }
0xb: {  	vm0 =	vmmov $0xffff;
	s10 =	simm.s32 $0x0;
	s11 =	smov.u32 s5;
	s9 =	sadd.s32 $0x1, s7  }
.LBB2_4:
0xc: {  	v2 =	vnsel vm1, $0x0, v2  }
0xd: {  	vm1 =	vgt.s32 v0, $0x0;
	v2 =	vmin.u32 v2, $0x9C3F  }
0xe: {  	v0 =	vnsel vm1, $0x0, v0  }
0xf: {  	v0 =	vmin.u32 v0, $0x9C3F  }
0x10: {  	[tilespmem:s18], [sflag:$0x1] =	stream.indirect_vreg.gather [hbm4b:s2+s10], $0x1, v1, vm0, $0x4038;
	[tilespmem:$0xC80] =	vst v63  }
0x11: {  	(ifvalue) =	ssetifvalue $0x7FFFFFFF  }
0x12: {  	[tilespmem:s15], [sflag:$0x1] =	stream.indirect_vreg.gather [hbm4b:s2+s10], $0x1, v2, vm0, $0x4038;
	[tilespmem:$0xC80] =	vst v63  }
0x13: {  	s29 =	sadd.s32 $0x10, s15;
	(ifvalue) =	ssetifvalue $0x7FFFFFFF  }
0x14: {  	[tilespmem:s29], [sflag:$0x1] =	stream.indirect_vreg.gather [hbm4b:s2+s10], $0x1, v0, vm0, $0x4038;
	[tilespmem:$0xC80] =	vst v63  }
0x15: {  	_ =	swait.ge [sflag:s4], $0x320  }
0x16: {  	s30 =	sshrl.u32 s13, $0x3;
	[sflag:s4] =	ssyncset.done $0x0  }
0x17: {  	s31 =	sand.u32 $0x7, s13;
	s15 =	sadd.s32 s8, s30;
	[sflag:s4] =	ssyncadd.s32 $0xFFFFFCE0  }
0x18: {  	[hbm4b:s15+s31] =	stream.linear.scatter [tilespmem:s14], [sflag:$0x3], $0x320, $0x38;
	[tilespmem:$0xC80] =	vst v63  }
.LBB2_5:
0x19: {  	s15 =	sadd.s32 $0x6400, s11  }
0x1a: {  	p1 =	sgt.s32 s15, $0x9C3F  }
0x1b: {  	s15 =	smov.u32 @p1 s5;
	p1 =	sne.s32 s12, s9  }
.Ltmp1:
0x1c: {  	p0 =	slt.u32 s12, $0x2;
	(pc) =	sbr.rel @!p1 .LBB2_6-.Ltmp1, $4  }
0x1d: {  	s14 =	simm.s32 @!p0 $0x3  }
0x1e: {  	_ =	swait.ge @!p0 [sflag:s14], $0x320  }
0x1f: {  	s16 =	sadd.s32 $0x1, s12;
	s13 =	smov.u32 s11;
	[sflag:s14] =	ssyncset.done @!p0 $0x0  }
0x20: {  	s12 =	smov.u32 s16;
	s11 =	smov.u32 s15;
	[sflag:s14] =	ssyncadd.s32 @!p0 $0xFFFFFCE0  }
.LBB2_1:
0x21: {  	p0 =	sge.u32 s12, s7  }
0x22: {  	s14 =	sxor.u32 @!p0 $0x1, s12  }
0x23: {  	s14 =	smul.u32 @!p0 $0xC80, s14  }
0x24: {  	s31 =	sadd.s32 $0xFFFFFFFF, s12;
	s15 =	sshrl.u32 @!p0 s11, $0x3  }
0x25: {  	s16 =	sand.u32 @!p0 $0x7, s11;
	s15 =	sadd.s32 @!p0 s3, s15;
	s14 =	sshra.s32 @!p0 s14, $0x2  }
0x26: {  	[tilespmem:s14], [sflag:$0x2] =	stream.linear.gather @!p0 [hbm4b:s15+s16], $0x320, $0x38;
	[tilespmem:$0xC80] =	vst v63  }
0x27: {  	p0 =	sge.u32 s31, s7  }
.Ltmp2:
0x28: {  	_ = 	snop;
	(pc) =	sbr.rel @p0 .LBB2_5-.Ltmp2, $1  }
0x29: {  	_ =	sdelay $0x3  }
0x2a: {  	s14 =	sand.u32 $0x1, s12  }
0x2b: {  	_ =	swait.ge [sflag:s6], $0x320;
	p0 =	seq.s32 s14, $0x1;
	s14 =	simm.s32 $0x320  }
0x2c: {  	[sflag:s6] =	ssyncset.done $0x0;
	s14 =	simm.s32 @!p0 $0x0  }
0x2d: {  	[sflag:s6] =	ssyncadd.s32 $0xFFFFFCE0;
	(ifvalue) =	ssetifvalue $0x7FFFFFFF;
	v0 =	vld.msk [tilespmem:s14+$0x0 ss:$0x1], $0xffff;
	_ =	sdelay $0x4  }
0x2e: {  	s15 =	sadd.s32 $0x10, s14;
	vm1 =	vgt.s32 v0, $0x0  }
0x2f: {  	v2 =	vld.msk [tilespmem:s15+$0x0 ss:$0x1], $0xffff;
	v1 =	vnsel vm1, $0x0, v0  }
0x30: {  	v1 =	vmin.u32 v1, $0x9C3F;
	_ =	sdelay $0x2  }
0x31: {  	s17 =	simm.s32 $0x20;
	s14 =	sadd.s32 $0x640, s14;
	s16 =	sadd.s32 $0x10, s15  }
0x32: {  	s15 =	sadd.s32 $0x10, s14;
	s18 =	smov.u32 s14;
	v0 =	vld.msk [tilespmem:s16+$0x0 ss:$0x1], $0xffff;
	vm1 =	vgt.s32 v2, $0x0;
	(ifvalue) =	ssetifvalue $0x7FFFFFFF  }
.LBB2_3:
0x33: {  	[tilespmem:s18], [sflag:$0x1] =	stream.indirect_vreg.gather [hbm4b:s2+s10], $0x1, v1, vm0, $0x4038;
	[tilespmem:$0xC80] =	vst v63  }
0x34: {  	s17 =	sadd.s32 $0x10, s17  }
0x35: {  	v2 =	vnsel vm1, $0x0, v2;
	p0 =	slt.u32 s17, $0x310  }
.Ltmp3:
0x36: {  	s18 =	smov.u32 s15;
	v1 =	vmin.u32 v2, $0x9C3F;
	(pc) =	sbr.rel @p0 .LBB2_3-.Ltmp3, $3  }
0x37: {  	_ =	sdelay $0x1  }
0x38: {  	s16 =	sadd.s32 $0x10, s16  }
0x39: {  	vm1 =	vgt.s32 v0, $0x0;
	s15 =	sadd.s32 $0x10, s15;
	v2 =	vmov v0;
	(ifvalue) =	ssetifvalue $0x7FFFFFFF;
	v0 =	vld.msk [tilespmem:s16+$0x0 ss:$0x1], $0xffff  }
.Ltmp4:
0x3a: {  	_ = 	snop;
	(pc) =	sbr.rel .LBB2_4-.Ltmp4, $1  }
0x3b: {  	_ =	sdelay $0x3  }
.LBB2_6:
0x3c: {  	_ =	sfence.sel $0x180000  }
0x3d: {  	s2 =	simm.s32 $0x2;
	[bflag:$0x0] =	sbarrier.arrive $0xFFFF  }
0x3e: {  	s30 =	simm.s32 $0x3;
	[sflag:s2] =	ssyncpa.u1 $0x1  }
0x3f: {  	s31 =	simm.s32 $0x1;
	[sflag:s30] =	ssyncpa.u1 $0x1  }
0x40: {  	[sflag:s31] =	ssyncpa.u1 $0x1  }
0x41: {  	p0 =	sne.s32 s1, $0x0;
	_ =	strace $0x9000005C  }
0x42: {  	s0 =	sadd.s32 @!p0 $0x100000, s0;
	[bflag:$0x2] =	sbarrier.arrive $0xFFFF  }
0x43: {  	[sflag:s0] =	ssyncadd.tile.s32 @!p0 $0x1;
	_ =	shalt  }
.Lfunc_end2:
_tile_overlayer_lowered:
.L_overlay_start_2:
0x44: {  	(tag) =	ssettag $0x2  }
0x45: {  	s0 =	rddreg [dreg:$0x0];
	s2 =	stileid.u32  }
0x46: {  	s1 =	rddreg [dreg:$0x1];
	p0 =	sne.s32 s2, $0x0  }
0x47: {  	s3 =	rddreg [dreg:$0x2];
	[bflag:$0x3] =	sbarrier.arrive $0xFFFF;
	s2 =	simm.s32 @!p0 $0x1C01  }
0x48: {  	[timem:s3], [sflag:s2] =	dma.local @!p0 [hbm:s0], s1  }
0x49: {  	s0 =	simm.s32 @!p0 $0x1  }
0x4a: {  	_ =	swait.ge @!p0 [sflag:s0], s1  }
0x4b: {  	s1 =	ssub.s32 @!p0 $0x0, s1;
	[sflag:s0] =	ssyncset.done @!p0 $0x0  }
0x4c: {  	[sflag:s0] =	ssyncadd.s32 @!p0 s1  }
0x4d: {  	[bflag:$0x3] =	sbarrier.arrive $0xFFFF  }
0x4e: {  	_ =	shalt  }

// kernel: gather_offload_async_start.4
scs
__scs_entry_jumppad:
0x0: {  	(pc) =	sbr.rel $0x88, $3  }
0x1: {  	(tag) =	ssettag $0x0;
	lr =	simm.s32 $0x1  }
0x2: {  	[smem:$0x3F81] =	sst lr;
	_ =	strace $0xD0000000  }
0x3: {  	_ = 	snop  }
0x4: {  	_ = 	snop  }
0x5: {  	_ = 	snop  }
0x6: {  	_ = 	snop  }
0x7: {  	_ = 	snop  }
__scs_overlays_trampoline_lowered:
0x8: {  	[smem:$0x3F90] =	sst s0  }
0x9: {  	[smem:$0x3F91] =	sst s1  }
0xa: {  	[smem:$0x3F92] =	sst s2  }
0xb: {  	[smem:$0x3F93] =	sst s3  }
0xc: {  	[smem:$0x3F94] =	sst s4  }
0xd: {  	[smem:$0x3F95] =	sst s5  }
0xe: {  	[smem:$0x3F96] =	sst s6  }
0xf: {  	[smem:$0x3F97] =	sst s7  }
0x10: {  	[smem:$0x3F98] =	sst s8  }
0x11: {  	[smem:$0x3F99] =	sst s9;
	s0 =	simm.s32 @!p0 $0x0  }
0x12: {  	s1 =	sld [smem:$0x3F7F];
	s0 =	simm.s32 @p0 $0x1  }
0x13: {  	[smem:$0x3F9A] =	sst s0;
	s0 =	simm.s32 @!p1 $0x0  }
0x14: {  	s2 =	sld [smem:$0x3F7E];
	s0 =	simm.s32 @p1 $0x1  }
0x15: {  	[smem:$0x3F9B] =	sst s0;
	s0 =	simm.s32 @!p2 $0x0  }
0x16: {  	s3 =	sld [smem:$0x3FDB];
	s0 =	simm.s32 @p2 $0x1  }
0x17: {  	s4 =	simm.s32 $0x1BF5;
	[smem:$0x3F9D] =	sst s0  }
0x18: {  	s0 =	sld [smem:$0x3F80];
	_ =	swait.ge [sflag:s4], $0x0  }
0x19: {  	s7 =	sld [smem:$0x3F81]  }
0x1a: {  	s8 =	sadd.s32 $0xFFFFE003, lr  }
0x1b: {  	s9 =	sadd.s32 $0xFFFFFEF7, lr;
	s5 =	simm.s32 $0xFFFFFFFF;
	p2 =	slt.u32 s8, $0xFFFFF086  }
0x1c: {  	p1 =	slt.u32 s9, $0xF7A;
	s5 =	simm.s32 @!p2 $0x0  }
0x1d: {  	s5 =	simm.s32 @p1 $0x1;
	p0 =	seq.s32 s7, s2  }
0x1e: {  	s7 =	smul.u32 @!p0 $0xF7A, s2;
	p2 =	seq.s32 @!p0 s5, $0x0  }
0x1f: {  	s9 =	smul.u32 $0xF7A, s1;
	s8 =	simm.s32 @!p0 $0x1BF5;
	p2 =	por !p2, p0  }
0x20: {  	[sflag:s8] =	ssyncset.s32 @!p0 $0xFFFFF086;
	s6 =	sadd.s32 @!p0 s3, s7;
	s7 =	simm.s32 @!p0 $0x108  }
0x21: {  	s3 =	sadd.s32 s3, s9;
	s6 =	sadd.s32 @!p0 $0x88, s6;
	s7 =	simm.s32 @p2 $0x1082  }
0x22: {  	[simem:s7], [sflag:s8] =	dma.local @!p0 [hbm:s6], $0xF7A  }
0x23: {  	s9 =	sor.u32 $0xD0000000, s2;
	s6 =	simm.s32 $0x108;
	_ =	swait.ge @!p0 [sflag:s8], $0x0  }
0x24: {  	s3 =	sadd.s32 $0x88, s3;
	s6 =	simm.s32 @!p1 $0x1082;
	[sflag:s4] =	ssyncset.s32 $0xFFFFF086  }
0x25: {  	[simem:s6], [sflag:s4] =	dma.local [hbm:s3], $0xF7A  }
0x26: {  	[smem:$0x3F81] =	sst s1;
	(tag) =	ssettag s2;
	_ =	strace s9  }
0x27: {  	s1 =	sld [smem:$0x3F91]  }
0x28: {  	s2 =	sld [smem:$0x3F92]  }
0x29: {  	s4 =	sld [smem:$0x3F94]  }
0x2a: {  	p0 =	seq.s32 s5, $0x0;
	s5 =	sld [smem:$0x3F95]  }
0x2b: {  	s6 =	sld [smem:$0x3F96]  }
0x2c: {  	s7 =	sld [smem:$0x3F97]  }
0x2d: {  	s3 =	simm.s32 $0x108;
	s8 =	sld [smem:$0x3F98]  }
0x2e: {  	s3 =	simm.s32 @!p0 $0x1082;
	s9 =	sld [smem:$0x3F99]  }
0x2f: {  	lr =	sadd.s32 s0, s3;
	s0 =	sld [smem:$0x3F90]  }
0x30: {  	s3 =	sld [smem:$0x3F93]  }
0x31: {  	[smem:$0x3F9C] =	sst s10  }
0x32: {  	s10 =	sld [smem:$0x3F9A];
	_ =	sdelay $0x3  }
0x33: {  	p0 =	seq.s32 s10, $0x1;
	s10 =	sld [smem:$0x3F9C];
	_ =	sdelay $0x3  }
0x34: {  	[smem:$0x3F9C] =	sst s10  }
0x35: {  	s10 =	sld [smem:$0x3F9B];
	_ =	sdelay $0x3  }
0x36: {  	p1 =	seq.s32 s10, $0x1;
	s10 =	sld [smem:$0x3F9C];
	_ =	sdelay $0x3  }
0x37: {  	[smem:$0x3F9C] =	sst s10  }
0x38: {  	s10 =	sld [smem:$0x3F9D]  }
0x39: {  	_ = 	snop;
	(pc) =	sbr.ind lr, $3  }
0x3a: {  	_ = 	snop  }
0x3b: {  	_ = 	snop  }
0x3c: {  	p2 =	seq.s32 s10, $0x1;
	s10 =	sld [smem:$0x3F9C]  }
0x3d: {  	_ =	shalt  }
0x3e: {  	_ =	shalt  }
0x3f: {  	_ =	shalt  }
0x40: {  	_ =	shalt  }
0x41: {  	_ =	shalt  }
0x42: {  	_ =	shalt  }
0x43: {  	_ =	shalt  }
0x44: {  	_ =	shalt  }
0x45: {  	_ =	shalt  }
0x46: {  	_ =	shalt  }
0x47: {  	_ =	shalt  }
0x48: {  	_ =	shalt  }
0x49: {  	_ =	shalt  }
0x4a: {  	_ =	shalt  }
0x4b: {  	_ =	shalt  }
0x4c: {  	_ =	shalt  }
0x4d: {  	_ =	shalt  }
0x4e: {  	_ =	shalt  }
0x4f: {  	_ =	shalt  }
0x50: {  	_ =	shalt  }
0x51: {  	_ =	shalt  }
0x52: {  	_ =	shalt  }
0x53: {  	_ =	shalt  }
0x54: {  	_ =	shalt  }
0x55: {  	_ =	shalt  }
0x56: {  	_ =	shalt  }
0x57: {  	_ =	shalt  }
0x58: {  	_ =	shalt  }
0x59: {  	_ =	shalt  }
0x5a: {  	_ =	shalt  }
0x5b: {  	_ =	shalt  }
0x5c: {  	_ =	shalt  }
0x5d: {  	_ =	shalt  }
0x5e: {  	_ =	shalt  }
0x5f: {  	_ =	shalt  }
0x60: {  	_ =	shalt  }
0x61: {  	_ =	shalt  }
0x62: {  	_ =	shalt  }
0x63: {  	_ =	shalt  }
0x64: {  	_ =	shalt  }
0x65: {  	_ =	shalt  }
0x66: {  	_ =	shalt  }
0x67: {  	_ =	shalt  }
0x68: {  	_ =	shalt  }
0x69: {  	_ =	shalt  }
0x6a: {  	_ =	shalt  }
0x6b: {  	_ =	shalt  }
0x6c: {  	_ =	shalt  }
0x6d: {  	_ =	shalt  }
0x6e: {  	_ =	shalt  }
0x6f: {  	_ =	shalt  }
0x70: {  	_ =	shalt  }
0x71: {  	_ =	shalt  }
0x72: {  	_ =	shalt  }
0x73: {  	_ =	shalt  }
0x74: {  	_ =	shalt  }
0x75: {  	_ =	shalt  }
0x76: {  	_ =	shalt  }
0x77: {  	_ =	shalt  }
0x78: {  	_ =	shalt  }
0x79: {  	_ =	shalt  }
0x7a: {  	_ =	shalt  }
0x7b: {  	_ =	shalt  }
0x7c: {  	_ =	shalt  }
0x7d: {  	_ =	shalt  }
0x7e: {  	_ =	shalt  }
0x7f: {  	_ =	shalt  }
0x80: {  	_ =	shalt  }
0x81: {  	_ =	shalt  }
0x82: {  	_ =	shalt  }
0x83: {  	_ =	shalt  }
0x84: {  	_ =	shalt  }
0x85: {  	_ =	shalt  }
0x86: {  	_ =	shalt  }
0x87: {  	_ =	shalt  }
.Lfunc_end0:
.L_simem_size_0:
called_computation.4_lowered:
.L_overlay_start_0:
0x88: {  	s2 =	sld [smem:$0x3FD9]  }
0x89: {  	s3 =	sld [smem:$0x3FFE];
	_ =	sdelay $0x1  }
0x8a: {  	s1 =	srdreg.scid  }
0x8b: {  	s0 =	sand.u32 $0x1, s1  }
0x8c: {  	s16 =	sshll.u32 s0, $0xA;
	s2 =	sadd.s32 s3, s2  }
0x8d: {  	s2 =	sadd.s32 s2, s16  }
0x8e: {  	[smem:$0x3FA8] =	sst s2  }
0x8f: {  	_ = 	snop  }
0x90: {  	(tm) =	ssettm $0x1  }
0x91: {  	s17 =	sld [smem:$0x3FFB];
	_ =	sdelay $0x3  }
0x92: {  	_ =	strace s17  }
0x93: {  	s2 =	sld [smem:$0x3FFC];
	_ =	sdelay $0x3  }
0x94: {  	_ =	strace s2  }
0x95: {  	s2 =	sld [smem:$0x3FFD];
	_ =	sdelay $0x3  }
0x96: {  	_ =	strace s2  }
0x97: {  	_ =	strace $0x8FFFFFFF  }
0x98: {  	s18 =	sld [smem:$0x3FDB];
	_ =	sdelay $0x1  }
0x99: {  	s19 =	simm.s32 $_scs_section_size  }
0x9a: {  	s4 =	simm.s32 $_size__tile_overlayer_lowered;
	s5 =	simm.s32 $_tile_overlayer_lowered  }
0x9b: {  	s22 =	simm.s32 $0x1BFF;
	s21 =	sshll.u32 s5, $0x1;
	s2 =	sadd.s32 s19, s18  }
0x9c: {  	s6 =	simm.s32 $0x0;
	s20 =	sshll.u32 s4, $0x1;
	s4 =	sadd.s32 s21, s2  }
0x9d: {  	[timem:s6], [sflag:s22] =	dma.local [hbm:s4], s20  }
0x9e: {  	_ =	swait.ge [sflag:s22], s20  }
0x9f: {  	s3 =	ssub.s32 $0x0, s20;
	[sflag:s22] =	ssyncset.done $0x0  }
0xa0: {  	[sflag:s22] =	ssyncadd.s32 s3;
	_ =	sdelay $0x1  }
0xa1: {  	s23 =	simm.s32 $0x1B8B  }
0xa2: {  	_ =	swait.ge [sflag:s23], $0x1  }
0xa3: {  	[sflag:s23] =	ssyncset.done $0x0  }
0xa4: {  	s25 =	simm.s32 $0x1B8E;
	s24 =	sld [smem:$0x3FFE];
	[sflag:s23] =	ssyncadd.s32 $0xFFFFFFFF  }
0xa5: {  	s26 =	simm.s32 $execute0_lowered;
	[smem:$0x3FD2] =	sst s25  }
0xa6: {  	s4 =	sshll.u32 s26, $0x1;
	_ =	strace $0x80000046;
	[dreg:$0x1] =	wrdreg $0xFFFFFFFF  }
0xa7: {  	s28 =	simm.s32 $_size_execute0_lowered;
	s2 =	sadd.s32 s2, s4;
	[dreg:$0x0] =	wrdreg $0x0  }
0xa8: {  	s4 =	sshll.u32 s28, $0x1;
	[dreg:$0x2] =	wrdreg s2  }
0xa9: {  	[dreg:$0x3] =	wrdreg s4  }
0xaa: {  	[dreg:$0x4] =	wrdreg $0xC0  }
0xab: {  	_ =	task [dreg:s6], $0x5FFFF  }
0xac: {  	[dreg:$0x1] =	wrdreg $0xFFFFFFFF  }
0xad: {  	[dreg:$0x0] =	wrdreg $0x60  }
0xae: {  	[dreg:$0x2] =	wrdreg s24  }
0xaf: {  	[dreg:$0x3] =	wrdreg $0x9  }
0xb0: {  	_ =	task.clear_ibuf [dreg:s6], $0x4FFFF;
	_ =	strace $0x90000046  }
0xb1: {  	s29 =	simm.s32 $0x9;
	_ =	strace $0x80000048  }
0xb2: {  	_ =	swait.ge [sflag:s29], $0x1  }
0xb3: {  	[sflag:s29] =	ssyncadd.s32 $0xFFFFFFFF  }
0xb4: {  	_ =	strace $0x90000048  }
0xb5: {  	_ =	sfence  }
0xb6: {  	s30 =	sld [smem:$0x0];
	_ =	sdelay $0x2  }
0xb7: {  	s31 =	sshll.u32 s1, $0xD;
	s1 =	sshrl.u32 s1, $0x2  }
0xb8: {  	s3 =	sand.u32 $0x4000, s31;
	s1 =	sadd.s32 s1, s30  }
0xb9: {  	s0 =	sor.u32 s3, s0;
	s1 =	sshll.u32 s1, $0x11  }
0xba: {  	s0 =	sor.u32 s1, s0  }
0xbb: {  	s0 =	sadd.s32 $0x8F2B, s0  }
0xbc: {  	[sflag:s0] =	ssyncadd.remote.s32 $0x1  }
0xbd: {  	_ =	sfence.sel $0xFFFF  }
0xbe: {  	[dreg:$0x0] =	wrdreg $0xFFFFFFFF;
	(pc) =	sbr.abs _section_cstart, $3  }
0xbf: {  	[dreg:$0x1] =	wrdreg $0xFFFFFFFF  }
0xc0: {  	_ =	task.clear_ibuf [dreg:s6], $0x2FFFF;
	_ =	strace $0x9FFFFFFF  }
0xc1: {  	(tm) =	ssettm $0x7FFFFFFF  }
tec
execute0_lowered:
.L_overlay_start_1:
0x0: {  	(tag) =	ssettag $0x1  }
0x1: {  	s8 =	rddreg [dreg:$0x0]  }
0x2: {  	s0 =	rddreg [dreg:$0x1];
	_ =	strace $0x80000047;
	s1 =	stileid.u32  }
0x3: {  	s3 =	srdreg.scid;
	s4 =	simm.s32 $0x1;
	s7 =	simm.s32 $0x1  }
0x4: {  	s9 =	simm.s32 $0x1;
	s10 =	simm.s32 $0x3;
	s13 =	simm.s32 $0x0  }
0x5: {  	s12 =	simm.s32 $0x0;
	s5 =	sand.u32 $0x1, s3;
	s6 =	sshll.u32 s1, $0x1  }
0x6: {  	s2 =	sadd.s32 $0x16E00, s8;
	s3 =	sadd.s32 $0x18200, s8;
	s5 =	sor.u32 s6, s5  }
.Ltmp0:
0x7: {  	[sflag:s4] =	ssyncpa.u1 $0x0;
	p0 =	slt.u32 s5, $0x13;
	(pc) =	sbr.rel .LBB2_1-.Ltmp0, $4  }
0x8: {  	s6 =	simm.s32 $0x2;
	s7 =	simm.s32 @!p0 $0x0;
	p0 =	sne.s32 s5, $0x12  }
0x9: {  	[sflag:s6] =	ssyncpa.u1 $0x0;
	s5 =	smul.u32 $0x320, s5;
	s9 =	simm.s32 @!p0 $0x0  }
0xa: {  	s8 =	sadd.s32 $0x19600, s8;
	[sflag:s10] =	ssyncpa.u1 $0x0;
	s7 =	sadd.s32 s9, s7  }
0xb: {  	vm0 =	vmmov $0xffff;
	s10 =	simm.s32 $0x0;
	s11 =	smov.u32 s5;
	s9 =	sadd.s32 $0x1, s7  }
.LBB2_4:
0xc: {  	v2 =	vnsel vm1, $0x0, v2  }
0xd: {  	vm1 =	vgt.s32 v0, $0x0;
	v2 =	vmin.u32 v2, $0x9C3F  }
0xe: {  	v0 =	vnsel vm1, $0x0, v0  }
0xf: {  	v0 =	vmin.u32 v0, $0x9C3F  }
0x10: {  	[tilespmem:s18], [sflag:$0x1] =	stream.indirect_vreg.gather [hbm4b:s2+s10], $0x1, v1, vm0, $0x4038;
	[tilespmem:$0xC80] =	vst v63  }
0x11: {  	(ifvalue) =	ssetifvalue $0x7FFFFFFF  }
0x12: {  	[tilespmem:s15], [sflag:$0x1] =	stream.indirect_vreg.gather [hbm4b:s2+s10], $0x1, v2, vm0, $0x4038;
	[tilespmem:$0xC80] =	vst v63  }
0x13: {  	s29 =	sadd.s32 $0x10, s15;
	(ifvalue) =	ssetifvalue $0x7FFFFFFF  }
0x14: {  	[tilespmem:s29], [sflag:$0x1] =	stream.indirect_vreg.gather [hbm4b:s2+s10], $0x1, v0, vm0, $0x4038;
	[tilespmem:$0xC80] =	vst v63  }
0x15: {  	_ =	swait.ge [sflag:s4], $0x320  }
0x16: {  	s30 =	sshrl.u32 s13, $0x3;
	[sflag:s4] =	ssyncset.done $0x0  }
0x17: {  	s31 =	sand.u32 $0x7, s13;
	s15 =	sadd.s32 s8, s30;
	[sflag:s4] =	ssyncadd.s32 $0xFFFFFCE0  }
0x18: {  	[hbm4b:s15+s31] =	stream.linear.scatter [tilespmem:s14], [sflag:$0x3], $0x320, $0x38;
	[tilespmem:$0xC80] =	vst v63  }
.LBB2_5:
0x19: {  	s15 =	sadd.s32 $0x6400, s11  }
0x1a: {  	p1 =	sgt.s32 s15, $0x9C3F  }
0x1b: {  	s15 =	smov.u32 @p1 s5;
	p1 =	sne.s32 s12, s9  }
.Ltmp1:
0x1c: {  	p0 =	slt.u32 s12, $0x2;
	(pc) =	sbr.rel @!p1 .LBB2_6-.Ltmp1, $4  }
0x1d: {  	s14 =	simm.s32 @!p0 $0x3  }
0x1e: {  	_ =	swait.ge @!p0 [sflag:s14], $0x320  }
0x1f: {  	s16 =	sadd.s32 $0x1, s12;
	s13 =	smov.u32 s11;
	[sflag:s14] =	ssyncset.done @!p0 $0x0  }
0x20: {  	s12 =	smov.u32 s16;
	s11 =	smov.u32 s15;
	[sflag:s14] =	ssyncadd.s32 @!p0 $0xFFFFFCE0  }
.LBB2_1:
0x21: {  	p0 =	sge.u32 s12, s7  }
0x22: {  	s14 =	sxor.u32 @!p0 $0x1, s12  }
0x23: {  	s14 =	smul.u32 @!p0 $0xC80, s14  }
0x24: {  	s31 =	sadd.s32 $0xFFFFFFFF, s12;
	s15 =	sshrl.u32 @!p0 s11, $0x3  }
0x25: {  	s16 =	sand.u32 @!p0 $0x7, s11;
	s15 =	sadd.s32 @!p0 s3, s15;
	s14 =	sshra.s32 @!p0 s14, $0x2  }
0x26: {  	[tilespmem:s14], [sflag:$0x2] =	stream.linear.gather @!p0 [hbm4b:s15+s16], $0x320, $0x38;
	[tilespmem:$0xC80] =	vst v63  }
0x27: {  	p0 =	sge.u32 s31, s7  }
.Ltmp2:
0x28: {  	_ = 	snop;
	(pc) =	sbr.rel @p0 .LBB2_5-.Ltmp2, $1  }
0x29: {  	_ =	sdelay $0x3  }
0x2a: {  	s14 =	sand.u32 $0x1, s12  }
0x2b: {  	_ =	swait.ge [sflag:s6], $0x320;
	p0 =	seq.s32 s14, $0x1;
	s14 =	simm.s32 $0x320  }
0x2c: {  	[sflag:s6] =	ssyncset.done $0x0;
	s14 =	simm.s32 @!p0 $0x0  }
0x2d: {  	[sflag:s6] =	ssyncadd.s32 $0xFFFFFCE0;
	(ifvalue) =	ssetifvalue $0x7FFFFFFF;
	v0 =	vld.msk [tilespmem:s14+$0x0 ss:$0x1], $0xffff;
	_ =	sdelay $0x4  }
0x2e: {  	s15 =	sadd.s32 $0x10, s14;
	vm1 =	vgt.s32 v0, $0x0  }
0x2f: {  	v2 =	vld.msk [tilespmem:s15+$0x0 ss:$0x1], $0xffff;
	v1 =	vnsel vm1, $0x0, v0  }
0x30: {  	v1 =	vmin.u32 v1, $0x9C3F;
	_ =	sdelay $0x2  }
0x31: {  	s17 =	simm.s32 $0x20;
	s14 =	sadd.s32 $0x640, s14;
	s16 =	sadd.s32 $0x10, s15  }
0x32: {  	s15 =	sadd.s32 $0x10, s14;
	s18 =	smov.u32 s14;
	v0 =	vld.msk [tilespmem:s16+$0x0 ss:$0x1], $0xffff;
	vm1 =	vgt.s32 v2, $0x0;
	(ifvalue) =	ssetifvalue $0x7FFFFFFF  }
.LBB2_3:
0x33: {  	[tilespmem:s18], [sflag:$0x1] =	stream.indirect_vreg.gather [hbm4b:s2+s10], $0x1, v1, vm0, $0x4038;
	[tilespmem:$0xC80] =	vst v63  }
0x34: {  	s17 =	sadd.s32 $0x10, s17  }
0x35: {  	v2 =	vnsel vm1, $0x0, v2;
	p0 =	slt.u32 s17, $0x310  }
.Ltmp3:
0x36: {  	s18 =	smov.u32 s15;
	v1 =	vmin.u32 v2, $0x9C3F;
	(pc) =	sbr.rel @p0 .LBB2_3-.Ltmp3, $3  }
0x37: {  	_ =	sdelay $0x1  }
0x38: {  	s16 =	sadd.s32 $0x10, s16  }
0x39: {  	vm1 =	vgt.s32 v0, $0x0;
	s15 =	sadd.s32 $0x10, s15;
	v2 =	vmov v0;
	(ifvalue) =	ssetifvalue $0x7FFFFFFF;
	v0 =	vld.msk [tilespmem:s16+$0x0 ss:$0x1], $0xffff  }
.Ltmp4:
0x3a: {  	_ = 	snop;
	(pc) =	sbr.rel .LBB2_4-.Ltmp4, $1  }
0x3b: {  	_ =	sdelay $0x3  }
.LBB2_6:
0x3c: {  	_ =	sfence.sel $0x180000  }
0x3d: {  	s2 =	simm.s32 $0x2;
	[bflag:$0x0] =	sbarrier.arrive $0xFFFF  }
0x3e: {  	s30 =	simm.s32 $0x3;
	[sflag:s2] =	ssyncpa.u1 $0x1  }
0x3f: {  	s31 =	simm.s32 $0x1;
	[sflag:s30] =	ssyncpa.u1 $0x1  }
0x40: {  	[sflag:s31] =	ssyncpa.u1 $0x1  }
0x41: {  	p0 =	sne.s32 s1, $0x0;
	_ =	strace $0x90000047  }
0x42: {  	s0 =	sadd.s32 @!p0 $0x100000, s0;
	[bflag:$0x2] =	sbarrier.arrive $0xFFFF  }
0x43: {  	[sflag:s0] =	ssyncadd.tile.s32 @!p0 $0x1;
	_ =	shalt  }
.Lfunc_end2:
_tile_overlayer_lowered:
.L_overlay_start_2:
0x44: {  	(tag) =	ssettag $0x2  }
0x45: {  	s0 =	rddreg [dreg:$0x0];
	s2 =	stileid.u32  }
0x46: {  	s1 =	rddreg [dreg:$0x1];
	p0 =	sne.s32 s2, $0x0  }
0x47: {  	s3 =	rddreg [dreg:$0x2];
	[bflag:$0x3] =	sbarrier.arrive $0xFFFF;
	s2 =	simm.s32 @!p0 $0x1C01  }
0x48: {  	[timem:s3], [sflag:s2] =	dma.local @!p0 [hbm:s0], s1  }
0x49: {  	s0 =	simm.s32 @!p0 $0x1  }
0x4a: {  	_ =	swait.ge @!p0 [sflag:s0], s1  }
0x4b: {  	s1 =	ssub.s32 @!p0 $0x0, s1;
	[sflag:s0] =	ssyncset.done @!p0 $0x0  }
0x4c: {  	[sflag:s0] =	ssyncadd.s32 @!p0 s1  }
0x4d: {  	[bflag:$0x3] =	sbarrier.arrive $0xFFFF  }
0x4e: {  	_ =	shalt  }

// kernel: gather_offload_async_start.5
scs
__scs_entry_jumppad:
0x0: {  	(pc) =	sbr.rel $0x88, $3  }
0x1: {  	(tag) =	ssettag $0x0;
	lr =	simm.s32 $0x1  }
0x2: {  	[smem:$0x3F81] =	sst lr;
	_ =	strace $0xD0000000  }
0x3: {  	_ = 	snop  }
0x4: {  	_ = 	snop  }
0x5: {  	_ = 	snop  }
0x6: {  	_ = 	snop  }
0x7: {  	_ = 	snop  }
__scs_overlays_trampoline_lowered:
0x8: {  	[smem:$0x3F90] =	sst s0  }
0x9: {  	[smem:$0x3F91] =	sst s1  }
0xa: {  	[smem:$0x3F92] =	sst s2  }
0xb: {  	[smem:$0x3F93] =	sst s3  }
0xc: {  	[smem:$0x3F94] =	sst s4  }
0xd: {  	[smem:$0x3F95] =	sst s5  }
0xe: {  	[smem:$0x3F96] =	sst s6  }
0xf: {  	[smem:$0x3F97] =	sst s7  }
0x10: {  	[smem:$0x3F98] =	sst s8  }
0x11: {  	[smem:$0x3F99] =	sst s9;
	s0 =	simm.s32 @!p0 $0x0  }
0x12: {  	s1 =	sld [smem:$0x3F7F];
	s0 =	simm.s32 @p0 $0x1  }
0x13: {  	[smem:$0x3F9A] =	sst s0;
	s0 =	simm.s32 @!p1 $0x0  }
0x14: {  	s2 =	sld [smem:$0x3F7E];
	s0 =	simm.s32 @p1 $0x1  }
0x15: {  	[smem:$0x3F9B] =	sst s0;
	s0 =	simm.s32 @!p2 $0x0  }
0x16: {  	s3 =	sld [smem:$0x3FDB];
	s0 =	simm.s32 @p2 $0x1  }
0x17: {  	s4 =	simm.s32 $0x1BF5;
	[smem:$0x3F9D] =	sst s0  }
0x18: {  	s0 =	sld [smem:$0x3F80];
	_ =	swait.ge [sflag:s4], $0x0  }
0x19: {  	s7 =	sld [smem:$0x3F81]  }
0x1a: {  	s8 =	sadd.s32 $0xFFFFE003, lr  }
0x1b: {  	s9 =	sadd.s32 $0xFFFFFEF7, lr;
	s5 =	simm.s32 $0xFFFFFFFF;
	p2 =	slt.u32 s8, $0xFFFFF086  }
0x1c: {  	p1 =	slt.u32 s9, $0xF7A;
	s5 =	simm.s32 @!p2 $0x0  }
0x1d: {  	s5 =	simm.s32 @p1 $0x1;
	p0 =	seq.s32 s7, s2  }
0x1e: {  	s7 =	smul.u32 @!p0 $0xF7A, s2;
	p2 =	seq.s32 @!p0 s5, $0x0  }
0x1f: {  	s9 =	smul.u32 $0xF7A, s1;
	s8 =	simm.s32 @!p0 $0x1BF5;
	p2 =	por !p2, p0  }
0x20: {  	[sflag:s8] =	ssyncset.s32 @!p0 $0xFFFFF086;
	s6 =	sadd.s32 @!p0 s3, s7;
	s7 =	simm.s32 @!p0 $0x108  }
0x21: {  	s3 =	sadd.s32 s3, s9;
	s6 =	sadd.s32 @!p0 $0x88, s6;
	s7 =	simm.s32 @p2 $0x1082  }
0x22: {  	[simem:s7], [sflag:s8] =	dma.local @!p0 [hbm:s6], $0xF7A  }
0x23: {  	s9 =	sor.u32 $0xD0000000, s2;
	s6 =	simm.s32 $0x108;
	_ =	swait.ge @!p0 [sflag:s8], $0x0  }
0x24: {  	s3 =	sadd.s32 $0x88, s3;
	s6 =	simm.s32 @!p1 $0x1082;
	[sflag:s4] =	ssyncset.s32 $0xFFFFF086  }
0x25: {  	[simem:s6], [sflag:s4] =	dma.local [hbm:s3], $0xF7A  }
0x26: {  	[smem:$0x3F81] =	sst s1;
	(tag) =	ssettag s2;
	_ =	strace s9  }
0x27: {  	s1 =	sld [smem:$0x3F91]  }
0x28: {  	s2 =	sld [smem:$0x3F92]  }
0x29: {  	s4 =	sld [smem:$0x3F94]  }
0x2a: {  	p0 =	seq.s32 s5, $0x0;
	s5 =	sld [smem:$0x3F95]  }
0x2b: {  	s6 =	sld [smem:$0x3F96]  }
0x2c: {  	s7 =	sld [smem:$0x3F97]  }
0x2d: {  	s3 =	simm.s32 $0x108;
	s8 =	sld [smem:$0x3F98]  }
0x2e: {  	s3 =	simm.s32 @!p0 $0x1082;
	s9 =	sld [smem:$0x3F99]  }
0x2f: {  	lr =	sadd.s32 s0, s3;
	s0 =	sld [smem:$0x3F90]  }
0x30: {  	s3 =	sld [smem:$0x3F93]  }
0x31: {  	[smem:$0x3F9C] =	sst s10  }
0x32: {  	s10 =	sld [smem:$0x3F9A];
	_ =	sdelay $0x3  }
0x33: {  	p0 =	seq.s32 s10, $0x1;
	s10 =	sld [smem:$0x3F9C];
	_ =	sdelay $0x3  }
0x34: {  	[smem:$0x3F9C] =	sst s10  }
0x35: {  	s10 =	sld [smem:$0x3F9B];
	_ =	sdelay $0x3  }
0x36: {  	p1 =	seq.s32 s10, $0x1;
	s10 =	sld [smem:$0x3F9C];
	_ =	sdelay $0x3  }
0x37: {  	[smem:$0x3F9C] =	sst s10  }
0x38: {  	s10 =	sld [smem:$0x3F9D]  }
0x39: {  	_ = 	snop;
	(pc) =	sbr.ind lr, $3  }
0x3a: {  	_ = 	snop  }
0x3b: {  	_ = 	snop  }
0x3c: {  	p2 =	seq.s32 s10, $0x1;
	s10 =	sld [smem:$0x3F9C]  }
0x3d: {  	_ =	shalt  }
0x3e: {  	_ =	shalt  }
0x3f: {  	_ =	shalt  }
0x40: {  	_ =	shalt  }
0x41: {  	_ =	shalt  }
0x42: {  	_ =	shalt  }
0x43: {  	_ =	shalt  }
0x44: {  	_ =	shalt  }
0x45: {  	_ =	shalt  }
0x46: {  	_ =	shalt  }
0x47: {  	_ =	shalt  }
0x48: {  	_ =	shalt  }
0x49: {  	_ =	shalt  }
0x4a: {  	_ =	shalt  }
0x4b: {  	_ =	shalt  }
0x4c: {  	_ =	shalt  }
0x4d: {  	_ =	shalt  }
0x4e: {  	_ =	shalt  }
0x4f: {  	_ =	shalt  }
0x50: {  	_ =	shalt  }
0x51: {  	_ =	shalt  }
0x52: {  	_ =	shalt  }
0x53: {  	_ =	shalt  }
0x54: {  	_ =	shalt  }
0x55: {  	_ =	shalt  }
0x56: {  	_ =	shalt  }
0x57: {  	_ =	shalt  }
0x58: {  	_ =	shalt  }
0x59: {  	_ =	shalt  }
0x5a: {  	_ =	shalt  }
0x5b: {  	_ =	shalt  }
0x5c: {  	_ =	shalt  }
0x5d: {  	_ =	shalt  }
0x5e: {  	_ =	shalt  }
0x5f: {  	_ =	shalt  }
0x60: {  	_ =	shalt  }
0x61: {  	_ =	shalt  }
0x62: {  	_ =	shalt  }
0x63: {  	_ =	shalt  }
0x64: {  	_ =	shalt  }
0x65: {  	_ =	shalt  }
0x66: {  	_ =	shalt  }
0x67: {  	_ =	shalt  }
0x68: {  	_ =	shalt  }
0x69: {  	_ =	shalt  }
0x6a: {  	_ =	shalt  }
0x6b: {  	_ =	shalt  }
0x6c: {  	_ =	shalt  }
0x6d: {  	_ =	shalt  }
0x6e: {  	_ =	shalt  }
0x6f: {  	_ =	shalt  }
0x70: {  	_ =	shalt  }
0x71: {  	_ =	shalt  }
0x72: {  	_ =	shalt  }
0x73: {  	_ =	shalt  }
0x74: {  	_ =	shalt  }
0x75: {  	_ =	shalt  }
0x76: {  	_ =	shalt  }
0x77: {  	_ =	shalt  }
0x78: {  	_ =	shalt  }
0x79: {  	_ =	shalt  }
0x7a: {  	_ =	shalt  }
0x7b: {  	_ =	shalt  }
0x7c: {  	_ =	shalt  }
0x7d: {  	_ =	shalt  }
0x7e: {  	_ =	shalt  }
0x7f: {  	_ =	shalt  }
0x80: {  	_ =	shalt  }
0x81: {  	_ =	shalt  }
0x82: {  	_ =	shalt  }
0x83: {  	_ =	shalt  }
0x84: {  	_ =	shalt  }
0x85: {  	_ =	shalt  }
0x86: {  	_ =	shalt  }
0x87: {  	_ =	shalt  }
.Lfunc_end0:
.L_simem_size_0:
called_computation.5_lowered:
.L_overlay_start_0:
0x88: {  	s2 =	sld [smem:$0x3FD9]  }
0x89: {  	s3 =	sld [smem:$0x3FFE];
	_ =	sdelay $0x1  }
0x8a: {  	s1 =	srdreg.scid  }
0x8b: {  	s0 =	sand.u32 $0x1, s1  }
0x8c: {  	s17 =	sshll.u32 s0, $0xA;
	s2 =	sadd.s32 s3, s2  }
0x8d: {  	s2 =	sadd.s32 s2, s17  }
0x8e: {  	[smem:$0x3FA8] =	sst s2  }
0x8f: {  	_ = 	snop  }
0x90: {  	(tm) =	ssettm $0x1  }
0x91: {  	s18 =	sld [smem:$0x3FFB];
	_ =	sdelay $0x3  }
0x92: {  	_ =	strace s18  }
0x93: {  	s2 =	sld [smem:$0x3FFC];
	_ =	sdelay $0x3  }
0x94: {  	_ =	strace s2  }
0x95: {  	s2 =	sld [smem:$0x3FFD];
	_ =	sdelay $0x3  }
0x96: {  	_ =	strace s2  }
0x97: {  	_ =	strace $0x8FFFFFFF  }
0x98: {  	s19 =	sld [smem:$0x3FDB];
	_ =	sdelay $0x1  }
0x99: {  	s20 =	simm.s32 $_scs_section_size  }
0x9a: {  	s4 =	simm.s32 $_size__tile_overlayer_lowered;
	s5 =	simm.s32 $_tile_overlayer_lowered  }
0x9b: {  	s6 =	simm.s32 $0x1BFF;
	s21 =	sshll.u32 s5, $0x1;
	s3 =	sadd.s32 s20, s19  }
0x9c: {  	s22 =	simm.s32 $0x0;
	s4 =	sshll.u32 s4, $0x1;
	s5 =	sadd.s32 s21, s3  }
0x9d: {  	[timem:s22], [sflag:s6] =	dma.local [hbm:s5], s4  }
0x9e: {  	_ =	swait.ge [sflag:s6], s4  }
0x9f: {  	s4 =	ssub.s32 $0x0, s4;
	[sflag:s6] =	ssyncset.done $0x0  }
0xa0: {  	[sflag:s6] =	ssyncadd.s32 s4;
	_ =	sdelay $0x1  }
0xa1: {  	s23 =	simm.s32 $0x1B8B  }
0xa2: {  	_ =	swait.ge [sflag:s23], $0x1  }
0xa3: {  	[sflag:s23] =	ssyncset.done $0x0  }
0xa4: {  	[sflag:s23] =	ssyncadd.s32 $0xFFFFFFFF  }
0xa5: {  	s4 =	sld [smem:$0x0]  }
0xa6: {  	s5 =	sand.u32 $0xFFFFFFFE, s1  }
0xa7: {  	p0 =	sne.s32 s1, s5  }
0xa8: {  	s5 =	sshll.u32 @p0 s5, $0xE  }
0xa9: {  	s5 =	sadd.s32 @p0 $0x11B8D, s5;
	s6 =	sshll.u32 @p0 s4, $0x11  }
0xaa: {  	s5 =	sor.u32 @p0 s6, s5  }
0xab: {  	[sflag:s5] =	ssyncadd.remote.s32 @p0 $0x1;
	_ =	sdelay $0x1  }
0xac: {  	s5 =	simm.s32 @p0 $0x1B8D  }
0xad: {  	_ =	swait.eq @p0 [sflag:s5], $0x1  }
0xae: {  	[sflag:s5] =	ssyncadd.s32 @p0 $0xFFFFFFFF  }
0xaf: {  	s6 =	sshll.u32 @!p0 s1, $0xE  }
0xb0: {  	s6 =	sor.u32 @!p0 $0x4000, s6;
	s5 =	simm.s32 @!p0 $0x1B8D  }
0xb1: {  	s4 =	sshll.u32 @!p0 s4, $0x11;
	s6 =	sadd.s32 @!p0 $0x11B8D, s6;
	_ =	swait.eq @!p0 [sflag:s5], $0x1  }
0xb2: {  	s4 =	sor.u32 @!p0 s4, s6;
	[sflag:s5] =	ssyncadd.s32 @!p0 $0xFFFFFFFF  }
0xb3: {  	s25 =	simm.s32 $0x1B8E;
	s24 =	sld [smem:$0x3FFE];
	[sflag:s4] =	ssyncadd.remote.s32 @!p0 $0x1  }
0xb4: {  	s26 =	simm.s32 $execute0_lowered;
	[smem:$0x3FD2] =	sst s25  }
0xb5: {  	s5 =	sshll.u32 s26, $0x1;
	_ =	strace $0x80000049;
	[dreg:$0x1] =	wrdreg $0xFFFFFFFF  }
0xb6: {  	s28 =	simm.s32 $_size_execute0_lowered;
	s3 =	sadd.s32 s3, s5;
	[dreg:$0x0] =	wrdreg $0x0  }
0xb7: {  	s5 =	sshll.u32 s28, $0x1;
	[dreg:$0x2] =	wrdreg s3  }
0xb8: {  	[dreg:$0x3] =	wrdreg s5  }
0xb9: {  	[dreg:$0x4] =	wrdreg $0xC0  }
0xba: {  	_ =	task [dreg:s22], $0x5FFFF  }
0xbb: {  	[dreg:$0x1] =	wrdreg $0xFFFFFFFF  }
0xbc: {  	[dreg:$0x0] =	wrdreg $0x60  }
0xbd: {  	[dreg:$0x2] =	wrdreg s24  }
0xbe: {  	[dreg:$0x3] =	wrdreg $0xA  }
0xbf: {  	_ =	task.clear_ibuf [dreg:s22], $0x4FFFF;
	_ =	strace $0x90000049  }
0xc0: {  	s29 =	simm.s32 $0xA;
	_ =	strace $0x8000004B  }
0xc1: {  	_ =	swait.ge [sflag:s29], $0x1  }
0xc2: {  	[sflag:s29] =	ssyncadd.s32 $0xFFFFFFFF  }
0xc3: {  	_ =	strace $0x9000004B  }
0xc4: {  	_ =	sfence  }
0xc5: {  	s30 =	sld [smem:$0x0];
	_ =	sdelay $0x2  }
0xc6: {  	s31 =	sshll.u32 s1, $0xD;
	s1 =	sshrl.u32 s1, $0x2  }
0xc7: {  	s4 =	sand.u32 $0x4000, s31;
	s1 =	sadd.s32 s1, s30  }
0xc8: {  	s0 =	sor.u32 s4, s0;
	s1 =	sshll.u32 s1, $0x11  }
0xc9: {  	s0 =	sor.u32 s1, s0  }
0xca: {  	s0 =	sadd.s32 $0x8F2B, s0  }
0xcb: {  	[sflag:s0] =	ssyncadd.remote.s32 $0x1  }
0xcc: {  	_ =	sfence.sel $0xFFFF  }
0xcd: {  	[dreg:$0x0] =	wrdreg $0xFFFFFFFF;
	(pc) =	sbr.abs _section_cstart, $3  }
0xce: {  	[dreg:$0x1] =	wrdreg $0xFFFFFFFF  }
0xcf: {  	_ =	task.clear_ibuf [dreg:s22], $0x2FFFF;
	_ =	strace $0x9FFFFFFF  }
0xd0: {  	(tm) =	ssettm $0x7FFFFFFF  }
0xd1: {  	_ =	shalt  }
tec
execute0_lowered:
.L_overlay_start_1:
0x0: {  	(tag) =	ssettag $0x1  }
0x1: {  	s0 =	srdreg.scid  }
0x2: {  	s1 =	sshll.u32 s0, $0x4  }
0x3: {  	s0 =	stileid.u32;
	s1 =	sand.u32 $0x10, s1  }
0x4: {  	s2 =	sor.u32 s0, s1  }
0x5: {  	s1 =	smul.u32 $0x3, s2  }
0x6: {  	s3 =	smin.u32 s2, $0x4  }
0x7: {  	s1 =	sadd.s32 s3, s1  }
0x8: {  	p0 =	slt.u32 s2, $0x4;
	s2 =	simm.s32 $0x640;
	s1 =	smul.u32 $0x190, s1  }
0x9: {  	s2 =	simm.s32 @!p0 $0x4B0  }
0xa: {  	s2 =	sadd.s32 s2, s1  }
0xb: {  	s3 =	smin.u32 s2, $0x9C40  }
0xc: {  	s7 =	ssub.s32 s3, s1  }
0xd: {  	p0 =	sgt.s32 s7, $0x0  }
0xe: {  	s7 =	simm.s32 @!p0 $0x0  }
0xf: {  	s31 =	sand.u32 $0xFFF0, s7  }
0x10: {  	s2 =	sshrl.u32 s31, $0x4  }
0x11: {  	s2 =	smul.u32 $0xA3E, s2  }
0x12: {  	s9 =	rddreg [dreg:$0x0];
	s6 =	simm.s32 $0x1;
	s11 =	simm.s32 $0x3  }
0x13: {  	s13 =	simm.s32 $0x0;
	s12 =	simm.s32 $0x0;
	s8 =	sshrl.u32 s2, $0x10  }
0x14: {  	s4 =	sadd.s32 $0x1AA00, s9;
	s5 =	sadd.s32 $0x18200, s9;
	s10 =	smul.u32 $0x190, s8  }
.Ltmp0:
0x15: {  	s9 =	sadd.s32 $0xB6E00, s9;
	s2 =	rddreg [dreg:$0x1];
	(pc) =	sbr.rel .LBB2_1-.Ltmp0, $4  }
0x16: {  	_ =	strace $0x8000004A;
	p0 =	sne.s32 s7, s10;
	s10 =	simm.s32 $0x1  }
0x17: {  	[sflag:s6] =	ssyncpa.u1 $0x0;
	s7 =	simm.s32 $0x2;
	s10 =	simm.s32 @!p0 $0x0  }
0x18: {  	[sflag:s7] =	ssyncpa.u1 $0x0;
	p0 =	por $0x0, $0x0;
	s8 =	sadd.s32 s8, s10  }
0x19: {  	vm0 =	vmmov $0xff;
	vm1 =	vcmask $0x3F20;
	[sflag:s11] =	ssyncpa.u1 $0x0;
	s11 =	smov.u32 s1;
	s10 =	sadd.s32 $0x1, s8  }
.LBB2_6:
0x1a: {  	[hbm:s17] =	stream.linear.scatter [tilespmem:s14], [sflag:$0x3], $0x400, $0x38;
	[tilespmem:$0x19320] =	vst v63  }
.LBB2_7:
0x1b: {  	s13 =	sadd.s32 $0x190, s11  }
0x1c: {  	s15 =	smov.u32 s1;
	p2 =	slt.s32 s13, s3  }
0x1d: {  	s15 =	smov.u32 @p2 s13;
	p2 =	sne.s32 s12, s10  }
.Ltmp1:
0x1e: {  	p1 =	slt.u32 s12, $0x2;
	(pc) =	sbr.rel @!p2 .LBB2_8-.Ltmp1, $4  }
0x1f: {  	s14 =	simm.s32 @!p1 $0x3  }
0x20: {  	s16 =	sadd.s32 $0x1, s12;
	_ =	swait.ge @!p1 [sflag:s14], $0xC800  }
0x21: {  	p0 =	por !p0, !p0;
	s13 =	smov.u32 s11;
	[sflag:s14] =	ssyncset.done @!p1 $0x0  }
0x22: {  	s12 =	smov.u32 s16;
	s11 =	smov.u32 s15;
	[sflag:s14] =	ssyncadd.s32 @!p1 $0xFFFF3800  }
.LBB2_1:
0x23: {  	p1 =	sge.u32 s12, s8  }
0x24: {  	s14 =	sxor.u32 @!p1 $0xFFFFFFFF, s12  }
0x25: {  	s14 =	sand.u32 @!p1 $0x1, s14  }
0x26: {  	s14 =	smul.u32 @!p1 $0x640, s14  }
0x27: {  	s31 =	sadd.s32 $0xFFFFFFFF, s12;
	s15 =	sshrl.u32 @!p1 s11, $0x3  }
0x28: {  	s16 =	sand.u32 @!p1 $0x7, s11;
	s15 =	sadd.s32 @!p1 s5, s15;
	s14 =	sshrl.u32 @!p1 s14, $0x2  }
0x29: {  	[tilespmem:s14], [sflag:$0x2] =	stream.linear.gather @!p1 [hbm4b:s15+s16], $0x190, $0x38;
	[tilespmem:$0x19320] =	vst v63  }
0x2a: {  	p1 =	sge.u32 s31, s8  }
.Ltmp2:
0x2b: {  	_ = 	snop;
	(pc) =	sbr.rel @p1 .LBB2_7-.Ltmp2, $1  }
0x2c: {  	_ =	sdelay $0x3  }
0x2d: {  	s14 =	simm.s32 $0x1  }
0x2e: {  	s14 =	simm.s32 @!p0 $0x0  }
0x2f: {  	s15 =	smul.u32 $0x640, s14  }
0x30: {  	_ =	swait.ge [sflag:s7], $0x190  }
0x31: {  	[sflag:s7] =	ssyncset.done $0x0;
	s16 =	sshrl.u32 s15, $0x2  }
0x32: {  	[sflag:s7] =	ssyncadd.s32 $0xFFFFFE70;
	s15 =	sadd.s32 $0x0, s16  }
0x33: {  	v0 =	vld.msk [tilespmem:s15+$0x0 ss:$0x1], $0xffff;
	_ =	sdelay $0x4  }
0x34: {  	vm2 =	vgt.s32 v0, $0x0  }
0x35: {  	v0 =	vnsel vm2, $0x0, v0  }
0x36: {  	v0 =	vmin.u32 v0, $0x9C3F  }
0x37: {  	v0 =	vshll.u32 v0, $0x4  }
0x38: {  	s14 =	smul.u32 $0x32000, s14;
	_ =	sdelay $0x1  }
0x39: {  	s14 =	sshrl.u32 s14, $0x2  }
0x3a: {  	s14 =	sor.u32 $0x320, s14  }
0x3b: {  	[tilespmem:s14], [sflag:$0x1] =	stream.indirect_vreg.gather [hbm:s4], $0x80, v0, vm0, $0x38;
	[tilespmem:$0x19320] =	vst v63  }
0x3c: {  	s17 =	sadd.s32 $0x10, s16;
	s15 =	sadd.s32 $0x400, s14  }
0x3d: {  	[tilespmem:s15], [sflag:$0x1] =	stream.indirect_vreg.gather [hbm:s4], $0x80, v0, vm1, $0x38;
	[tilespmem:$0x19320] =	vst v63  }
0x3e: {  	s18 =	simm.s32 $0x80;
	v0 =	vld.msk [tilespmem:s17+$0x0 ss:$0x1], $0xffff;
	s17 =	smov.u32 s14  }
.LBB2_3:
0x3f: {  	p1 =	sne.s32 s18, $0x600;
	_ =	sdelay $0x4  }
0x40: {  	vm2 =	vgt.s32 v0, $0x0  }
0x41: {  	v0 =	vnsel vm2, $0x0, v0  }
0x42: {  	v0 =	vmin.u32 v0, $0x9C3F  }
0x43: {  	v0 =	vshll.u32 v0, $0x4;
	_ =	sdelay $0x3  }
.Ltmp3:
0x44: {  	s19 =	sshra.s32 s18, $0x2;
	s17 =	sadd.s32 $0x800, s17;
	(pc) =	sbr.rel @p1 .LBB2_3-.Ltmp3, $4  }
0x45: {  	[tilespmem:s17], [sflag:$0x1] =	stream.indirect_vreg.gather [hbm:s4], $0x80, v0, vm0, $0x38;
	[tilespmem:$0x19320] =	vst v63  }
0x46: {  	s19 =	sadd.s32 s19, s16;
	s20 =	sadd.s32 $0x400, s17  }
0x47: {  	[tilespmem:s20], [sflag:$0x1] =	stream.indirect_vreg.gather [hbm:s4], $0x80, v0, vm1, $0x38;
	[tilespmem:$0x19320] =	vst v63  }
0x48: {  	s18 =	sadd.s32 $0x40, s18;
	v0 =	vld.msk [tilespmem:s19+$0x0 ss:$0x1], $0xffff  }
0x49: {  	_ =	sdelay $0x3  }
0x4a: {  	vm2 =	vgt.s32 v0, $0x0  }
0x4b: {  	v0 =	vnsel vm2, $0x0, v0  }
0x4c: {  	v0 =	vmin.u32 v0, $0x9C3F  }
0x4d: {  	v0 =	vshll.u32 v0, $0x4;
	_ =	sdelay $0x3  }
0x4e: {  	s16 =	sadd.s32 $0x800, s17  }
0x4f: {  	[tilespmem:s16], [sflag:$0x1] =	stream.indirect_vreg.gather [hbm:s4], $0x80, v0, vm0, $0x38;
	[tilespmem:$0x19320] =	vst v63  }
0x50: {  	s16 =	sadd.s32 $0x400, s16  }
0x51: {  	[tilespmem:s16], [sflag:$0x1] =	stream.indirect_vreg.gather [hbm:s4], $0x80, v0, vm1, $0x38;
	[tilespmem:$0x19320] =	vst v63  }
0x52: {  	s13 =	sshll.u32 s13, $0x4;
	_ =	swait.ge [sflag:s6], $0xC800  }
0x53: {  	s13 =	sadd.s32 s13, s9;
	[sflag:s6] =	ssyncset.done $0x0  }
0x54: {  	s17 =	sadd.s32 $0x0, s13;
	s16 =	simm.s32 $0x80;
	[sflag:s6] =	ssyncadd.s32 $0xFFFF3800  }
.LBB2_5:
0x55: {  	[hbm:s17] =	stream.linear.scatter [tilespmem:s14], [sflag:$0x3], $0x400, $0x38;
	[tilespmem:$0x19320] =	vst v63  }
0x56: {  	s17 =	smov.u32 s16;
	s14 =	smov.u32 s15;
	p1 =	sne.s32 s16, $0x1880  }
.Ltmp4:
0x57: {  	s16 =	sadd.s32 $0x80, s16;
	(pc) =	sbr.rel @p1 .LBB2_5-.Ltmp4, $2  }
0x58: {  	_ =	sdelay $0x2  }
0x59: {  	s15 =	sadd.s32 $0x400, s15;
	s17 =	sadd.s32 s17, s13  }
.Ltmp5:
0x5a: {  	_ = 	snop;
	(pc) =	sbr.rel .LBB2_6-.Ltmp5, $1  }
0x5b: {  	_ =	sdelay $0x3  }
.LBB2_8:
0x5c: {  	_ =	sfence.sel $0x180000  }
0x5d: {  	s1 =	simm.s32 $0x2;
	[bflag:$0x0] =	sbarrier.arrive $0xFFFF  }
0x5e: {  	s30 =	simm.s32 $0x3;
	[sflag:s1] =	ssyncpa.u1 $0x1  }
0x5f: {  	s31 =	simm.s32 $0x1;
	[sflag:s30] =	ssyncpa.u1 $0x1  }
0x60: {  	[sflag:s31] =	ssyncpa.u1 $0x1  }
0x61: {  	p0 =	sne.s32 s0, $0x0;
	_ =	strace $0x9000004A  }
0x62: {  	s0 =	sadd.s32 @!p0 $0x100000, s2;
	[bflag:$0x2] =	sbarrier.arrive $0xFFFF  }
0x63: {  	[sflag:s0] =	ssyncadd.tile.s32 @!p0 $0x1;
	_ =	shalt  }
.Lfunc_end2:
_tile_overlayer_lowered:
.L_overlay_start_2:
0x64: {  	(tag) =	ssettag $0x2  }
0x65: {  	s0 =	rddreg [dreg:$0x0];
	s2 =	stileid.u32  }
0x66: {  	s1 =	rddreg [dreg:$0x1];
	p0 =	sne.s32 s2, $0x0  }
0x67: {  	s3 =	rddreg [dreg:$0x2];
	[bflag:$0x3] =	sbarrier.arrive $0xFFFF;
	s2 =	simm.s32 @!p0 $0x1C01  }
0x68: {  	[timem:s3], [sflag:s2] =	dma.local @!p0 [hbm:s0], s1  }
0x69: {  	s0 =	simm.s32 @!p0 $0x1  }
0x6a: {  	_ =	swait.ge @!p0 [sflag:s0], s1  }
0x6b: {  	s1 =	ssub.s32 @!p0 $0x0, s1;
	[sflag:s0] =	ssyncset.done @!p0 $0x0  }
0x6c: {  	[sflag:s0] =	ssyncadd.s32 @!p0 s1  }
0x6d: {  	[bflag:$0x3] =	sbarrier.arrive $0xFFFF  }
0x6e: {  	_ =	shalt  }

// kernel: gather_offload_async_start
scs
__scs_entry_jumppad:
0x0: {  	(pc) =	sbr.rel $0x88, $3  }
0x1: {  	(tag) =	ssettag $0x0;
	lr =	simm.s32 $0x1  }
0x2: {  	[smem:$0x3F81] =	sst lr;
	_ =	strace $0xD0000000  }
0x3: {  	_ = 	snop  }
0x4: {  	_ = 	snop  }
0x5: {  	_ = 	snop  }
0x6: {  	_ = 	snop  }
0x7: {  	_ = 	snop  }
__scs_overlays_trampoline_lowered:
0x8: {  	[smem:$0x3F90] =	sst s0  }
0x9: {  	[smem:$0x3F91] =	sst s1  }
0xa: {  	[smem:$0x3F92] =	sst s2  }
0xb: {  	[smem:$0x3F93] =	sst s3  }
0xc: {  	[smem:$0x3F94] =	sst s4  }
0xd: {  	[smem:$0x3F95] =	sst s5  }
0xe: {  	[smem:$0x3F96] =	sst s6  }
0xf: {  	[smem:$0x3F97] =	sst s7  }
0x10: {  	[smem:$0x3F98] =	sst s8  }
0x11: {  	[smem:$0x3F99] =	sst s9;
	s0 =	simm.s32 @!p0 $0x0  }
0x12: {  	s1 =	sld [smem:$0x3F7F];
	s0 =	simm.s32 @p0 $0x1  }
0x13: {  	[smem:$0x3F9A] =	sst s0;
	s0 =	simm.s32 @!p1 $0x0  }
0x14: {  	s2 =	sld [smem:$0x3F7E];
	s0 =	simm.s32 @p1 $0x1  }
0x15: {  	[smem:$0x3F9B] =	sst s0;
	s0 =	simm.s32 @!p2 $0x0  }
0x16: {  	s3 =	sld [smem:$0x3FDB];
	s0 =	simm.s32 @p2 $0x1  }
0x17: {  	s4 =	simm.s32 $0x1BF5;
	[smem:$0x3F9D] =	sst s0  }
0x18: {  	s0 =	sld [smem:$0x3F80];
	_ =	swait.ge [sflag:s4], $0x0  }
0x19: {  	s7 =	sld [smem:$0x3F81]  }
0x1a: {  	s8 =	sadd.s32 $0xFFFFE003, lr  }
0x1b: {  	s9 =	sadd.s32 $0xFFFFFEF7, lr;
	s5 =	simm.s32 $0xFFFFFFFF;
	p2 =	slt.u32 s8, $0xFFFFF086  }
0x1c: {  	p1 =	slt.u32 s9, $0xF7A;
	s5 =	simm.s32 @!p2 $0x0  }
0x1d: {  	s5 =	simm.s32 @p1 $0x1;
	p0 =	seq.s32 s7, s2  }
0x1e: {  	s7 =	smul.u32 @!p0 $0xF7A, s2;
	p2 =	seq.s32 @!p0 s5, $0x0  }
0x1f: {  	s9 =	smul.u32 $0xF7A, s1;
	s8 =	simm.s32 @!p0 $0x1BF5;
	p2 =	por !p2, p0  }
0x20: {  	[sflag:s8] =	ssyncset.s32 @!p0 $0xFFFFF086;
	s6 =	sadd.s32 @!p0 s3, s7;
	s7 =	simm.s32 @!p0 $0x108  }
0x21: {  	s3 =	sadd.s32 s3, s9;
	s6 =	sadd.s32 @!p0 $0x88, s6;
	s7 =	simm.s32 @p2 $0x1082  }
0x22: {  	[simem:s7], [sflag:s8] =	dma.local @!p0 [hbm:s6], $0xF7A  }
0x23: {  	s9 =	sor.u32 $0xD0000000, s2;
	s6 =	simm.s32 $0x108;
	_ =	swait.ge @!p0 [sflag:s8], $0x0  }
0x24: {  	s3 =	sadd.s32 $0x88, s3;
	s6 =	simm.s32 @!p1 $0x1082;
	[sflag:s4] =	ssyncset.s32 $0xFFFFF086  }
0x25: {  	[simem:s6], [sflag:s4] =	dma.local [hbm:s3], $0xF7A  }
0x26: {  	[smem:$0x3F81] =	sst s1;
	(tag) =	ssettag s2;
	_ =	strace s9  }
0x27: {  	s1 =	sld [smem:$0x3F91]  }
0x28: {  	s2 =	sld [smem:$0x3F92]  }
0x29: {  	s4 =	sld [smem:$0x3F94]  }
0x2a: {  	p0 =	seq.s32 s5, $0x0;
	s5 =	sld [smem:$0x3F95]  }
0x2b: {  	s6 =	sld [smem:$0x3F96]  }
0x2c: {  	s7 =	sld [smem:$0x3F97]  }
0x2d: {  	s3 =	simm.s32 $0x108;
	s8 =	sld [smem:$0x3F98]  }
0x2e: {  	s3 =	simm.s32 @!p0 $0x1082;
	s9 =	sld [smem:$0x3F99]  }
0x2f: {  	lr =	sadd.s32 s0, s3;
	s0 =	sld [smem:$0x3F90]  }
0x30: {  	s3 =	sld [smem:$0x3F93]  }
0x31: {  	[smem:$0x3F9C] =	sst s10  }
0x32: {  	s10 =	sld [smem:$0x3F9A];
	_ =	sdelay $0x3  }
0x33: {  	p0 =	seq.s32 s10, $0x1;
	s10 =	sld [smem:$0x3F9C];
	_ =	sdelay $0x3  }
0x34: {  	[smem:$0x3F9C] =	sst s10  }
0x35: {  	s10 =	sld [smem:$0x3F9B];
	_ =	sdelay $0x3  }
0x36: {  	p1 =	seq.s32 s10, $0x1;
	s10 =	sld [smem:$0x3F9C];
	_ =	sdelay $0x3  }
0x37: {  	[smem:$0x3F9C] =	sst s10  }
0x38: {  	s10 =	sld [smem:$0x3F9D]  }
0x39: {  	_ = 	snop;
	(pc) =	sbr.ind lr, $3  }
0x3a: {  	_ = 	snop  }
0x3b: {  	_ = 	snop  }
0x3c: {  	p2 =	seq.s32 s10, $0x1;
	s10 =	sld [smem:$0x3F9C]  }
0x3d: {  	_ =	shalt  }
0x3e: {  	_ =	shalt  }
0x3f: {  	_ =	shalt  }
0x40: {  	_ =	shalt  }
0x41: {  	_ =	shalt  }
0x42: {  	_ =	shalt  }
0x43: {  	_ =	shalt  }
0x44: {  	_ =	shalt  }
0x45: {  	_ =	shalt  }
0x46: {  	_ =	shalt  }
0x47: {  	_ =	shalt  }
0x48: {  	_ =	shalt  }
0x49: {  	_ =	shalt  }
0x4a: {  	_ =	shalt  }
0x4b: {  	_ =	shalt  }
0x4c: {  	_ =	shalt  }
0x4d: {  	_ =	shalt  }
0x4e: {  	_ =	shalt  }
0x4f: {  	_ =	shalt  }
0x50: {  	_ =	shalt  }
0x51: {  	_ =	shalt  }
0x52: {  	_ =	shalt  }
0x53: {  	_ =	shalt  }
0x54: {  	_ =	shalt  }
0x55: {  	_ =	shalt  }
0x56: {  	_ =	shalt  }
0x57: {  	_ =	shalt  }
0x58: {  	_ =	shalt  }
0x59: {  	_ =	shalt  }
0x5a: {  	_ =	shalt  }
0x5b: {  	_ =	shalt  }
0x5c: {  	_ =	shalt  }
0x5d: {  	_ =	shalt  }
0x5e: {  	_ =	shalt  }
0x5f: {  	_ =	shalt  }
0x60: {  	_ =	shalt  }
0x61: {  	_ =	shalt  }
0x62: {  	_ =	shalt  }
0x63: {  	_ =	shalt  }
0x64: {  	_ =	shalt  }
0x65: {  	_ =	shalt  }
0x66: {  	_ =	shalt  }
0x67: {  	_ =	shalt  }
0x68: {  	_ =	shalt  }
0x69: {  	_ =	shalt  }
0x6a: {  	_ =	shalt  }
0x6b: {  	_ =	shalt  }
0x6c: {  	_ =	shalt  }
0x6d: {  	_ =	shalt  }
0x6e: {  	_ =	shalt  }
0x6f: {  	_ =	shalt  }
0x70: {  	_ =	shalt  }
0x71: {  	_ =	shalt  }
0x72: {  	_ =	shalt  }
0x73: {  	_ =	shalt  }
0x74: {  	_ =	shalt  }
0x75: {  	_ =	shalt  }
0x76: {  	_ =	shalt  }
0x77: {  	_ =	shalt  }
0x78: {  	_ =	shalt  }
0x79: {  	_ =	shalt  }
0x7a: {  	_ =	shalt  }
0x7b: {  	_ =	shalt  }
0x7c: {  	_ =	shalt  }
0x7d: {  	_ =	shalt  }
0x7e: {  	_ =	shalt  }
0x7f: {  	_ =	shalt  }
0x80: {  	_ =	shalt  }
0x81: {  	_ =	shalt  }
0x82: {  	_ =	shalt  }
0x83: {  	_ =	shalt  }
0x84: {  	_ =	shalt  }
0x85: {  	_ =	shalt  }
0x86: {  	_ =	shalt  }
0x87: {  	_ =	shalt  }
.Lfunc_end0:
.L_simem_size_0:
called_computation_lowered:
.L_overlay_start_0:
0x88: {  	s2 =	sld [smem:$0x3FD9]  }
0x89: {  	s3 =	sld [smem:$0x3FFE];
	_ =	sdelay $0x1  }
0x8a: {  	s1 =	srdreg.scid  }
0x8b: {  	s0 =	sand.u32 $0x1, s1  }
0x8c: {  	s17 =	sshll.u32 s0, $0xA;
	s2 =	sadd.s32 s3, s2  }
0x8d: {  	s2 =	sadd.s32 s2, s17  }
0x8e: {  	[smem:$0x3FA8] =	sst s2  }
0x8f: {  	_ = 	snop  }
0x90: {  	(tm) =	ssettm $0x1  }
0x91: {  	s18 =	sld [smem:$0x3FFB];
	_ =	sdelay $0x3  }
0x92: {  	_ =	strace s18  }
0x93: {  	s2 =	sld [smem:$0x3FFC];
	_ =	sdelay $0x3  }
0x94: {  	_ =	strace s2  }
0x95: {  	s2 =	sld [smem:$0x3FFD];
	_ =	sdelay $0x3  }
0x96: {  	_ =	strace s2  }
0x97: {  	_ =	strace $0x8FFFFFFF  }
0x98: {  	s19 =	sld [smem:$0x3FDB];
	_ =	sdelay $0x1  }
0x99: {  	s20 =	simm.s32 $_scs_section_size  }
0x9a: {  	s4 =	simm.s32 $_size__tile_overlayer_lowered;
	s5 =	simm.s32 $_tile_overlayer_lowered  }
0x9b: {  	s6 =	simm.s32 $0x1BFF;
	s21 =	sshll.u32 s5, $0x1;
	s3 =	sadd.s32 s20, s19  }
0x9c: {  	s22 =	simm.s32 $0x0;
	s4 =	sshll.u32 s4, $0x1;
	s5 =	sadd.s32 s21, s3  }
0x9d: {  	[timem:s22], [sflag:s6] =	dma.local [hbm:s5], s4  }
0x9e: {  	_ =	swait.ge [sflag:s6], s4  }
0x9f: {  	s4 =	ssub.s32 $0x0, s4;
	[sflag:s6] =	ssyncset.done $0x0  }
0xa0: {  	[sflag:s6] =	ssyncadd.s32 s4;
	_ =	sdelay $0x1  }
0xa1: {  	s23 =	simm.s32 $0x1B8B  }
0xa2: {  	_ =	swait.ge [sflag:s23], $0x1  }
0xa3: {  	[sflag:s23] =	ssyncset.done $0x0  }
0xa4: {  	[sflag:s23] =	ssyncadd.s32 $0xFFFFFFFF  }
0xa5: {  	s4 =	sld [smem:$0x0]  }
0xa6: {  	s5 =	sand.u32 $0xFFFFFFFE, s1  }
0xa7: {  	p0 =	sne.s32 s1, s5  }
0xa8: {  	s5 =	sshll.u32 @p0 s5, $0xE  }
0xa9: {  	s5 =	sadd.s32 @p0 $0x11B8D, s5;
	s6 =	sshll.u32 @p0 s4, $0x11  }
0xaa: {  	s5 =	sor.u32 @p0 s6, s5  }
0xab: {  	[sflag:s5] =	ssyncadd.remote.s32 @p0 $0x1;
	_ =	sdelay $0x1  }
0xac: {  	s5 =	simm.s32 @p0 $0x1B8D  }
0xad: {  	_ =	swait.eq @p0 [sflag:s5], $0x1  }
0xae: {  	[sflag:s5] =	ssyncadd.s32 @p0 $0xFFFFFFFF  }
0xaf: {  	s6 =	sshll.u32 @!p0 s1, $0xE  }
0xb0: {  	s6 =	sor.u32 @!p0 $0x4000, s6;
	s5 =	simm.s32 @!p0 $0x1B8D  }
0xb1: {  	s4 =	sshll.u32 @!p0 s4, $0x11;
	s6 =	sadd.s32 @!p0 $0x11B8D, s6;
	_ =	swait.eq @!p0 [sflag:s5], $0x1  }
0xb2: {  	s4 =	sor.u32 @!p0 s4, s6;
	[sflag:s5] =	ssyncadd.s32 @!p0 $0xFFFFFFFF  }
0xb3: {  	s25 =	simm.s32 $0x1B8E;
	s24 =	sld [smem:$0x3FFE];
	[sflag:s4] =	ssyncadd.remote.s32 @!p0 $0x1  }
0xb4: {  	s26 =	simm.s32 $execute0_lowered;
	[smem:$0x3FD2] =	sst s25  }
0xb5: {  	s5 =	sshll.u32 s26, $0x1;
	_ =	strace $0x80000055;
	[dreg:$0x1] =	wrdreg $0xFFFFFFFF  }
0xb6: {  	s28 =	simm.s32 $_size_execute0_lowered;
	s3 =	sadd.s32 s3, s5;
	[dreg:$0x0] =	wrdreg $0x0  }
0xb7: {  	s5 =	sshll.u32 s28, $0x1;
	[dreg:$0x2] =	wrdreg s3  }
0xb8: {  	[dreg:$0x3] =	wrdreg s5  }
0xb9: {  	[dreg:$0x4] =	wrdreg $0xC0  }
0xba: {  	_ =	task [dreg:s22], $0x5FFFF  }
0xbb: {  	[dreg:$0x1] =	wrdreg $0xFFFFFFFF  }
0xbc: {  	[dreg:$0x0] =	wrdreg $0x60  }
0xbd: {  	[dreg:$0x2] =	wrdreg s24  }
0xbe: {  	[dreg:$0x3] =	wrdreg $0x9  }
0xbf: {  	_ =	task.clear_ibuf [dreg:s22], $0x4FFFF;
	_ =	strace $0x90000055  }
0xc0: {  	s29 =	simm.s32 $0x9;
	_ =	strace $0x80000057  }
0xc1: {  	_ =	swait.ge [sflag:s29], $0x1  }
0xc2: {  	[sflag:s29] =	ssyncadd.s32 $0xFFFFFFFF  }
0xc3: {  	_ =	strace $0x90000057  }
0xc4: {  	_ =	sfence  }
0xc5: {  	s30 =	sld [smem:$0x0];
	_ =	sdelay $0x2  }
0xc6: {  	s31 =	sshll.u32 s1, $0xD;
	s1 =	sshrl.u32 s1, $0x2  }
0xc7: {  	s4 =	sand.u32 $0x4000, s31;
	s1 =	sadd.s32 s1, s30  }
0xc8: {  	s0 =	sor.u32 s4, s0;
	s1 =	sshll.u32 s1, $0x11  }
0xc9: {  	s0 =	sor.u32 s1, s0  }
0xca: {  	s0 =	sadd.s32 $0x8F2B, s0  }
0xcb: {  	[sflag:s0] =	ssyncadd.remote.s32 $0x1  }
0xcc: {  	_ =	sfence.sel $0xFFFF  }
0xcd: {  	[dreg:$0x0] =	wrdreg $0xFFFFFFFF;
	(pc) =	sbr.abs _section_cstart, $3  }
0xce: {  	[dreg:$0x1] =	wrdreg $0xFFFFFFFF  }
0xcf: {  	_ =	task.clear_ibuf [dreg:s22], $0x2FFFF;
	_ =	strace $0x9FFFFFFF  }
0xd0: {  	(tm) =	ssettm $0x7FFFFFFF  }
0xd1: {  	_ =	shalt  }
tec
execute0_lowered:
.L_overlay_start_1:
0x0: {  	(tag) =	ssettag $0x1  }
0x1: {  	s8 =	rddreg [dreg:$0x0]  }
0x2: {  	s0 =	rddreg [dreg:$0x1];
	_ =	strace $0x80000056;
	s1 =	stileid.u32  }
0x3: {  	s3 =	srdreg.scid;
	s4 =	simm.s32 $0x1;
	s7 =	simm.s32 $0x1  }
0x4: {  	s9 =	simm.s32 $0x1;
	s10 =	simm.s32 $0x3;
	s13 =	simm.s32 $0x0  }
0x5: {  	s12 =	simm.s32 $0x0;
	s5 =	sand.u32 $0x1, s3;
	s6 =	sshll.u32 s1, $0x1  }
0x6: {  	s2 =	sadd.s32 $0x6A00, s8;
	s3 =	sadd.s32 $0x10A00, s8;
	s5 =	sor.u32 s6, s5  }
.Ltmp0:
0x7: {  	[sflag:s4] =	ssyncpa.u1 $0x0;
	p0 =	slt.u32 s5, $0x9;
	(pc) =	sbr.rel .LBB2_1-.Ltmp0, $4  }
0x8: {  	s6 =	simm.s32 $0x2;
	s7 =	simm.s32 @!p0 $0x0;
	p0 =	sne.s32 s5, $0x8  }
0x9: {  	[sflag:s6] =	ssyncpa.u1 $0x0;
	s5 =	smul.u32 $0xFA0, s5;
	s9 =	simm.s32 @!p0 $0x0  }
0xa: {  	s8 =	sadd.s32 $0xBA00, s8;
	[sflag:s10] =	ssyncpa.u1 $0x0;
	s7 =	sadd.s32 s9, s7  }
0xb: {  	vm0 =	vmmov $0xffff;
	s10 =	simm.s32 $0x0;
	s11 =	smov.u32 s5;
	s9 =	sadd.s32 $0x1, s7  }
.LBB2_4:
0xc: {  	v2 =	vnsel vm1, $0x0, v2  }
0xd: {  	vm1 =	vgt.s32 v0, $0x0;
	v2 =	vmin.u32 v2, $0x270FF  }
0xe: {  	v0 =	vnsel vm1, $0x0, v0  }
0xf: {  	v0 =	vmin.u32 v0, $0x270FF  }
0x10: {  	[tilespmem:s18], [sflag:$0x1] =	stream.indirect_vreg.gather [hbm4b:s2+s10], $0x1, v1, vm0, $0x4038;
	[tilespmem:$0x3E80] =	vst v63  }
0x11: {  	(ifvalue) =	ssetifvalue $0x7FFFFFFF  }
0x12: {  	[tilespmem:s15], [sflag:$0x1] =	stream.indirect_vreg.gather [hbm4b:s2+s10], $0x1, v2, vm0, $0x4038;
	[tilespmem:$0x3E80] =	vst v63  }
0x13: {  	s29 =	sadd.s32 $0x10, s15;
	(ifvalue) =	ssetifvalue $0x7FFFFFFF  }
0x14: {  	[tilespmem:s29], [sflag:$0x1] =	stream.indirect_vreg.gather [hbm4b:s2+s10], $0x1, v0, vm0, $0x4038;
	[tilespmem:$0x3E80] =	vst v63  }
0x15: {  	_ =	swait.ge [sflag:s4], $0xFA0  }
0x16: {  	s30 =	sshrl.u32 s13, $0x3;
	[sflag:s4] =	ssyncset.done $0x0  }
0x17: {  	s31 =	sand.u32 $0x7, s13;
	s15 =	sadd.s32 s8, s30;
	[sflag:s4] =	ssyncadd.s32 $0xFFFFF060  }
0x18: {  	[hbm4b:s15+s31] =	stream.linear.scatter [tilespmem:s14], [sflag:$0x3], $0xFA0, $0x38;
	[tilespmem:$0x3E80] =	vst v63  }
.LBB2_5:
0x19: {  	s15 =	sadd.s32 $0x1F400, s11  }
0x1a: {  	p1 =	sgt.s32 s15, $0x270FF  }
0x1b: {  	s15 =	smov.u32 @p1 s5;
	p1 =	sne.s32 s12, s9  }
.Ltmp1:
0x1c: {  	p0 =	slt.u32 s12, $0x2;
	(pc) =	sbr.rel @!p1 .LBB2_6-.Ltmp1, $4  }
0x1d: {  	s14 =	simm.s32 @!p0 $0x3  }
0x1e: {  	_ =	swait.ge @!p0 [sflag:s14], $0xFA0  }
0x1f: {  	s16 =	sadd.s32 $0x1, s12;
	s13 =	smov.u32 s11;
	[sflag:s14] =	ssyncset.done @!p0 $0x0  }
0x20: {  	s12 =	smov.u32 s16;
	s11 =	smov.u32 s15;
	[sflag:s14] =	ssyncadd.s32 @!p0 $0xFFFFF060  }
.LBB2_1:
0x21: {  	p0 =	sge.u32 s12, s7  }
0x22: {  	s14 =	sxor.u32 @!p0 $0x1, s12  }
0x23: {  	s14 =	smul.u32 @!p0 $0x3E80, s14  }
0x24: {  	s31 =	sadd.s32 $0xFFFFFFFF, s12;
	s15 =	sshrl.u32 @!p0 s11, $0x3  }
0x25: {  	s16 =	sand.u32 @!p0 $0x7, s11;
	s15 =	sadd.s32 @!p0 s3, s15;
	s14 =	sshra.s32 @!p0 s14, $0x2  }
0x26: {  	[tilespmem:s14], [sflag:$0x2] =	stream.linear.gather @!p0 [hbm4b:s15+s16], $0xFA0, $0x38;
	[tilespmem:$0x3E80] =	vst v63  }
0x27: {  	p0 =	sge.u32 s31, s7  }
.Ltmp2:
0x28: {  	_ = 	snop;
	(pc) =	sbr.rel @p0 .LBB2_5-.Ltmp2, $1  }
0x29: {  	_ =	sdelay $0x3  }
0x2a: {  	s14 =	sand.u32 $0x1, s12  }
0x2b: {  	_ =	swait.ge [sflag:s6], $0xFA0;
	p0 =	seq.s32 s14, $0x1;
	s14 =	simm.s32 $0xFA0  }
0x2c: {  	[sflag:s6] =	ssyncset.done $0x0;
	s14 =	simm.s32 @!p0 $0x0  }
0x2d: {  	[sflag:s6] =	ssyncadd.s32 $0xFFFFF060;
	(ifvalue) =	ssetifvalue $0x7FFFFFFF;
	v0 =	vld.msk [tilespmem:s14+$0x0 ss:$0x1], $0xffff;
	_ =	sdelay $0x4  }
0x2e: {  	s15 =	sadd.s32 $0x10, s14;
	vm1 =	vgt.s32 v0, $0x0  }
0x2f: {  	v2 =	vld.msk [tilespmem:s15+$0x0 ss:$0x1], $0xffff;
	v1 =	vnsel vm1, $0x0, v0  }
0x30: {  	v1 =	vmin.u32 v1, $0x270FF;
	_ =	sdelay $0x2  }
0x31: {  	s17 =	simm.s32 $0x20;
	s14 =	sadd.s32 $0x1F40, s14;
	s16 =	sadd.s32 $0x10, s15  }
0x32: {  	s15 =	sadd.s32 $0x10, s14;
	s18 =	smov.u32 s14;
	v0 =	vld.msk [tilespmem:s16+$0x0 ss:$0x1], $0xffff;
	vm1 =	vgt.s32 v2, $0x0;
	(ifvalue) =	ssetifvalue $0x7FFFFFFF  }
.LBB2_3:
0x33: {  	[tilespmem:s18], [sflag:$0x1] =	stream.indirect_vreg.gather [hbm4b:s2+s10], $0x1, v1, vm0, $0x4038;
	[tilespmem:$0x3E80] =	vst v63  }
0x34: {  	s17 =	sadd.s32 $0x10, s17  }
0x35: {  	v2 =	vnsel vm1, $0x0, v2;
	p0 =	slt.u32 s17, $0xF90  }
.Ltmp3:
0x36: {  	s18 =	smov.u32 s15;
	v1 =	vmin.u32 v2, $0x270FF;
	(pc) =	sbr.rel @p0 .LBB2_3-.Ltmp3, $3  }
0x37: {  	_ =	sdelay $0x1  }
0x38: {  	s16 =	sadd.s32 $0x10, s16  }
0x39: {  	vm1 =	vgt.s32 v0, $0x0;
	s15 =	sadd.s32 $0x10, s15;
	v2 =	vmov v0;
	(ifvalue) =	ssetifvalue $0x7FFFFFFF;
	v0 =	vld.msk [tilespmem:s16+$0x0 ss:$0x1], $0xffff  }
.Ltmp4:
0x3a: {  	_ = 	snop;
	(pc) =	sbr.rel .LBB2_4-.Ltmp4, $1  }
0x3b: {  	_ =	sdelay $0x3  }
.LBB2_6:
0x3c: {  	_ =	sfence.sel $0x180000  }
0x3d: {  	s2 =	simm.s32 $0x2;
	[bflag:$0x0] =	sbarrier.arrive $0xFFFF  }
0x3e: {  	s30 =	simm.s32 $0x3;
	[sflag:s2] =	ssyncpa.u1 $0x1  }
0x3f: {  	s31 =	simm.s32 $0x1;
	[sflag:s30] =	ssyncpa.u1 $0x1  }
0x40: {  	[sflag:s31] =	ssyncpa.u1 $0x1  }
0x41: {  	p0 =	sne.s32 s1, $0x0;
	_ =	strace $0x90000056  }
0x42: {  	s0 =	sadd.s32 @!p0 $0x100000, s0;
	[bflag:$0x2] =	sbarrier.arrive $0xFFFF  }
0x43: {  	[sflag:s0] =	ssyncadd.tile.s32 @!p0 $0x1;
	_ =	shalt  }
.Lfunc_end2:
_tile_overlayer_lowered:
.L_overlay_start_2:
0x44: {  	(tag) =	ssettag $0x2  }
0x45: {  	s0 =	rddreg [dreg:$0x0];
	s2 =	stileid.u32  }
0x46: {  	s1 =	rddreg [dreg:$0x1];
	p0 =	sne.s32 s2, $0x0  }
0x47: {  	s3 =	rddreg [dreg:$0x2];
	[bflag:$0x3] =	sbarrier.arrive $0xFFFF;
	s2 =	simm.s32 @!p0 $0x1C01  }
0x48: {  	[timem:s3], [sflag:s2] =	dma.local @!p0 [hbm:s0], s1  }
0x49: {  	s0 =	simm.s32 @!p0 $0x1  }
0x4a: {  	_ =	swait.ge @!p0 [sflag:s0], s1  }
0x4b: {  	s1 =	ssub.s32 @!p0 $0x0, s1;
	[sflag:s0] =	ssyncset.done @!p0 $0x0  }
0x4c: {  	[sflag:s0] =	ssyncadd.s32 @!p0 s1  }
0x4d: {  	[bflag:$0x3] =	sbarrier.arrive $0xFFFF  }
0x4e: {  	_ =	shalt  }

// kernel: kernel.11.cloned.1.call-start
scs
__scs_entry_jumppad:
0x0: {  	(pc) =	sbr.rel $0x88, $3  }
0x1: {  	(tag) =	ssettag $0x0;
	lr =	simm.s32 $0x1  }
0x2: {  	[smem:$0x3F81] =	sst lr;
	_ =	strace $0xD0000000  }
0x3: {  	_ = 	snop  }
0x4: {  	_ = 	snop  }
0x5: {  	_ = 	snop  }
0x6: {  	_ = 	snop  }
0x7: {  	_ = 	snop  }
__scs_overlays_trampoline_lowered:
0x8: {  	[smem:$0x3F90] =	sst s0  }
0x9: {  	[smem:$0x3F91] =	sst s1  }
0xa: {  	[smem:$0x3F92] =	sst s2  }
0xb: {  	[smem:$0x3F93] =	sst s3  }
0xc: {  	[smem:$0x3F94] =	sst s4  }
0xd: {  	[smem:$0x3F95] =	sst s5  }
0xe: {  	[smem:$0x3F96] =	sst s6  }
0xf: {  	[smem:$0x3F97] =	sst s7  }
0x10: {  	[smem:$0x3F98] =	sst s8  }
0x11: {  	[smem:$0x3F99] =	sst s9;
	s0 =	simm.s32 @!p0 $0x0  }
0x12: {  	s1 =	sld [smem:$0x3F7F];
	s0 =	simm.s32 @p0 $0x1  }
0x13: {  	[smem:$0x3F9A] =	sst s0;
	s0 =	simm.s32 @!p1 $0x0  }
0x14: {  	s2 =	sld [smem:$0x3F7E];
	s0 =	simm.s32 @p1 $0x1  }
0x15: {  	[smem:$0x3F9B] =	sst s0;
	s0 =	simm.s32 @!p2 $0x0  }
0x16: {  	s3 =	sld [smem:$0x3FDB];
	s0 =	simm.s32 @p2 $0x1  }
0x17: {  	s4 =	simm.s32 $0x1BF5;
	[smem:$0x3F9D] =	sst s0  }
0x18: {  	s0 =	sld [smem:$0x3F80];
	_ =	swait.ge [sflag:s4], $0x0  }
0x19: {  	s7 =	sld [smem:$0x3F81]  }
0x1a: {  	s8 =	sadd.s32 $0xFFFFE003, lr  }
0x1b: {  	s9 =	sadd.s32 $0xFFFFFEF7, lr;
	s5 =	simm.s32 $0xFFFFFFFF;
	p2 =	slt.u32 s8, $0xFFFFF086  }
0x1c: {  	p1 =	slt.u32 s9, $0xF7A;
	s5 =	simm.s32 @!p2 $0x0  }
0x1d: {  	s5 =	simm.s32 @p1 $0x1;
	p0 =	seq.s32 s7, s2  }
0x1e: {  	s7 =	smul.u32 @!p0 $0xF7A, s2;
	p2 =	seq.s32 @!p0 s5, $0x0  }
0x1f: {  	s9 =	smul.u32 $0xF7A, s1;
	s8 =	simm.s32 @!p0 $0x1BF5;
	p2 =	por !p2, p0  }
0x20: {  	[sflag:s8] =	ssyncset.s32 @!p0 $0xFFFFF086;
	s6 =	sadd.s32 @!p0 s3, s7;
	s7 =	simm.s32 @!p0 $0x108  }
0x21: {  	s3 =	sadd.s32 s3, s9;
	s6 =	sadd.s32 @!p0 $0x88, s6;
	s7 =	simm.s32 @p2 $0x1082  }
0x22: {  	[simem:s7], [sflag:s8] =	dma.local @!p0 [hbm:s6], $0xF7A  }
0x23: {  	s9 =	sor.u32 $0xD0000000, s2;
	s6 =	simm.s32 $0x108;
	_ =	swait.ge @!p0 [sflag:s8], $0x0  }
0x24: {  	s3 =	sadd.s32 $0x88, s3;
	s6 =	simm.s32 @!p1 $0x1082;
	[sflag:s4] =	ssyncset.s32 $0xFFFFF086  }
0x25: {  	[simem:s6], [sflag:s4] =	dma.local [hbm:s3], $0xF7A  }
0x26: {  	[smem:$0x3F81] =	sst s1;
	(tag) =	ssettag s2;
	_ =	strace s9  }
0x27: {  	s1 =	sld [smem:$0x3F91]  }
0x28: {  	s2 =	sld [smem:$0x3F92]  }
0x29: {  	s4 =	sld [smem:$0x3F94]  }
0x2a: {  	p0 =	seq.s32 s5, $0x0;
	s5 =	sld [smem:$0x3F95]  }
0x2b: {  	s6 =	sld [smem:$0x3F96]  }
0x2c: {  	s7 =	sld [smem:$0x3F97]  }
0x2d: {  	s3 =	simm.s32 $0x108;
	s8 =	sld [smem:$0x3F98]  }
0x2e: {  	s3 =	simm.s32 @!p0 $0x1082;
	s9 =	sld [smem:$0x3F99]  }
0x2f: {  	lr =	sadd.s32 s0, s3;
	s0 =	sld [smem:$0x3F90]  }
0x30: {  	s3 =	sld [smem:$0x3F93]  }
0x31: {  	[smem:$0x3F9C] =	sst s10  }
0x32: {  	s10 =	sld [smem:$0x3F9A];
	_ =	sdelay $0x3  }
0x33: {  	p0 =	seq.s32 s10, $0x1;
	s10 =	sld [smem:$0x3F9C];
	_ =	sdelay $0x3  }
0x34: {  	[smem:$0x3F9C] =	sst s10  }
0x35: {  	s10 =	sld [smem:$0x3F9B];
	_ =	sdelay $0x3  }
0x36: {  	p1 =	seq.s32 s10, $0x1;
	s10 =	sld [smem:$0x3F9C];
	_ =	sdelay $0x3  }
0x37: {  	[smem:$0x3F9C] =	sst s10  }
0x38: {  	s10 =	sld [smem:$0x3F9D]  }
0x39: {  	_ = 	snop;
	(pc) =	sbr.ind lr, $3  }
0x3a: {  	_ = 	snop  }
0x3b: {  	_ = 	snop  }
0x3c: {  	p2 =	seq.s32 s10, $0x1;
	s10 =	sld [smem:$0x3F9C]  }
0x3d: {  	_ =	shalt  }
0x3e: {  	_ =	shalt  }
0x3f: {  	_ =	shalt  }
0x40: {  	_ =	shalt  }
0x41: {  	_ =	shalt  }
0x42: {  	_ =	shalt  }
0x43: {  	_ =	shalt  }
0x44: {  	_ =	shalt  }
0x45: {  	_ =	shalt  }
0x46: {  	_ =	shalt  }
0x47: {  	_ =	shalt  }
0x48: {  	_ =	shalt  }
0x49: {  	_ =	shalt  }
0x4a: {  	_ =	shalt  }
0x4b: {  	_ =	shalt  }
0x4c: {  	_ =	shalt  }
0x4d: {  	_ =	shalt  }
0x4e: {  	_ =	shalt  }
0x4f: {  	_ =	shalt  }
0x50: {  	_ =	shalt  }
0x51: {  	_ =	shalt  }
0x52: {  	_ =	shalt  }
0x53: {  	_ =	shalt  }
0x54: {  	_ =	shalt  }
0x55: {  	_ =	shalt  }
0x56: {  	_ =	shalt  }
0x57: {  	_ =	shalt  }
0x58: {  	_ =	shalt  }
0x59: {  	_ =	shalt  }
0x5a: {  	_ =	shalt  }
0x5b: {  	_ =	shalt  }
0x5c: {  	_ =	shalt  }
0x5d: {  	_ =	shalt  }
0x5e: {  	_ =	shalt  }
0x5f: {  	_ =	shalt  }
0x60: {  	_ =	shalt  }
0x61: {  	_ =	shalt  }
0x62: {  	_ =	shalt  }
0x63: {  	_ =	shalt  }
0x64: {  	_ =	shalt  }
0x65: {  	_ =	shalt  }
0x66: {  	_ =	shalt  }
0x67: {  	_ =	shalt  }
0x68: {  	_ =	shalt  }
0x69: {  	_ =	shalt  }
0x6a: {  	_ =	shalt  }
0x6b: {  	_ =	shalt  }
0x6c: {  	_ =	shalt  }
0x6d: {  	_ =	shalt  }
0x6e: {  	_ =	shalt  }
0x6f: {  	_ =	shalt  }
0x70: {  	_ =	shalt  }
0x71: {  	_ =	shalt  }
0x72: {  	_ =	shalt  }
0x73: {  	_ =	shalt  }
0x74: {  	_ =	shalt  }
0x75: {  	_ =	shalt  }
0x76: {  	_ =	shalt  }
0x77: {  	_ =	shalt  }
0x78: {  	_ =	shalt  }
0x79: {  	_ =	shalt  }
0x7a: {  	_ =	shalt  }
0x7b: {  	_ =	shalt  }
0x7c: {  	_ =	shalt  }
0x7d: {  	_ =	shalt  }
0x7e: {  	_ =	shalt  }
0x7f: {  	_ =	shalt  }
0x80: {  	_ =	shalt  }
0x81: {  	_ =	shalt  }
0x82: {  	_ =	shalt  }
0x83: {  	_ =	shalt  }
0x84: {  	_ =	shalt  }
0x85: {  	_ =	shalt  }
0x86: {  	_ =	shalt  }
0x87: {  	_ =	shalt  }
.Lfunc_end0:
.L_simem_size_0:
called_computation.8_lowered:
.L_overlay_start_0:
0x88: {  	s2 =	sld [smem:$0x3FD9]  }
0x89: {  	s3 =	sld [smem:$0x3FFE];
	_ =	sdelay $0x1  }
0x8a: {  	s1 =	srdreg.scid  }
0x8b: {  	s0 =	sand.u32 $0x1, s1  }
0x8c: {  	s17 =	sshll.u32 s0, $0xA;
	s2 =	sadd.s32 s3, s2  }
0x8d: {  	s2 =	sadd.s32 s2, s17  }
0x8e: {  	[smem:$0x3FA8] =	sst s2  }
0x8f: {  	_ = 	snop  }
0x90: {  	(tm) =	ssettm $0x1  }
0x91: {  	s18 =	sld [smem:$0x3FFB];
	_ =	sdelay $0x3  }
0x92: {  	_ =	strace s18  }
0x93: {  	s2 =	sld [smem:$0x3FFC];
	_ =	sdelay $0x3  }
0x94: {  	_ =	strace s2  }
0x95: {  	s2 =	sld [smem:$0x3FFD];
	_ =	sdelay $0x3  }
0x96: {  	_ =	strace s2  }
0x97: {  	_ =	strace $0x8FFFFFFF  }
0x98: {  	s19 =	sld [smem:$0x3FDB];
	_ =	sdelay $0x1  }
0x99: {  	s20 =	simm.s32 $_scs_section_size  }
0x9a: {  	s4 =	simm.s32 $_size__tile_overlayer_lowered;
	s5 =	simm.s32 $_tile_overlayer_lowered  }
0x9b: {  	s6 =	simm.s32 $0x1BFF;
	s21 =	sshll.u32 s5, $0x1;
	s3 =	sadd.s32 s20, s19  }
0x9c: {  	s22 =	simm.s32 $0x0;
	s4 =	sshll.u32 s4, $0x1;
	s5 =	sadd.s32 s21, s3  }
0x9d: {  	[timem:s22], [sflag:s6] =	dma.local [hbm:s5], s4  }
0x9e: {  	_ =	swait.ge [sflag:s6], s4  }
0x9f: {  	s4 =	ssub.s32 $0x0, s4;
	[sflag:s6] =	ssyncset.done $0x0  }
0xa0: {  	[sflag:s6] =	ssyncadd.s32 s4;
	_ =	sdelay $0x1  }
0xa1: {  	s23 =	simm.s32 $0x1B8B  }
0xa2: {  	_ =	swait.ge [sflag:s23], $0x1  }
0xa3: {  	[sflag:s23] =	ssyncset.done $0x0  }
0xa4: {  	[sflag:s23] =	ssyncadd.s32 $0xFFFFFFFF  }
0xa5: {  	s4 =	sld [smem:$0x0]  }
0xa6: {  	s5 =	sand.u32 $0xFFFFFFFE, s1  }
0xa7: {  	p0 =	sne.s32 s1, s5  }
0xa8: {  	s5 =	sshll.u32 @p0 s5, $0xE  }
0xa9: {  	s5 =	sadd.s32 @p0 $0x11B8D, s5;
	s6 =	sshll.u32 @p0 s4, $0x11  }
0xaa: {  	s5 =	sor.u32 @p0 s6, s5  }
0xab: {  	[sflag:s5] =	ssyncadd.remote.s32 @p0 $0x1;
	_ =	sdelay $0x1  }
0xac: {  	s5 =	simm.s32 @p0 $0x1B8D  }
0xad: {  	_ =	swait.eq @p0 [sflag:s5], $0x1  }
0xae: {  	[sflag:s5] =	ssyncadd.s32 @p0 $0xFFFFFFFF  }
0xaf: {  	s6 =	sshll.u32 @!p0 s1, $0xE  }
0xb0: {  	s6 =	sor.u32 @!p0 $0x4000, s6;
	s5 =	simm.s32 @!p0 $0x1B8D  }
0xb1: {  	s4 =	sshll.u32 @!p0 s4, $0x11;
	s6 =	sadd.s32 @!p0 $0x11B8D, s6;
	_ =	swait.eq @!p0 [sflag:s5], $0x1  }
0xb2: {  	s4 =	sor.u32 @!p0 s4, s6;
	[sflag:s5] =	ssyncadd.s32 @!p0 $0xFFFFFFFF  }
0xb3: {  	s25 =	simm.s32 $0x1B8E;
	s24 =	sld [smem:$0x3FFE];
	[sflag:s4] =	ssyncadd.remote.s32 @!p0 $0x1  }
0xb4: {  	s26 =	simm.s32 $execute0_lowered;
	[smem:$0x3FD2] =	sst s25  }
0xb5: {  	s5 =	sshll.u32 s26, $0x1;
	_ =	strace $0x80000058;
	[dreg:$0x1] =	wrdreg $0xFFFFFFFF  }
0xb6: {  	s28 =	simm.s32 $_size_execute0_lowered;
	s3 =	sadd.s32 s3, s5;
	[dreg:$0x0] =	wrdreg $0x0  }
0xb7: {  	s5 =	sshll.u32 s28, $0x1;
	[dreg:$0x2] =	wrdreg s3  }
0xb8: {  	[dreg:$0x3] =	wrdreg s5  }
0xb9: {  	[dreg:$0x4] =	wrdreg $0xC0  }
0xba: {  	_ =	task [dreg:s22], $0x5FFFF  }
0xbb: {  	[dreg:$0x1] =	wrdreg $0xFFFFFFFF  }
0xbc: {  	[dreg:$0x0] =	wrdreg $0x60  }
0xbd: {  	[dreg:$0x2] =	wrdreg s24  }
0xbe: {  	[dreg:$0x3] =	wrdreg $0x94000  }
0xbf: {  	[dreg:$0x4] =	wrdreg $0xA  }
0xc0: {  	_ =	task.clear_ibuf [dreg:s22], $0x5FFFF;
	_ =	strace $0x90000058  }
0xc1: {  	s29 =	simm.s32 $0xA;
	_ =	strace $0x8000005A  }
0xc2: {  	_ =	swait.ge [sflag:s29], $0x1  }
0xc3: {  	[sflag:s29] =	ssyncadd.s32 $0xFFFFFFFF  }
0xc4: {  	_ =	strace $0x9000005A  }
0xc5: {  	_ =	sfence  }
0xc6: {  	s30 =	sld [smem:$0x0];
	_ =	sdelay $0x2  }
0xc7: {  	s31 =	sshll.u32 s1, $0xD;
	s1 =	sshrl.u32 s1, $0x2  }
0xc8: {  	s4 =	sand.u32 $0x4000, s31;
	s1 =	sadd.s32 s1, s30  }
0xc9: {  	s0 =	sor.u32 s4, s0;
	s1 =	sshll.u32 s1, $0x11  }
0xca: {  	s0 =	sor.u32 s1, s0  }
0xcb: {  	s0 =	sadd.s32 $0x8F2B, s0  }
0xcc: {  	[sflag:s0] =	ssyncadd.remote.s32 $0x1  }
0xcd: {  	_ =	sfence.sel $0xFFFF  }
0xce: {  	[dreg:$0x0] =	wrdreg $0xFFFFFFFF;
	(pc) =	sbr.abs _section_cstart, $3  }
0xcf: {  	[dreg:$0x1] =	wrdreg $0xFFFFFFFF  }
0xd0: {  	_ =	task.clear_ibuf [dreg:s22], $0x2FFFF;
	_ =	strace $0x9FFFFFFF  }
0xd1: {  	(tm) =	ssettm $0x7FFFFFFF  }
tec
execute0_lowered:
.L_overlay_start_1:
0x0: {  	(tag) =	ssettag $0x1  }
0x1: {  	s0 =	stileid.u32;
	s4 =	rddreg [dreg:$0x0]  }
0x2: {  	s1 =	srdreg.scid;
	s2 =	rddreg [dreg:$0x1];
	s3 =	simm.s32 $0x0  }
0x3: {  	s14 =	simm.s32 $0x1;
	s15 =	simm.s32 $0x1400;
	s5 =	smul.u32 $0x28000, s0  }
0x4: {  	s16 =	simm.s32 $0x80;
	s19 =	simm.s32 $0x0;
	s9 =	smul.u32 $0x14000, s0  }
0x5: {  	s7 =	sand.u32 $0x1, s1;
	s29 =	sshll.u32 s0, $0x1;
	s30 =	smul.u32 $0x50000, s0  }
0x6: {  	[smem:$0x7FF] =	sst s3;
	s17 =	sshll.u32 s0, $0x6;
	s8 =	smul.u32 $0x140000, s7  }
0x7: {  	s1 =	sor.u32 s7, s29;
	s31 =	ssub.s32 $0x2, s7;
	s13 =	smul.u32 $0x14000, s7  }
0x8: {  	s17 =	sor.u32 $0x1C01, s17;
	s6 =	smul.u32 $0x280, s1;
	s1 =	rddreg [dreg:$0x2]  }
0x9: {  	_ =	strace $0x80000059;
	s12 =	sadd.s32 s5, s4;
	s10 =	sshrl.u32 s31, $0x1  }
0xa: {  	s5 =	sshrl.u32 s30, $0x2;
	s8 =	sadd.s32 s9, s8;
	s9 =	ssub.s32 s31, s10  }
0xb: {  	s12 =	sadd.s32 s13, s12;
	s13 =	simm.s32 $0x5400;
	s6 =	sadd.s32 s6, s4  }
0xc: {  	s8 =	sshrl.u32 s8, $0x3;
	s7 =	smax.u32 s9, $0x1;
	s12 =	sadd.s32 $0x32600, s12  }
0xd: {  	s8 =	sadd.s32 s8, s4;
	s4 =	sadd.s32 s5, s2;
	s5 =	sadd.s32 $0x2D600, s6  }
0xe: {  	s6 =	sadd.s32 $0x2B2600, s8;
	s8 =	sadd.s32 $0x4000, s4;
	s9 =	sadd.s32 $0x8000, s4  }
0xf: {  	v0 =	vimm.f32 $0.0e+00;
	s10 =	sadd.s32 $0xC000, s4;
	s11 =	sadd.s32 $0x10000, s4;
	s18 =	sshrl.u32 s4, $0x3  }
.LBB2_1:
0x10: {  	s20 =	simm.s32 $0x0;
	s21 =	simm.s32 $0x200  }
.LBB2_2:
0x11: {  	p0 =	sne.s32 s21, $0xFE00;
	[tilespmem:s20+$0x5470] =	vst v0  }
0x12: {  	[tilespmem:s20+$0x5400] =	vst v0  }
0x13: {  	[tilespmem:s20+$0x5410] =	vst v0  }
.Ltmp0:
0x14: {  	[tilespmem:s20+$0x5420] =	vst v0;
	(pc) =	sbr.rel @p0 .LBB2_2-.Ltmp0, $4  }
0x15: {  	[tilespmem:s20+$0x5430] =	vst v0  }
0x16: {  	[tilespmem:s20+$0x5440] =	vst v0  }
0x17: {  	[tilespmem:s20+$0x5450] =	vst v0  }
0x18: {  	[tilespmem:s20+$0x5460] =	vst v0;
	s20 =	sshra.s32 s21, $0x2;
	s21 =	sadd.s32 $0x200, s21  }
0x19: {  	[tilespmem:s20+$0x5470] =	vst v0  }
0x1a: {  	[tilespmem:s20+$0x5400] =	vst v0  }
0x1b: {  	[tilespmem:s20+$0x5410] =	vst v0  }
0x1c: {  	[tilespmem:s20+$0x5420] =	vst v0  }
0x1d: {  	[tilespmem:s20+$0x5430] =	vst v0  }
0x1e: {  	[tilespmem:s20+$0x5440] =	vst v0  }
0x1f: {  	[tilespmem:s20+$0x5450] =	vst v0  }
0x20: {  	[tilespmem:s20+$0x5460] =	vst v0  }
0x21: {  	[spmem:s4] =	stream.linear.scatter [tilespmem:s13], [sflag:$0x1], $0x4000, $0x38;
	[tilespmem:$0x1D400] =	vst v63  }
0x22: {  	_ =	swait.ge [sflag:s14], $0x4000  }
0x23: {  	[sflag:s14] =	ssyncset.done $0x0  }
0x24: {  	[sflag:s14] =	ssyncadd.s32 $0xFFFFC000  }
0x25: {  	[spmem:s8] =	stream.linear.scatter [tilespmem:s13], [sflag:$0x1], $0x4000, $0x38;
	[tilespmem:$0x1D400] =	vst v63  }
0x26: {  	_ =	swait.ge [sflag:s14], $0x4000  }
0x27: {  	[sflag:s14] =	ssyncset.done $0x0  }
0x28: {  	[sflag:s14] =	ssyncadd.s32 $0xFFFFC000  }
0x29: {  	[spmem:s9] =	stream.linear.scatter [tilespmem:s13], [sflag:$0x1], $0x4000, $0x38;
	[tilespmem:$0x1D400] =	vst v63  }
0x2a: {  	_ =	swait.ge [sflag:s14], $0x4000  }
0x2b: {  	[sflag:s14] =	ssyncset.done $0x0  }
0x2c: {  	[sflag:s14] =	ssyncadd.s32 $0xFFFFC000  }
0x2d: {  	[spmem:s10] =	stream.linear.scatter [tilespmem:s13], [sflag:$0x1], $0x4000, $0x38;
	[tilespmem:$0x1D400] =	vst v63  }
0x2e: {  	_ =	swait.ge [sflag:s14], $0x4000  }
0x2f: {  	[sflag:s14] =	ssyncset.done $0x0  }
0x30: {  	[sflag:s14] =	ssyncadd.s32 $0xFFFFC000  }
0x31: {  	[spmem:s11] =	stream.linear.scatter [tilespmem:s13], [sflag:$0x1], $0x4000, $0x38;
	[tilespmem:$0x1D400] =	vst v63  }
0x32: {  	_ =	swait.ge [sflag:s14], $0x4000  }
0x33: {  	[sflag:s14] =	ssyncset.done $0x0  }
0x34: {  	s30 =	simm.s32 $0x0;
	[sflag:s14] =	ssyncadd.s32 $0xFFFFC000  }
0x35: {  	[tilespmem:s30], [sflag:$0x1] =	stream.linear.gather [hbm4b:s5+s30], $0x1400, $0x38;
	[tilespmem:$0x1D400] =	vst v63  }
0x36: {  	_ =	swait.ge [sflag:s14], $0x1400  }
0x37: {  	[sflag:s14] =	ssyncset.done $0x0  }
0x38: {  	[sflag:s14] =	ssyncadd.s32 $0xFFFFEC00  }
0x39: {  	[bflag:$0x0] =	sbarrier.arrive $0xFFFF  }
0x3a: {  	[tilespmem:s15], [sflag:$0x1] =	stream.linear.gather [hbm4b:s12+s3], $0x4000, $0x38;
	[tilespmem:$0x1D400] =	vst v63  }
0x3b: {  	_ =	swait.ge [sflag:s14], $0x4000  }
0x3c: {  	[sflag:s14] =	ssyncset.done $0x0  }
0x3d: {  	s31 =	simm.s32 $0x0;
	[sflag:s14] =	ssyncadd.s32 $0xFFFFC000  }
0x3e: {  	[spmem:s2] =	stream.indirect.scatter.add.f32 [tilespmem:s15], [sflag:$0x1], $0x80, s31, s16, $0xb8;
	[tilespmem:$0x1D400] =	vst v63  }
0x3f: {  	_ =	swait.ge [sflag:s14], $0x4000  }
0x40: {  	s20 =	simm.s32 $0x200;
	s21 =	smov.u32 s12;
	[sflag:s14] =	ssyncset.done $0x0  }
.LBB2_4:
0x41: {  	p0 =	sne.s32 s20, $0x4E00;
	[sflag:s14] =	ssyncadd.s32 $0xFFFFC000;
	s21 =	sadd.s32 $0x800, s21  }
0x42: {  	[tilespmem:s15], [sflag:$0x1] =	stream.linear.gather [hbm4b:s21+s3], $0x4000, $0x38;
	[tilespmem:$0x1D400] =	vst v63  }
0x43: {  	s22 =	smov.u32 s20;
	s20 =	sadd.s32 $0x200, s20;
	_ =	swait.ge [sflag:s14], $0x4000  }
.Ltmp1:
0x44: {  	[sflag:s14] =	ssyncset.done $0x0;
	(pc) =	sbr.rel @p0 .LBB2_4-.Ltmp1, $4  }
0x45: {  	s22 =	sshra.s32 s22, $0x2;
	[sflag:s14] =	ssyncadd.s32 $0xFFFFC000  }
0x46: {  	[spmem:s2] =	stream.indirect.scatter.add.f32 [tilespmem:s15], [sflag:$0x1], $0x80, s22, s16, $0xb8;
	[tilespmem:$0x1D400] =	vst v63  }
0x47: {  	_ =	swait.ge [sflag:s14], $0x4000  }
0x48: {  	[sflag:s14] =	ssyncset.done $0x0  }
0x49: {  	s19 =	sadd.s32 $0x1, s19  }
0x4a: {  	[sflag:s14] =	ssyncadd.s32 $0xFFFFC000;
	p0 =	sne.s32 s19, s7  }
.Ltmp2:
0x4b: {  	[bflag:$0x0] =	sbarrier.arrive $0xFFFF;
	(pc) =	sbr.rel @p0 .LBB2_1-.Ltmp2, $4  }
0x4c: {  	[hbm:s6], [sflag:s17] =	dma.local [spmem:s18], $0x2800  }
0x4d: {  	_ =	swait.ge [sflag:s14], $0x2800  }
0x4e: {  	[sflag:s14] =	ssyncset.done $0x0  }
0x4f: {  	[sflag:s14] =	ssyncadd.s32 $0xFFFFD800  }
0x50: {  	_ =	sfence.sel $0x180000  }
0x51: {  	[bflag:$0x0] =	sbarrier.arrive $0xFFFF  }
0x52: {  	p0 =	sne.s32 s0, $0x0;
	_ =	strace $0x90000059  }
0x53: {  	s0 =	sadd.s32 @!p0 $0x100000, s1;
	[bflag:$0x2] =	sbarrier.arrive $0xFFFF  }
0x54: {  	[sflag:s0] =	ssyncadd.tile.s32 @!p0 $0x1;
	_ =	shalt  }
.Lfunc_end2:
_tile_overlayer_lowered:
.L_overlay_start_2:
0x55: {  	(tag) =	ssettag $0x2  }
0x56: {  	s0 =	rddreg [dreg:$0x0];
	s2 =	stileid.u32  }
0x57: {  	s1 =	rddreg [dreg:$0x1];
	p0 =	sne.s32 s2, $0x0  }
0x58: {  	s3 =	rddreg [dreg:$0x2];
	[bflag:$0x3] =	sbarrier.arrive $0xFFFF;
	s2 =	simm.s32 @!p0 $0x1C01  }
0x59: {  	[timem:s3], [sflag:s2] =	dma.local @!p0 [hbm:s0], s1  }
0x5a: {  	s0 =	simm.s32 @!p0 $0x1  }
0x5b: {  	_ =	swait.ge @!p0 [sflag:s0], s1  }
0x5c: {  	s1 =	ssub.s32 @!p0 $0x0, s1;
	[sflag:s0] =	ssyncset.done @!p0 $0x0  }
0x5d: {  	[sflag:s0] =	ssyncadd.s32 @!p0 s1  }
0x5e: {  	[bflag:$0x3] =	sbarrier.arrive $0xFFFF  }
0x5f: {  	_ =	shalt  }

// kernel: kernel.14.cloned.1.call-start
scs
__scs_entry_jumppad:
0x0: {  	(pc) =	sbr.rel $0x88, $3  }
0x1: {  	(tag) =	ssettag $0x0;
	lr =	simm.s32 $0x1  }
0x2: {  	[smem:$0x3F81] =	sst lr;
	_ =	strace $0xD0000000  }
0x3: {  	_ = 	snop  }
0x4: {  	_ = 	snop  }
0x5: {  	_ = 	snop  }
0x6: {  	_ = 	snop  }
0x7: {  	_ = 	snop  }
__scs_overlays_trampoline_lowered:
0x8: {  	[smem:$0x3F90] =	sst s0  }
0x9: {  	[smem:$0x3F91] =	sst s1  }
0xa: {  	[smem:$0x3F92] =	sst s2  }
0xb: {  	[smem:$0x3F93] =	sst s3  }
0xc: {  	[smem:$0x3F94] =	sst s4  }
0xd: {  	[smem:$0x3F95] =	sst s5  }
0xe: {  	[smem:$0x3F96] =	sst s6  }
0xf: {  	[smem:$0x3F97] =	sst s7  }
0x10: {  	[smem:$0x3F98] =	sst s8  }
0x11: {  	[smem:$0x3F99] =	sst s9;
	s0 =	simm.s32 @!p0 $0x0  }
0x12: {  	s1 =	sld [smem:$0x3F7F];
	s0 =	simm.s32 @p0 $0x1  }
0x13: {  	[smem:$0x3F9A] =	sst s0;
	s0 =	simm.s32 @!p1 $0x0  }
0x14: {  	s2 =	sld [smem:$0x3F7E];
	s0 =	simm.s32 @p1 $0x1  }
0x15: {  	[smem:$0x3F9B] =	sst s0;
	s0 =	simm.s32 @!p2 $0x0  }
0x16: {  	s3 =	sld [smem:$0x3FDB];
	s0 =	simm.s32 @p2 $0x1  }
0x17: {  	s4 =	simm.s32 $0x1BF5;
	[smem:$0x3F9D] =	sst s0  }
0x18: {  	s0 =	sld [smem:$0x3F80];
	_ =	swait.ge [sflag:s4], $0x0  }
0x19: {  	s7 =	sld [smem:$0x3F81]  }
0x1a: {  	s8 =	sadd.s32 $0xFFFFE003, lr  }
0x1b: {  	s9 =	sadd.s32 $0xFFFFFEF7, lr;
	s5 =	simm.s32 $0xFFFFFFFF;
	p2 =	slt.u32 s8, $0xFFFFF086  }
0x1c: {  	p1 =	slt.u32 s9, $0xF7A;
	s5 =	simm.s32 @!p2 $0x0  }
0x1d: {  	s5 =	simm.s32 @p1 $0x1;
	p0 =	seq.s32 s7, s2  }
0x1e: {  	s7 =	smul.u32 @!p0 $0xF7A, s2;
	p2 =	seq.s32 @!p0 s5, $0x0  }
0x1f: {  	s9 =	smul.u32 $0xF7A, s1;
	s8 =	simm.s32 @!p0 $0x1BF5;
	p2 =	por !p2, p0  }
0x20: {  	[sflag:s8] =	ssyncset.s32 @!p0 $0xFFFFF086;
	s6 =	sadd.s32 @!p0 s3, s7;
	s7 =	simm.s32 @!p0 $0x108  }
0x21: {  	s3 =	sadd.s32 s3, s9;
	s6 =	sadd.s32 @!p0 $0x88, s6;
	s7 =	simm.s32 @p2 $0x1082  }
0x22: {  	[simem:s7], [sflag:s8] =	dma.local @!p0 [hbm:s6], $0xF7A  }
0x23: {  	s9 =	sor.u32 $0xD0000000, s2;
	s6 =	simm.s32 $0x108;
	_ =	swait.ge @!p0 [sflag:s8], $0x0  }
0x24: {  	s3 =	sadd.s32 $0x88, s3;
	s6 =	simm.s32 @!p1 $0x1082;
	[sflag:s4] =	ssyncset.s32 $0xFFFFF086  }
0x25: {  	[simem:s6], [sflag:s4] =	dma.local [hbm:s3], $0xF7A  }
0x26: {  	[smem:$0x3F81] =	sst s1;
	(tag) =	ssettag s2;
	_ =	strace s9  }
0x27: {  	s1 =	sld [smem:$0x3F91]  }
0x28: {  	s2 =	sld [smem:$0x3F92]  }
0x29: {  	s4 =	sld [smem:$0x3F94]  }
0x2a: {  	p0 =	seq.s32 s5, $0x0;
	s5 =	sld [smem:$0x3F95]  }
0x2b: {  	s6 =	sld [smem:$0x3F96]  }
0x2c: {  	s7 =	sld [smem:$0x3F97]  }
0x2d: {  	s3 =	simm.s32 $0x108;
	s8 =	sld [smem:$0x3F98]  }
0x2e: {  	s3 =	simm.s32 @!p0 $0x1082;
	s9 =	sld [smem:$0x3F99]  }
0x2f: {  	lr =	sadd.s32 s0, s3;
	s0 =	sld [smem:$0x3F90]  }
0x30: {  	s3 =	sld [smem:$0x3F93]  }
0x31: {  	[smem:$0x3F9C] =	sst s10  }
0x32: {  	s10 =	sld [smem:$0x3F9A];
	_ =	sdelay $0x3  }
0x33: {  	p0 =	seq.s32 s10, $0x1;
	s10 =	sld [smem:$0x3F9C];
	_ =	sdelay $0x3  }
0x34: {  	[smem:$0x3F9C] =	sst s10  }
0x35: {  	s10 =	sld [smem:$0x3F9B];
	_ =	sdelay $0x3  }
0x36: {  	p1 =	seq.s32 s10, $0x1;
	s10 =	sld [smem:$0x3F9C];
	_ =	sdelay $0x3  }
0x37: {  	[smem:$0x3F9C] =	sst s10  }
0x38: {  	s10 =	sld [smem:$0x3F9D]  }
0x39: {  	_ = 	snop;
	(pc) =	sbr.ind lr, $3  }
0x3a: {  	_ = 	snop  }
0x3b: {  	_ = 	snop  }
0x3c: {  	p2 =	seq.s32 s10, $0x1;
	s10 =	sld [smem:$0x3F9C]  }
0x3d: {  	_ =	shalt  }
0x3e: {  	_ =	shalt  }
0x3f: {  	_ =	shalt  }
0x40: {  	_ =	shalt  }
0x41: {  	_ =	shalt  }
0x42: {  	_ =	shalt  }
0x43: {  	_ =	shalt  }
0x44: {  	_ =	shalt  }
0x45: {  	_ =	shalt  }
0x46: {  	_ =	shalt  }
0x47: {  	_ =	shalt  }
0x48: {  	_ =	shalt  }
0x49: {  	_ =	shalt  }
0x4a: {  	_ =	shalt  }
0x4b: {  	_ =	shalt  }
0x4c: {  	_ =	shalt  }
0x4d: {  	_ =	shalt  }
0x4e: {  	_ =	shalt  }
0x4f: {  	_ =	shalt  }
0x50: {  	_ =	shalt  }
0x51: {  	_ =	shalt  }
0x52: {  	_ =	shalt  }
0x53: {  	_ =	shalt  }
0x54: {  	_ =	shalt  }
0x55: {  	_ =	shalt  }
0x56: {  	_ =	shalt  }
0x57: {  	_ =	shalt  }
0x58: {  	_ =	shalt  }
0x59: {  	_ =	shalt  }
0x5a: {  	_ =	shalt  }
0x5b: {  	_ =	shalt  }
0x5c: {  	_ =	shalt  }
0x5d: {  	_ =	shalt  }
0x5e: {  	_ =	shalt  }
0x5f: {  	_ =	shalt  }
0x60: {  	_ =	shalt  }
0x61: {  	_ =	shalt  }
0x62: {  	_ =	shalt  }
0x63: {  	_ =	shalt  }
0x64: {  	_ =	shalt  }
0x65: {  	_ =	shalt  }
0x66: {  	_ =	shalt  }
0x67: {  	_ =	shalt  }
0x68: {  	_ =	shalt  }
0x69: {  	_ =	shalt  }
0x6a: {  	_ =	shalt  }
0x6b: {  	_ =	shalt  }
0x6c: {  	_ =	shalt  }
0x6d: {  	_ =	shalt  }
0x6e: {  	_ =	shalt  }
0x6f: {  	_ =	shalt  }
0x70: {  	_ =	shalt  }
0x71: {  	_ =	shalt  }
0x72: {  	_ =	shalt  }
0x73: {  	_ =	shalt  }
0x74: {  	_ =	shalt  }
0x75: {  	_ =	shalt  }
0x76: {  	_ =	shalt  }
0x77: {  	_ =	shalt  }
0x78: {  	_ =	shalt  }
0x79: {  	_ =	shalt  }
0x7a: {  	_ =	shalt  }
0x7b: {  	_ =	shalt  }
0x7c: {  	_ =	shalt  }
0x7d: {  	_ =	shalt  }
0x7e: {  	_ =	shalt  }
0x7f: {  	_ =	shalt  }
0x80: {  	_ =	shalt  }
0x81: {  	_ =	shalt  }
0x82: {  	_ =	shalt  }
0x83: {  	_ =	shalt  }
0x84: {  	_ =	shalt  }
0x85: {  	_ =	shalt  }
0x86: {  	_ =	shalt  }
0x87: {  	_ =	shalt  }
.Lfunc_end0:
.L_simem_size_0:
called_computation.9_lowered:
.L_overlay_start_0:
0x88: {  	s2 =	sld [smem:$0x3FD9]  }
0x89: {  	s3 =	sld [smem:$0x3FFE];
	_ =	sdelay $0x1  }
0x8a: {  	s1 =	srdreg.scid  }
0x8b: {  	s0 =	sand.u32 $0x1, s1  }
0x8c: {  	s17 =	sshll.u32 s0, $0xA;
	s2 =	sadd.s32 s3, s2  }
0x8d: {  	s2 =	sadd.s32 s2, s17  }
0x8e: {  	[smem:$0x3FA8] =	sst s2  }
0x8f: {  	_ = 	snop  }
0x90: {  	(tm) =	ssettm $0x1  }
0x91: {  	s18 =	sld [smem:$0x3FFB];
	_ =	sdelay $0x3  }
0x92: {  	_ =	strace s18  }
0x93: {  	s2 =	sld [smem:$0x3FFC];
	_ =	sdelay $0x3  }
0x94: {  	_ =	strace s2  }
0x95: {  	s2 =	sld [smem:$0x3FFD];
	_ =	sdelay $0x3  }
0x96: {  	_ =	strace s2  }
0x97: {  	_ =	strace $0x8FFFFFFF  }
0x98: {  	s19 =	sld [smem:$0x3FDB];
	_ =	sdelay $0x1  }
0x99: {  	s20 =	simm.s32 $_scs_section_size  }
0x9a: {  	s4 =	simm.s32 $_size__tile_overlayer_lowered;
	s5 =	simm.s32 $_tile_overlayer_lowered  }
0x9b: {  	s6 =	simm.s32 $0x1BFF;
	s21 =	sshll.u32 s5, $0x1;
	s3 =	sadd.s32 s20, s19  }
0x9c: {  	s22 =	simm.s32 $0x0;
	s4 =	sshll.u32 s4, $0x1;
	s5 =	sadd.s32 s21, s3  }
0x9d: {  	[timem:s22], [sflag:s6] =	dma.local [hbm:s5], s4  }
0x9e: {  	_ =	swait.ge [sflag:s6], s4  }
0x9f: {  	s4 =	ssub.s32 $0x0, s4;
	[sflag:s6] =	ssyncset.done $0x0  }
0xa0: {  	[sflag:s6] =	ssyncadd.s32 s4;
	_ =	sdelay $0x1  }
0xa1: {  	s23 =	simm.s32 $0x1B8B  }
0xa2: {  	_ =	swait.ge [sflag:s23], $0x1  }
0xa3: {  	[sflag:s23] =	ssyncset.done $0x0  }
0xa4: {  	[sflag:s23] =	ssyncadd.s32 $0xFFFFFFFF  }
0xa5: {  	s4 =	sld [smem:$0x0]  }
0xa6: {  	s5 =	sand.u32 $0xFFFFFFFE, s1  }
0xa7: {  	p0 =	sne.s32 s1, s5  }
0xa8: {  	s5 =	sshll.u32 @p0 s5, $0xE  }
0xa9: {  	s5 =	sadd.s32 @p0 $0x11B8D, s5;
	s6 =	sshll.u32 @p0 s4, $0x11  }
0xaa: {  	s5 =	sor.u32 @p0 s6, s5  }
0xab: {  	[sflag:s5] =	ssyncadd.remote.s32 @p0 $0x1;
	_ =	sdelay $0x1  }
0xac: {  	s5 =	simm.s32 @p0 $0x1B8D  }
0xad: {  	_ =	swait.eq @p0 [sflag:s5], $0x1  }
0xae: {  	[sflag:s5] =	ssyncadd.s32 @p0 $0xFFFFFFFF  }
0xaf: {  	s6 =	sshll.u32 @!p0 s1, $0xE  }
0xb0: {  	s6 =	sor.u32 @!p0 $0x4000, s6;
	s5 =	simm.s32 @!p0 $0x1B8D  }
0xb1: {  	s4 =	sshll.u32 @!p0 s4, $0x11;
	s6 =	sadd.s32 @!p0 $0x11B8D, s6;
	_ =	swait.eq @!p0 [sflag:s5], $0x1  }
0xb2: {  	s4 =	sor.u32 @!p0 s4, s6;
	[sflag:s5] =	ssyncadd.s32 @!p0 $0xFFFFFFFF  }
0xb3: {  	s25 =	simm.s32 $0x1B8E;
	s24 =	sld [smem:$0x3FFE];
	[sflag:s4] =	ssyncadd.remote.s32 @!p0 $0x1  }
0xb4: {  	s26 =	simm.s32 $execute0_lowered;
	[smem:$0x3FD2] =	sst s25  }
0xb5: {  	s5 =	sshll.u32 s26, $0x1;
	_ =	strace $0x80000052;
	[dreg:$0x1] =	wrdreg $0xFFFFFFFF  }
0xb6: {  	s28 =	simm.s32 $_size_execute0_lowered;
	s3 =	sadd.s32 s3, s5;
	[dreg:$0x0] =	wrdreg $0x0  }
0xb7: {  	s5 =	sshll.u32 s28, $0x1;
	[dreg:$0x2] =	wrdreg s3  }
0xb8: {  	[dreg:$0x3] =	wrdreg s5  }
0xb9: {  	[dreg:$0x4] =	wrdreg $0xC0  }
0xba: {  	_ =	task [dreg:s22], $0x5FFFF  }
0xbb: {  	[dreg:$0x1] =	wrdreg $0xFFFFFFFF  }
0xbc: {  	[dreg:$0x0] =	wrdreg $0x60  }
0xbd: {  	[dreg:$0x2] =	wrdreg s24  }
0xbe: {  	[dreg:$0x3] =	wrdreg $0x98000  }
0xbf: {  	[dreg:$0x4] =	wrdreg $0xB  }
0xc0: {  	_ =	task.clear_ibuf [dreg:s22], $0x5FFFF;
	_ =	strace $0x90000052  }
0xc1: {  	s29 =	simm.s32 $0xB;
	_ =	strace $0x80000054  }
0xc2: {  	_ =	swait.ge [sflag:s29], $0x1  }
0xc3: {  	[sflag:s29] =	ssyncadd.s32 $0xFFFFFFFF  }
0xc4: {  	_ =	strace $0x90000054  }
0xc5: {  	_ =	sfence  }
0xc6: {  	s30 =	sld [smem:$0x0];
	_ =	sdelay $0x2  }
0xc7: {  	s31 =	sshll.u32 s1, $0xD;
	s1 =	sshrl.u32 s1, $0x2  }
0xc8: {  	s4 =	sand.u32 $0x4000, s31;
	s1 =	sadd.s32 s1, s30  }
0xc9: {  	s0 =	sor.u32 s4, s0;
	s1 =	sshll.u32 s1, $0x11  }
0xca: {  	s0 =	sor.u32 s1, s0  }
0xcb: {  	s0 =	sadd.s32 $0x8F2B, s0  }
0xcc: {  	[sflag:s0] =	ssyncadd.remote.s32 $0x1  }
0xcd: {  	_ =	sfence.sel $0xFFFF  }
0xce: {  	[dreg:$0x0] =	wrdreg $0xFFFFFFFF;
	(pc) =	sbr.abs _section_cstart, $3  }
0xcf: {  	[dreg:$0x1] =	wrdreg $0xFFFFFFFF  }
0xd0: {  	_ =	task.clear_ibuf [dreg:s22], $0x2FFFF;
	_ =	strace $0x9FFFFFFF  }
0xd1: {  	(tm) =	ssettm $0x7FFFFFFF  }
tec
execute0_lowered:
.L_overlay_start_1:
0x0: {  	(tag) =	ssettag $0x1  }
0x1: {  	s0 =	rddreg [dreg:$0x0]  }
0x2: {  	s1 =	srdreg.scid;
	s2 =	rddreg [dreg:$0x1]  }
0x3: {  	s8 =	stileid.u32;
	s3 =	simm.s32 $0x0;
	s18 =	simm.s32 $0x4800  }
0x4: {  	s19 =	simm.s32 $0x1;
	s20 =	simm.s32 $0x800;
	s21 =	simm.s32 $0x80  }
0x5: {  	s22 =	simm.s32 $0x100;
	s23 =	simm.s32 $0x180;
	s24 =	simm.s32 $0x200  }
0x6: {  	s28 =	simm.s32 $0x380;
	s29 =	simm.s32 $0x400;
	s30 =	simm.s32 $0x480  }
0x7: {  	s31 =	simm.s32 $0x0;
	s1 =	sand.u32 $0x1, s1;
	s6 =	smul.u32 $0x5000, s8  }
0x8: {  	s4 =	sshll.u32 s8, $0x1;
	[smem:$0x7FF] =	sst s3;
	s11 =	smul.u32 $0x14000, s8  }
0x9: {  	s5 =	smul.u32 $0x50000, s1;
	s4 =	sor.u32 s1, s4;
	_ =	strace $0x80000053  }
0xa: {  	s7 =	smul.u32 $0x5000, s4;
	s4 =	sshll.u32 s4, $0x8;
	s26 =	sshrl.u32 s11, $0x2  }
0xb: {  	s1 =	ssub.s32 $0x2, s1;
	s4 =	sadd.s32 s4, s0;
	s13 =	sadd.s32 s26, s2  }
0xc: {  	s26 =	simm.s32 $0x300;
	s17 =	sadd.s32 s7, s0;
	s4 =	sadd.s32 $0x3C4400, s4  }
0xd: {  	s5 =	sadd.s32 s6, s5;
	s6 =	sadd.s32 $0x63C400, s17;
	s7 =	sadd.s32 $0x63CC00, s17  }
0xe: {  	s25 =	sshrl.u32 s1, $0x1;
	s8 =	sadd.s32 $0x63D400, s17;
	s9 =	sadd.s32 $0x63DC00, s17  }
0xf: {  	s5 =	sshrl.u32 s5, $0x3;
	s10 =	sadd.s32 $0x63E400, s17;
	s11 =	sadd.s32 $0x63EC00, s17  }
0x10: {  	s0 =	sadd.s32 s5, s0;
	s12 =	sadd.s32 $0x63F400, s17;
	s14 =	sadd.s32 $0x63FC00, s17  }
0x11: {  	s15 =	sadd.s32 $0x640400, s17;
	s5 =	sadd.s32 $0x19600, s0;
	s0 =	ssub.s32 s1, s25  }
0x12: {  	v0 =	vimm.f32 $0.0e+00;
	s17 =	sadd.s32 $0x640C00, s17;
	s25 =	simm.s32 $0x280;
	s16 =	smax.u32 s0, $0x1  }
.LBB2_1:
0x13: {  	s0 =	simm.s32 $0x0;
	s1 =	simm.s32 $0x200  }
.LBB2_2:
0x14: {  	p0 =	sne.s32 s1, $0x13E00;
	[tilespmem:s0+$0x4870] =	vst v0  }
0x15: {  	[tilespmem:s0+$0x4800] =	vst v0  }
0x16: {  	[tilespmem:s0+$0x4810] =	vst v0  }
.Ltmp0:
0x17: {  	[tilespmem:s0+$0x4820] =	vst v0;
	(pc) =	sbr.rel @p0 .LBB2_2-.Ltmp0, $4  }
0x18: {  	[tilespmem:s0+$0x4830] =	vst v0  }
0x19: {  	[tilespmem:s0+$0x4840] =	vst v0  }
0x1a: {  	[tilespmem:s0+$0x4850] =	vst v0  }
0x1b: {  	[tilespmem:s0+$0x4860] =	vst v0;
	s0 =	sshra.s32 s1, $0x2;
	s1 =	sadd.s32 $0x200, s1  }
0x1c: {  	[tilespmem:s0+$0x4870] =	vst v0  }
0x1d: {  	[tilespmem:s0+$0x4800] =	vst v0  }
0x1e: {  	[tilespmem:s0+$0x4810] =	vst v0  }
0x1f: {  	[tilespmem:s0+$0x4820] =	vst v0  }
0x20: {  	[tilespmem:s0+$0x4830] =	vst v0  }
0x21: {  	[tilespmem:s0+$0x4840] =	vst v0  }
0x22: {  	[tilespmem:s0+$0x4850] =	vst v0  }
0x23: {  	[tilespmem:s0+$0x4860] =	vst v0  }
0x24: {  	[spmem:s13] =	stream.linear.scatter [tilespmem:s18], [sflag:$0x1], $0x5000, $0x38;
	[tilespmem:$0xE800] =	vst v63  }
0x25: {  	_ =	swait.ge [sflag:s19], $0x5000  }
0x26: {  	[sflag:s19] =	ssyncset.done $0x0  }
0x27: {  	[sflag:s19] =	ssyncadd.s32 $0xFFFFB000  }
0x28: {  	[tilespmem:s3], [sflag:$0x1] =	stream.linear.gather [hbm4b:s4+s3], $0x500, $0x38;
	[tilespmem:$0xE800] =	vst v63  }
0x29: {  	_ =	swait.ge [sflag:s19], $0x500  }
0x2a: {  	[sflag:s19] =	ssyncset.done $0x0  }
0x2b: {  	[sflag:s19] =	ssyncadd.s32 $0xFFFFFB00  }
0x2c: {  	[bflag:$0x0] =	sbarrier.arrive $0xFFFF  }
0x2d: {  	[tilespmem:s20], [sflag:$0x1] =	stream.linear.gather [hbm4b:s6+s3], $0x4000, $0x38;
	[tilespmem:$0xE800] =	vst v63  }
0x2e: {  	_ =	swait.ge [sflag:s19], $0x4000  }
0x2f: {  	[sflag:s19] =	ssyncset.done $0x0  }
0x30: {  	[sflag:s19] =	ssyncadd.s32 $0xFFFFC000  }
0x31: {  	[spmem:s2] =	stream.indirect.scatter.add.f32 [tilespmem:s20], [sflag:$0x1], $0x80, s3, s21, $0xb8;
	[tilespmem:$0xE800] =	vst v63  }
0x32: {  	_ =	swait.ge [sflag:s19], $0x4000  }
0x33: {  	[sflag:s19] =	ssyncset.done $0x0  }
0x34: {  	[sflag:s19] =	ssyncadd.s32 $0xFFFFC000  }
0x35: {  	[tilespmem:s20], [sflag:$0x1] =	stream.linear.gather [hbm4b:s7+s3], $0x4000, $0x38;
	[tilespmem:$0xE800] =	vst v63  }
0x36: {  	_ =	swait.ge [sflag:s19], $0x4000  }
0x37: {  	[sflag:s19] =	ssyncset.done $0x0  }
0x38: {  	[sflag:s19] =	ssyncadd.s32 $0xFFFFC000  }
0x39: {  	[spmem:s2] =	stream.indirect.scatter.add.f32 [tilespmem:s20], [sflag:$0x1], $0x80, s21, s21, $0xb8;
	[tilespmem:$0xE800] =	vst v63  }
0x3a: {  	_ =	swait.ge [sflag:s19], $0x4000  }
0x3b: {  	[sflag:s19] =	ssyncset.done $0x0  }
0x3c: {  	[sflag:s19] =	ssyncadd.s32 $0xFFFFC000  }
0x3d: {  	[tilespmem:s20], [sflag:$0x1] =	stream.linear.gather [hbm4b:s8+s3], $0x4000, $0x38;
	[tilespmem:$0xE800] =	vst v63  }
0x3e: {  	_ =	swait.ge [sflag:s19], $0x4000  }
0x3f: {  	[sflag:s19] =	ssyncset.done $0x0  }
0x40: {  	[sflag:s19] =	ssyncadd.s32 $0xFFFFC000  }
0x41: {  	[spmem:s2] =	stream.indirect.scatter.add.f32 [tilespmem:s20], [sflag:$0x1], $0x80, s22, s21, $0xb8;
	[tilespmem:$0xE800] =	vst v63  }
0x42: {  	_ =	swait.ge [sflag:s19], $0x4000  }
0x43: {  	[sflag:s19] =	ssyncset.done $0x0  }
0x44: {  	[sflag:s19] =	ssyncadd.s32 $0xFFFFC000  }
0x45: {  	[tilespmem:s20], [sflag:$0x1] =	stream.linear.gather [hbm4b:s9+s3], $0x4000, $0x38;
	[tilespmem:$0xE800] =	vst v63  }
0x46: {  	_ =	swait.ge [sflag:s19], $0x4000  }
0x47: {  	[sflag:s19] =	ssyncset.done $0x0  }
0x48: {  	[sflag:s19] =	ssyncadd.s32 $0xFFFFC000  }
0x49: {  	[spmem:s2] =	stream.indirect.scatter.add.f32 [tilespmem:s20], [sflag:$0x1], $0x80, s23, s21, $0xb8;
	[tilespmem:$0xE800] =	vst v63  }
0x4a: {  	_ =	swait.ge [sflag:s19], $0x4000  }
0x4b: {  	[sflag:s19] =	ssyncset.done $0x0  }
0x4c: {  	[sflag:s19] =	ssyncadd.s32 $0xFFFFC000  }
0x4d: {  	[tilespmem:s20], [sflag:$0x1] =	stream.linear.gather [hbm4b:s10+s3], $0x4000, $0x38;
	[tilespmem:$0xE800] =	vst v63  }
0x4e: {  	_ =	swait.ge [sflag:s19], $0x4000  }
0x4f: {  	[sflag:s19] =	ssyncset.done $0x0  }
0x50: {  	[sflag:s19] =	ssyncadd.s32 $0xFFFFC000  }
0x51: {  	[spmem:s2] =	stream.indirect.scatter.add.f32 [tilespmem:s20], [sflag:$0x1], $0x80, s24, s21, $0xb8;
	[tilespmem:$0xE800] =	vst v63  }
0x52: {  	_ =	swait.ge [sflag:s19], $0x4000  }
0x53: {  	[sflag:s19] =	ssyncset.done $0x0  }
0x54: {  	[sflag:s19] =	ssyncadd.s32 $0xFFFFC000  }
0x55: {  	[tilespmem:s20], [sflag:$0x1] =	stream.linear.gather [hbm4b:s11+s3], $0x4000, $0x38;
	[tilespmem:$0xE800] =	vst v63  }
0x56: {  	_ =	swait.ge [sflag:s19], $0x4000  }
0x57: {  	[sflag:s19] =	ssyncset.done $0x0  }
0x58: {  	[sflag:s19] =	ssyncadd.s32 $0xFFFFC000  }
0x59: {  	[spmem:s2] =	stream.indirect.scatter.add.f32 [tilespmem:s20], [sflag:$0x1], $0x80, s25, s21, $0xb8;
	[tilespmem:$0xE800] =	vst v63  }
0x5a: {  	_ =	swait.ge [sflag:s19], $0x4000  }
0x5b: {  	[sflag:s19] =	ssyncset.done $0x0  }
0x5c: {  	[sflag:s19] =	ssyncadd.s32 $0xFFFFC000  }
0x5d: {  	[tilespmem:s20], [sflag:$0x1] =	stream.linear.gather [hbm4b:s12+s3], $0x4000, $0x38;
	[tilespmem:$0xE800] =	vst v63  }
0x5e: {  	_ =	swait.ge [sflag:s19], $0x4000  }
0x5f: {  	[sflag:s19] =	ssyncset.done $0x0  }
0x60: {  	[sflag:s19] =	ssyncadd.s32 $0xFFFFC000  }
0x61: {  	[spmem:s2] =	stream.indirect.scatter.add.f32 [tilespmem:s20], [sflag:$0x1], $0x80, s26, s21, $0xb8;
	[tilespmem:$0xE800] =	vst v63  }
0x62: {  	_ =	swait.ge [sflag:s19], $0x4000  }
0x63: {  	[sflag:s19] =	ssyncset.done $0x0  }
0x64: {  	[sflag:s19] =	ssyncadd.s32 $0xFFFFC000  }
0x65: {  	[tilespmem:s20], [sflag:$0x1] =	stream.linear.gather [hbm4b:s14+s3], $0x4000, $0x38;
	[tilespmem:$0xE800] =	vst v63  }
0x66: {  	_ =	swait.ge [sflag:s19], $0x4000  }
0x67: {  	[sflag:s19] =	ssyncset.done $0x0  }
0x68: {  	[sflag:s19] =	ssyncadd.s32 $0xFFFFC000  }
0x69: {  	[spmem:s2] =	stream.indirect.scatter.add.f32 [tilespmem:s20], [sflag:$0x1], $0x80, s28, s21, $0xb8;
	[tilespmem:$0xE800] =	vst v63  }
0x6a: {  	_ =	swait.ge [sflag:s19], $0x4000  }
0x6b: {  	[sflag:s19] =	ssyncset.done $0x0  }
0x6c: {  	[sflag:s19] =	ssyncadd.s32 $0xFFFFC000  }
0x6d: {  	[tilespmem:s20], [sflag:$0x1] =	stream.linear.gather [hbm4b:s15+s3], $0x4000, $0x38;
	[tilespmem:$0xE800] =	vst v63  }
0x6e: {  	_ =	swait.ge [sflag:s19], $0x4000  }
0x6f: {  	[sflag:s19] =	ssyncset.done $0x0  }
0x70: {  	[sflag:s19] =	ssyncadd.s32 $0xFFFFC000  }
0x71: {  	[spmem:s2] =	stream.indirect.scatter.add.f32 [tilespmem:s20], [sflag:$0x1], $0x80, s29, s21, $0xb8;
	[tilespmem:$0xE800] =	vst v63  }
0x72: {  	_ =	swait.ge [sflag:s19], $0x4000  }
0x73: {  	[sflag:s19] =	ssyncset.done $0x0  }
0x74: {  	[sflag:s19] =	ssyncadd.s32 $0xFFFFC000  }
0x75: {  	[tilespmem:s20], [sflag:$0x1] =	stream.linear.gather [hbm4b:s17+s3], $0x4000, $0x38;
	[tilespmem:$0xE800] =	vst v63  }
0x76: {  	_ =	swait.ge [sflag:s19], $0x4000  }
0x77: {  	[sflag:s19] =	ssyncset.done $0x0  }
0x78: {  	[sflag:s19] =	ssyncadd.s32 $0xFFFFC000  }
0x79: {  	[spmem:s2] =	stream.indirect.scatter.add.f32 [tilespmem:s20], [sflag:$0x1], $0x80, s30, s21, $0xb8;
	[tilespmem:$0xE800] =	vst v63  }
0x7a: {  	s1 =	stileid.u32;
	_ =	swait.ge [sflag:s19], $0x4000  }
0x7b: {  	s31 =	sadd.s32 $0x1, s31;
	s0 =	sshll.u32 s1, $0x6;
	[sflag:s19] =	ssyncset.done $0x0  }
0x7c: {  	s1 =	sshrl.u32 s13, $0x3;
	p0 =	sne.s32 s31, s16;
	[sflag:s19] =	ssyncadd.s32 $0xFFFFC000  }
.Ltmp1:
0x7d: {  	s0 =	sor.u32 $0x1C01, s0;
	[bflag:$0x0] =	sbarrier.arrive $0xFFFF;
	(pc) =	sbr.rel @p0 .LBB2_1-.Ltmp1, $4  }
0x7e: {  	[hbm:s5], [sflag:s0] =	dma.local [spmem:s1], $0xA00  }
0x7f: {  	_ =	swait.ge [sflag:s19], $0xA00  }
0x80: {  	[sflag:s19] =	ssyncset.done $0x0  }
0x81: {  	[sflag:s19] =	ssyncadd.s32 $0xFFFFF600  }
0x82: {  	_ =	sfence.sel $0x180000  }
0x83: {  	[bflag:$0x0] =	sbarrier.arrive $0xFFFF  }
0x84: {  	_ =	strace $0x90000053  }
0x85: {  	s0 =	stileid.u32;
	[bflag:$0x2] =	sbarrier.arrive $0xFFFF  }
0x86: {  	p0 =	sne.s32 s0, $0x0;
	s0 =	rddreg [dreg:$0x2]  }
0x87: {  	s0 =	sadd.s32 @!p0 $0x100000, s0  }
0x88: {  	[sflag:s0] =	ssyncadd.tile.s32 @!p0 $0x1;
	_ =	shalt  }
.Lfunc_end2:
_tile_overlayer_lowered:
.L_overlay_start_2:
0x89: {  	(tag) =	ssettag $0x2  }
0x8a: {  	s0 =	rddreg [dreg:$0x0];
	s2 =	stileid.u32  }
0x8b: {  	s1 =	rddreg [dreg:$0x1];
	p0 =	sne.s32 s2, $0x0  }
0x8c: {  	s3 =	rddreg [dreg:$0x2];
	[bflag:$0x3] =	sbarrier.arrive $0xFFFF;
	s2 =	simm.s32 @!p0 $0x1C01  }
0x8d: {  	[timem:s3], [sflag:s2] =	dma.local @!p0 [hbm:s0], s1  }
0x8e: {  	s0 =	simm.s32 @!p0 $0x1  }
0x8f: {  	_ =	swait.ge @!p0 [sflag:s0], s1  }
0x90: {  	s1 =	ssub.s32 @!p0 $0x0, s1;
	[sflag:s0] =	ssyncset.done @!p0 $0x0  }
0x91: {  	[sflag:s0] =	ssyncadd.s32 @!p0 s1  }
0x92: {  	[bflag:$0x3] =	sbarrier.arrive $0xFFFF  }
0x93: {  	_ =	shalt  }

// kernel: kernel.17.cloned.1.call-start
scs
__scs_entry_jumppad:
0x0: {  	(pc) =	sbr.rel $0x88, $3  }
0x1: {  	(tag) =	ssettag $0x0;
	lr =	simm.s32 $0x1  }
0x2: {  	[smem:$0x3F81] =	sst lr;
	_ =	strace $0xD0000000  }
0x3: {  	_ = 	snop  }
0x4: {  	_ = 	snop  }
0x5: {  	_ = 	snop  }
0x6: {  	_ = 	snop  }
0x7: {  	_ = 	snop  }
__scs_overlays_trampoline_lowered:
0x8: {  	[smem:$0x3F90] =	sst s0  }
0x9: {  	[smem:$0x3F91] =	sst s1  }
0xa: {  	[smem:$0x3F92] =	sst s2  }
0xb: {  	[smem:$0x3F93] =	sst s3  }
0xc: {  	[smem:$0x3F94] =	sst s4  }
0xd: {  	[smem:$0x3F95] =	sst s5  }
0xe: {  	[smem:$0x3F96] =	sst s6  }
0xf: {  	[smem:$0x3F97] =	sst s7  }
0x10: {  	[smem:$0x3F98] =	sst s8  }
0x11: {  	[smem:$0x3F99] =	sst s9;
	s0 =	simm.s32 @!p0 $0x0  }
0x12: {  	s1 =	sld [smem:$0x3F7F];
	s0 =	simm.s32 @p0 $0x1  }
0x13: {  	[smem:$0x3F9A] =	sst s0;
	s0 =	simm.s32 @!p1 $0x0  }
0x14: {  	s2 =	sld [smem:$0x3F7E];
	s0 =	simm.s32 @p1 $0x1  }
0x15: {  	[smem:$0x3F9B] =	sst s0;
	s0 =	simm.s32 @!p2 $0x0  }
0x16: {  	s3 =	sld [smem:$0x3FDB];
	s0 =	simm.s32 @p2 $0x1  }
0x17: {  	s4 =	simm.s32 $0x1BF5;
	[smem:$0x3F9D] =	sst s0  }
0x18: {  	s0 =	sld [smem:$0x3F80];
	_ =	swait.ge [sflag:s4], $0x0  }
0x19: {  	s7 =	sld [smem:$0x3F81]  }
0x1a: {  	s8 =	sadd.s32 $0xFFFFE003, lr  }
0x1b: {  	s9 =	sadd.s32 $0xFFFFFEF7, lr;
	s5 =	simm.s32 $0xFFFFFFFF;
	p2 =	slt.u32 s8, $0xFFFFF086  }
0x1c: {  	p1 =	slt.u32 s9, $0xF7A;
	s5 =	simm.s32 @!p2 $0x0  }
0x1d: {  	s5 =	simm.s32 @p1 $0x1;
	p0 =	seq.s32 s7, s2  }
0x1e: {  	s7 =	smul.u32 @!p0 $0xF7A, s2;
	p2 =	seq.s32 @!p0 s5, $0x0  }
0x1f: {  	s9 =	smul.u32 $0xF7A, s1;
	s8 =	simm.s32 @!p0 $0x1BF5;
	p2 =	por !p2, p0  }
0x20: {  	[sflag:s8] =	ssyncset.s32 @!p0 $0xFFFFF086;
	s6 =	sadd.s32 @!p0 s3, s7;
	s7 =	simm.s32 @!p0 $0x108  }
0x21: {  	s3 =	sadd.s32 s3, s9;
	s6 =	sadd.s32 @!p0 $0x88, s6;
	s7 =	simm.s32 @p2 $0x1082  }
0x22: {  	[simem:s7], [sflag:s8] =	dma.local @!p0 [hbm:s6], $0xF7A  }
0x23: {  	s9 =	sor.u32 $0xD0000000, s2;
	s6 =	simm.s32 $0x108;
	_ =	swait.ge @!p0 [sflag:s8], $0x0  }
0x24: {  	s3 =	sadd.s32 $0x88, s3;
	s6 =	simm.s32 @!p1 $0x1082;
	[sflag:s4] =	ssyncset.s32 $0xFFFFF086  }
0x25: {  	[simem:s6], [sflag:s4] =	dma.local [hbm:s3], $0xF7A  }
0x26: {  	[smem:$0x3F81] =	sst s1;
	(tag) =	ssettag s2;
	_ =	strace s9  }
0x27: {  	s1 =	sld [smem:$0x3F91]  }
0x28: {  	s2 =	sld [smem:$0x3F92]  }
0x29: {  	s4 =	sld [smem:$0x3F94]  }
0x2a: {  	p0 =	seq.s32 s5, $0x0;
	s5 =	sld [smem:$0x3F95]  }
0x2b: {  	s6 =	sld [smem:$0x3F96]  }
0x2c: {  	s7 =	sld [smem:$0x3F97]  }
0x2d: {  	s3 =	simm.s32 $0x108;
	s8 =	sld [smem:$0x3F98]  }
0x2e: {  	s3 =	simm.s32 @!p0 $0x1082;
	s9 =	sld [smem:$0x3F99]  }
0x2f: {  	lr =	sadd.s32 s0, s3;
	s0 =	sld [smem:$0x3F90]  }
0x30: {  	s3 =	sld [smem:$0x3F93]  }
0x31: {  	[smem:$0x3F9C] =	sst s10  }
0x32: {  	s10 =	sld [smem:$0x3F9A];
	_ =	sdelay $0x3  }
0x33: {  	p0 =	seq.s32 s10, $0x1;
	s10 =	sld [smem:$0x3F9C];
	_ =	sdelay $0x3  }
0x34: {  	[smem:$0x3F9C] =	sst s10  }
0x35: {  	s10 =	sld [smem:$0x3F9B];
	_ =	sdelay $0x3  }
0x36: {  	p1 =	seq.s32 s10, $0x1;
	s10 =	sld [smem:$0x3F9C];
	_ =	sdelay $0x3  }
0x37: {  	[smem:$0x3F9C] =	sst s10  }
0x38: {  	s10 =	sld [smem:$0x3F9D]  }
0x39: {  	_ = 	snop;
	(pc) =	sbr.ind lr, $3  }
0x3a: {  	_ = 	snop  }
0x3b: {  	_ = 	snop  }
0x3c: {  	p2 =	seq.s32 s10, $0x1;
	s10 =	sld [smem:$0x3F9C]  }
0x3d: {  	_ =	shalt  }
0x3e: {  	_ =	shalt  }
0x3f: {  	_ =	shalt  }
0x40: {  	_ =	shalt  }
0x41: {  	_ =	shalt  }
0x42: {  	_ =	shalt  }
0x43: {  	_ =	shalt  }
0x44: {  	_ =	shalt  }
0x45: {  	_ =	shalt  }
0x46: {  	_ =	shalt  }
0x47: {  	_ =	shalt  }
0x48: {  	_ =	shalt  }
0x49: {  	_ =	shalt  }
0x4a: {  	_ =	shalt  }
0x4b: {  	_ =	shalt  }
0x4c: {  	_ =	shalt  }
0x4d: {  	_ =	shalt  }
0x4e: {  	_ =	shalt  }
0x4f: {  	_ =	shalt  }
0x50: {  	_ =	shalt  }
0x51: {  	_ =	shalt  }
0x52: {  	_ =	shalt  }
0x53: {  	_ =	shalt  }
0x54: {  	_ =	shalt  }
0x55: {  	_ =	shalt  }
0x56: {  	_ =	shalt  }
0x57: {  	_ =	shalt  }
0x58: {  	_ =	shalt  }
0x59: {  	_ =	shalt  }
0x5a: {  	_ =	shalt  }
0x5b: {  	_ =	shalt  }
0x5c: {  	_ =	shalt  }
0x5d: {  	_ =	shalt  }
0x5e: {  	_ =	shalt  }
0x5f: {  	_ =	shalt  }
0x60: {  	_ =	shalt  }
0x61: {  	_ =	shalt  }
0x62: {  	_ =	shalt  }
0x63: {  	_ =	shalt  }
0x64: {  	_ =	shalt  }
0x65: {  	_ =	shalt  }
0x66: {  	_ =	shalt  }
0x67: {  	_ =	shalt  }
0x68: {  	_ =	shalt  }
0x69: {  	_ =	shalt  }
0x6a: {  	_ =	shalt  }
0x6b: {  	_ =	shalt  }
0x6c: {  	_ =	shalt  }
0x6d: {  	_ =	shalt  }
0x6e: {  	_ =	shalt  }
0x6f: {  	_ =	shalt  }
0x70: {  	_ =	shalt  }
0x71: {  	_ =	shalt  }
0x72: {  	_ =	shalt  }
0x73: {  	_ =	shalt  }
0x74: {  	_ =	shalt  }
0x75: {  	_ =	shalt  }
0x76: {  	_ =	shalt  }
0x77: {  	_ =	shalt  }
0x78: {  	_ =	shalt  }
0x79: {  	_ =	shalt  }
0x7a: {  	_ =	shalt  }
0x7b: {  	_ =	shalt  }
0x7c: {  	_ =	shalt  }
0x7d: {  	_ =	shalt  }
0x7e: {  	_ =	shalt  }
0x7f: {  	_ =	shalt  }
0x80: {  	_ =	shalt  }
0x81: {  	_ =	shalt  }
0x82: {  	_ =	shalt  }
0x83: {  	_ =	shalt  }
0x84: {  	_ =	shalt  }
0x85: {  	_ =	shalt  }
0x86: {  	_ =	shalt  }
0x87: {  	_ =	shalt  }
.Lfunc_end0:
.L_simem_size_0:
called_computation.10_lowered:
.L_overlay_start_0:
0x88: {  	s2 =	sld [smem:$0x3FD9]  }
0x89: {  	s3 =	sld [smem:$0x3FFE];
	_ =	sdelay $0x1  }
0x8a: {  	s1 =	srdreg.scid  }
0x8b: {  	s0 =	sand.u32 $0x1, s1  }
0x8c: {  	s16 =	sshll.u32 s0, $0xA;
	s2 =	sadd.s32 s3, s2  }
0x8d: {  	s2 =	sadd.s32 s2, s16  }
0x8e: {  	[smem:$0x3FA8] =	sst s2  }
0x8f: {  	_ = 	snop  }
0x90: {  	(tm) =	ssettm $0x1  }
0x91: {  	s17 =	sld [smem:$0x3FFB];
	_ =	sdelay $0x3  }
0x92: {  	_ =	strace s17  }
0x93: {  	s2 =	sld [smem:$0x3FFC];
	_ =	sdelay $0x3  }
0x94: {  	_ =	strace s2  }
0x95: {  	s2 =	sld [smem:$0x3FFD];
	_ =	sdelay $0x3  }
0x96: {  	_ =	strace s2  }
0x97: {  	_ =	strace $0x8FFFFFFF  }
0x98: {  	s18 =	sld [smem:$0x3FDB];
	_ =	sdelay $0x1  }
0x99: {  	s19 =	simm.s32 $_scs_section_size  }
0x9a: {  	s4 =	simm.s32 $_size__tile_overlayer_lowered;
	s5 =	simm.s32 $_tile_overlayer_lowered  }
0x9b: {  	s22 =	simm.s32 $0x1BFF;
	s21 =	sshll.u32 s5, $0x1;
	s2 =	sadd.s32 s19, s18  }
0x9c: {  	s6 =	simm.s32 $0x0;
	s20 =	sshll.u32 s4, $0x1;
	s4 =	sadd.s32 s21, s2  }
0x9d: {  	[timem:s6], [sflag:s22] =	dma.local [hbm:s4], s20  }
0x9e: {  	_ =	swait.ge [sflag:s22], s20  }
0x9f: {  	s3 =	ssub.s32 $0x0, s20;
	[sflag:s22] =	ssyncset.done $0x0  }
0xa0: {  	[sflag:s22] =	ssyncadd.s32 s3;
	_ =	sdelay $0x1  }
0xa1: {  	s23 =	simm.s32 $0x1B8B  }
0xa2: {  	_ =	swait.ge [sflag:s23], $0x1  }
0xa3: {  	[sflag:s23] =	ssyncset.done $0x0  }
0xa4: {  	s25 =	simm.s32 $0x1B8E;
	s24 =	sld [smem:$0x3FFE];
	[sflag:s23] =	ssyncadd.s32 $0xFFFFFFFF  }
0xa5: {  	s26 =	simm.s32 $execute0_lowered;
	[smem:$0x3FD2] =	sst s25  }
0xa6: {  	s4 =	sshll.u32 s26, $0x1;
	_ =	strace $0x80000061;
	[dreg:$0x1] =	wrdreg $0xFFFFFFFF  }
0xa7: {  	s28 =	simm.s32 $_size_execute0_lowered;
	s2 =	sadd.s32 s2, s4;
	[dreg:$0x0] =	wrdreg $0x0  }
0xa8: {  	s4 =	sshll.u32 s28, $0x1;
	[dreg:$0x2] =	wrdreg s2  }
0xa9: {  	[dreg:$0x3] =	wrdreg s4  }
0xaa: {  	[dreg:$0x4] =	wrdreg $0xC0  }
0xab: {  	_ =	task [dreg:s6], $0x5FFFF  }
0xac: {  	[dreg:$0x1] =	wrdreg $0xFFFFFFFF  }
0xad: {  	[dreg:$0x0] =	wrdreg $0x60  }
0xae: {  	[dreg:$0x2] =	wrdreg s24  }
0xaf: {  	[dreg:$0x3] =	wrdreg $0x9  }
0xb0: {  	_ =	task.clear_ibuf [dreg:s6], $0x4FFFF;
	_ =	strace $0x90000061  }
0xb1: {  	s29 =	simm.s32 $0x9;
	_ =	strace $0x80000063  }
0xb2: {  	_ =	swait.ge [sflag:s29], $0x1  }
0xb3: {  	[sflag:s29] =	ssyncadd.s32 $0xFFFFFFFF  }
0xb4: {  	_ =	strace $0x90000063  }
0xb5: {  	_ =	sfence  }
0xb6: {  	s30 =	sld [smem:$0x0];
	_ =	sdelay $0x2  }
0xb7: {  	s31 =	sshll.u32 s1, $0xD;
	s1 =	sshrl.u32 s1, $0x2  }
0xb8: {  	s3 =	sand.u32 $0x4000, s31;
	s1 =	sadd.s32 s1, s30  }
0xb9: {  	s0 =	sor.u32 s3, s0;
	s1 =	sshll.u32 s1, $0x11  }
0xba: {  	s0 =	sor.u32 s1, s0  }
0xbb: {  	s0 =	sadd.s32 $0x8F2B, s0  }
0xbc: {  	[sflag:s0] =	ssyncadd.remote.s32 $0x1  }
0xbd: {  	_ =	sfence.sel $0xFFFF  }
0xbe: {  	[dreg:$0x0] =	wrdreg $0xFFFFFFFF;
	(pc) =	sbr.abs _section_cstart, $3  }
0xbf: {  	[dreg:$0x1] =	wrdreg $0xFFFFFFFF  }
0xc0: {  	_ =	task.clear_ibuf [dreg:s6], $0x2FFFF;
	_ =	strace $0x9FFFFFFF  }
0xc1: {  	(tm) =	ssettm $0x7FFFFFFF  }
tec
execute0_lowered:
.L_overlay_start_1:
0x0: {  	(tag) =	ssettag $0x1  }
0x1: {  	s1 =	srdreg.scid;
	s0 =	stileid.u32  }
0x2: {  	s11 =	sand.u32 $0x1, s1;
	s31 =	sshll.u32 s0, $0x1  }
0x3: {  	s9 =	rddreg [dreg:$0x0];
	s6 =	sor.u32 s11, s31  }
0x4: {  	s2 =	simm.s32 $0x0;
	s1 =	rddreg [dreg:$0x1];
	s3 =	sshll.u32 s6, $0x6  }
0x5: {  	[smem:$0x7FF] =	sst s2;
	s3 =	sadd.s32 s3, s9  }
0x6: {  	_ =	strace $0x80000062;
	s4 =	sadd.s32 $0x33DA00, s3;
	s3 =	simm.s32 $0x2  }
0x7: {  	[tilespmem:s2], [sflag:$0x2] =	stream.linear.gather [hbm4b:s4+s2], $0x180, $0x38;
	[tilespmem:$0x4200] =	vst v63  }
0x8: {  	s7 =	simm.s32 $0x200;
	_ =	swait.ge [sflag:s3], $0x180  }
0x9: {  	s8 =	simm.s32 $0x1;
	s5 =	sadd.s32 $0x33E200, s9;
	[sflag:s3] =	ssyncset.done $0x0  }
0xa: {  	s10 =	smul.u32 $0x1800, s6;
	s6 =	simm.s32 $0x80;
	[sflag:s3] =	ssyncadd.s32 $0xFFFFFE80  }
0xb: {  	[tilespmem:s7], [sflag:$0x1] =	stream.indirect.gather [hbm4b:s5+s6], $0x80, s2, s6, $0xb8;
	[tilespmem:$0x4200] =	vst v63  }
0xc: {  	_ =	swait.ge [sflag:s8], $0x4000  }
0xd: {  	s12 =	sadd.s32 s10, s9;
	[sflag:s8] =	ssyncset.done $0x0  }
0xe: {  	s9 =	sadd.s32 $0x366200, s12;
	[sflag:s8] =	ssyncadd.s32 $0xFFFFC000  }
0xf: {  	[hbm4b:s9+s2] =	stream.linear.scatter [tilespmem:s7], [sflag:$0x2], $0x4000, $0x38;
	[tilespmem:$0x4200] =	vst v63  }
0x10: {  	_ =	swait.ge [sflag:s3], $0x4000  }
0x11: {  	[sflag:s3] =	ssyncset.done $0x0  }
0x12: {  	[sflag:s3] =	ssyncadd.s32 $0xFFFFC000  }
0x13: {  	[tilespmem:s7], [sflag:$0x1] =	stream.indirect.gather [hbm4b:s5+s6], $0x80, s6, s6, $0xb8;
	[tilespmem:$0x4200] =	vst v63  }
0x14: {  	_ =	swait.ge [sflag:s8], $0x4000  }
0x15: {  	[sflag:s8] =	ssyncset.done $0x0  }
0x16: {  	s13 =	ssub.s32 $0x2, s11;
	s10 =	sadd.s32 $0x366A00, s12;
	[sflag:s8] =	ssyncadd.s32 $0xFFFFC000  }
0x17: {  	[hbm4b:s10+s2] =	stream.linear.scatter [tilespmem:s7], [sflag:$0x2], $0x4000, $0x38;
	[tilespmem:$0x4200] =	vst v63  }
0x18: {  	s14 =	sshrl.u32 s13, $0x1;
	_ =	swait.ge [sflag:s3], $0x4000  }
0x19: {  	s13 =	ssub.s32 s13, s14;
	[sflag:s3] =	ssyncset.done $0x0  }
0x1a: {  	s11 =	simm.s32 $0x100;
	s13 =	smax.u32 s13, $0x1;
	[sflag:s3] =	ssyncadd.s32 $0xFFFFC000  }
0x1b: {  	[tilespmem:s7], [sflag:$0x1] =	stream.indirect.gather [hbm4b:s5+s6], $0x80, s11, s6, $0xb8;
	[tilespmem:$0x4200] =	vst v63  }
0x1c: {  	p0 =	sne.s32 s13, $0x1;
	_ =	swait.ge [sflag:s8], $0x4000  }
.Ltmp0:
0x1d: {  	[sflag:s8] =	ssyncset.done $0x0;
	(pc) =	sbr.rel @!p0 .LBB2_2-.Ltmp0, $4  }
0x1e: {  	s12 =	sadd.s32 $0x367200, s12;
	[sflag:s8] =	ssyncadd.s32 $0xFFFFC000  }
0x1f: {  	[hbm4b:s12+s2] =	stream.linear.scatter [tilespmem:s7], [sflag:$0x2], $0x4000, $0x38;
	[tilespmem:$0x4200] =	vst v63  }
0x20: {  	_ =	swait.ge [sflag:s3], $0x4000  }
0x21: {  	s13 =	sadd.s32 $0xFFFFFFFF, s13;
	[sflag:s3] =	ssyncset.done $0x0  }
.LBB2_1:
0x22: {  	p0 =	sne.s32 s13, $0x1;
	s13 =	sadd.s32 $0xFFFFFFFF, s13;
	[sflag:s3] =	ssyncadd.s32 $0xFFFFC000  }
0x23: {  	[tilespmem:s2], [sflag:$0x2] =	stream.linear.gather [hbm4b:s4+s2], $0x180, $0x38;
	[tilespmem:$0x4200] =	vst v63  }
0x24: {  	_ =	swait.ge [sflag:s3], $0x180  }
0x25: {  	[sflag:s3] =	ssyncset.done $0x0  }
0x26: {  	[sflag:s3] =	ssyncadd.s32 $0xFFFFFE80  }
0x27: {  	[tilespmem:s7], [sflag:$0x1] =	stream.indirect.gather [hbm4b:s5+s6], $0x80, s2, s6, $0xb8;
	[tilespmem:$0x4200] =	vst v63  }
0x28: {  	_ =	swait.ge [sflag:s8], $0x4000  }
0x29: {  	[sflag:s8] =	ssyncset.done $0x0  }
0x2a: {  	[sflag:s8] =	ssyncadd.s32 $0xFFFFC000  }
0x2b: {  	[hbm4b:s9+s2] =	stream.linear.scatter [tilespmem:s7], [sflag:$0x2], $0x4000, $0x38;
	[tilespmem:$0x4200] =	vst v63  }
0x2c: {  	_ =	swait.ge [sflag:s3], $0x4000  }
0x2d: {  	[sflag:s3] =	ssyncset.done $0x0  }
0x2e: {  	[sflag:s3] =	ssyncadd.s32 $0xFFFFC000  }
0x2f: {  	[tilespmem:s7], [sflag:$0x1] =	stream.indirect.gather [hbm4b:s5+s6], $0x80, s6, s6, $0xb8;
	[tilespmem:$0x4200] =	vst v63  }
0x30: {  	_ =	swait.ge [sflag:s8], $0x4000  }
0x31: {  	[sflag:s8] =	ssyncset.done $0x0  }
0x32: {  	[sflag:s8] =	ssyncadd.s32 $0xFFFFC000  }
0x33: {  	[hbm4b:s10+s2] =	stream.linear.scatter [tilespmem:s7], [sflag:$0x2], $0x4000, $0x38;
	[tilespmem:$0x4200] =	vst v63  }
0x34: {  	_ =	swait.ge [sflag:s3], $0x4000  }
0x35: {  	[sflag:s3] =	ssyncset.done $0x0  }
0x36: {  	[sflag:s3] =	ssyncadd.s32 $0xFFFFC000  }
0x37: {  	[tilespmem:s7], [sflag:$0x1] =	stream.indirect.gather [hbm4b:s5+s6], $0x80, s11, s6, $0xb8;
	[tilespmem:$0x4200] =	vst v63  }
0x38: {  	_ =	swait.ge [sflag:s8], $0x4000  }
.Ltmp1:
0x39: {  	[sflag:s8] =	ssyncset.done $0x0;
	(pc) =	sbr.rel @p0 .LBB2_1-.Ltmp1, $4  }
0x3a: {  	[sflag:s8] =	ssyncadd.s32 $0xFFFFC000  }
0x3b: {  	[hbm4b:s12+s2] =	stream.linear.scatter [tilespmem:s7], [sflag:$0x2], $0x4000, $0x38;
	[tilespmem:$0x4200] =	vst v63  }
0x3c: {  	_ =	swait.ge [sflag:s3], $0x4000  }
0x3d: {  	[sflag:s3] =	ssyncset.done $0x0  }
.LBB2_2:
0x3e: {  	[sflag:s3] =	ssyncadd.s32 $0xFFFFC000  }
0x3f: {  	_ =	sfence.sel $0x180000  }
0x40: {  	[bflag:$0x0] =	sbarrier.arrive $0xFFFF  }
0x41: {  	p0 =	sne.s32 s0, $0x0;
	_ =	strace $0x90000062  }
0x42: {  	s0 =	sadd.s32 @!p0 $0x100000, s1;
	[bflag:$0x2] =	sbarrier.arrive $0xFFFF  }
0x43: {  	[sflag:s0] =	ssyncadd.tile.s32 @!p0 $0x1;
	_ =	shalt  }
.Lfunc_end2:
_tile_overlayer_lowered:
.L_overlay_start_2:
0x44: {  	(tag) =	ssettag $0x2  }
0x45: {  	s0 =	rddreg [dreg:$0x0];
	s2 =	stileid.u32  }
0x46: {  	s1 =	rddreg [dreg:$0x1];
	p0 =	sne.s32 s2, $0x0  }
0x47: {  	s3 =	rddreg [dreg:$0x2];
	[bflag:$0x3] =	sbarrier.arrive $0xFFFF;
	s2 =	simm.s32 @!p0 $0x1C02  }
0x48: {  	[timem:s3], [sflag:s2] =	dma.local @!p0 [hbm:s0], s1  }
0x49: {  	s0 =	simm.s32 @!p0 $0x2  }
0x4a: {  	_ =	swait.ge @!p0 [sflag:s0], s1  }
0x4b: {  	s1 =	ssub.s32 @!p0 $0x0, s1;
	[sflag:s0] =	ssyncset.done @!p0 $0x0  }
0x4c: {  	[sflag:s0] =	ssyncadd.s32 @!p0 s1  }
0x4d: {  	[bflag:$0x3] =	sbarrier.arrive $0xFFFF  }
0x4e: {  	_ =	shalt  }

// kernel: kernel.20.cloned.1.call-start
scs
__scs_entry_jumppad:
0x0: {  	(pc) =	sbr.rel $0x88, $3  }
0x1: {  	(tag) =	ssettag $0x0;
	lr =	simm.s32 $0x1  }
0x2: {  	[smem:$0x3F81] =	sst lr;
	_ =	strace $0xD0000000  }
0x3: {  	_ = 	snop  }
0x4: {  	_ = 	snop  }
0x5: {  	_ = 	snop  }
0x6: {  	_ = 	snop  }
0x7: {  	_ = 	snop  }
__scs_overlays_trampoline_lowered:
0x8: {  	[smem:$0x3F90] =	sst s0  }
0x9: {  	[smem:$0x3F91] =	sst s1  }
0xa: {  	[smem:$0x3F92] =	sst s2  }
0xb: {  	[smem:$0x3F93] =	sst s3  }
0xc: {  	[smem:$0x3F94] =	sst s4  }
0xd: {  	[smem:$0x3F95] =	sst s5  }
0xe: {  	[smem:$0x3F96] =	sst s6  }
0xf: {  	[smem:$0x3F97] =	sst s7  }
0x10: {  	[smem:$0x3F98] =	sst s8  }
0x11: {  	[smem:$0x3F99] =	sst s9;
	s0 =	simm.s32 @!p0 $0x0  }
0x12: {  	s1 =	sld [smem:$0x3F7F];
	s0 =	simm.s32 @p0 $0x1  }
0x13: {  	[smem:$0x3F9A] =	sst s0;
	s0 =	simm.s32 @!p1 $0x0  }
0x14: {  	s2 =	sld [smem:$0x3F7E];
	s0 =	simm.s32 @p1 $0x1  }
0x15: {  	[smem:$0x3F9B] =	sst s0;
	s0 =	simm.s32 @!p2 $0x0  }
0x16: {  	s3 =	sld [smem:$0x3FDB];
	s0 =	simm.s32 @p2 $0x1  }
0x17: {  	s4 =	simm.s32 $0x1BF5;
	[smem:$0x3F9D] =	sst s0  }
0x18: {  	s0 =	sld [smem:$0x3F80];
	_ =	swait.ge [sflag:s4], $0x0  }
0x19: {  	s7 =	sld [smem:$0x3F81]  }
0x1a: {  	s8 =	sadd.s32 $0xFFFFE003, lr  }
0x1b: {  	s9 =	sadd.s32 $0xFFFFFEF7, lr;
	s5 =	simm.s32 $0xFFFFFFFF;
	p2 =	slt.u32 s8, $0xFFFFF086  }
0x1c: {  	p1 =	slt.u32 s9, $0xF7A;
	s5 =	simm.s32 @!p2 $0x0  }
0x1d: {  	s5 =	simm.s32 @p1 $0x1;
	p0 =	seq.s32 s7, s2  }
0x1e: {  	s7 =	smul.u32 @!p0 $0xF7A, s2;
	p2 =	seq.s32 @!p0 s5, $0x0  }
0x1f: {  	s9 =	smul.u32 $0xF7A, s1;
	s8 =	simm.s32 @!p0 $0x1BF5;
	p2 =	por !p2, p0  }
0x20: {  	[sflag:s8] =	ssyncset.s32 @!p0 $0xFFFFF086;
	s6 =	sadd.s32 @!p0 s3, s7;
	s7 =	simm.s32 @!p0 $0x108  }
0x21: {  	s3 =	sadd.s32 s3, s9;
	s6 =	sadd.s32 @!p0 $0x88, s6;
	s7 =	simm.s32 @p2 $0x1082  }
0x22: {  	[simem:s7], [sflag:s8] =	dma.local @!p0 [hbm:s6], $0xF7A  }
0x23: {  	s9 =	sor.u32 $0xD0000000, s2;
	s6 =	simm.s32 $0x108;
	_ =	swait.ge @!p0 [sflag:s8], $0x0  }
0x24: {  	s3 =	sadd.s32 $0x88, s3;
	s6 =	simm.s32 @!p1 $0x1082;
	[sflag:s4] =	ssyncset.s32 $0xFFFFF086  }
0x25: {  	[simem:s6], [sflag:s4] =	dma.local [hbm:s3], $0xF7A  }
0x26: {  	[smem:$0x3F81] =	sst s1;
	(tag) =	ssettag s2;
	_ =	strace s9  }
0x27: {  	s1 =	sld [smem:$0x3F91]  }
0x28: {  	s2 =	sld [smem:$0x3F92]  }
0x29: {  	s4 =	sld [smem:$0x3F94]  }
0x2a: {  	p0 =	seq.s32 s5, $0x0;
	s5 =	sld [smem:$0x3F95]  }
0x2b: {  	s6 =	sld [smem:$0x3F96]  }
0x2c: {  	s7 =	sld [smem:$0x3F97]  }
0x2d: {  	s3 =	simm.s32 $0x108;
	s8 =	sld [smem:$0x3F98]  }
0x2e: {  	s3 =	simm.s32 @!p0 $0x1082;
	s9 =	sld [smem:$0x3F99]  }
0x2f: {  	lr =	sadd.s32 s0, s3;
	s0 =	sld [smem:$0x3F90]  }
0x30: {  	s3 =	sld [smem:$0x3F93]  }
0x31: {  	[smem:$0x3F9C] =	sst s10  }
0x32: {  	s10 =	sld [smem:$0x3F9A];
	_ =	sdelay $0x3  }
0x33: {  	p0 =	seq.s32 s10, $0x1;
	s10 =	sld [smem:$0x3F9C];
	_ =	sdelay $0x3  }
0x34: {  	[smem:$0x3F9C] =	sst s10  }
0x35: {  	s10 =	sld [smem:$0x3F9B];
	_ =	sdelay $0x3  }
0x36: {  	p1 =	seq.s32 s10, $0x1;
	s10 =	sld [smem:$0x3F9C];
	_ =	sdelay $0x3  }
0x37: {  	[smem:$0x3F9C] =	sst s10  }
0x38: {  	s10 =	sld [smem:$0x3F9D]  }
0x39: {  	_ = 	snop;
	(pc) =	sbr.ind lr, $3  }
0x3a: {  	_ = 	snop  }
0x3b: {  	_ = 	snop  }
0x3c: {  	p2 =	seq.s32 s10, $0x1;
	s10 =	sld [smem:$0x3F9C]  }
0x3d: {  	_ =	shalt  }
0x3e: {  	_ =	shalt  }
0x3f: {  	_ =	shalt  }
0x40: {  	_ =	shalt  }
0x41: {  	_ =	shalt  }
0x42: {  	_ =	shalt  }
0x43: {  	_ =	shalt  }
0x44: {  	_ =	shalt  }
0x45: {  	_ =	shalt  }
0x46: {  	_ =	shalt  }
0x47: {  	_ =	shalt  }
0x48: {  	_ =	shalt  }
0x49: {  	_ =	shalt  }
0x4a: {  	_ =	shalt  }
0x4b: {  	_ =	shalt  }
0x4c: {  	_ =	shalt  }
0x4d: {  	_ =	shalt  }
0x4e: {  	_ =	shalt  }
0x4f: {  	_ =	shalt  }
0x50: {  	_ =	shalt  }
0x51: {  	_ =	shalt  }
0x52: {  	_ =	shalt  }
0x53: {  	_ =	shalt  }
0x54: {  	_ =	shalt  }
0x55: {  	_ =	shalt  }
0x56: {  	_ =	shalt  }
0x57: {  	_ =	shalt  }
0x58: {  	_ =	shalt  }
0x59: {  	_ =	shalt  }
0x5a: {  	_ =	shalt  }
0x5b: {  	_ =	shalt  }
0x5c: {  	_ =	shalt  }
0x5d: {  	_ =	shalt  }
0x5e: {  	_ =	shalt  }
0x5f: {  	_ =	shalt  }
0x60: {  	_ =	shalt  }
0x61: {  	_ =	shalt  }
0x62: {  	_ =	shalt  }
0x63: {  	_ =	shalt  }
0x64: {  	_ =	shalt  }
0x65: {  	_ =	shalt  }
0x66: {  	_ =	shalt  }
0x67: {  	_ =	shalt  }
0x68: {  	_ =	shalt  }
0x69: {  	_ =	shalt  }
0x6a: {  	_ =	shalt  }
0x6b: {  	_ =	shalt  }
0x6c: {  	_ =	shalt  }
0x6d: {  	_ =	shalt  }
0x6e: {  	_ =	shalt  }
0x6f: {  	_ =	shalt  }
0x70: {  	_ =	shalt  }
0x71: {  	_ =	shalt  }
0x72: {  	_ =	shalt  }
0x73: {  	_ =	shalt  }
0x74: {  	_ =	shalt  }
0x75: {  	_ =	shalt  }
0x76: {  	_ =	shalt  }
0x77: {  	_ =	shalt  }
0x78: {  	_ =	shalt  }
0x79: {  	_ =	shalt  }
0x7a: {  	_ =	shalt  }
0x7b: {  	_ =	shalt  }
0x7c: {  	_ =	shalt  }
0x7d: {  	_ =	shalt  }
0x7e: {  	_ =	shalt  }
0x7f: {  	_ =	shalt  }
0x80: {  	_ =	shalt  }
0x81: {  	_ =	shalt  }
0x82: {  	_ =	shalt  }
0x83: {  	_ =	shalt  }
0x84: {  	_ =	shalt  }
0x85: {  	_ =	shalt  }
0x86: {  	_ =	shalt  }
0x87: {  	_ =	shalt  }
.Lfunc_end0:
.L_simem_size_0:
called_computation.11_lowered:
.L_overlay_start_0:
0x88: {  	s2 =	sld [smem:$0x3FD9]  }
0x89: {  	s3 =	sld [smem:$0x3FFE];
	_ =	sdelay $0x1  }
0x8a: {  	s1 =	srdreg.scid  }
0x8b: {  	s0 =	sand.u32 $0x1, s1  }
0x8c: {  	s17 =	sshll.u32 s0, $0xA;
	s2 =	sadd.s32 s3, s2  }
0x8d: {  	s2 =	sadd.s32 s2, s17  }
0x8e: {  	[smem:$0x3FA8] =	sst s2  }
0x8f: {  	_ = 	snop  }
0x90: {  	(tm) =	ssettm $0x1  }
0x91: {  	s18 =	sld [smem:$0x3FFB];
	_ =	sdelay $0x3  }
0x92: {  	_ =	strace s18  }
0x93: {  	s2 =	sld [smem:$0x3FFC];
	_ =	sdelay $0x3  }
0x94: {  	_ =	strace s2  }
0x95: {  	s2 =	sld [smem:$0x3FFD];
	_ =	sdelay $0x3  }
0x96: {  	_ =	strace s2  }
0x97: {  	_ =	strace $0x8FFFFFFF  }
0x98: {  	s19 =	sld [smem:$0x3FDB];
	_ =	sdelay $0x1  }
0x99: {  	s20 =	simm.s32 $_scs_section_size  }
0x9a: {  	s4 =	simm.s32 $_size__tile_overlayer_lowered;
	s5 =	simm.s32 $_tile_overlayer_lowered  }
0x9b: {  	s6 =	simm.s32 $0x1BFF;
	s21 =	sshll.u32 s5, $0x1;
	s3 =	sadd.s32 s20, s19  }
0x9c: {  	s22 =	simm.s32 $0x0;
	s4 =	sshll.u32 s4, $0x1;
	s5 =	sadd.s32 s21, s3  }
0x9d: {  	[timem:s22], [sflag:s6] =	dma.local [hbm:s5], s4  }
0x9e: {  	_ =	swait.ge [sflag:s6], s4  }
0x9f: {  	s4 =	ssub.s32 $0x0, s4;
	[sflag:s6] =	ssyncset.done $0x0  }
0xa0: {  	[sflag:s6] =	ssyncadd.s32 s4;
	_ =	sdelay $0x1  }
0xa1: {  	s23 =	simm.s32 $0x1B8B  }
0xa2: {  	_ =	swait.ge [sflag:s23], $0x1  }
0xa3: {  	[sflag:s23] =	ssyncset.done $0x0  }
0xa4: {  	[sflag:s23] =	ssyncadd.s32 $0xFFFFFFFF  }
0xa5: {  	s4 =	sld [smem:$0x0]  }
0xa6: {  	s5 =	sand.u32 $0xFFFFFFFE, s1  }
0xa7: {  	p0 =	sne.s32 s1, s5  }
0xa8: {  	s5 =	sshll.u32 @p0 s5, $0xE  }
0xa9: {  	s5 =	sadd.s32 @p0 $0x11B8D, s5;
	s6 =	sshll.u32 @p0 s4, $0x11  }
0xaa: {  	s5 =	sor.u32 @p0 s6, s5  }
0xab: {  	[sflag:s5] =	ssyncadd.remote.s32 @p0 $0x1;
	_ =	sdelay $0x1  }
0xac: {  	s5 =	simm.s32 @p0 $0x1B8D  }
0xad: {  	_ =	swait.eq @p0 [sflag:s5], $0x1  }
0xae: {  	[sflag:s5] =	ssyncadd.s32 @p0 $0xFFFFFFFF  }
0xaf: {  	s6 =	sshll.u32 @!p0 s1, $0xE  }
0xb0: {  	s6 =	sor.u32 @!p0 $0x4000, s6;
	s5 =	simm.s32 @!p0 $0x1B8D  }
0xb1: {  	s4 =	sshll.u32 @!p0 s4, $0x11;
	s6 =	sadd.s32 @!p0 $0x11B8D, s6;
	_ =	swait.eq @!p0 [sflag:s5], $0x1  }
0xb2: {  	s4 =	sor.u32 @!p0 s4, s6;
	[sflag:s5] =	ssyncadd.s32 @!p0 $0xFFFFFFFF  }
0xb3: {  	s25 =	simm.s32 $0x1B8E;
	s24 =	sld [smem:$0x3FFE];
	[sflag:s4] =	ssyncadd.remote.s32 @!p0 $0x1  }
0xb4: {  	s26 =	simm.s32 $execute0_lowered;
	[smem:$0x3FD2] =	sst s25  }
0xb5: {  	s5 =	sshll.u32 s26, $0x1;
	_ =	strace $0x8000005E;
	[dreg:$0x1] =	wrdreg $0xFFFFFFFF  }
0xb6: {  	s28 =	simm.s32 $_size_execute0_lowered;
	s3 =	sadd.s32 s3, s5;
	[dreg:$0x0] =	wrdreg $0x0  }
0xb7: {  	s5 =	sshll.u32 s28, $0x1;
	[dreg:$0x2] =	wrdreg s3  }
0xb8: {  	[dreg:$0x3] =	wrdreg s5  }
0xb9: {  	[dreg:$0x4] =	wrdreg $0xC0  }
0xba: {  	_ =	task [dreg:s22], $0x5FFFF  }
0xbb: {  	[dreg:$0x1] =	wrdreg $0xFFFFFFFF  }
0xbc: {  	[dreg:$0x0] =	wrdreg $0x60  }
0xbd: {  	[dreg:$0x2] =	wrdreg s24  }
0xbe: {  	[dreg:$0x3] =	wrdreg $0xC  }
0xbf: {  	_ =	task.clear_ibuf [dreg:s22], $0x4FFFF;
	_ =	strace $0x9000005E  }
0xc0: {  	s29 =	simm.s32 $0xC;
	_ =	strace $0x80000060  }
0xc1: {  	_ =	swait.ge [sflag:s29], $0x1  }
0xc2: {  	[sflag:s29] =	ssyncadd.s32 $0xFFFFFFFF  }
0xc3: {  	_ =	strace $0x90000060  }
0xc4: {  	_ =	sfence  }
0xc5: {  	s30 =	sld [smem:$0x0];
	_ =	sdelay $0x2  }
0xc6: {  	s31 =	sshll.u32 s1, $0xD;
	s1 =	sshrl.u32 s1, $0x2  }
0xc7: {  	s4 =	sand.u32 $0x4000, s31;
	s1 =	sadd.s32 s1, s30  }
0xc8: {  	s0 =	sor.u32 s4, s0;
	s1 =	sshll.u32 s1, $0x11  }
0xc9: {  	s0 =	sor.u32 s1, s0  }
0xca: {  	s0 =	sadd.s32 $0x8F2B, s0  }
0xcb: {  	[sflag:s0] =	ssyncadd.remote.s32 $0x1  }
0xcc: {  	_ =	sfence.sel $0xFFFF  }
0xcd: {  	[dreg:$0x0] =	wrdreg $0xFFFFFFFF;
	(pc) =	sbr.abs _section_cstart, $3  }
0xce: {  	[dreg:$0x1] =	wrdreg $0xFFFFFFFF  }
0xcf: {  	_ =	task.clear_ibuf [dreg:s22], $0x2FFFF;
	_ =	strace $0x9FFFFFFF  }
0xd0: {  	(tm) =	ssettm $0x7FFFFFFF  }
0xd1: {  	_ =	shalt  }
tec
execute0_lowered:
.L_overlay_start_1:
0x0: {  	(tag) =	ssettag $0x1  }
0x1: {  	s1 =	srdreg.scid;
	s0 =	stileid.u32  }
0x2: {  	s11 =	sand.u32 $0x1, s1;
	s31 =	sshll.u32 s0, $0x1  }
0x3: {  	s9 =	rddreg [dreg:$0x0];
	s6 =	sor.u32 s11, s31  }
0x4: {  	s2 =	simm.s32 $0x0;
	s1 =	rddreg [dreg:$0x1];
	s3 =	sshll.u32 s6, $0x6  }
0x5: {  	[smem:$0x7FF] =	sst s2;
	s3 =	sadd.s32 s3, s9  }
0x6: {  	_ =	strace $0x8000005F;
	s4 =	sadd.s32 $0x17000, s3;
	s3 =	simm.s32 $0x2  }
0x7: {  	[tilespmem:s2], [sflag:$0x2] =	stream.linear.gather [hbm4b:s4+s2], $0x180, $0x38;
	[tilespmem:$0x4200] =	vst v63  }
0x8: {  	s7 =	simm.s32 $0x200;
	_ =	swait.ge [sflag:s3], $0x180  }
0x9: {  	s8 =	simm.s32 $0x1;
	s5 =	sadd.s32 $0x302600, s9;
	[sflag:s3] =	ssyncset.done $0x0  }
0xa: {  	s10 =	smul.u32 $0x1800, s6;
	s6 =	simm.s32 $0x80;
	[sflag:s3] =	ssyncadd.s32 $0xFFFFFE80  }
0xb: {  	[tilespmem:s7], [sflag:$0x1] =	stream.indirect.gather [hbm4b:s5+s6], $0x80, s2, s6, $0xb8;
	[tilespmem:$0x4200] =	vst v63  }
0xc: {  	_ =	swait.ge [sflag:s8], $0x4000  }
0xd: {  	s12 =	sadd.s32 s10, s9;
	[sflag:s8] =	ssyncset.done $0x0  }
0xe: {  	s9 =	sadd.s32 $0x30DA00, s12;
	[sflag:s8] =	ssyncadd.s32 $0xFFFFC000  }
0xf: {  	[hbm4b:s9+s2] =	stream.linear.scatter [tilespmem:s7], [sflag:$0x2], $0x4000, $0x38;
	[tilespmem:$0x4200] =	vst v63  }
0x10: {  	_ =	swait.ge [sflag:s3], $0x4000  }
0x11: {  	[sflag:s3] =	ssyncset.done $0x0  }
0x12: {  	[sflag:s3] =	ssyncadd.s32 $0xFFFFC000  }
0x13: {  	[tilespmem:s7], [sflag:$0x1] =	stream.indirect.gather [hbm4b:s5+s6], $0x80, s6, s6, $0xb8;
	[tilespmem:$0x4200] =	vst v63  }
0x14: {  	_ =	swait.ge [sflag:s8], $0x4000  }
0x15: {  	[sflag:s8] =	ssyncset.done $0x0  }
0x16: {  	s13 =	ssub.s32 $0x2, s11;
	s10 =	sadd.s32 $0x30E200, s12;
	[sflag:s8] =	ssyncadd.s32 $0xFFFFC000  }
0x17: {  	[hbm4b:s10+s2] =	stream.linear.scatter [tilespmem:s7], [sflag:$0x2], $0x4000, $0x38;
	[tilespmem:$0x4200] =	vst v63  }
0x18: {  	s14 =	sshrl.u32 s13, $0x1;
	_ =	swait.ge [sflag:s3], $0x4000  }
0x19: {  	s13 =	ssub.s32 s13, s14;
	[sflag:s3] =	ssyncset.done $0x0  }
0x1a: {  	s11 =	simm.s32 $0x100;
	s13 =	smax.u32 s13, $0x1;
	[sflag:s3] =	ssyncadd.s32 $0xFFFFC000  }
0x1b: {  	[tilespmem:s7], [sflag:$0x1] =	stream.indirect.gather [hbm4b:s5+s6], $0x80, s11, s6, $0xb8;
	[tilespmem:$0x4200] =	vst v63  }
0x1c: {  	p0 =	sne.s32 s13, $0x1;
	_ =	swait.ge [sflag:s8], $0x4000  }
.Ltmp0:
0x1d: {  	[sflag:s8] =	ssyncset.done $0x0;
	(pc) =	sbr.rel @!p0 .LBB2_2-.Ltmp0, $4  }
0x1e: {  	s12 =	sadd.s32 $0x30EA00, s12;
	[sflag:s8] =	ssyncadd.s32 $0xFFFFC000  }
0x1f: {  	[hbm4b:s12+s2] =	stream.linear.scatter [tilespmem:s7], [sflag:$0x2], $0x4000, $0x38;
	[tilespmem:$0x4200] =	vst v63  }
0x20: {  	_ =	swait.ge [sflag:s3], $0x4000  }
0x21: {  	s13 =	sadd.s32 $0xFFFFFFFF, s13;
	[sflag:s3] =	ssyncset.done $0x0  }
.LBB2_1:
0x22: {  	p0 =	sne.s32 s13, $0x1;
	s13 =	sadd.s32 $0xFFFFFFFF, s13;
	[sflag:s3] =	ssyncadd.s32 $0xFFFFC000  }
0x23: {  	[tilespmem:s2], [sflag:$0x2] =	stream.linear.gather [hbm4b:s4+s2], $0x180, $0x38;
	[tilespmem:$0x4200] =	vst v63  }
0x24: {  	_ =	swait.ge [sflag:s3], $0x180  }
0x25: {  	[sflag:s3] =	ssyncset.done $0x0  }
0x26: {  	[sflag:s3] =	ssyncadd.s32 $0xFFFFFE80  }
0x27: {  	[tilespmem:s7], [sflag:$0x1] =	stream.indirect.gather [hbm4b:s5+s6], $0x80, s2, s6, $0xb8;
	[tilespmem:$0x4200] =	vst v63  }
0x28: {  	_ =	swait.ge [sflag:s8], $0x4000  }
0x29: {  	[sflag:s8] =	ssyncset.done $0x0  }
0x2a: {  	[sflag:s8] =	ssyncadd.s32 $0xFFFFC000  }
0x2b: {  	[hbm4b:s9+s2] =	stream.linear.scatter [tilespmem:s7], [sflag:$0x2], $0x4000, $0x38;
	[tilespmem:$0x4200] =	vst v63  }
0x2c: {  	_ =	swait.ge [sflag:s3], $0x4000  }
0x2d: {  	[sflag:s3] =	ssyncset.done $0x0  }
0x2e: {  	[sflag:s3] =	ssyncadd.s32 $0xFFFFC000  }
0x2f: {  	[tilespmem:s7], [sflag:$0x1] =	stream.indirect.gather [hbm4b:s5+s6], $0x80, s6, s6, $0xb8;
	[tilespmem:$0x4200] =	vst v63  }
0x30: {  	_ =	swait.ge [sflag:s8], $0x4000  }
0x31: {  	[sflag:s8] =	ssyncset.done $0x0  }
0x32: {  	[sflag:s8] =	ssyncadd.s32 $0xFFFFC000  }
0x33: {  	[hbm4b:s10+s2] =	stream.linear.scatter [tilespmem:s7], [sflag:$0x2], $0x4000, $0x38;
	[tilespmem:$0x4200] =	vst v63  }
0x34: {  	_ =	swait.ge [sflag:s3], $0x4000  }
0x35: {  	[sflag:s3] =	ssyncset.done $0x0  }
0x36: {  	[sflag:s3] =	ssyncadd.s32 $0xFFFFC000  }
0x37: {  	[tilespmem:s7], [sflag:$0x1] =	stream.indirect.gather [hbm4b:s5+s6], $0x80, s11, s6, $0xb8;
	[tilespmem:$0x4200] =	vst v63  }
0x38: {  	_ =	swait.ge [sflag:s8], $0x4000  }
.Ltmp1:
0x39: {  	[sflag:s8] =	ssyncset.done $0x0;
	(pc) =	sbr.rel @p0 .LBB2_1-.Ltmp1, $4  }
0x3a: {  	[sflag:s8] =	ssyncadd.s32 $0xFFFFC000  }
0x3b: {  	[hbm4b:s12+s2] =	stream.linear.scatter [tilespmem:s7], [sflag:$0x2], $0x4000, $0x38;
	[tilespmem:$0x4200] =	vst v63  }
0x3c: {  	_ =	swait.ge [sflag:s3], $0x4000  }
0x3d: {  	[sflag:s3] =	ssyncset.done $0x0  }
.LBB2_2:
0x3e: {  	[sflag:s3] =	ssyncadd.s32 $0xFFFFC000  }
0x3f: {  	_ =	sfence.sel $0x180000  }
0x40: {  	[bflag:$0x0] =	sbarrier.arrive $0xFFFF  }
0x41: {  	p0 =	sne.s32 s0, $0x0;
	_ =	strace $0x9000005F  }
0x42: {  	s0 =	sadd.s32 @!p0 $0x100000, s1;
	[bflag:$0x2] =	sbarrier.arrive $0xFFFF  }
0x43: {  	[sflag:s0] =	ssyncadd.tile.s32 @!p0 $0x1;
	_ =	shalt  }
.Lfunc_end2:
_tile_overlayer_lowered:
.L_overlay_start_2:
0x44: {  	(tag) =	ssettag $0x2  }
0x45: {  	s0 =	rddreg [dreg:$0x0];
	s2 =	stileid.u32  }
0x46: {  	s1 =	rddreg [dreg:$0x1];
	p0 =	sne.s32 s2, $0x0  }
0x47: {  	s3 =	rddreg [dreg:$0x2];
	[bflag:$0x3] =	sbarrier.arrive $0xFFFF;
	s2 =	simm.s32 @!p0 $0x1C02  }
0x48: {  	[timem:s3], [sflag:s2] =	dma.local @!p0 [hbm:s0], s1  }
0x49: {  	s0 =	simm.s32 @!p0 $0x2  }
0x4a: {  	_ =	swait.ge @!p0 [sflag:s0], s1  }
0x4b: {  	s1 =	ssub.s32 @!p0 $0x0, s1;
	[sflag:s0] =	ssyncset.done @!p0 $0x0  }
0x4c: {  	[sflag:s0] =	ssyncadd.s32 @!p0 s1  }
0x4d: {  	[bflag:$0x3] =	sbarrier.arrive $0xFFFF  }
0x4e: {  	_ =	shalt  }

</sc_bundles>
